<compile_context>
chip_gen: v7x
topology: tpu7x:2x2x1
jax: 0.10.2.dev20260603
libtpu: 0.0.44.dev20260713+nightly
codegen_flags: <defaults>
</compile_context>

<pallas_src>
import functools
import math

import jax
import jax.numpy as jnp
from jax.experimental import pallas as pl
from jax.experimental.pallas import tpu as pltpu

_N = 10000
_E = 160000
_H = 4
_C = 256
_HC = _H * _C
_DE = 16
_TE = 256
_NEG = -3.0e38

_KVX_W = 2320
_QQE_W = 1104
_M_W = 1408


def _mm_kernel(a_ref, w_ref, b_ref, o_ref, *, relu):
    acc = jnp.dot(a_ref[...], w_ref[...], preferred_element_type=jnp.float32)
    acc = acc + b_ref[...]
    if relu:
        acc = jnp.maximum(acc, 0.0)
    o_ref[...] = acc


def _mm(a, w_t, b=None, relu=False, mt=1000, nt=512):
    m, k = a.shape
    nout = w_t.shape[1]
    if b is None:
        b = jnp.zeros((1, nout), jnp.float32)
    else:
        b = b.reshape(1, nout)
    nt = min(nt, nout)
    grid = (m // mt, nout // nt)
    return pl.pallas_call(
        functools.partial(_mm_kernel, relu=relu),
        grid=grid,
        in_specs=[
            pl.BlockSpec((mt, k), lambda i, j: (i, 0)),
            pl.BlockSpec((k, nt), lambda i, j: (0, j)),
            pl.BlockSpec((1, nt), lambda i, j: (0, j)),
        ],
        out_specs=pl.BlockSpec((mt, nt), lambda i, j: (i, j)),
        out_shape=jax.ShapeDtypeStruct((m, nout), jnp.float32),
    )(a, w_t, b)


def _edge_kernel(kvx_ref, qqe_ref, ea_ref, ew_ref, tril_ref, o_ref, carry_ref):
    t = pl.program_id(0)
    nt = pl.num_programs(0)

    @pl.when(t == 0)
    def _():
        carry_ref[...] = jnp.zeros_like(carry_ref)

    @pl.when(t < nt - 1)
    def _():
        kvx = kvx_ref[...]
        qqe = qqe_ref[...]
        ea = ea_ref[...]
        pieces = []
        exs = []
        for h in range(_H):
            qh = qqe[:, h * _C:(h + 1) * _C]
            kh = kvx[:, h * _C:(h + 1) * _C]
            qeh = qqe[:, _HC + h * _DE:_HC + (h + 1) * _DE]
            dot = jnp.sum(qh * kh, axis=1, keepdims=True)
            dot = dot + jnp.sum(ea * qeh, axis=1, keepdims=True)
            ex = jnp.exp(dot * (1.0 / math.sqrt(_C)))
            exs.append(ex)
            vh = kvx[:, _HC + h * _C:_HC + (h + 1) * _C]
            pieces.append(ex * vh)
        norm = (kvx[:, 2 * _HC + _C:2 * _HC + _C + 1] * ew_ref[...]
                * qqe[:, _HC + _H * _DE:_HC + _H * _DE + 1])
        pieces.append(norm * kvx[:, 2 * _HC:2 * _HC + _C])
        for h in range(_H):
            pieces.append(exs[h] * ea)
        pieces.append(jnp.concatenate(exs, axis=1))
        pieces.append(jnp.zeros((_TE, _M_W - _HC - _C - _H * _DE - _H),
                                jnp.float32))
        m = jnp.concatenate(pieces, axis=1)
        o_ref[...] = (jnp.dot(tril_ref[...], m,
                              preferred_element_type=jnp.float32)
                      + carry_ref[...])
        carry_ref[...] = carry_ref[...] + jnp.sum(m, axis=0, keepdims=True)

    @pl.when(t == nt - 1)
    def _():
        o_ref[...] = jnp.broadcast_to(carry_ref[...], o_ref.shape)


def _edge_csum(kvx_g, qqe_g, ea_s, ew_s, tril):
    grid = (_E // _TE + 1,)
    return pl.pallas_call(
        _edge_kernel,
        grid=grid,
        in_specs=[
            pl.BlockSpec((_TE, _KVX_W), lambda t: (t, 0)),
            pl.BlockSpec((_TE, _QQE_W), lambda t: (t, 0)),
            pl.BlockSpec((_TE, _DE), lambda t: (t, 0)),
            pl.BlockSpec((_TE, 1), lambda t: (t, 0)),
            pl.BlockSpec((_TE, _TE), lambda t: (0, 0)),
        ],
        out_specs=pl.BlockSpec((_TE, _M_W), lambda t: (t, 0)),
        out_shape=jax.ShapeDtypeStruct((_E + _TE, _M_W), jnp.float32),
        scratch_shapes=[pltpu.VMEM((1, _M_W), jnp.float32)],
    )(kvx_g, qqe_g, ea_s, ew_s, tril)


def _bn_kernel(x_ref, g_ref, b_ref, o_ref, *, relu):
    x = x_ref[...]
    if relu:
        x = jnp.maximum(x, 0.0)
    mu = jnp.mean(x, axis=0, keepdims=True)
    var = jnp.mean(jnp.square(x - mu), axis=0, keepdims=True)
    o_ref[...] = (x - mu) * jax.lax.rsqrt(var + 1e-5) * g_ref[...] + b_ref[...]


def _bn(x, g, b, relu):
    n, d = x.shape
    return pl.pallas_call(
        functools.partial(_bn_kernel, relu=relu),
        grid=(1,),
        in_specs=[
            pl.BlockSpec((n, d), lambda i: (0, 0)),
            pl.BlockSpec((1, d), lambda i: (0, 0)),
            pl.BlockSpec((1, d), lambda i: (0, 0)),
        ],
        out_specs=pl.BlockSpec((n, d), lambda i: (0, 0)),
        out_shape=jax.ShapeDtypeStruct((n, d), jnp.float32),
    )(x, g.reshape(1, d), b.reshape(1, d))


def _pool_kernel(h_ref, w_ref, o_ref, *, kkeep):
    h = h_ref[...]
    w = w_ref[...]
    wnorm = jnp.sqrt(jnp.sum(w * w))
    score = jnp.tanh(jnp.sum(h * w, axis=1, keepdims=True) / wnorm)
    u = jax.lax.bitcast_convert_type(score, jnp.int32)
    m = u ^ ((u >> 31) & jnp.int32(0x7FFFFFFF))

    lo0 = jnp.int32(-1065353218)
    hi0 = jnp.int32(1065353217)

    def body(_, lohi):
        lo, hi = lohi
        mid = lo + ((hi - lo + 1) >> 1)
        cnt = jnp.sum(jnp.where(m >= mid, 1, 0))
        big = cnt >= kkeep
        return jnp.where(big, mid, lo), jnp.where(big, hi, mid - 1)

    lo, hi = jax.lax.fori_loop(0, 32, body, (lo0, hi0))
    tstar = lo
    c_gt = jnp.sum(jnp.where(m > tstar, 1, 0))
    need = kkeep - c_gt
    idx = jax.lax.broadcasted_iota(jnp.int32, m.shape, 0)
    eq = m == tstar

    def jbody(_, lohi):
        lo, hi = lohi
        mid = (lo + hi) >> 1
        cnt = jnp.sum(jnp.where(eq & (idx < mid), 1, 0))
        small = cnt < need
        return jnp.where(small, mid + 1, lo), jnp.where(small, hi, mid)

    jlo, _ = jax.lax.fori_loop(0, 15, jbody, (jnp.int32(0), jnp.int32(_N)))
    sel = (m > tstar) | (eq & (idx < jlo))
    hp = score * h
    gmax = jnp.max(jnp.where(sel, hp, _NEG), axis=0, keepdims=True)
    gmean = jnp.sum(jnp.where(sel, hp, 0.0), axis=0, keepdims=True) / kkeep
    o_ref[...] = jnp.concatenate([gmax, gmean], axis=1)


def _pool(h, w, kkeep):
    n, d = h.shape
    return pl.pallas_call(
        functools.partial(_pool_kernel, kkeep=kkeep),
        grid=(1,),
        in_specs=[
            pl.BlockSpec((n, d), lambda i: (0, 0)),
            pl.BlockSpec((1, d), lambda i: (0, 0)),
        ],
        out_specs=pl.BlockSpec((1, 2 * d), lambda i: (0, 0)),
        out_shape=jax.ShapeDtypeStruct((1, 2 * d), jnp.float32),
    )(h, w.reshape(1, d))


def _deg_kernel(row_ref, o_ref):
    t = pl.program_id(0)

    @pl.when(t == 0)
    def _():
        o_ref[...] = jnp.zeros_like(o_ref)

    row = row_ref[...]
    ids = jax.lax.broadcasted_iota(jnp.int32, (_TE, _N), 1)
    onehot = jnp.where(row == ids, 1.0, 0.0)
    o_ref[...] = o_ref[...] + jnp.sum(onehot, axis=0, keepdims=True)


def _deg(row):
    grid = (_E // _TE,)
    return pl.pallas_call(
        _deg_kernel,
        grid=grid,
        in_specs=[pl.BlockSpec((_TE, 1), lambda t: (t, 0))],
        out_specs=pl.BlockSpec((1, _N), lambda t: (0, 0)),
        out_shape=jax.ShapeDtypeStruct((1, _N), jnp.float32),
    )(row.reshape(_E, 1))


def _block_diag_we(w_e):
    we = w_e.reshape(_H, _C, _DE)
    bd = jnp.zeros((_HC, _H * _DE), jnp.float32)
    for h in range(_H):
        bd = bd.at[h * _C:(h + 1) * _C, h * _DE:(h + 1) * _DE].set(we[h])
    return bd


def _conv_layer(x, p, prep):
    (row_s, col_s, ea_s, ew_s, indptr, dis, tril, bn_g, bn_b, t_w, t_b) = prep
    w_cat = jnp.concatenate(
        [p["W_q"].T, p["W_k"].T, p["W_v"].T, p["W_skip"].T], axis=1)
    b_cat = jnp.concatenate([p["b_q"], p["b_k"], p["b_v"], p["b_skip"]])
    qkvs = _mm(x, w_cat, b_cat)
    q = qkvs[:, :_HC]
    bd = _block_diag_we(p["W_e"])
    qe = _mm(q, bd, None)

    disc = dis.reshape(_N, 1)
    kvx = jnp.concatenate(
        [qkvs[:, _HC:2 * _HC], qkvs[:, 2 * _HC:3 * _HC], x, disc,
         jnp.zeros((_N, _KVX_W - 2 * _HC - _C - 1), jnp.float32)], axis=1)
    qqe = jnp.concatenate(
        [q, qe, disc,
         jnp.zeros((_N, _QQE_W - _HC - _H * _DE - 1), jnp.float32)], axis=1)

    kvx_g = jnp.take(kvx, row_s, axis=0)
    qqe_g = jnp.take(qqe, col_s, axis=0)

    z = _edge_csum(kvx_g, qqe_g, ea_s, ew_s, tril)
    zb = jnp.take(z, indptr[:_N + 1], axis=0)
    seg = zb[1:] - zb[:-1]

    num_v = seg[:, :_HC]
    xw_s = seg[:, _HC:_HC + _C]
    t_seg = seg[:, _HC + _C:_HC + _C + _H * _DE]
    denom = seg[:, _HC + _C + _H * _DE:_HC + _C + _H * _DE + _H]

    t_part = _mm(t_seg, bd.T, None)
    denom_rep = jnp.repeat(denom, _C, axis=1)
    xt = (num_v + t_part) / (denom_rep + 1e-16)
    xw_lin = _mm(xw_s, p["W_wl"].T, p["b_wl"])
    conv_out = xt + qkvs[:, 3 * _HC:] + xw_lin
    h_pre = _mm(conv_out, t_w.T, t_b)
    return _bn(h_pre, bn_g, bn_b, relu=True)


def kernel(x, edge_attr, edge_index, edge_weight, batch_index, params):
    row, col = edge_index[0], edge_index[1]
    perm = jnp.argsort(col)
    row_s = row[perm]
    col_s = col[perm]
    ea_s = edge_attr[perm]
    ew_s = edge_weight[perm].reshape(_E, 1)
    indptr = jnp.searchsorted(col_s, jnp.arange(_N + 1, dtype=jnp.int32)
                              ).astype(jnp.int32)
    indptr = jnp.concatenate(
        [indptr, jnp.zeros((10240 - (_N + 1),), jnp.int32)])
    tril = jnp.tril(jnp.ones((_TE, _TE), jnp.float32), k=-1)

    deg = _deg(row).reshape(_N)
    dis = deg ** -0.5

    prep1 = (row_s, col_s, ea_s, ew_s, indptr, dis, tril,
             params["bn1_g"], params["bn1_b"],
             params["transf1_W"], params["transf1_b"])
    h = _conv_layer(x, params["conv1"], prep1)
    prep2 = (row_s, col_s, ea_s, ew_s, indptr, dis, tril,
             params["bn2_g"], params["bn2_b"],
             params["transf2_W"], params["transf2_b"])
    h = _conv_layer(h, params["conv2"], prep2)

    kkeep = int(math.ceil(0.5 * _N))
    return _pool(h, params["pool_w"], kkeep)

# --- scband reference (transcript-rebuilt; emitter-appended) ---
"""Pipeline reference for scband-graph-encoder-39256001086161 (READ-ONLY COPY).

The authoritative reference and input builder live on the scoring server;
editing this copy changes nothing except your own understanding.
"""

import math
import jax
import jax.numpy as jnp
import numpy as np

N = 10000
E = 160000
D_IN = 256
D_EDGE = 16
EMB = 256
HEADS = 4
RATIO = 0.5


def _lin_w(key, out_dim, in_dim):
    return jax.random.normal(key, (out_dim, in_dim), dtype=jnp.float32) * 0.02


def _conv_params(key, in_ch, out_ch, heads, edge_dim):
    ks = jax.random.split(key, 6)
    hc = heads * out_ch
    return {
        "W_wl": _lin_w(ks[0], hc, in_ch), "b_wl": jnp.zeros((hc,), jnp.float32),
        "W_q": _lin_w(ks[1], hc, in_ch), "b_q": jnp.zeros((hc,), jnp.float32),
        "W_k": _lin_w(ks[2], hc, in_ch), "b_k": jnp.zeros((hc,), jnp.float32),
        "W_v": _lin_w(ks[3], hc, in_ch), "b_v": jnp.zeros((hc,), jnp.float32),
        "W_e": _lin_w(ks[4], hc, edge_dim),
        "W_skip": _lin_w(ks[5], hc, in_ch), "b_skip": jnp.zeros((hc,), jnp.float32),
    }


def setup_inputs(seed: int = 0):
    key = jax.random.key(seed)
    ks = jax.random.split(key, 10)
    x = jax.random.normal(ks[0], (N, D_IN), dtype=jnp.float32)
    edge_attr = jax.random.normal(ks[1], (E, D_EDGE), dtype=jnp.float32)
    edge_index = jax.random.randint(ks[2], (2, E), 0, N, dtype=jnp.int32)
    edge_weight = jax.random.uniform(ks[3], (E,), dtype=jnp.float32)
    batch_index = jnp.zeros((N,), dtype=jnp.int32)
    params = {
        "conv1": _conv_params(ks[4], D_IN, EMB, HEADS, D_EDGE),
        "conv2": _conv_params(ks[5], EMB, EMB, HEADS, D_EDGE),
        "transf1_W": _lin_w(ks[6], EMB, EMB * HEADS), "transf1_b": jnp.zeros((EMB,), jnp.float32),
        "transf2_W": _lin_w(ks[7], EMB, EMB * HEADS), "transf2_b": jnp.zeros((EMB,), jnp.float32),
        "bn1_g": jnp.ones((EMB,), jnp.float32), "bn1_b": jnp.zeros((EMB,), jnp.float32),
        "bn2_g": jnp.ones((EMB,), jnp.float32), "bn2_b": jnp.zeros((EMB,), jnp.float32),
        "pool_w": jax.random.normal(ks[8], (EMB,), dtype=jnp.float32) * 0.1,
    }
    return {"x": x, "edge_attr": edge_attr, "edge_index": edge_index,
            "edge_weight": edge_weight, "batch_index": batch_index, "params": params}


def _linear(x, W, b=None):
    y = x @ W.T
    if b is not None:
        y = y + b
    return y


def _batchnorm(x, g, b, eps=1e-5):
    m = jnp.mean(x, axis=0)
    v = jnp.var(x, axis=0)
    return (x - m) / jnp.sqrt(v + eps) * g + b


def _transformer_conv(x, edge_index, edge_attr, p, heads, out_ch):
    # PyG TransformerConv (concat=True, root_weight=True, dropout inactive / eval)
    n = x.shape[0]
    row, col = edge_index[0], edge_index[1]
    q = _linear(x, p["W_q"], p["b_q"]).reshape(n, heads, out_ch)
    k = _linear(x, p["W_k"], p["b_k"]).reshape(n, heads, out_ch)
    v = _linear(x, p["W_v"], p["b_v"]).reshape(n, heads, out_ch)
    e = _linear(edge_attr, p["W_e"]).reshape(-1, heads, out_ch)
    key_j = k[row] + e
    alpha = jnp.sum(q[col] * key_j, axis=-1) / math.sqrt(out_ch)  # [E, H]
    amax = jax.ops.segment_max(alpha, col, num_segments=n)
    amax = jnp.where(jnp.isfinite(amax), amax, 0.0)
    ex = jnp.exp(alpha - amax[col])
    denom = jax.ops.segment_sum(ex, col, num_segments=n)
    a = ex / (denom[col] + 1e-16)
    msg = (v[row] + e) * a[:, :, None]
    out = jax.ops.segment_sum(msg, col, num_segments=n).reshape(n, heads * out_ch)
    out = out + _linear(x, p["W_skip"], p["b_skip"])
    return out


def _custom_conv(x, edge_index, edge_attr, edge_weight, p, heads, out_ch):
    n = x.shape[0]
    row, col = edge_index[0], edge_index[1]
    deg = jax.ops.segment_sum(jnp.ones_like(edge_weight), row, num_segments=n)
    dis = deg ** -0.5
    norm = dis[row] * edge_weight * dis[col]
    # propagate with message norm * x_j, aggr='add' at dst (col)
    xw = jax.ops.segment_sum(norm[:, None] * x[row], col, num_segments=n)
    xw = _linear(xw, p["W_wl"], p["b_wl"])  # lazily-built weighted_linear: in_ch -> heads*out_ch
    xt = _transformer_conv(x, edge_index, edge_attr, p, heads, out_ch)
    return xw + xt


def reference(x, edge_attr, edge_index, edge_weight, batch_index, params):
    h = _custom_conv(x, edge_index, edge_attr, edge_weight, params["conv1"], HEADS, EMB)
    h = jax.nn.relu(_linear(h.reshape(-1, EMB * HEADS), params["transf1_W"], params["transf1_b"]))
    h = _batchnorm(h, params["bn1_g"], params["bn1_b"])
    # num_layers=1: single conv layer, pooling fires at i==0 (last layer)
    h = _custom_conv(h, edge_index, edge_attr, edge_weight, params["conv2"], HEADS, EMB)
    h = jax.nn.relu(_linear(h.reshape(-1, EMB * HEADS), params["transf2_W"], params["transf2_b"]))
    h = _batchnorm(h, params["bn2_g"], params["bn2_b"])
    # TopKPooling (tanh nonlinearity). Filtered edge_index/edge_attr are returned by
    # the torch module but never used afterwards, so they are omitted here.
    w = params["pool_w"]
    score = jnp.tanh((h @ w) / jnp.linalg.norm(w))
    kkeep = int(math.ceil(RATIO * h.shape[0]))
    top_scores, perm = jax.lax.top_k(score, kkeep)
    hp = h[perm] * top_scores[:, None]
    bp = batch_index[perm]
    nb = 1  # single graph (batch_index is all zeros)
    gmax = jax.ops.segment_max(hp, bp, num_segments=nb)
    cnt = jax.ops.segment_sum(jnp.ones((kkeep,), hp.dtype), bp, num_segments=nb)
    gmean = jax.ops.segment_sum(hp, bp, num_segments=nb) / cnt[:, None]
    rep = jnp.concatenate([gmax, gmean], axis=1)
    return rep  # sum over single-element global_representation list

if __name__ == "__main__":
    import jax
    _d = setup_inputs()
    print(jax.jit(kernel)(*tuple(_d.values())))

</pallas_src>

<mosaic_0001>
module attributes {stable_mosaic.version = 14 : i64} {
  func.func @_deg_kernel(%arg0: i32, %arg1: memref<256x1xi32, #tpu.memory_space<vmem>>, %arg2: memref<1x10000xf32, #tpu.memory_space<vmem>>) attributes {dimension_semantics = [#tpu.dimension_semantics<arbitrary>], iteration_bounds = array<i64: 625>, scalar_prefetch = 0 : i64, scratch_operands = 0 : i64, tpu.core_type = #tpu.core_type<tc>, window_params = [{transform_indices = @transform_0, window_bounds = array<i64: 256, 1>}, {pipeline_mode = #tpu.pipeline_mode<synchronous>, transform_indices = @transform_1, window_bounds = array<i64: 1, 10000>}]} {
    %eq3A = arith.constant 0 : i32
    %eq3A_0 = arith.cmpi eq, %arg0, %eq3A : i32
    %convert_element_type3A = arith.extui %eq3A_0 : i1 to i32
    %cond3A = arith.constant 0 : i32
    %cond3A_1 = arith.cmpi ne, %convert_element_type3A, %cond3A : i32
    scf.if %cond3A_1 {
      %broadcast_in_dim3A_15 = arith.constant 0.000000e+00 : f32
      %broadcast_in_dim3A_16 = vector.broadcast %broadcast_in_dim3A_15 : f32 to vector<1x10000xf32>
      %swap3A_17 = arith.constant 0 : index
      %swap3A_18 = arith.constant 0 : index
      %swap3A_19 = vector.load %arg2[%swap3A_17, %swap3A_18] : memref<1x10000xf32, #tpu.memory_space<vmem>>, vector<1x10000xf32>
      tpu.vector_store %arg2[%swap3A_17, %swap3A_18], %broadcast_in_dim3A_16 {strides = array<i32>} : memref<1x10000xf32, #tpu.memory_space<vmem>>, vector<1x10000xf32>,
    } else {
    }
    %get3A = arith.constant 0 : index
    %get3A_2 = arith.constant 0 : index
    %get3A_3 = vector.load %arg1[%get3A, %get3A_2] : memref<256x1xi32, #tpu.memory_space<vmem>>, vector<256x1xi32>
    %iota3A = tpu.iota {dimensions = array<i32: 1>} : vector<256x10000xi32>
    %eq3A_4 = vector.broadcast %get3A_3 : vector<256x1xi32> to vector<256x10000xi32>
    %eq3A_5 = arith.cmpi eq, %eq3A_4, %iota3A : vector<256x10000xi32>
    %jit3A = arith.constant 1.000000e+00 : f32
    %jit3A_6 = arith.constant 0.000000e+00 : f32
    %broadcast_in_dim3A = vector.broadcast %jit3A : f32 to vector<256x10000xf32>
    %broadcast_in_dim3A_7 = vector.broadcast %jit3A_6 : f32 to vector<256x10000xf32>
    %select_n3A = arith.select %eq3A_5, %broadcast_in_dim3A, %broadcast_in_dim3A_7 : vector<256x10000xi1>, vector<256x10000xf32>
    %get3A_8 = arith.constant 0 : index
    %get3A_9 = arith.constant 0 : index
    %get3A_10 = vector.load %arg2[%get3A_8, %get3A_9] : memref<1x10000xf32, #tpu.memory_space<vmem>>, vector<1x10000xf32>
    %reduce_sum3A = arith.constant dense<0.000000e+00> : vector<10000xf32>
    %reduce_sum3A_11 = vector.multi_reduction <add>, %select_n3A, %reduce_sum3A [0] : vector<256x10000xf32> to vector<10000xf32>
    %broadcast_in_dim3A_12 = vector.shape_cast %reduce_sum3A_11 : vector<10000xf32> to vector<1x10000xf32>
    %add3A = arith.addf %get3A_10, %broadcast_in_dim3A_12 : vector<1x10000xf32>
    %swap3A = arith.constant 0 : index
    %swap3A_13 = arith.constant 0 : index
    %swap3A_14 = vector.load %arg2[%swap3A, %swap3A_13] : memref<1x10000xf32, #tpu.memory_space<vmem>>, vector<1x10000xf32>
    tpu.vector_store %arg2[%swap3A, %swap3A_13], %add3A {strides = array<i32>} : memref<1x10000xf32, #tpu.memory_space<vmem>>, vector<1x10000xf32>,
    return
  }
  func.func @transform_0(%arg0: i32) -> (i32, i32) {
    %c0_i32 = arith.constant 0 : i32
    %c0_i32_0 = arith.constant 0 : i32
    return %arg0, %c0_i32 : i32, i32
  }
  func.func @transform_1(%arg0: i32) -> (i32, i32) {
    %c0_i32 = arith.constant 0 : i32
    %c0_i32_0 = arith.constant 0 : i32
    %c0_i32_1 = arith.constant 0 : i32
    return %c0_i32, %c0_i32_0 : i32, i32
  }
}

module attributes {stable_mosaic.version = 14 : i64} {
  func.func @_mm_kernel(%arg0: i32, %arg1: i32, %arg2: memref<1000x256xf32, #tpu.memory_space<vmem>>, %arg3: memref<256x512xf32, #tpu.memory_space<vmem>>, %arg4: memref<1x512xf32, #tpu.memory_space<vmem>>, %arg5: memref<1000x512xf32, #tpu.memory_space<vmem>>) attributes {dimension_semantics = [#tpu.dimension_semantics<arbitrary>, #tpu.dimension_semantics<arbitrary>], iteration_bounds = array<i64: 10, 8>, scalar_prefetch = 0 : i64, scratch_operands = 0 : i64, tpu.core_type = #tpu.core_type<tc>, window_params = [{transform_indices = @transform_0, window_bounds = array<i64: 1000, 256>}, {transform_indices = @transform_1, window_bounds = array<i64: 256, 512>}, {transform_indices = @transform_2, window_bounds = array<i64: 1, 512>}, {transform_indices = @transform_3, window_bounds = array<i64: 1000, 512>}]} {
    %get3A = arith.constant 0 : index
    %get3A_0 = arith.constant 0 : index
    %get3A_1 = vector.load %arg2[%get3A, %get3A_0] : memref<1000x256xf32, #tpu.memory_space<vmem>>, vector<1000x256xf32>
    %get3A_2 = arith.constant 0 : index
    %get3A_3 = arith.constant 0 : index
    %get3A_4 = vector.load %arg3[%get3A_2, %get3A_3] : memref<256x512xf32, #tpu.memory_space<vmem>>, vector<256x512xf32>
    %dot_general3A = arith.constant dense<0.000000e+00> : vector<1000x512xf32>
    %dot_general3A_5 = tpu.matmul %get3A_1, %get3A_4, %dot_general3A {dimension_numbers = #tpu.dot_dimension_numbers<[1], [0], [0], [1], [0, 0, 1, 1], [], []>, transpose_lhs_hint = false} : vector<1000x256xf32>, vector<256x512xf32>, vector<1000x512xf32> -> vector<1000x512xf32>
    %get3A_6 = arith.constant 0 : index
    %get3A_7 = arith.constant 0 : index
    %get3A_8 = vector.load %arg4[%get3A_6, %get3A_7] : memref<1x512xf32, #tpu.memory_space<vmem>>, vector<1x512xf32>
    %add3A = vector.broadcast %get3A_8 : vector<1x512xf32> to vector<1000x512xf32>
    %add3A_9 = arith.addf %dot_general3A_5, %add3A : vector<1000x512xf32>
    %swap3A = arith.constant 0 : index
    %swap3A_10 = arith.constant 0 : index
    %swap3A_11 = vector.load %arg5[%swap3A, %swap3A_10] : memref<1000x512xf32, #tpu.memory_space<vmem>>, vector<1000x512xf32>
    tpu.vector_store %arg5[%swap3A, %swap3A_10], %add3A_9 {strides = array<i32>} : memref<1000x512xf32, #tpu.memory_space<vmem>>, vector<1000x512xf32>,
    return
  }
  func.func @transform_0(%arg0: i32, %arg1: i32) -> (i32, i32) {
    %c0_i32 = arith.constant 0 : i32
    %c0_i32_0 = arith.constant 0 : i32
    return %arg0, %c0_i32 : i32, i32
  }
  func.func @transform_1(%arg0: i32, %arg1: i32) -> (i32, i32) {
    %c0_i32 = arith.constant 0 : i32
    %c0_i32_0 = arith.constant 0 : i32
    return %c0_i32, %arg1 : i32, i32
  }
  func.func @transform_2(%arg0: i32, %arg1: i32) -> (i32, i32) {
    %c0_i32 = arith.constant 0 : i32
    %c0_i32_0 = arith.constant 0 : i32
    return %c0_i32, %arg1 : i32, i32
  }
  func.func @transform_3(%arg0: i32, %arg1: i32) -> (i32, i32) {
    %c0_i32 = arith.constant 0 : i32
    return %arg0, %arg1 : i32, i32
  }
}

module attributes {stable_mosaic.version = 14 : i64} {
  func.func @_mm_kernel(%arg0: i32, %arg1: i32, %arg2: memref<1000x1024xf32, #tpu.memory_space<vmem>>, %arg3: memref<1024x64xf32, #tpu.memory_space<vmem>>, %arg4: memref<1x64xf32, #tpu.memory_space<vmem>>, %arg5: memref<1000x64xf32, #tpu.memory_space<vmem>>) attributes {dimension_semantics = [#tpu.dimension_semantics<arbitrary>, #tpu.dimension_semantics<arbitrary>], iteration_bounds = array<i64: 10, 1>, scalar_prefetch = 0 : i64, scratch_operands = 0 : i64, tpu.core_type = #tpu.core_type<tc>, window_params = [{transform_indices = @transform_0, window_bounds = array<i64: 1000, 1024>}, {transform_indices = @transform_1, window_bounds = array<i64: 1024, 64>}, {transform_indices = @transform_2, window_bounds = array<i64: 1, 64>}, {transform_indices = @transform_3, window_bounds = array<i64: 1000, 64>}]} {
    %get3A = arith.constant 0 : index
    %get3A_0 = arith.constant 0 : index
    %get3A_1 = vector.load %arg2[%get3A, %get3A_0] : memref<1000x1024xf32, #tpu.memory_space<vmem>>, vector<1000x1024xf32>
    %get3A_2 = arith.constant 0 : index
    %get3A_3 = arith.constant 0 : index
    %get3A_4 = vector.load %arg3[%get3A_2, %get3A_3] : memref<1024x64xf32, #tpu.memory_space<vmem>>, vector<1024x64xf32>
    %dot_general3A = arith.constant dense<0.000000e+00> : vector<1000x64xf32>
    %dot_general3A_5 = tpu.matmul %get3A_1, %get3A_4, %dot_general3A {dimension_numbers = #tpu.dot_dimension_numbers<[1], [0], [0], [1], [0, 0, 1, 1], [], []>, transpose_lhs_hint = false} : vector<1000x1024xf32>, vector<1024x64xf32>, vector<1000x64xf32> -> vector<1000x64xf32>
    %get3A_6 = arith.constant 0 : index
    %get3A_7 = arith.constant 0 : index
    %get3A_8 = vector.load %arg4[%get3A_6, %get3A_7] : memref<1x64xf32, #tpu.memory_space<vmem>>, vector<1x64xf32>
    %add3A = vector.broadcast %get3A_8 : vector<1x64xf32> to vector<1000x64xf32>
    %add3A_9 = arith.addf %dot_general3A_5, %add3A : vector<1000x64xf32>
    %swap3A = arith.constant 0 : index
    %swap3A_10 = arith.constant 0 : index
    %swap3A_11 = vector.load %arg5[%swap3A, %swap3A_10] : memref<1000x64xf32, #tpu.memory_space<vmem>>, vector<1000x64xf32>
    tpu.vector_store %arg5[%swap3A, %swap3A_10], %add3A_9 {strides = array<i32>} : memref<1000x64xf32, #tpu.memory_space<vmem>>, vector<1000x64xf32>,
    return
  }
  func.func @transform_0(%arg0: i32, %arg1: i32) -> (i32, i32) {
    %c0_i32 = arith.constant 0 : i32
    %c0_i32_0 = arith.constant 0 : i32
    return %arg0, %c0_i32 : i32, i32
  }
  func.func @transform_1(%arg0: i32, %arg1: i32) -> (i32, i32) {
    %c0_i32 = arith.constant 0 : i32
    %c0_i32_0 = arith.constant 0 : i32
    return %c0_i32, %arg1 : i32, i32
  }
  func.func @transform_2(%arg0: i32, %arg1: i32) -> (i32, i32) {
    %c0_i32 = arith.constant 0 : i32
    %c0_i32_0 = arith.constant 0 : i32
    return %c0_i32, %arg1 : i32, i32
  }
  func.func @transform_3(%arg0: i32, %arg1: i32) -> (i32, i32) {
    %c0_i32 = arith.constant 0 : i32
    return %arg0, %arg1 : i32, i32
  }
}

module attributes {stable_mosaic.version = 14 : i64} {
  func.func @_edge_kernel(%arg0: i32, %arg1: memref<256x2320xf32, #tpu.memory_space<vmem>>, %arg2: memref<256x1104xf32, #tpu.memory_space<vmem>>, %arg3: memref<256x16xf32, #tpu.memory_space<vmem>>, %arg4: memref<256x1xf32, #tpu.memory_space<vmem>>, %arg5: memref<256x256xf32, #tpu.memory_space<vmem>>, %arg6: memref<256x1408xf32, #tpu.memory_space<vmem>>, %arg7: memref<1x1408xf32, #tpu.memory_space<vmem>>) attributes {dimension_semantics = [#tpu.dimension_semantics<arbitrary>], iteration_bounds = array<i64: 626>, scalar_prefetch = 0 : i64, scratch_operands = 1 : i64, tpu.core_type = #tpu.core_type<tc>, window_params = [{transform_indices = @transform_0, window_bounds = array<i64: 256, 2320>}, {transform_indices = @transform_1, window_bounds = array<i64: 256, 1104>}, {transform_indices = @transform_2, window_bounds = array<i64: 256, 16>}, {transform_indices = @transform_3, window_bounds = array<i64: 256, 1>}, {pipeline_mode = #tpu.pipeline_mode<synchronous>, transform_indices = @transform_4, window_bounds = array<i64: 256, 256>}, {transform_indices = @transform_5, window_bounds = array<i64: 256, 1408>}]} {
    %eq3A = arith.constant 0 : i32
    %eq3A_0 = arith.cmpi eq, %arg0, %eq3A : i32
    %convert_element_type3A = arith.extui %eq3A_0 : i1 to i32
    %cond3A = arith.constant 0 : i32
    %cond3A_1 = arith.cmpi ne, %convert_element_type3A, %cond3A : i32
    scf.if %cond3A_1 {
      %broadcast_in_dim3A = arith.constant 0.000000e+00 : f32
      %broadcast_in_dim3A_11 = vector.broadcast %broadcast_in_dim3A : f32 to vector<1x1408xf32>
      %swap3A = arith.constant 0 : index
      %swap3A_12 = arith.constant 0 : index
      %swap3A_13 = vector.load %arg7[%swap3A, %swap3A_12] : memref<1x1408xf32, #tpu.memory_space<vmem>>, vector<1x1408xf32>
      tpu.vector_store %arg7[%swap3A, %swap3A_12], %broadcast_in_dim3A_11 {strides = array<i32>} : memref<1x1408xf32, #tpu.memory_space<vmem>>, vector<1x1408xf32>,
    } else {
    }
    %lt3A = arith.constant 625 : i32
    %lt3A_2 = arith.cmpi slt, %arg0, %lt3A : i32
    %convert_element_type3A_3 = arith.extui %lt3A_2 : i1 to i32
    %cond3A_4 = arith.constant 0 : i32
    %cond3A_5 = arith.cmpi ne, %convert_element_type3A_3, %cond3A_4 : i32
    scf.if %cond3A_5 {
      %get3A = arith.constant 0 : index
      %get3A_11 = arith.constant 0 : index
      %get3A_12 = vector.load %arg1[%get3A, %get3A_11] : memref<256x2320xf32, #tpu.memory_space<vmem>>, vector<256x2320xf32>
      %get3A_13 = arith.constant 0 : index
      %get3A_14 = arith.constant 0 : index
      %get3A_15 = vector.load %arg2[%get3A_13, %get3A_14] : memref<256x1104xf32, #tpu.memory_space<vmem>>, vector<256x1104xf32>
      %get3A_16 = arith.constant 0 : index
      %get3A_17 = arith.constant 0 : index
      %get3A_18 = vector.load %arg3[%get3A_16, %get3A_17] : memref<256x16xf32, #tpu.memory_space<vmem>>, vector<256x16xf32>
      %slice3A = vector.extract_strided_slice %get3A_15 {offsets = [0, 0], sizes = [256, 256], strides = [1, 1]} : vector<256x1104xf32> to vector<256x256xf32>
      %slice3A_19 = vector.extract_strided_slice %get3A_12 {offsets = [0, 0], sizes = [256, 256], strides = [1, 1]} : vector<256x2320xf32> to vector<256x256xf32>
      %slice3A_20 = vector.extract_strided_slice %get3A_15 {offsets = [0, 1024], sizes = [256, 16], strides = [1, 1]} : vector<256x1104xf32> to vector<256x16xf32>
      %mul3A = arith.mulf %slice3A, %slice3A_19 : vector<256x256xf32>
      %reduce_sum3A = arith.constant dense<0.000000e+00> : vector<256xf32>
      %reduce_sum3A_21 = vector.multi_reduction <add>, %mul3A, %reduce_sum3A [1] : vector<256x256xf32> to vector<256xf32>
      %broadcast_in_dim3A = vector.shape_cast %reduce_sum3A_21 : vector<256xf32> to vector<256x1xf32>
      %mul3A_22 = arith.mulf %get3A_18, %slice3A_20 : vector<256x16xf32>
      %reduce_sum3A_23 = arith.constant dense<0.000000e+00> : vector<256xf32>
      %reduce_sum3A_24 = vector.multi_reduction <add>, %mul3A_22, %reduce_sum3A_23 [1] : vector<256x16xf32> to vector<256xf32>
      %broadcast_in_dim3A_25 = vector.shape_cast %reduce_sum3A_24 : vector<256xf32> to vector<256x1xf32>
      %add3A = arith.addf %broadcast_in_dim3A, %broadcast_in_dim3A_25 : vector<256x1xf32>
      %mul3A_26 = arith.constant 6.250000e-02 : f32
      %mul3A_27 = vector.broadcast %mul3A_26 : f32 to vector<256x1xf32>
      %mul3A_28 = arith.mulf %add3A, %mul3A_27 : vector<256x1xf32>
      %exp3A = math.exp %mul3A_28 : vector<256x1xf32>
      %slice3A_29 = vector.extract_strided_slice %get3A_12 {offsets = [0, 1024], sizes = [256, 256], strides = [1, 1]} : vector<256x2320xf32> to vector<256x256xf32>
      %mul3A_30 = vector.broadcast %exp3A : vector<256x1xf32> to vector<256x256xf32>
      %mul3A_31 = arith.mulf %mul3A_30, %slice3A_29 : vector<256x256xf32>
      %slice3A_32 = vector.extract_strided_slice %get3A_15 {offsets = [0, 256], sizes = [256, 256], strides = [1, 1]} : vector<256x1104xf32> to vector<256x256xf32>
      %slice3A_33 = vector.extract_strided_slice %get3A_12 {offsets = [0, 256], sizes = [256, 256], strides = [1, 1]} : vector<256x2320xf32> to vector<256x256xf32>
      %slice3A_34 = vector.extract_strided_slice %get3A_15 {offsets = [0, 1040], sizes = [256, 16], strides = [1, 1]} : vector<256x1104xf32> to vector<256x16xf32>
      %mul3A_35 = arith.mulf %slice3A_32, %slice3A_33 : vector<256x256xf32>
      %reduce_sum3A_36 = arith.constant dense<0.000000e+00> : vector<256xf32>
      %reduce_sum3A_37 = vector.multi_reduction <add>, %mul3A_35, %reduce_sum3A_36 [1] : vector<256x256xf32> to vector<256xf32>
      %broadcast_in_dim3A_38 = vector.shape_cast %reduce_sum3A_37 : vector<256xf32> to vector<256x1xf32>
      %mul3A_39 = arith.mulf %get3A_18, %slice3A_34 : vector<256x16xf32>
      %reduce_sum3A_40 = arith.constant dense<0.000000e+00> : vector<256xf32>
      %reduce_sum3A_41 = vector.multi_reduction <add>, %mul3A_39, %reduce_sum3A_40 [1] : vector<256x16xf32> to vector<256xf32>
      %broadcast_in_dim3A_42 = vector.shape_cast %reduce_sum3A_41 : vector<256xf32> to vector<256x1xf32>
      %add3A_43 = arith.addf %broadcast_in_dim3A_38, %broadcast_in_dim3A_42 : vector<256x1xf32>
      %mul3A_44 = arith.constant 6.250000e-02 : f32
      %mul3A_45 = vector.broadcast %mul3A_44 : f32 to vector<256x1xf32>
      %mul3A_46 = arith.mulf %add3A_43, %mul3A_45 : vector<256x1xf32>
      %exp3A_47 = math.exp %mul3A_46 : vector<256x1xf32>
      %slice3A_48 = vector.extract_strided_slice %get3A_12 {offsets = [0, 1280], sizes = [256, 256], strides = [1, 1]} : vector<256x2320xf32> to vector<256x256xf32>
      %mul3A_49 = vector.broadcast %exp3A_47 : vector<256x1xf32> to vector<256x256xf32>
      %mul3A_50 = arith.mulf %mul3A_49, %slice3A_48 : vector<256x256xf32>
      %slice3A_51 = vector.extract_strided_slice %get3A_15 {offsets = [0, 512], sizes = [256, 256], strides = [1, 1]} : vector<256x1104xf32> to vector<256x256xf32>
      %slice3A_52 = vector.extract_strided_slice %get3A_12 {offsets = [0, 512], sizes = [256, 256], strides = [1, 1]} : vector<256x2320xf32> to vector<256x256xf32>
      %slice3A_53 = vector.extract_strided_slice %get3A_15 {offsets = [0, 1056], sizes = [256, 16], strides = [1, 1]} : vector<256x1104xf32> to vector<256x16xf32>
      %mul3A_54 = arith.mulf %slice3A_51, %slice3A_52 : vector<256x256xf32>
      %reduce_sum3A_55 = arith.constant dense<0.000000e+00> : vector<256xf32>
      %reduce_sum3A_56 = vector.multi_reduction <add>, %mul3A_54, %reduce_sum3A_55 [1] : vector<256x256xf32> to vector<256xf32>
      %broadcast_in_dim3A_57 = vector.shape_cast %reduce_sum3A_56 : vector<256xf32> to vector<256x1xf32>
      %mul3A_58 = arith.mulf %get3A_18, %slice3A_53 : vector<256x16xf32>
      %reduce_sum3A_59 = arith.constant dense<0.000000e+00> : vector<256xf32>
      %reduce_sum3A_60 = vector.multi_reduction <add>, %mul3A_58, %reduce_sum3A_59 [1] : vector<256x16xf32> to vector<256xf32>
      %broadcast_in_dim3A_61 = vector.shape_cast %reduce_sum3A_60 : vector<256xf32> to vector<256x1xf32>
      %add3A_62 = arith.addf %broadcast_in_dim3A_57, %broadcast_in_dim3A_61 : vector<256x1xf32>
      %mul3A_63 = arith.constant 6.250000e-02 : f32
      %mul3A_64 = vector.broadcast %mul3A_63 : f32 to vector<256x1xf32>
      %mul3A_65 = arith.mulf %add3A_62, %mul3A_64 : vector<256x1xf32>
      %exp3A_66 = math.exp %mul3A_65 : vector<256x1xf32>
      %slice3A_67 = vector.extract_strided_slice %get3A_12 {offsets = [0, 1536], sizes = [256, 256], strides = [1, 1]} : vector<256x2320xf32> to vector<256x256xf32>
      %mul3A_68 = vector.broadcast %exp3A_66 : vector<256x1xf32> to vector<256x256xf32>
      %mul3A_69 = arith.mulf %mul3A_68, %slice3A_67 : vector<256x256xf32>
      %slice3A_70 = vector.extract_strided_slice %get3A_15 {offsets = [0, 768], sizes = [256, 256], strides = [1, 1]} : vector<256x1104xf32> to vector<256x256xf32>
      %slice3A_71 = vector.extract_strided_slice %get3A_12 {offsets = [0, 768], sizes = [256, 256], strides = [1, 1]} : vector<256x2320xf32> to vector<256x256xf32>
      %slice3A_72 = vector.extract_strided_slice %get3A_15 {offsets = [0, 1072], sizes = [256, 16], strides = [1, 1]} : vector<256x1104xf32> to vector<256x16xf32>
      %mul3A_73 = arith.mulf %slice3A_70, %slice3A_71 : vector<256x256xf32>
      %reduce_sum3A_74 = arith.constant dense<0.000000e+00> : vector<256xf32>
      %reduce_sum3A_75 = vector.multi_reduction <add>, %mul3A_73, %reduce_sum3A_74 [1] : vector<256x256xf32> to vector<256xf32>
      %broadcast_in_dim3A_76 = vector.shape_cast %reduce_sum3A_75 : vector<256xf32> to vector<256x1xf32>
      %mul3A_77 = arith.mulf %get3A_18, %slice3A_72 : vector<256x16xf32>
      %reduce_sum3A_78 = arith.constant dense<0.000000e+00> : vector<256xf32>
      %reduce_sum3A_79 = vector.multi_reduction <add>, %mul3A_77, %reduce_sum3A_78 [1] : vector<256x16xf32> to vector<256xf32>
      %broadcast_in_dim3A_80 = vector.shape_cast %reduce_sum3A_79 : vector<256xf32> to vector<256x1xf32>
      %add3A_81 = arith.addf %broadcast_in_dim3A_76, %broadcast_in_dim3A_80 : vector<256x1xf32>
      %mul3A_82 = arith.constant 6.250000e-02 : f32
      %mul3A_83 = vector.broadcast %mul3A_82 : f32 to vector<256x1xf32>
      %mul3A_84 = arith.mulf %add3A_81, %mul3A_83 : vector<256x1xf32>
      %exp3A_85 = math.exp %mul3A_84 : vector<256x1xf32>
      %slice3A_86 = vector.extract_strided_slice %get3A_12 {offsets = [0, 1792], sizes = [256, 256], strides = [1, 1]} : vector<256x2320xf32> to vector<256x256xf32>
      %mul3A_87 = vector.broadcast %exp3A_85 : vector<256x1xf32> to vector<256x256xf32>
      %mul3A_88 = arith.mulf %mul3A_87, %slice3A_86 : vector<256x256xf32>
      %slice3A_89 = vector.extract_strided_slice %get3A_12 {offsets = [0, 2304], sizes = [256, 1], strides = [1, 1]} : vector<256x2320xf32> to vector<256x1xf32>
      %get3A_90 = arith.constant 0 : index
      %get3A_91 = arith.constant 0 : index
      %get3A_92 = vector.load %arg4[%get3A_90, %get3A_91] : memref<256x1xf32, #tpu.memory_space<vmem>>, vector<256x1xf32>
      %mul3A_93 = arith.mulf %slice3A_89, %get3A_92 : vector<256x1xf32>
      %slice3A_94 = vector.extract_strided_slice %get3A_15 {offsets = [0, 1088], sizes = [256, 1], strides = [1, 1]} : vector<256x1104xf32> to vector<256x1xf32>
      %mul3A_95 = arith.mulf %mul3A_93, %slice3A_94 : vector<256x1xf32>
      %slice3A_96 = vector.extract_strided_slice %get3A_12 {offsets = [0, 2048], sizes = [256, 256], strides = [1, 1]} : vector<256x2320xf32> to vector<256x256xf32>
      %mul3A_97 = vector.broadcast %mul3A_95 : vector<256x1xf32> to vector<256x256xf32>
      %mul3A_98 = arith.mulf %mul3A_97, %slice3A_96 : vector<256x256xf32>
      %mul3A_99 = vector.broadcast %exp3A : vector<256x1xf32> to vector<256x16xf32>
      %mul3A_100 = arith.mulf %mul3A_99, %get3A_18 : vector<256x16xf32>
      %mul3A_101 = vector.broadcast %exp3A_47 : vector<256x1xf32> to vector<256x16xf32>
      %mul3A_102 = arith.mulf %mul3A_101, %get3A_18 : vector<256x16xf32>
      %mul3A_103 = vector.broadcast %exp3A_66 : vector<256x1xf32> to vector<256x16xf32>
      %mul3A_104 = arith.mulf %mul3A_103, %get3A_18 : vector<256x16xf32>
      %mul3A_105 = vector.broadcast %exp3A_85 : vector<256x1xf32> to vector<256x16xf32>
      %mul3A_106 = arith.mulf %mul3A_105, %get3A_18 : vector<256x16xf32>
      %concatenate3A = tpu.concatenate %exp3A, %exp3A_47, %exp3A_66, %exp3A_85 in 1 : vector<256x1xf32>, vector<256x1xf32>, vector<256x1xf32>, vector<256x1xf32> -> vector<256x4xf32>
      %broadcast_in_dim3A_107 = arith.constant 0.000000e+00 : f32
      %broadcast_in_dim3A_108 = vector.broadcast %broadcast_in_dim3A_107 : f32 to vector<256x60xf32>
      %concatenate3A_109 = tpu.concatenate %mul3A_31, %mul3A_50, %mul3A_69, %mul3A_88, %mul3A_98, %mul3A_100, %mul3A_102, %mul3A_104, %mul3A_106, %concatenate3A, %broadcast_in_dim3A_108 in 1 : vector<256x256xf32>, vector<256x256xf32>, vector<256x256xf32>, vector<256x256xf32>, vector<256x256xf32>, vector<256x16xf32>, vector<256x16xf32>, vector<256x16xf32>, vector<256x16xf32>, vector<256x4xf32>, vector<256x60xf32> -> vector<256x1408xf32>
      %get3A_110 = arith.constant 0 : index
      %get3A_111 = arith.constant 0 : index
      %get3A_112 = vector.load %arg5[%get3A_110, %get3A_111] : memref<256x256xf32, #tpu.memory_space<vmem>>, vector<256x256xf32>
      %dot_general3A = arith.constant dense<0.000000e+00> : vector<256x1408xf32>
      %dot_general3A_113 = tpu.matmul %get3A_112, %concatenate3A_109, %dot_general3A {dimension_numbers = #tpu.dot_dimension_numbers<[1], [0], [0], [1], [0, 0, 1, 1], [], []>, transpose_lhs_hint = false} : vector<256x256xf32>, vector<256x1408xf32>, vector<256x1408xf32> -> vector<256x1408xf32>
      %get3A_114 = arith.constant 0 : index
      %get3A_115 = arith.constant 0 : index
      %get3A_116 = vector.load %arg7[%get3A_114, %get3A_115] : memref<1x1408xf32, #tpu.memory_space<vmem>>, vector<1x1408xf32>
      %add3A_117 = vector.broadcast %get3A_116 : vector<1x1408xf32> to vector<256x1408xf32>
      %add3A_118 = arith.addf %dot_general3A_113, %add3A_117 : vector<256x1408xf32>
      %swap3A = arith.constant 0 : index
      %swap3A_119 = arith.constant 0 : index
      %swap3A_120 = vector.load %arg6[%swap3A, %swap3A_119] : memref<256x1408xf32, #tpu.memory_space<vmem>>, vector<256x1408xf32>
      tpu.vector_store %arg6[%swap3A, %swap3A_119], %add3A_118 {strides = array<i32>} : memref<256x1408xf32, #tpu.memory_space<vmem>>, vector<256x1408xf32>,
      %get3A_121 = arith.constant 0 : index
      %get3A_122 = arith.constant 0 : index
      %get3A_123 = vector.load %arg7[%get3A_121, %get3A_122] : memref<1x1408xf32, #tpu.memory_space<vmem>>, vector<1x1408xf32>
      %reduce_sum3A_124 = arith.constant dense<0.000000e+00> : vector<1408xf32>
      %reduce_sum3A_125 = vector.multi_reduction <add>, %concatenate3A_109, %reduce_sum3A_124 [0] : vector<256x1408xf32> to vector<1408xf32>
      %broadcast_in_dim3A_126 = vector.shape_cast %reduce_sum3A_125 : vector<1408xf32> to vector<1x1408xf32>
      %add3A_127 = arith.addf %get3A_123, %broadcast_in_dim3A_126 : vector<1x1408xf32>
      %swap3A_128 = arith.constant 0 : index
      %swap3A_129 = arith.constant 0 : index
      %swap3A_130 = vector.load %arg7[%swap3A_128, %swap3A_129] : memref<1x1408xf32, #tpu.memory_space<vmem>>, vector<1x1408xf32>
      tpu.vector_store %arg7[%swap3A_128, %swap3A_129], %add3A_127 {strides = array<i32>} : memref<1x1408xf32, #tpu.memory_space<vmem>>, vector<1x1408xf32>,
    } else {
    }
    %eq3A_6 = arith.constant 625 : i32
    %eq3A_7 = arith.cmpi eq, %arg0, %eq3A_6 : i32
    %convert_element_type3A_8 = arith.extui %eq3A_7 : i1 to i32
    %cond3A_9 = arith.constant 0 : i32
    %cond3A_10 = arith.cmpi ne, %convert_element_type3A_8, %cond3A_9 : i32
    scf.if %cond3A_10 {
      %get3A = arith.constant 0 : index
      %get3A_11 = arith.constant 0 : index
      %get3A_12 = vector.load %arg7[%get3A, %get3A_11] : memref<1x1408xf32, #tpu.memory_space<vmem>>, vector<1x1408xf32>
      %broadcast_in_dim3A = vector.shape_cast %get3A_12 : vector<1x1408xf32> to vector<1x1408xf32>
      %broadcast_in_dim3A_13 = vector.broadcast %broadcast_in_dim3A : vector<1x1408xf32> to vector<256x1408xf32>
      %swap3A = arith.constant 0 : index
      %swap3A_14 = arith.constant 0 : index
      %swap3A_15 = vector.load %arg6[%swap3A, %swap3A_14] : memref<256x1408xf32, #tpu.memory_space<vmem>>, vector<256x1408xf32>
      tpu.vector_store %arg6[%swap3A, %swap3A_14], %broadcast_in_dim3A_13 {strides = array<i32>} : memref<256x1408xf32, #tpu.memory_space<vmem>>, vector<256x1408xf32>,
    } else {
    }
    return
  }
  func.func @transform_0(%arg0: i32) -> (i32, i32) {
    %c0_i32 = arith.constant 0 : i32
    %c0_i32_0 = arith.constant 0 : i32
    return %arg0, %c0_i32 : i32, i32
  }
  func.func @transform_1(%arg0: i32) -> (i32, i32) {
    %c0_i32 = arith.constant 0 : i32
    %c0_i32_0 = arith.constant 0 : i32
    return %arg0, %c0_i32 : i32, i32
  }
  func.func @transform_2(%arg0: i32) -> (i32, i32) {
    %c0_i32 = arith.constant 0 : i32
    %c0_i32_0 = arith.constant 0 : i32
    return %arg0, %c0_i32 : i32, i32
  }
  func.func @transform_3(%arg0: i32) -> (i32, i32) {
    %c0_i32 = arith.constant 0 : i32
    %c0_i32_0 = arith.constant 0 : i32
    return %arg0, %c0_i32 : i32, i32
  }
  func.func @transform_4(%arg0: i32) -> (i32, i32) {
    %c0_i32 = arith.constant 0 : i32
    %c0_i32_0 = arith.constant 0 : i32
    %c0_i32_1 = arith.constant 0 : i32
    return %c0_i32, %c0_i32_0 : i32, i32
  }
  func.func @transform_5(%arg0: i32) -> (i32, i32) {
    %c0_i32 = arith.constant 0 : i32
    %c0_i32_0 = arith.constant 0 : i32
    return %arg0, %c0_i32 : i32, i32
  }
}

module attributes {stable_mosaic.version = 14 : i64} {
  func.func @_mm_kernel(%arg0: i32, %arg1: i32, %arg2: memref<1000x256xf32, #tpu.memory_space<vmem>>, %arg3: memref<256x512xf32, #tpu.memory_space<vmem>>, %arg4: memref<1x512xf32, #tpu.memory_space<vmem>>, %arg5: memref<1000x512xf32, #tpu.memory_space<vmem>>) attributes {dimension_semantics = [#tpu.dimension_semantics<arbitrary>, #tpu.dimension_semantics<arbitrary>], iteration_bounds = array<i64: 10, 2>, scalar_prefetch = 0 : i64, scratch_operands = 0 : i64, tpu.core_type = #tpu.core_type<tc>, window_params = [{transform_indices = @transform_0, window_bounds = array<i64: 1000, 256>}, {transform_indices = @transform_1, window_bounds = array<i64: 256, 512>}, {transform_indices = @transform_2, window_bounds = array<i64: 1, 512>}, {transform_indices = @transform_3, window_bounds = array<i64: 1000, 512>}]} {
    %get3A = arith.constant 0 : index
    %get3A_0 = arith.constant 0 : index
    %get3A_1 = vector.load %arg2[%get3A, %get3A_0] : memref<1000x256xf32, #tpu.memory_space<vmem>>, vector<1000x256xf32>
    %get3A_2 = arith.constant 0 : index
    %get3A_3 = arith.constant 0 : index
    %get3A_4 = vector.load %arg3[%get3A_2, %get3A_3] : memref<256x512xf32, #tpu.memory_space<vmem>>, vector<256x512xf32>
    %dot_general3A = arith.constant dense<0.000000e+00> : vector<1000x512xf32>
    %dot_general3A_5 = tpu.matmul %get3A_1, %get3A_4, %dot_general3A {dimension_numbers = #tpu.dot_dimension_numbers<[1], [0], [0], [1], [0, 0, 1, 1], [], []>, transpose_lhs_hint = false} : vector<1000x256xf32>, vector<256x512xf32>, vector<1000x512xf32> -> vector<1000x512xf32>
    %get3A_6 = arith.constant 0 : index
    %get3A_7 = arith.constant 0 : index
    %get3A_8 = vector.load %arg4[%get3A_6, %get3A_7] : memref<1x512xf32, #tpu.memory_space<vmem>>, vector<1x512xf32>
    %add3A = vector.broadcast %get3A_8 : vector<1x512xf32> to vector<1000x512xf32>
    %add3A_9 = arith.addf %dot_general3A_5, %add3A : vector<1000x512xf32>
    %swap3A = arith.constant 0 : index
    %swap3A_10 = arith.constant 0 : index
    %swap3A_11 = vector.load %arg5[%swap3A, %swap3A_10] : memref<1000x512xf32, #tpu.memory_space<vmem>>, vector<1000x512xf32>
    tpu.vector_store %arg5[%swap3A, %swap3A_10], %add3A_9 {strides = array<i32>} : memref<1000x512xf32, #tpu.memory_space<vmem>>, vector<1000x512xf32>,
    return
  }
  func.func @transform_0(%arg0: i32, %arg1: i32) -> (i32, i32) {
    %c0_i32 = arith.constant 0 : i32
    %c0_i32_0 = arith.constant 0 : i32
    return %arg0, %c0_i32 : i32, i32
  }
  func.func @transform_1(%arg0: i32, %arg1: i32) -> (i32, i32) {
    %c0_i32 = arith.constant 0 : i32
    %c0_i32_0 = arith.constant 0 : i32
    return %c0_i32, %arg1 : i32, i32
  }
  func.func @transform_2(%arg0: i32, %arg1: i32) -> (i32, i32) {
    %c0_i32 = arith.constant 0 : i32
    %c0_i32_0 = arith.constant 0 : i32
    return %c0_i32, %arg1 : i32, i32
  }
  func.func @transform_3(%arg0: i32, %arg1: i32) -> (i32, i32) {
    %c0_i32 = arith.constant 0 : i32
    return %arg0, %arg1 : i32, i32
  }
}

module attributes {stable_mosaic.version = 14 : i64} {
  func.func @_mm_kernel(%arg0: i32, %arg1: i32, %arg2: memref<1000x64xf32, #tpu.memory_space<vmem>>, %arg3: memref<64x512xf32, #tpu.memory_space<vmem>>, %arg4: memref<1x512xf32, #tpu.memory_space<vmem>>, %arg5: memref<1000x512xf32, #tpu.memory_space<vmem>>) attributes {dimension_semantics = [#tpu.dimension_semantics<arbitrary>, #tpu.dimension_semantics<arbitrary>], iteration_bounds = array<i64: 10, 2>, scalar_prefetch = 0 : i64, scratch_operands = 0 : i64, tpu.core_type = #tpu.core_type<tc>, window_params = [{transform_indices = @transform_0, window_bounds = array<i64: 1000, 64>}, {transform_indices = @transform_1, window_bounds = array<i64: 64, 512>}, {transform_indices = @transform_2, window_bounds = array<i64: 1, 512>}, {transform_indices = @transform_3, window_bounds = array<i64: 1000, 512>}]} {
    %get3A = arith.constant 0 : index
    %get3A_0 = arith.constant 0 : index
    %get3A_1 = vector.load %arg2[%get3A, %get3A_0] : memref<1000x64xf32, #tpu.memory_space<vmem>>, vector<1000x64xf32>
    %get3A_2 = arith.constant 0 : index
    %get3A_3 = arith.constant 0 : index
    %get3A_4 = vector.load %arg3[%get3A_2, %get3A_3] : memref<64x512xf32, #tpu.memory_space<vmem>>, vector<64x512xf32>
    %dot_general3A = arith.constant dense<0.000000e+00> : vector<1000x512xf32>
    %dot_general3A_5 = tpu.matmul %get3A_1, %get3A_4, %dot_general3A {dimension_numbers = #tpu.dot_dimension_numbers<[1], [0], [0], [1], [0, 0, 1, 1], [], []>, transpose_lhs_hint = false} : vector<1000x64xf32>, vector<64x512xf32>, vector<1000x512xf32> -> vector<1000x512xf32>
    %get3A_6 = arith.constant 0 : index
    %get3A_7 = arith.constant 0 : index
    %get3A_8 = vector.load %arg4[%get3A_6, %get3A_7] : memref<1x512xf32, #tpu.memory_space<vmem>>, vector<1x512xf32>
    %add3A = vector.broadcast %get3A_8 : vector<1x512xf32> to vector<1000x512xf32>
    %add3A_9 = arith.addf %dot_general3A_5, %add3A : vector<1000x512xf32>
    %swap3A = arith.constant 0 : index
    %swap3A_10 = arith.constant 0 : index
    %swap3A_11 = vector.load %arg5[%swap3A, %swap3A_10] : memref<1000x512xf32, #tpu.memory_space<vmem>>, vector<1000x512xf32>
    tpu.vector_store %arg5[%swap3A, %swap3A_10], %add3A_9 {strides = array<i32>} : memref<1000x512xf32, #tpu.memory_space<vmem>>, vector<1000x512xf32>,
    return
  }
  func.func @transform_0(%arg0: i32, %arg1: i32) -> (i32, i32) {
    %c0_i32 = arith.constant 0 : i32
    %c0_i32_0 = arith.constant 0 : i32
    return %arg0, %c0_i32 : i32, i32
  }
  func.func @transform_1(%arg0: i32, %arg1: i32) -> (i32, i32) {
    %c0_i32 = arith.constant 0 : i32
    %c0_i32_0 = arith.constant 0 : i32
    return %c0_i32, %arg1 : i32, i32
  }
  func.func @transform_2(%arg0: i32, %arg1: i32) -> (i32, i32) {
    %c0_i32 = arith.constant 0 : i32
    %c0_i32_0 = arith.constant 0 : i32
    return %c0_i32, %arg1 : i32, i32
  }
  func.func @transform_3(%arg0: i32, %arg1: i32) -> (i32, i32) {
    %c0_i32 = arith.constant 0 : i32
    return %arg0, %arg1 : i32, i32
  }
}

module attributes {stable_mosaic.version = 14 : i64} {
  func.func @_mm_kernel(%arg0: i32, %arg1: i32, %arg2: memref<1000x1024xf32, #tpu.memory_space<vmem>>, %arg3: memref<1024x256xf32, #tpu.memory_space<vmem>>, %arg4: memref<1x256xf32, #tpu.memory_space<vmem>>, %arg5: memref<1000x256xf32, #tpu.memory_space<vmem>>) attributes {dimension_semantics = [#tpu.dimension_semantics<arbitrary>, #tpu.dimension_semantics<arbitrary>], iteration_bounds = array<i64: 10, 1>, scalar_prefetch = 0 : i64, scratch_operands = 0 : i64, tpu.core_type = #tpu.core_type<tc>, window_params = [{transform_indices = @transform_0, window_bounds = array<i64: 1000, 1024>}, {transform_indices = @transform_1, window_bounds = array<i64: 1024, 256>}, {transform_indices = @transform_2, window_bounds = array<i64: 1, 256>}, {transform_indices = @transform_3, window_bounds = array<i64: 1000, 256>}]} {
    %get3A = arith.constant 0 : index
    %get3A_0 = arith.constant 0 : index
    %get3A_1 = vector.load %arg2[%get3A, %get3A_0] : memref<1000x1024xf32, #tpu.memory_space<vmem>>, vector<1000x1024xf32>
    %get3A_2 = arith.constant 0 : index
    %get3A_3 = arith.constant 0 : index
    %get3A_4 = vector.load %arg3[%get3A_2, %get3A_3] : memref<1024x256xf32, #tpu.memory_space<vmem>>, vector<1024x256xf32>
    %dot_general3A = arith.constant dense<0.000000e+00> : vector<1000x256xf32>
    %dot_general3A_5 = tpu.matmul %get3A_1, %get3A_4, %dot_general3A {dimension_numbers = #tpu.dot_dimension_numbers<[1], [0], [0], [1], [0, 0, 1, 1], [], []>, transpose_lhs_hint = false} : vector<1000x1024xf32>, vector<1024x256xf32>, vector<1000x256xf32> -> vector<1000x256xf32>
    %get3A_6 = arith.constant 0 : index
    %get3A_7 = arith.constant 0 : index
    %get3A_8 = vector.load %arg4[%get3A_6, %get3A_7] : memref<1x256xf32, #tpu.memory_space<vmem>>, vector<1x256xf32>
    %add3A = vector.broadcast %get3A_8 : vector<1x256xf32> to vector<1000x256xf32>
    %add3A_9 = arith.addf %dot_general3A_5, %add3A : vector<1000x256xf32>
    %swap3A = arith.constant 0 : index
    %swap3A_10 = arith.constant 0 : index
    %swap3A_11 = vector.load %arg5[%swap3A, %swap3A_10] : memref<1000x256xf32, #tpu.memory_space<vmem>>, vector<1000x256xf32>
    tpu.vector_store %arg5[%swap3A, %swap3A_10], %add3A_9 {strides = array<i32>} : memref<1000x256xf32, #tpu.memory_space<vmem>>, vector<1000x256xf32>,
    return
  }
  func.func @transform_0(%arg0: i32, %arg1: i32) -> (i32, i32) {
    %c0_i32 = arith.constant 0 : i32
    %c0_i32_0 = arith.constant 0 : i32
    return %arg0, %c0_i32 : i32, i32
  }
  func.func @transform_1(%arg0: i32, %arg1: i32) -> (i32, i32) {
    %c0_i32 = arith.constant 0 : i32
    %c0_i32_0 = arith.constant 0 : i32
    return %c0_i32, %arg1 : i32, i32
  }
  func.func @transform_2(%arg0: i32, %arg1: i32) -> (i32, i32) {
    %c0_i32 = arith.constant 0 : i32
    %c0_i32_0 = arith.constant 0 : i32
    return %c0_i32, %arg1 : i32, i32
  }
  func.func @transform_3(%arg0: i32, %arg1: i32) -> (i32, i32) {
    %c0_i32 = arith.constant 0 : i32
    return %arg0, %arg1 : i32, i32
  }
}

module attributes {stable_mosaic.version = 14 : i64} {
  func.func @_bn_kernel(%arg0: i32, %arg1: memref<10000x256xf32, #tpu.memory_space<vmem>>, %arg2: memref<1x256xf32, #tpu.memory_space<vmem>>, %arg3: memref<1x256xf32, #tpu.memory_space<vmem>>, %arg4: memref<10000x256xf32, #tpu.memory_space<vmem>>) attributes {dimension_semantics = [#tpu.dimension_semantics<arbitrary>], iteration_bounds = array<i64: 1>, scalar_prefetch = 0 : i64, scratch_operands = 0 : i64, tpu.core_type = #tpu.core_type<tc>, window_params = [{pipeline_mode = #tpu.pipeline_mode<synchronous>, transform_indices = @transform_0, window_bounds = array<i64: 10000, 256>}, {pipeline_mode = #tpu.pipeline_mode<synchronous>, transform_indices = @transform_1, window_bounds = array<i64: 1, 256>}, {pipeline_mode = #tpu.pipeline_mode<synchronous>, transform_indices = @transform_2, window_bounds = array<i64: 1, 256>}, {pipeline_mode = #tpu.pipeline_mode<synchronous>, transform_indices = @transform_3, window_bounds = array<i64: 10000, 256>}]} {
    %get3A = arith.constant 0 : index
    %get3A_0 = arith.constant 0 : index
    %get3A_1 = vector.load %arg1[%get3A, %get3A_0] : memref<10000x256xf32, #tpu.memory_space<vmem>>, vector<10000x256xf32>
    %max3A = arith.constant 0.000000e+00 : f32
    %max3A_2 = vector.broadcast %max3A : f32 to vector<10000x256xf32>
    %max3A_3 = arith.maximumf %get3A_1, %max3A_2 : vector<10000x256xf32>
    %reduce_sum3A = arith.constant dense<0.000000e+00> : vector<256xf32>
    %reduce_sum3A_4 = vector.multi_reduction <add>, %max3A_3, %reduce_sum3A [0] : vector<10000x256xf32> to vector<256xf32>
    %broadcast_in_dim3A = vector.shape_cast %reduce_sum3A_4 : vector<256xf32> to vector<1x256xf32>
    %div3A = arith.constant 1.000000e+04 : f32
    %div3A_5 = vector.broadcast %div3A : f32 to vector<1x256xf32>
    %div3A_6 = arith.divf %broadcast_in_dim3A, %div3A_5 : vector<1x256xf32>
    %sub3A = vector.broadcast %div3A_6 : vector<1x256xf32> to vector<10000x256xf32>
    %sub3A_7 = arith.subf %max3A_3, %sub3A : vector<10000x256xf32>
    %square3A = arith.mulf %sub3A_7, %sub3A_7 : vector<10000x256xf32>
    %reduce_sum3A_8 = arith.constant dense<0.000000e+00> : vector<256xf32>
    %reduce_sum3A_9 = vector.multi_reduction <add>, %square3A, %reduce_sum3A_8 [0] : vector<10000x256xf32> to vector<256xf32>
    %broadcast_in_dim3A_10 = vector.shape_cast %reduce_sum3A_9 : vector<256xf32> to vector<1x256xf32>
    %div3A_11 = arith.constant 1.000000e+04 : f32
    %div3A_12 = vector.broadcast %div3A_11 : f32 to vector<1x256xf32>
    %div3A_13 = arith.divf %broadcast_in_dim3A_10, %div3A_12 : vector<1x256xf32>
    %sub3A_14 = vector.broadcast %div3A_6 : vector<1x256xf32> to vector<10000x256xf32>
    %sub3A_15 = arith.subf %max3A_3, %sub3A_14 : vector<10000x256xf32>
    %add3A = arith.constant 9.99999974E-6 : f32
    %add3A_16 = vector.broadcast %add3A : f32 to vector<1x256xf32>
    %add3A_17 = arith.addf %div3A_13, %add3A_16 : vector<1x256xf32>
    %rsqrt3A = math.rsqrt %add3A_17 : vector<1x256xf32>
    %mul3A = vector.broadcast %rsqrt3A : vector<1x256xf32> to vector<10000x256xf32>
    %mul3A_18 = arith.mulf %sub3A_15, %mul3A : vector<10000x256xf32>
    %get3A_19 = arith.constant 0 : index
    %get3A_20 = arith.constant 0 : index
    %get3A_21 = vector.load %arg2[%get3A_19, %get3A_20] : memref<1x256xf32, #tpu.memory_space<vmem>>, vector<1x256xf32>
    %mul3A_22 = vector.broadcast %get3A_21 : vector<1x256xf32> to vector<10000x256xf32>
    %mul3A_23 = arith.mulf %mul3A_18, %mul3A_22 : vector<10000x256xf32>
    %get3A_24 = arith.constant 0 : index
    %get3A_25 = arith.constant 0 : index
    %get3A_26 = vector.load %arg3[%get3A_24, %get3A_25] : memref<1x256xf32, #tpu.memory_space<vmem>>, vector<1x256xf32>
    %add3A_27 = vector.broadcast %get3A_26 : vector<1x256xf32> to vector<10000x256xf32>
    %add3A_28 = arith.addf %mul3A_23, %add3A_27 : vector<10000x256xf32>
    %swap3A = arith.constant 0 : index
    %swap3A_29 = arith.constant 0 : index
    %swap3A_30 = vector.load %arg4[%swap3A, %swap3A_29] : memref<10000x256xf32, #tpu.memory_space<vmem>>, vector<10000x256xf32>
    tpu.vector_store %arg4[%swap3A, %swap3A_29], %add3A_28 {strides = array<i32>} : memref<10000x256xf32, #tpu.memory_space<vmem>>, vector<10000x256xf32>,
    return
  }
  func.func @transform_0(%arg0: i32) -> (i32, i32) {
    %c0_i32 = arith.constant 0 : i32
    %c0_i32_0 = arith.constant 0 : i32
    %c0_i32_1 = arith.constant 0 : i32
    return %c0_i32, %c0_i32_0 : i32, i32
  }
  func.func @transform_1(%arg0: i32) -> (i32, i32) {
    %c0_i32 = arith.constant 0 : i32
    %c0_i32_0 = arith.constant 0 : i32
    %c0_i32_1 = arith.constant 0 : i32
    return %c0_i32, %c0_i32_0 : i32, i32
  }
  func.func @transform_2(%arg0: i32) -> (i32, i32) {
    %c0_i32 = arith.constant 0 : i32
    %c0_i32_0 = arith.constant 0 : i32
    %c0_i32_1 = arith.constant 0 : i32
    return %c0_i32, %c0_i32_0 : i32, i32
  }
  func.func @transform_3(%arg0: i32) -> (i32, i32) {
    %c0_i32 = arith.constant 0 : i32
    %c0_i32_0 = arith.constant 0 : i32
    %c0_i32_1 = arith.constant 0 : i32
    return %c0_i32, %c0_i32_0 : i32, i32
  }
}

module attributes {stable_mosaic.version = 14 : i64} {
  func.func @_pool_kernel(%arg0: i32, %arg1: memref<10000x256xf32, #tpu.memory_space<vmem>>, %arg2: memref<1x256xf32, #tpu.memory_space<vmem>>, %arg3: memref<1x512xf32, #tpu.memory_space<vmem>>) attributes {dimension_semantics = [#tpu.dimension_semantics<arbitrary>], iteration_bounds = array<i64: 1>, scalar_prefetch = 0 : i64, scratch_operands = 0 : i64, tpu.core_type = #tpu.core_type<tc>, window_params = [{pipeline_mode = #tpu.pipeline_mode<synchronous>, transform_indices = @transform_0, window_bounds = array<i64: 10000, 256>}, {pipeline_mode = #tpu.pipeline_mode<synchronous>, transform_indices = @transform_1, window_bounds = array<i64: 1, 256>}, {pipeline_mode = #tpu.pipeline_mode<synchronous>, transform_indices = @transform_2, window_bounds = array<i64: 1, 512>}]} {
    %get3A = arith.constant 0 : index
    %get3A_0 = arith.constant 0 : index
    %get3A_1 = vector.load %arg1[%get3A, %get3A_0] : memref<10000x256xf32, #tpu.memory_space<vmem>>, vector<10000x256xf32>
    %get3A_2 = arith.constant 0 : index
    %get3A_3 = arith.constant 0 : index
    %get3A_4 = vector.load %arg2[%get3A_2, %get3A_3] : memref<1x256xf32, #tpu.memory_space<vmem>>, vector<1x256xf32>
    %mul3A = arith.mulf %get3A_4, %get3A_4 : vector<1x256xf32>
    %reduce_sum3A = vector.shape_cast %mul3A : vector<1x256xf32> to vector<1x1x256xf32>
    %reduce_sum3A_5 = arith.constant dense<0.000000e+00> : vector<1xf32>
    %reduce_sum3A_6 = vector.multi_reduction <add>, %reduce_sum3A, %reduce_sum3A_5 [1, 2] : vector<1x1x256xf32> to vector<1xf32>
    %reduce_sum3A_7 = vector.shape_cast %reduce_sum3A_6 : vector<1xf32> to vector<1x1x1xf32>
    %reduce_sum3A_8 = vector.extract %reduce_sum3A_7[0, 0, 0] : f32 from vector<1x1x1xf32>
    %sqrt3A = math.sqrt %reduce_sum3A_8 : f32
    %mul3A_9 = vector.broadcast %get3A_4 : vector<1x256xf32> to vector<10000x256xf32>
    %mul3A_10 = arith.mulf %get3A_1, %mul3A_9 : vector<10000x256xf32>
    %reduce_sum3A_11 = arith.constant dense<0.000000e+00> : vector<10000xf32>
    %reduce_sum3A_12 = vector.multi_reduction <add>, %mul3A_10, %reduce_sum3A_11 [1] : vector<10000x256xf32> to vector<10000xf32>
    %broadcast_in_dim3A = vector.shape_cast %reduce_sum3A_12 : vector<10000xf32> to vector<10000x1xf32>
    %div3A = vector.broadcast %sqrt3A : f32 to vector<10000x1xf32>
    %div3A_13 = arith.divf %broadcast_in_dim3A, %div3A : vector<10000x1xf32>
    %tanh3A = math.tanh %div3A_13 : vector<10000x1xf32>
    %bitcast_convert_type3A = tpu.bitcast %tanh3A : vector<10000x1xf32> -> vector<10000x1xi32>
    %shift_right_arithmetic3A = arith.constant 31 : i32
    %shift_right_arithmetic3A_14 = vector.broadcast %shift_right_arithmetic3A : i32 to vector<10000x1xi32>
    %shift_right_arithmetic3A_15 = arith.shrsi %bitcast_convert_type3A, %shift_right_arithmetic3A_14 : vector<10000x1xi32>
    %and3A = arith.constant 2147483647 : i32
    %and3A_16 = vector.broadcast %and3A : i32 to vector<10000x1xi32>
    %and3A_17 = arith.andi %shift_right_arithmetic3A_15, %and3A_16 : vector<10000x1xi32>
    %xor3A = arith.xori %bitcast_convert_type3A, %and3A_17 : vector<10000x1xi32>
    %scan3A = arith.constant -1065353218 : i32
    %scan3A_18 = arith.constant 1065353217 : i32
    %scan3A_19 = arith.constant 0 : i32
    %scan3A_20 = arith.constant 32 : i32
    %scan3A_21 = arith.addi %scan3A_19, %scan3A_20 : i32
    %scan3A_22 = arith.constant 1 : i32
    %scan3A_23:2 = scf.for %scan3A_68 = %scan3A_19 to %scan3A_21 step %scan3A_22 iter_args(%scan3A_69 = %scan3A, %scan3A_70 = %scan3A_18) -> (i32, i32)  : i32 {
      %sub3A_71 = arith.subi %scan3A_70, %scan3A_69 : i32
      %add3A = arith.constant 1 : i32
      %add3A_72 = arith.addi %sub3A_71, %add3A : i32
      %shift_right_arithmetic3A_73 = arith.constant 1 : i32
      %shift_right_arithmetic3A_74 = arith.shrsi %add3A_72, %shift_right_arithmetic3A_73 : i32
      %add3A_75 = arith.addi %scan3A_69, %shift_right_arithmetic3A_74 : i32
      %ge3A = vector.broadcast %add3A_75 : i32 to vector<10000x1xi32>
      %ge3A_76 = arith.cmpi sge, %xor3A, %ge3A : vector<10000x1xi32>
      %jit3A_77 = arith.constant 1 : i32
      %jit3A_78 = arith.constant 0 : i32
      %broadcast_in_dim3A_79 = vector.broadcast %jit3A_77 : i32 to vector<10000x1xi32>
      %broadcast_in_dim3A_80 = vector.broadcast %jit3A_78 : i32 to vector<10000x1xi32>
      %select_n3A_81 = arith.select %ge3A_76, %broadcast_in_dim3A_79, %broadcast_in_dim3A_80 : vector<10000x1xi1>, vector<10000x1xi32>
      %reduce_sum3A_82 = vector.shape_cast %select_n3A_81 : vector<10000x1xi32> to vector<1x10000x1xi32>
      %reduce_sum3A_83 = arith.constant dense<0> : vector<1xi32>
      %reduce_sum3A_84 = vector.multi_reduction <add>, %reduce_sum3A_82, %reduce_sum3A_83 [1, 2] : vector<1x10000x1xi32> to vector<1xi32>
      %reduce_sum3A_85 = vector.shape_cast %reduce_sum3A_84 : vector<1xi32> to vector<1x1x1xi32>
      %reduce_sum3A_86 = vector.extract %reduce_sum3A_85[0, 0, 0] : i32 from vector<1x1x1xi32>
      %ge3A_87 = arith.constant 5000 : i32
      %ge3A_88 = arith.cmpi sge, %reduce_sum3A_86, %ge3A_87 : i32
      %select_n3A_89 = arith.select %ge3A_88, %add3A_75, %scan3A_69 : i32
      %sub3A_90 = arith.constant 1 : i32
      %sub3A_91 = arith.subi %add3A_75, %sub3A_90 : i32
      %select_n3A_92 = arith.select %ge3A_88, %scan3A_70, %sub3A_91 : i32
      scf.yield %select_n3A_89, %select_n3A_92 : i32, i32
    }
    %gt3A = vector.broadcast %scan3A_23#0 : i32 to vector<10000x1xi32>
    %gt3A_24 = arith.cmpi sgt, %xor3A, %gt3A : vector<10000x1xi32>
    %jit3A = arith.constant 1 : i32
    %jit3A_25 = arith.constant 0 : i32
    %broadcast_in_dim3A_26 = vector.broadcast %jit3A : i32 to vector<10000x1xi32>
    %broadcast_in_dim3A_27 = vector.broadcast %jit3A_25 : i32 to vector<10000x1xi32>
    %select_n3A = arith.select %gt3A_24, %broadcast_in_dim3A_26, %broadcast_in_dim3A_27 : vector<10000x1xi1>, vector<10000x1xi32>
    %reduce_sum3A_28 = vector.shape_cast %select_n3A : vector<10000x1xi32> to vector<1x10000x1xi32>
    %reduce_sum3A_29 = arith.constant dense<0> : vector<1xi32>
    %reduce_sum3A_30 = vector.multi_reduction <add>, %reduce_sum3A_28, %reduce_sum3A_29 [1, 2] : vector<1x10000x1xi32> to vector<1xi32>
    %reduce_sum3A_31 = vector.shape_cast %reduce_sum3A_30 : vector<1xi32> to vector<1x1x1xi32>
    %reduce_sum3A_32 = vector.extract %reduce_sum3A_31[0, 0, 0] : i32 from vector<1x1x1xi32>
    %sub3A = arith.constant 5000 : i32
    %sub3A_33 = arith.subi %sub3A, %reduce_sum3A_32 : i32
    %iota3A = tpu.iota {dimensions = array<i32: 0>} : vector<10000x1xi32>
    %eq3A = vector.broadcast %scan3A_23#0 : i32 to vector<10000x1xi32>
    %eq3A_34 = arith.cmpi eq, %xor3A, %eq3A : vector<10000x1xi32>
    %scan3A_35 = arith.constant 0 : i32
    %scan3A_36 = arith.constant 10000 : i32
    %scan3A_37 = arith.constant 0 : i32
    %scan3A_38 = arith.constant 15 : i32
    %scan3A_39 = arith.addi %scan3A_37, %scan3A_38 : i32
    %scan3A_40 = arith.constant 1 : i32
    %scan3A_41:2 = scf.for %scan3A_68 = %scan3A_37 to %scan3A_39 step %scan3A_40 iter_args(%scan3A_69 = %scan3A_35, %scan3A_70 = %scan3A_36) -> (i32, i32)  : i32 {
      %add3A = arith.addi %scan3A_69, %scan3A_70 : i32
      %shift_right_arithmetic3A_71 = arith.constant 1 : i32
      %shift_right_arithmetic3A_72 = arith.shrsi %add3A, %shift_right_arithmetic3A_71 : i32
      %lt3A_73 = vector.broadcast %shift_right_arithmetic3A_72 : i32 to vector<10000x1xi32>
      %lt3A_74 = arith.cmpi slt, %iota3A, %lt3A_73 : vector<10000x1xi32>
      %and3A_75 = arith.andi %eq3A_34, %lt3A_74 : vector<10000x1xi1>
      %jit3A_76 = arith.constant 1 : i32
      %jit3A_77 = arith.constant 0 : i32
      %broadcast_in_dim3A_78 = vector.broadcast %jit3A_76 : i32 to vector<10000x1xi32>
      %broadcast_in_dim3A_79 = vector.broadcast %jit3A_77 : i32 to vector<10000x1xi32>
      %select_n3A_80 = arith.select %and3A_75, %broadcast_in_dim3A_78, %broadcast_in_dim3A_79 : vector<10000x1xi1>, vector<10000x1xi32>
      %reduce_sum3A_81 = vector.shape_cast %select_n3A_80 : vector<10000x1xi32> to vector<1x10000x1xi32>
      %reduce_sum3A_82 = arith.constant dense<0> : vector<1xi32>
      %reduce_sum3A_83 = vector.multi_reduction <add>, %reduce_sum3A_81, %reduce_sum3A_82 [1, 2] : vector<1x10000x1xi32> to vector<1xi32>
      %reduce_sum3A_84 = vector.shape_cast %reduce_sum3A_83 : vector<1xi32> to vector<1x1x1xi32>
      %reduce_sum3A_85 = vector.extract %reduce_sum3A_84[0, 0, 0] : i32 from vector<1x1x1xi32>
      %lt3A_86 = arith.cmpi slt, %reduce_sum3A_85, %sub3A_33 : i32
      %add3A_87 = arith.constant 1 : i32
      %add3A_88 = arith.addi %shift_right_arithmetic3A_72, %add3A_87 : i32
      %select_n3A_89 = arith.select %lt3A_86, %add3A_88, %scan3A_69 : i32
      %select_n3A_90 = arith.select %lt3A_86, %scan3A_70, %shift_right_arithmetic3A_72 : i32
      scf.yield %select_n3A_89, %select_n3A_90 : i32, i32
    }
    %gt3A_42 = vector.broadcast %scan3A_23#0 : i32 to vector<10000x1xi32>
    %gt3A_43 = arith.cmpi sgt, %xor3A, %gt3A_42 : vector<10000x1xi32>
    %lt3A = vector.broadcast %scan3A_41#0 : i32 to vector<10000x1xi32>
    %lt3A_44 = arith.cmpi slt, %iota3A, %lt3A : vector<10000x1xi32>
    %and3A_45 = arith.andi %eq3A_34, %lt3A_44 : vector<10000x1xi1>
    %or3A = arith.ori %gt3A_43, %and3A_45 : vector<10000x1xi1>
    %mul3A_46 = vector.broadcast %tanh3A : vector<10000x1xf32> to vector<10000x256xf32>
    %mul3A_47 = arith.mulf %mul3A_46, %get3A_1 : vector<10000x256xf32>
    %jit3A_48 = arith.constant -3.000000e+38 : f32
    %broadcast_in_dim3A_49 = vector.shape_cast %or3A : vector<10000x1xi1> to vector<10000x1xi1>
    %broadcast_in_dim3A_50 = vector.broadcast %broadcast_in_dim3A_49 : vector<10000x1xi1> to vector<10000x256xi1>
    %broadcast_in_dim3A_51 = vector.broadcast %jit3A_48 : f32 to vector<10000x256xf32>
    %select_n3A_52 = arith.select %broadcast_in_dim3A_50, %mul3A_47, %broadcast_in_dim3A_51 : vector<10000x256xi1>, vector<10000x256xf32>
    %reduce_max3A = arith.constant dense<0xFF800000> : vector<256xf32>
    %reduce_max3A_53 = vector.multi_reduction <maximumf>, %select_n3A_52, %reduce_max3A [0] : vector<10000x256xf32> to vector<256xf32>
    %broadcast_in_dim3A_54 = vector.shape_cast %reduce_max3A_53 : vector<256xf32> to vector<1x256xf32>
    %jit3A_55 = arith.constant 0.000000e+00 : f32
    %broadcast_in_dim3A_56 = vector.shape_cast %or3A : vector<10000x1xi1> to vector<10000x1xi1>
    %broadcast_in_dim3A_57 = vector.broadcast %broadcast_in_dim3A_56 : vector<10000x1xi1> to vector<10000x256xi1>
    %broadcast_in_dim3A_58 = vector.broadcast %jit3A_55 : f32 to vector<10000x256xf32>
    %select_n3A_59 = arith.select %broadcast_in_dim3A_57, %mul3A_47, %broadcast_in_dim3A_58 : vector<10000x256xi1>, vector<10000x256xf32>
    %reduce_sum3A_60 = arith.constant dense<0.000000e+00> : vector<256xf32>
    %reduce_sum3A_61 = vector.multi_reduction <add>, %select_n3A_59, %reduce_sum3A_60 [0] : vector<10000x256xf32> to vector<256xf32>
    %broadcast_in_dim3A_62 = vector.shape_cast %reduce_sum3A_61 : vector<256xf32> to vector<1x256xf32>
    %div3A_63 = arith.constant 5.000000e+03 : f32
    %div3A_64 = vector.broadcast %div3A_63 : f32 to vector<1x256xf32>
    %div3A_65 = arith.divf %broadcast_in_dim3A_62, %div3A_64 : vector<1x256xf32>
    %concatenate3A = tpu.concatenate %broadcast_in_dim3A_54, %div3A_65 in 1 : vector<1x256xf32>, vector<1x256xf32> -> vector<1x512xf32>
    %swap3A = arith.constant 0 : index
    %swap3A_66 = arith.constant 0 : index
    %swap3A_67 = vector.load %arg3[%swap3A, %swap3A_66] : memref<1x512xf32, #tpu.memory_space<vmem>>, vector<1x512xf32>
    tpu.vector_store %arg3[%swap3A, %swap3A_66], %concatenate3A {strides = array<i32>} : memref<1x512xf32, #tpu.memory_space<vmem>>, vector<1x512xf32>,
    return
  }
  func.func @transform_0(%arg0: i32) -> (i32, i32) {
    %c0_i32 = arith.constant 0 : i32
    %c0_i32_0 = arith.constant 0 : i32
    %c0_i32_1 = arith.constant 0 : i32
    return %c0_i32, %c0_i32_0 : i32, i32
  }
  func.func @transform_1(%arg0: i32) -> (i32, i32) {
    %c0_i32 = arith.constant 0 : i32
    %c0_i32_0 = arith.constant 0 : i32
    %c0_i32_1 = arith.constant 0 : i32
    return %c0_i32, %c0_i32_0 : i32, i32
  }
  func.func @transform_2(%arg0: i32) -> (i32, i32) {
    %c0_i32 = arith.constant 0 : i32
    %c0_i32_0 = arith.constant 0 : i32
    %c0_i32_1 = arith.constant 0 : i32
    return %c0_i32, %c0_i32_0 : i32, i32
  }
}

</mosaic_0001>

<sc_bundles>
// kernel: gather_offload_async_start.1
scs
__scs_entry_jumppad:
0x0: {  	(pc) =	sbr.rel $0x88, $3  }
0x1: {  	(tag) =	ssettag $0x0;
	lr =	simm.s32 $0x1  }
0x2: {  	[smem:$0x3F7E] =	sst lr;
	_ =	strace $0xD0000000  }
0x3: {  	_ = 	snop  }
0x4: {  	_ = 	snop  }
0x5: {  	_ = 	snop  }
0x6: {  	_ = 	snop  }
0x7: {  	_ = 	snop  }
__scs_overlays_trampoline_lowered:
0x8: {  	[smem:$0x3F8D] =	sst s0  }
0x9: {  	[smem:$0x3F8E] =	sst s1  }
0xa: {  	[smem:$0x3F8F] =	sst s2  }
0xb: {  	[smem:$0x3F90] =	sst s3  }
0xc: {  	[smem:$0x3F91] =	sst s4  }
0xd: {  	[smem:$0x3F92] =	sst s5  }
0xe: {  	[smem:$0x3F93] =	sst s6  }
0xf: {  	[smem:$0x3F94] =	sst s7  }
0x10: {  	[smem:$0x3F95] =	sst s8  }
0x11: {  	[smem:$0x3F96] =	sst s9;
	s0 =	simm.s32 @!p0 $0x0  }
0x12: {  	s1 =	sld [smem:$0x3F7C];
	s0 =	simm.s32 @p0 $0x1  }
0x13: {  	[smem:$0x3F97] =	sst s0;
	s0 =	simm.s32 @!p1 $0x0  }
0x14: {  	s2 =	sld [smem:$0x3F7B];
	s0 =	simm.s32 @p1 $0x1  }
0x15: {  	[smem:$0x3F98] =	sst s0;
	s0 =	simm.s32 @!p2 $0x0  }
0x16: {  	s3 =	sld [smem:$0x3FDB];
	s0 =	simm.s32 @p2 $0x1  }
0x17: {  	s4 =	simm.s32 $0x1BF5;
	[smem:$0x3F9A] =	sst s0  }
0x18: {  	s0 =	sld [smem:$0x3F7D];
	_ =	swait.ge [sflag:s4], $0x0  }
0x19: {  	s7 =	sld [smem:$0x3F7E]  }
0x1a: {  	s8 =	sadd.s32 $0xFFFFE003, lr  }
0x1b: {  	s9 =	sadd.s32 $0xFFFFFEF7, lr;
	s5 =	simm.s32 $0xFFFFFFFF;
	p2 =	slt.u32 s8, $0xFFFFF086  }
0x1c: {  	p1 =	slt.u32 s9, $0xF7A;
	s5 =	simm.s32 @!p2 $0x0  }
0x1d: {  	s5 =	simm.s32 @p1 $0x1;
	p0 =	seq.s32 s7, s2  }
0x1e: {  	s7 =	smul.u32 @!p0 $0xF7A, s2;
	p2 =	seq.s32 @!p0 s5, $0x0  }
0x1f: {  	s9 =	smul.u32 $0xF7A, s1;
	s8 =	simm.s32 @!p0 $0x1BF5;
	p2 =	por !p2, p0  }
0x20: {  	[sflag:s8] =	ssyncset.s32 @!p0 $0xFFFFF086;
	s6 =	sadd.s32 @!p0 s3, s7;
	s7 =	simm.s32 @!p0 $0x108  }
0x21: {  	s3 =	sadd.s32 s3, s9;
	s6 =	sadd.s32 @!p0 $0x88, s6;
	s7 =	simm.s32 @p2 $0x1082  }
0x22: {  	[simem:s7], [sflag:s8] =	dma.local @!p0 [hbm:s6], $0xF7A  }
0x23: {  	s9 =	sor.u32 $0xD0000000, s2;
	s6 =	simm.s32 $0x108;
	_ =	swait.ge @!p0 [sflag:s8], $0x0  }
0x24: {  	s3 =	sadd.s32 $0x88, s3;
	s6 =	simm.s32 @!p1 $0x1082;
	[sflag:s4] =	ssyncset.s32 $0xFFFFF086  }
0x25: {  	[simem:s6], [sflag:s4] =	dma.local [hbm:s3], $0xF7A  }
0x26: {  	[smem:$0x3F7E] =	sst s1;
	(tag) =	ssettag s2;
	_ =	strace s9  }
0x27: {  	s1 =	sld [smem:$0x3F8E]  }
0x28: {  	s2 =	sld [smem:$0x3F8F]  }
0x29: {  	s4 =	sld [smem:$0x3F91]  }
0x2a: {  	p0 =	seq.s32 s5, $0x0;
	s5 =	sld [smem:$0x3F92]  }
0x2b: {  	s6 =	sld [smem:$0x3F93]  }
0x2c: {  	s7 =	sld [smem:$0x3F94]  }
0x2d: {  	s3 =	simm.s32 $0x108;
	s8 =	sld [smem:$0x3F95]  }
0x2e: {  	s3 =	simm.s32 @!p0 $0x1082;
	s9 =	sld [smem:$0x3F96]  }
0x2f: {  	lr =	sadd.s32 s0, s3;
	s0 =	sld [smem:$0x3F8D]  }
0x30: {  	s3 =	sld [smem:$0x3F90]  }
0x31: {  	[smem:$0x3F99] =	sst s10  }
0x32: {  	s10 =	sld [smem:$0x3F97];
	_ =	sdelay $0x3  }
0x33: {  	p0 =	seq.s32 s10, $0x1;
	s10 =	sld [smem:$0x3F99];
	_ =	sdelay $0x3  }
0x34: {  	[smem:$0x3F99] =	sst s10  }
0x35: {  	s10 =	sld [smem:$0x3F98];
	_ =	sdelay $0x3  }
0x36: {  	p1 =	seq.s32 s10, $0x1;
	s10 =	sld [smem:$0x3F99];
	_ =	sdelay $0x3  }
0x37: {  	[smem:$0x3F99] =	sst s10  }
0x38: {  	s10 =	sld [smem:$0x3F9A]  }
0x39: {  	_ = 	snop;
	(pc) =	sbr.ind lr, $3  }
0x3a: {  	_ = 	snop  }
0x3b: {  	_ = 	snop  }
0x3c: {  	p2 =	seq.s32 s10, $0x1;
	s10 =	sld [smem:$0x3F99]  }
0x3d: {  	_ =	shalt  }
0x3e: {  	_ =	shalt  }
0x3f: {  	_ =	shalt  }
0x40: {  	_ =	shalt  }
0x41: {  	_ =	shalt  }
0x42: {  	_ =	shalt  }
0x43: {  	_ =	shalt  }
0x44: {  	_ =	shalt  }
0x45: {  	_ =	shalt  }
0x46: {  	_ =	shalt  }
0x47: {  	_ =	shalt  }
0x48: {  	_ =	shalt  }
0x49: {  	_ =	shalt  }
0x4a: {  	_ =	shalt  }
0x4b: {  	_ =	shalt  }
0x4c: {  	_ =	shalt  }
0x4d: {  	_ =	shalt  }
0x4e: {  	_ =	shalt  }
0x4f: {  	_ =	shalt  }
0x50: {  	_ =	shalt  }
0x51: {  	_ =	shalt  }
0x52: {  	_ =	shalt  }
0x53: {  	_ =	shalt  }
0x54: {  	_ =	shalt  }
0x55: {  	_ =	shalt  }
0x56: {  	_ =	shalt  }
0x57: {  	_ =	shalt  }
0x58: {  	_ =	shalt  }
0x59: {  	_ =	shalt  }
0x5a: {  	_ =	shalt  }
0x5b: {  	_ =	shalt  }
0x5c: {  	_ =	shalt  }
0x5d: {  	_ =	shalt  }
0x5e: {  	_ =	shalt  }
0x5f: {  	_ =	shalt  }
0x60: {  	_ =	shalt  }
0x61: {  	_ =	shalt  }
0x62: {  	_ =	shalt  }
0x63: {  	_ =	shalt  }
0x64: {  	_ =	shalt  }
0x65: {  	_ =	shalt  }
0x66: {  	_ =	shalt  }
0x67: {  	_ =	shalt  }
0x68: {  	_ =	shalt  }
0x69: {  	_ =	shalt  }
0x6a: {  	_ =	shalt  }
0x6b: {  	_ =	shalt  }
0x6c: {  	_ =	shalt  }
0x6d: {  	_ =	shalt  }
0x6e: {  	_ =	shalt  }
0x6f: {  	_ =	shalt  }
0x70: {  	_ =	shalt  }
0x71: {  	_ =	shalt  }
0x72: {  	_ =	shalt  }
0x73: {  	_ =	shalt  }
0x74: {  	_ =	shalt  }
0x75: {  	_ =	shalt  }
0x76: {  	_ =	shalt  }
0x77: {  	_ =	shalt  }
0x78: {  	_ =	shalt  }
0x79: {  	_ =	shalt  }
0x7a: {  	_ =	shalt  }
0x7b: {  	_ =	shalt  }
0x7c: {  	_ =	shalt  }
0x7d: {  	_ =	shalt  }
0x7e: {  	_ =	shalt  }
0x7f: {  	_ =	shalt  }
0x80: {  	_ =	shalt  }
0x81: {  	_ =	shalt  }
0x82: {  	_ =	shalt  }
0x83: {  	_ =	shalt  }
0x84: {  	_ =	shalt  }
0x85: {  	_ =	shalt  }
0x86: {  	_ =	shalt  }
0x87: {  	_ =	shalt  }
.Lfunc_end0:
.L_simem_size_0:
called_computation.3_lowered:
.L_overlay_start_0:
0x88: {  	s2 =	sld [smem:$0x3FD9]  }
0x89: {  	s3 =	sld [smem:$0x3FFE];
	_ =	sdelay $0x1  }
0x8a: {  	s1 =	srdreg.scid  }
0x8b: {  	s0 =	sand.u32 $0x1, s1  }
0x8c: {  	s16 =	sshll.u32 s0, $0xA;
	s2 =	sadd.s32 s3, s2  }
0x8d: {  	s2 =	sadd.s32 s2, s16  }
0x8e: {  	[smem:$0x3FA5] =	sst s2  }
0x8f: {  	_ = 	snop  }
0x90: {  	(tm) =	ssettm $0x1  }
0x91: {  	s17 =	sld [smem:$0x3FFB];
	_ =	sdelay $0x3  }
0x92: {  	_ =	strace s17  }
0x93: {  	s2 =	sld [smem:$0x3FFC];
	_ =	sdelay $0x3  }
0x94: {  	_ =	strace s2  }
0x95: {  	s2 =	sld [smem:$0x3FFD];
	_ =	sdelay $0x3  }
0x96: {  	_ =	strace s2  }
0x97: {  	_ =	strace $0x8FFFFFFF  }
0x98: {  	s18 =	sld [smem:$0x3FDB];
	_ =	sdelay $0x1  }
0x99: {  	s19 =	simm.s32 $_scs_section_size  }
0x9a: {  	s4 =	simm.s32 $_size__tile_overlayer_lowered;
	s5 =	simm.s32 $_tile_overlayer_lowered  }
0x9b: {  	s22 =	simm.s32 $0x1BFF;
	s21 =	sshll.u32 s5, $0x1;
	s2 =	sadd.s32 s19, s18  }
0x9c: {  	s6 =	simm.s32 $0x0;
	s20 =	sshll.u32 s4, $0x1;
	s4 =	sadd.s32 s21, s2  }
0x9d: {  	[timem:s6], [sflag:s22] =	dma.local [hbm:s4], s20  }
0x9e: {  	_ =	swait.ge [sflag:s22], s20  }
0x9f: {  	s3 =	ssub.s32 $0x0, s20;
	[sflag:s22] =	ssyncset.done $0x0  }
0xa0: {  	[sflag:s22] =	ssyncadd.s32 s3;
	_ =	sdelay $0x1  }
0xa1: {  	s23 =	simm.s32 $0x1B8B  }
0xa2: {  	_ =	swait.ge [sflag:s23], $0x1  }
0xa3: {  	[sflag:s23] =	ssyncset.done $0x0  }
0xa4: {  	s25 =	simm.s32 $0x1B8E;
	s24 =	sld [smem:$0x3FFE];
	[sflag:s23] =	ssyncadd.s32 $0xFFFFFFFF  }
0xa5: {  	s26 =	simm.s32 $execute0_lowered;
	[smem:$0x3FD2] =	sst s25  }
0xa6: {  	s4 =	sshll.u32 s26, $0x1;
	_ =	strace $0x80000046;
	[dreg:$0x1] =	wrdreg $0xFFFFFFFF  }
0xa7: {  	s28 =	simm.s32 $_size_execute0_lowered;
	s2 =	sadd.s32 s2, s4;
	[dreg:$0x0] =	wrdreg $0x0  }
0xa8: {  	s4 =	sshll.u32 s28, $0x1;
	[dreg:$0x2] =	wrdreg s2  }
0xa9: {  	[dreg:$0x3] =	wrdreg s4  }
0xaa: {  	[dreg:$0x4] =	wrdreg $0xC0  }
0xab: {  	_ =	task [dreg:s6], $0x5FFFF  }
0xac: {  	[dreg:$0x1] =	wrdreg $0xFFFFFFFF  }
0xad: {  	[dreg:$0x0] =	wrdreg $0x60  }
0xae: {  	[dreg:$0x2] =	wrdreg s24  }
0xaf: {  	[dreg:$0x3] =	wrdreg $0x9  }
0xb0: {  	_ =	task.clear_ibuf [dreg:s6], $0x4FFFF;
	_ =	strace $0x90000046  }
0xb1: {  	s29 =	simm.s32 $0x9;
	_ =	strace $0x80000048  }
0xb2: {  	_ =	swait.ge [sflag:s29], $0x1  }
0xb3: {  	[sflag:s29] =	ssyncadd.s32 $0xFFFFFFFF  }
0xb4: {  	_ =	strace $0x90000048  }
0xb5: {  	_ =	sfence  }
0xb6: {  	s30 =	sld [smem:$0x0];
	_ =	sdelay $0x2  }
0xb7: {  	s31 =	sshll.u32 s1, $0xD;
	s1 =	sshrl.u32 s1, $0x2  }
0xb8: {  	s3 =	sand.u32 $0x4000, s31;
	s1 =	sadd.s32 s1, s30  }
0xb9: {  	s0 =	sor.u32 s3, s0;
	s1 =	sshll.u32 s1, $0x11  }
0xba: {  	s0 =	sor.u32 s1, s0  }
0xbb: {  	s0 =	sadd.s32 $0x8F2B, s0  }
0xbc: {  	[sflag:s0] =	ssyncadd.remote.s32 $0x1  }
0xbd: {  	_ =	sfence.sel $0xFFFF  }
0xbe: {  	[dreg:$0x0] =	wrdreg $0xFFFFFFFF;
	(pc) =	sbr.abs _section_cstart, $3  }
0xbf: {  	[dreg:$0x1] =	wrdreg $0xFFFFFFFF  }
0xc0: {  	_ =	task.clear_ibuf [dreg:s6], $0x2FFFF;
	_ =	strace $0x9FFFFFFF  }
0xc1: {  	(tm) =	ssettm $0x7FFFFFFF  }
tec
execute0_lowered:
.L_overlay_start_1:
0x0: {  	(tag) =	ssettag $0x1  }
0x1: {  	s8 =	rddreg [dreg:$0x0]  }
0x2: {  	s0 =	rddreg [dreg:$0x1];
	_ =	strace $0x80000047;
	s1 =	stileid.u32  }
0x3: {  	s3 =	srdreg.scid;
	s4 =	simm.s32 $0x1;
	s7 =	simm.s32 $0x1  }
0x4: {  	s9 =	simm.s32 $0x1;
	s10 =	simm.s32 $0x3;
	s13 =	simm.s32 $0x0  }
0x5: {  	s12 =	simm.s32 $0x0;
	s5 =	sand.u32 $0x1, s3;
	s6 =	sshll.u32 s1, $0x1  }
0x6: {  	s2 =	sadd.s32 $0xEC00, s8;
	s3 =	sadd.s32 $0x3AE00, s8;
	s5 =	sor.u32 s6, s5  }
.Ltmp0:
0x7: {  	[sflag:s4] =	ssyncpa.u1 $0x0;
	p0 =	slt.u32 s5, $0x9;
	(pc) =	sbr.rel .LBB2_1-.Ltmp0, $4  }
0x8: {  	s6 =	simm.s32 $0x2;
	s7 =	simm.s32 @!p0 $0x0;
	p0 =	sne.s32 s5, $0x8  }
0x9: {  	[sflag:s6] =	ssyncpa.u1 $0x0;
	s5 =	smul.u32 $0xFA0, s5;
	s9 =	simm.s32 @!p0 $0x0  }
0xa: {  	s8 =	sadd.s32 $0x683A00, s8;
	[sflag:s10] =	ssyncpa.u1 $0x0;
	s7 =	sadd.s32 s9, s7  }
0xb: {  	vm0 =	vmmov $0xffff;
	s10 =	simm.s32 $0x0;
	s11 =	smov.u32 s5;
	s9 =	sadd.s32 $0x1, s7  }
.LBB2_4:
0xc: {  	v2 =	vnsel vm1, $0x0, v2  }
0xd: {  	vm1 =	vgt.s32 v0, $0x0;
	v2 =	vmin.u32 v2, $0x270FF  }
0xe: {  	v0 =	vnsel vm1, $0x0, v0  }
0xf: {  	v0 =	vmin.u32 v0, $0x270FF  }
0x10: {  	[tilespmem:s18], [sflag:$0x1] =	stream.indirect_vreg.gather [hbm4b:s2+s10], $0x1, v1, vm0, $0x4038;
	[tilespmem:$0x3E80] =	vst v63  }
0x11: {  	(ifvalue) =	ssetifvalue $0x7FFFFFFF  }
0x12: {  	[tilespmem:s15], [sflag:$0x1] =	stream.indirect_vreg.gather [hbm4b:s2+s10], $0x1, v2, vm0, $0x4038;
	[tilespmem:$0x3E80] =	vst v63  }
0x13: {  	s29 =	sadd.s32 $0x10, s15;
	(ifvalue) =	ssetifvalue $0x7FFFFFFF  }
0x14: {  	[tilespmem:s29], [sflag:$0x1] =	stream.indirect_vreg.gather [hbm4b:s2+s10], $0x1, v0, vm0, $0x4038;
	[tilespmem:$0x3E80] =	vst v63  }
0x15: {  	_ =	swait.ge [sflag:s4], $0xFA0  }
0x16: {  	s30 =	sshrl.u32 s13, $0x3;
	[sflag:s4] =	ssyncset.done $0x0  }
0x17: {  	s31 =	sand.u32 $0x7, s13;
	s15 =	sadd.s32 s8, s30;
	[sflag:s4] =	ssyncadd.s32 $0xFFFFF060  }
0x18: {  	[hbm4b:s15+s31] =	stream.linear.scatter [tilespmem:s14], [sflag:$0x3], $0xFA0, $0x38;
	[tilespmem:$0x3E80] =	vst v63  }
.LBB2_5:
0x19: {  	s15 =	sadd.s32 $0x1F400, s11  }
0x1a: {  	p1 =	sgt.s32 s15, $0x270FF  }
0x1b: {  	s15 =	smov.u32 @p1 s5;
	p1 =	sne.s32 s12, s9  }
.Ltmp1:
0x1c: {  	p0 =	slt.u32 s12, $0x2;
	(pc) =	sbr.rel @!p1 .LBB2_6-.Ltmp1, $4  }
0x1d: {  	s14 =	simm.s32 @!p0 $0x3  }
0x1e: {  	_ =	swait.ge @!p0 [sflag:s14], $0xFA0  }
0x1f: {  	s16 =	sadd.s32 $0x1, s12;
	s13 =	smov.u32 s11;
	[sflag:s14] =	ssyncset.done @!p0 $0x0  }
0x20: {  	s12 =	smov.u32 s16;
	s11 =	smov.u32 s15;
	[sflag:s14] =	ssyncadd.s32 @!p0 $0xFFFFF060  }
.LBB2_1:
0x21: {  	p0 =	sge.u32 s12, s7  }
0x22: {  	s14 =	sxor.u32 @!p0 $0x1, s12  }
0x23: {  	s14 =	smul.u32 @!p0 $0x3E80, s14  }
0x24: {  	s31 =	sadd.s32 $0xFFFFFFFF, s12;
	s15 =	sshrl.u32 @!p0 s11, $0x3  }
0x25: {  	s16 =	sand.u32 @!p0 $0x7, s11;
	s15 =	sadd.s32 @!p0 s3, s15;
	s14 =	sshra.s32 @!p0 s14, $0x2  }
0x26: {  	[tilespmem:s14], [sflag:$0x2] =	stream.linear.gather @!p0 [hbm4b:s15+s16], $0xFA0, $0x38;
	[tilespmem:$0x3E80] =	vst v63  }
0x27: {  	p0 =	sge.u32 s31, s7  }
.Ltmp2:
0x28: {  	_ = 	snop;
	(pc) =	sbr.rel @p0 .LBB2_5-.Ltmp2, $1  }
0x29: {  	_ =	sdelay $0x3  }
0x2a: {  	s14 =	sand.u32 $0x1, s12  }
0x2b: {  	_ =	swait.ge [sflag:s6], $0xFA0;
	p0 =	seq.s32 s14, $0x1;
	s14 =	simm.s32 $0xFA0  }
0x2c: {  	[sflag:s6] =	ssyncset.done $0x0;
	s14 =	simm.s32 @!p0 $0x0  }
0x2d: {  	[sflag:s6] =	ssyncadd.s32 $0xFFFFF060;
	(ifvalue) =	ssetifvalue $0x7FFFFFFF;
	v0 =	vld.msk [tilespmem:s14+$0x0 ss:$0x1], $0xffff;
	_ =	sdelay $0x4  }
0x2e: {  	s15 =	sadd.s32 $0x10, s14;
	vm1 =	vgt.s32 v0, $0x0  }
0x2f: {  	v2 =	vld.msk [tilespmem:s15+$0x0 ss:$0x1], $0xffff;
	v1 =	vnsel vm1, $0x0, v0  }
0x30: {  	v1 =	vmin.u32 v1, $0x270FF;
	_ =	sdelay $0x2  }
0x31: {  	s17 =	simm.s32 $0x20;
	s14 =	sadd.s32 $0x1F40, s14;
	s16 =	sadd.s32 $0x10, s15  }
0x32: {  	s15 =	sadd.s32 $0x10, s14;
	s18 =	smov.u32 s14;
	v0 =	vld.msk [tilespmem:s16+$0x0 ss:$0x1], $0xffff;
	vm1 =	vgt.s32 v2, $0x0;
	(ifvalue) =	ssetifvalue $0x7FFFFFFF  }
.LBB2_3:
0x33: {  	[tilespmem:s18], [sflag:$0x1] =	stream.indirect_vreg.gather [hbm4b:s2+s10], $0x1, v1, vm0, $0x4038;
	[tilespmem:$0x3E80] =	vst v63  }
0x34: {  	s17 =	sadd.s32 $0x10, s17  }
0x35: {  	v2 =	vnsel vm1, $0x0, v2;
	p0 =	slt.u32 s17, $0xF90  }
.Ltmp3:
0x36: {  	s18 =	smov.u32 s15;
	v1 =	vmin.u32 v2, $0x270FF;
	(pc) =	sbr.rel @p0 .LBB2_3-.Ltmp3, $3  }
0x37: {  	_ =	sdelay $0x1  }
0x38: {  	s16 =	sadd.s32 $0x10, s16  }
0x39: {  	vm1 =	vgt.s32 v0, $0x0;
	s15 =	sadd.s32 $0x10, s15;
	v2 =	vmov v0;
	(ifvalue) =	ssetifvalue $0x7FFFFFFF;
	v0 =	vld.msk [tilespmem:s16+$0x0 ss:$0x1], $0xffff  }
.Ltmp4:
0x3a: {  	_ = 	snop;
	(pc) =	sbr.rel .LBB2_4-.Ltmp4, $1  }
0x3b: {  	_ =	sdelay $0x3  }
.LBB2_6:
0x3c: {  	_ =	sfence.sel $0x180000  }
0x3d: {  	s2 =	simm.s32 $0x2;
	[bflag:$0x0] =	sbarrier.arrive $0xFFFF  }
0x3e: {  	s30 =	simm.s32 $0x3;
	[sflag:s2] =	ssyncpa.u1 $0x1  }
0x3f: {  	s31 =	simm.s32 $0x1;
	[sflag:s30] =	ssyncpa.u1 $0x1  }
0x40: {  	[sflag:s31] =	ssyncpa.u1 $0x1  }
0x41: {  	p0 =	sne.s32 s1, $0x0;
	_ =	strace $0x90000047  }
0x42: {  	s0 =	sadd.s32 @!p0 $0x100000, s0;
	[bflag:$0x2] =	sbarrier.arrive $0xFFFF  }
0x43: {  	[sflag:s0] =	ssyncadd.tile.s32 @!p0 $0x1;
	_ =	shalt  }
.Lfunc_end2:
_tile_overlayer_lowered:
.L_overlay_start_2:
0x44: {  	(tag) =	ssettag $0x2  }
0x45: {  	s0 =	rddreg [dreg:$0x0];
	s2 =	stileid.u32  }
0x46: {  	s1 =	rddreg [dreg:$0x1];
	p0 =	sne.s32 s2, $0x0  }
0x47: {  	s3 =	rddreg [dreg:$0x2];
	[bflag:$0x3] =	sbarrier.arrive $0xFFFF;
	s2 =	simm.s32 @!p0 $0x1C01  }
0x48: {  	[timem:s3], [sflag:s2] =	dma.local @!p0 [hbm:s0], s1  }
0x49: {  	s0 =	simm.s32 @!p0 $0x1  }
0x4a: {  	_ =	swait.ge @!p0 [sflag:s0], s1  }
0x4b: {  	s1 =	ssub.s32 @!p0 $0x0, s1;
	[sflag:s0] =	ssyncset.done @!p0 $0x0  }
0x4c: {  	[sflag:s0] =	ssyncadd.s32 @!p0 s1  }
0x4d: {  	[bflag:$0x3] =	sbarrier.arrive $0xFFFF  }
0x4e: {  	_ =	shalt  }

// kernel: gather_offload_async_start.2
scs
__scs_entry_jumppad:
0x0: {  	(pc) =	sbr.rel $0x88, $3  }
0x1: {  	(tag) =	ssettag $0x0;
	lr =	simm.s32 $0x1  }
0x2: {  	[smem:$0x3F7E] =	sst lr;
	_ =	strace $0xD0000000  }
0x3: {  	_ = 	snop  }
0x4: {  	_ = 	snop  }
0x5: {  	_ = 	snop  }
0x6: {  	_ = 	snop  }
0x7: {  	_ = 	snop  }
__scs_overlays_trampoline_lowered:
0x8: {  	[smem:$0x3F8D] =	sst s0  }
0x9: {  	[smem:$0x3F8E] =	sst s1  }
0xa: {  	[smem:$0x3F8F] =	sst s2  }
0xb: {  	[smem:$0x3F90] =	sst s3  }
0xc: {  	[smem:$0x3F91] =	sst s4  }
0xd: {  	[smem:$0x3F92] =	sst s5  }
0xe: {  	[smem:$0x3F93] =	sst s6  }
0xf: {  	[smem:$0x3F94] =	sst s7  }
0x10: {  	[smem:$0x3F95] =	sst s8  }
0x11: {  	[smem:$0x3F96] =	sst s9;
	s0 =	simm.s32 @!p0 $0x0  }
0x12: {  	s1 =	sld [smem:$0x3F7C];
	s0 =	simm.s32 @p0 $0x1  }
0x13: {  	[smem:$0x3F97] =	sst s0;
	s0 =	simm.s32 @!p1 $0x0  }
0x14: {  	s2 =	sld [smem:$0x3F7B];
	s0 =	simm.s32 @p1 $0x1  }
0x15: {  	[smem:$0x3F98] =	sst s0;
	s0 =	simm.s32 @!p2 $0x0  }
0x16: {  	s3 =	sld [smem:$0x3FDB];
	s0 =	simm.s32 @p2 $0x1  }
0x17: {  	s4 =	simm.s32 $0x1BF5;
	[smem:$0x3F9A] =	sst s0  }
0x18: {  	s0 =	sld [smem:$0x3F7D];
	_ =	swait.ge [sflag:s4], $0x0  }
0x19: {  	s7 =	sld [smem:$0x3F7E]  }
0x1a: {  	s8 =	sadd.s32 $0xFFFFE003, lr  }
0x1b: {  	s9 =	sadd.s32 $0xFFFFFEF7, lr;
	s5 =	simm.s32 $0xFFFFFFFF;
	p2 =	slt.u32 s8, $0xFFFFF086  }
0x1c: {  	p1 =	slt.u32 s9, $0xF7A;
	s5 =	simm.s32 @!p2 $0x0  }
0x1d: {  	s5 =	simm.s32 @p1 $0x1;
	p0 =	seq.s32 s7, s2  }
0x1e: {  	s7 =	smul.u32 @!p0 $0xF7A, s2;
	p2 =	seq.s32 @!p0 s5, $0x0  }
0x1f: {  	s9 =	smul.u32 $0xF7A, s1;
	s8 =	simm.s32 @!p0 $0x1BF5;
	p2 =	por !p2, p0  }
0x20: {  	[sflag:s8] =	ssyncset.s32 @!p0 $0xFFFFF086;
	s6 =	sadd.s32 @!p0 s3, s7;
	s7 =	simm.s32 @!p0 $0x108  }
0x21: {  	s3 =	sadd.s32 s3, s9;
	s6 =	sadd.s32 @!p0 $0x88, s6;
	s7 =	simm.s32 @p2 $0x1082  }
0x22: {  	[simem:s7], [sflag:s8] =	dma.local @!p0 [hbm:s6], $0xF7A  }
0x23: {  	s9 =	sor.u32 $0xD0000000, s2;
	s6 =	simm.s32 $0x108;
	_ =	swait.ge @!p0 [sflag:s8], $0x0  }
0x24: {  	s3 =	sadd.s32 $0x88, s3;
	s6 =	simm.s32 @!p1 $0x1082;
	[sflag:s4] =	ssyncset.s32 $0xFFFFF086  }
0x25: {  	[simem:s6], [sflag:s4] =	dma.local [hbm:s3], $0xF7A  }
0x26: {  	[smem:$0x3F7E] =	sst s1;
	(tag) =	ssettag s2;
	_ =	strace s9  }
0x27: {  	s1 =	sld [smem:$0x3F8E]  }
0x28: {  	s2 =	sld [smem:$0x3F8F]  }
0x29: {  	s4 =	sld [smem:$0x3F91]  }
0x2a: {  	p0 =	seq.s32 s5, $0x0;
	s5 =	sld [smem:$0x3F92]  }
0x2b: {  	s6 =	sld [smem:$0x3F93]  }
0x2c: {  	s7 =	sld [smem:$0x3F94]  }
0x2d: {  	s3 =	simm.s32 $0x108;
	s8 =	sld [smem:$0x3F95]  }
0x2e: {  	s3 =	simm.s32 @!p0 $0x1082;
	s9 =	sld [smem:$0x3F96]  }
0x2f: {  	lr =	sadd.s32 s0, s3;
	s0 =	sld [smem:$0x3F8D]  }
0x30: {  	s3 =	sld [smem:$0x3F90]  }
0x31: {  	[smem:$0x3F99] =	sst s10  }
0x32: {  	s10 =	sld [smem:$0x3F97];
	_ =	sdelay $0x3  }
0x33: {  	p0 =	seq.s32 s10, $0x1;
	s10 =	sld [smem:$0x3F99];
	_ =	sdelay $0x3  }
0x34: {  	[smem:$0x3F99] =	sst s10  }
0x35: {  	s10 =	sld [smem:$0x3F98];
	_ =	sdelay $0x3  }
0x36: {  	p1 =	seq.s32 s10, $0x1;
	s10 =	sld [smem:$0x3F99];
	_ =	sdelay $0x3  }
0x37: {  	[smem:$0x3F99] =	sst s10  }
0x38: {  	s10 =	sld [smem:$0x3F9A]  }
0x39: {  	_ = 	snop;
	(pc) =	sbr.ind lr, $3  }
0x3a: {  	_ = 	snop  }
0x3b: {  	_ = 	snop  }
0x3c: {  	p2 =	seq.s32 s10, $0x1;
	s10 =	sld [smem:$0x3F99]  }
0x3d: {  	_ =	shalt  }
0x3e: {  	_ =	shalt  }
0x3f: {  	_ =	shalt  }
0x40: {  	_ =	shalt  }
0x41: {  	_ =	shalt  }
0x42: {  	_ =	shalt  }
0x43: {  	_ =	shalt  }
0x44: {  	_ =	shalt  }
0x45: {  	_ =	shalt  }
0x46: {  	_ =	shalt  }
0x47: {  	_ =	shalt  }
0x48: {  	_ =	shalt  }
0x49: {  	_ =	shalt  }
0x4a: {  	_ =	shalt  }
0x4b: {  	_ =	shalt  }
0x4c: {  	_ =	shalt  }
0x4d: {  	_ =	shalt  }
0x4e: {  	_ =	shalt  }
0x4f: {  	_ =	shalt  }
0x50: {  	_ =	shalt  }
0x51: {  	_ =	shalt  }
0x52: {  	_ =	shalt  }
0x53: {  	_ =	shalt  }
0x54: {  	_ =	shalt  }
0x55: {  	_ =	shalt  }
0x56: {  	_ =	shalt  }
0x57: {  	_ =	shalt  }
0x58: {  	_ =	shalt  }
0x59: {  	_ =	shalt  }
0x5a: {  	_ =	shalt  }
0x5b: {  	_ =	shalt  }
0x5c: {  	_ =	shalt  }
0x5d: {  	_ =	shalt  }
0x5e: {  	_ =	shalt  }
0x5f: {  	_ =	shalt  }
0x60: {  	_ =	shalt  }
0x61: {  	_ =	shalt  }
0x62: {  	_ =	shalt  }
0x63: {  	_ =	shalt  }
0x64: {  	_ =	shalt  }
0x65: {  	_ =	shalt  }
0x66: {  	_ =	shalt  }
0x67: {  	_ =	shalt  }
0x68: {  	_ =	shalt  }
0x69: {  	_ =	shalt  }
0x6a: {  	_ =	shalt  }
0x6b: {  	_ =	shalt  }
0x6c: {  	_ =	shalt  }
0x6d: {  	_ =	shalt  }
0x6e: {  	_ =	shalt  }
0x6f: {  	_ =	shalt  }
0x70: {  	_ =	shalt  }
0x71: {  	_ =	shalt  }
0x72: {  	_ =	shalt  }
0x73: {  	_ =	shalt  }
0x74: {  	_ =	shalt  }
0x75: {  	_ =	shalt  }
0x76: {  	_ =	shalt  }
0x77: {  	_ =	shalt  }
0x78: {  	_ =	shalt  }
0x79: {  	_ =	shalt  }
0x7a: {  	_ =	shalt  }
0x7b: {  	_ =	shalt  }
0x7c: {  	_ =	shalt  }
0x7d: {  	_ =	shalt  }
0x7e: {  	_ =	shalt  }
0x7f: {  	_ =	shalt  }
0x80: {  	_ =	shalt  }
0x81: {  	_ =	shalt  }
0x82: {  	_ =	shalt  }
0x83: {  	_ =	shalt  }
0x84: {  	_ =	shalt  }
0x85: {  	_ =	shalt  }
0x86: {  	_ =	shalt  }
0x87: {  	_ =	shalt  }
.Lfunc_end0:
.L_simem_size_0:
called_computation.4_lowered:
.L_overlay_start_0:
0x88: {  	s2 =	sld [smem:$0x3FD9]  }
0x89: {  	s3 =	sld [smem:$0x3FFE];
	_ =	sdelay $0x1  }
0x8a: {  	s1 =	srdreg.scid  }
0x8b: {  	s0 =	sand.u32 $0x1, s1  }
0x8c: {  	s17 =	sshll.u32 s0, $0xA;
	s2 =	sadd.s32 s3, s2  }
0x8d: {  	s2 =	sadd.s32 s2, s17  }
0x8e: {  	[smem:$0x3FA5] =	sst s2  }
0x8f: {  	_ = 	snop  }
0x90: {  	(tm) =	ssettm $0x1  }
0x91: {  	s18 =	sld [smem:$0x3FFB];
	_ =	sdelay $0x3  }
0x92: {  	_ =	strace s18  }
0x93: {  	s2 =	sld [smem:$0x3FFC];
	_ =	sdelay $0x3  }
0x94: {  	_ =	strace s2  }
0x95: {  	s2 =	sld [smem:$0x3FFD];
	_ =	sdelay $0x3  }
0x96: {  	_ =	strace s2  }
0x97: {  	_ =	strace $0x8FFFFFFF  }
0x98: {  	s19 =	sld [smem:$0x3FDB];
	_ =	sdelay $0x1  }
0x99: {  	s20 =	simm.s32 $_scs_section_size  }
0x9a: {  	s4 =	simm.s32 $_size__tile_overlayer_lowered;
	s5 =	simm.s32 $_tile_overlayer_lowered  }
0x9b: {  	s6 =	simm.s32 $0x1BFF;
	s21 =	sshll.u32 s5, $0x1;
	s3 =	sadd.s32 s20, s19  }
0x9c: {  	s22 =	simm.s32 $0x0;
	s4 =	sshll.u32 s4, $0x1;
	s5 =	sadd.s32 s21, s3  }
0x9d: {  	[timem:s22], [sflag:s6] =	dma.local [hbm:s5], s4  }
0x9e: {  	_ =	swait.ge [sflag:s6], s4  }
0x9f: {  	s4 =	ssub.s32 $0x0, s4;
	[sflag:s6] =	ssyncset.done $0x0  }
0xa0: {  	[sflag:s6] =	ssyncadd.s32 s4;
	_ =	sdelay $0x1  }
0xa1: {  	s23 =	simm.s32 $0x1B8B  }
0xa2: {  	_ =	swait.ge [sflag:s23], $0x1  }
0xa3: {  	[sflag:s23] =	ssyncset.done $0x0  }
0xa4: {  	[sflag:s23] =	ssyncadd.s32 $0xFFFFFFFF  }
0xa5: {  	s4 =	sld [smem:$0x0]  }
0xa6: {  	s5 =	sand.u32 $0xFFFFFFFE, s1  }
0xa7: {  	p0 =	sne.s32 s1, s5  }
0xa8: {  	s5 =	sshll.u32 @p0 s5, $0xE  }
0xa9: {  	s5 =	sadd.s32 @p0 $0x11B8D, s5;
	s6 =	sshll.u32 @p0 s4, $0x11  }
0xaa: {  	s5 =	sor.u32 @p0 s6, s5  }
0xab: {  	[sflag:s5] =	ssyncadd.remote.s32 @p0 $0x1;
	_ =	sdelay $0x1  }
0xac: {  	s5 =	simm.s32 @p0 $0x1B8D  }
0xad: {  	_ =	swait.eq @p0 [sflag:s5], $0x1  }
0xae: {  	[sflag:s5] =	ssyncadd.s32 @p0 $0xFFFFFFFF  }
0xaf: {  	s6 =	sshll.u32 @!p0 s1, $0xE  }
0xb0: {  	s6 =	sor.u32 @!p0 $0x4000, s6;
	s5 =	simm.s32 @!p0 $0x1B8D  }
0xb1: {  	s4 =	sshll.u32 @!p0 s4, $0x11;
	s6 =	sadd.s32 @!p0 $0x11B8D, s6;
	_ =	swait.eq @!p0 [sflag:s5], $0x1  }
0xb2: {  	s4 =	sor.u32 @!p0 s4, s6;
	[sflag:s5] =	ssyncadd.s32 @!p0 $0xFFFFFFFF  }
0xb3: {  	s25 =	simm.s32 $0x1B8E;
	s24 =	sld [smem:$0x3FFE];
	[sflag:s4] =	ssyncadd.remote.s32 @!p0 $0x1  }
0xb4: {  	s26 =	simm.s32 $execute0_lowered;
	[smem:$0x3FD2] =	sst s25  }
0xb5: {  	s5 =	sshll.u32 s26, $0x1;
	_ =	strace $0x80000055;
	[dreg:$0x1] =	wrdreg $0xFFFFFFFF  }
0xb6: {  	s28 =	simm.s32 $_size_execute0_lowered;
	s3 =	sadd.s32 s3, s5;
	[dreg:$0x0] =	wrdreg $0x0  }
0xb7: {  	s5 =	sshll.u32 s28, $0x1;
	[dreg:$0x2] =	wrdreg s3  }
0xb8: {  	[dreg:$0x3] =	wrdreg s5  }
0xb9: {  	[dreg:$0x4] =	wrdreg $0xC0  }
0xba: {  	_ =	task [dreg:s22], $0x5FFFF  }
0xbb: {  	[dreg:$0x1] =	wrdreg $0xFFFFFFFF  }
0xbc: {  	[dreg:$0x0] =	wrdreg $0x60  }
0xbd: {  	[dreg:$0x2] =	wrdreg s24  }
0xbe: {  	[dreg:$0x3] =	wrdreg $0x9  }
0xbf: {  	_ =	task.clear_ibuf [dreg:s22], $0x4FFFF;
	_ =	strace $0x90000055  }
0xc0: {  	s29 =	simm.s32 $0x9;
	_ =	strace $0x80000057  }
0xc1: {  	_ =	swait.ge [sflag:s29], $0x1  }
0xc2: {  	[sflag:s29] =	ssyncadd.s32 $0xFFFFFFFF  }
0xc3: {  	_ =	strace $0x90000057  }
0xc4: {  	_ =	sfence  }
0xc5: {  	s30 =	sld [smem:$0x0];
	_ =	sdelay $0x2  }
0xc6: {  	s31 =	sshll.u32 s1, $0xD;
	s1 =	sshrl.u32 s1, $0x2  }
0xc7: {  	s4 =	sand.u32 $0x4000, s31;
	s1 =	sadd.s32 s1, s30  }
0xc8: {  	s0 =	sor.u32 s4, s0;
	s1 =	sshll.u32 s1, $0x11  }
0xc9: {  	s0 =	sor.u32 s1, s0  }
0xca: {  	s0 =	sadd.s32 $0x8F2B, s0  }
0xcb: {  	[sflag:s0] =	ssyncadd.remote.s32 $0x1  }
0xcc: {  	_ =	sfence.sel $0xFFFF  }
0xcd: {  	[dreg:$0x0] =	wrdreg $0xFFFFFFFF;
	(pc) =	sbr.abs _section_cstart, $3  }
0xce: {  	[dreg:$0x1] =	wrdreg $0xFFFFFFFF  }
0xcf: {  	_ =	task.clear_ibuf [dreg:s22], $0x2FFFF;
	_ =	strace $0x9FFFFFFF  }
0xd0: {  	(tm) =	ssettm $0x7FFFFFFF  }
0xd1: {  	_ =	shalt  }
tec
execute0_lowered:
.L_overlay_start_1:
0x0: {  	(tag) =	ssettag $0x1  }
0x1: {  	s0 =	srdreg.scid  }
0x2: {  	s1 =	sshll.u32 s0, $0x4  }
0x3: {  	s0 =	stileid.u32;
	s1 =	sand.u32 $0x10, s1  }
0x4: {  	s1 =	sor.u32 s0, s1  }
0x5: {  	s2 =	smul.u32 $0xF, s1  }
0x6: {  	s3 =	smin.u32 s1, $0x14  }
0x7: {  	s2 =	sadd.s32 s3, s2  }
0x8: {  	p0 =	slt.u32 s1, $0x14;
	s1 =	simm.s32 $0x1400;
	s2 =	smul.u32 $0x140, s2  }
0x9: {  	s1 =	simm.s32 @!p0 $0x12C0  }
0xa: {  	s1 =	sadd.s32 s1, s2  }
0xb: {  	s3 =	smin.u32 s1, $0x27100  }
0xc: {  	s7 =	ssub.s32 s3, s2  }
0xd: {  	p0 =	sgt.s32 s7, $0x0  }
0xe: {  	s7 =	simm.s32 @!p0 $0x0  }
0xf: {  	s4 =	smulhi.u32 $0x66666667, s7  }
0x10: {  	s9 =	rddreg [dreg:$0x0];
	s6 =	simm.s32 $0x1;
	s11 =	simm.s32 $0x3  }
0x11: {  	s13 =	simm.s32 $0x0;
	s12 =	simm.s32 $0x0;
	s8 =	sshrl.u32 s4, $0x7  }
0x12: {  	s1 =	rddreg [dreg:$0x1];
	_ =	strace $0x80000056;
	s10 =	smul.u32 $0x140, s8  }
.Ltmp0:
0x13: {  	s5 =	sadd.s32 $0x3AE00, s9;
	[sflag:s6] =	ssyncpa.u1 $0x0;
	(pc) =	sbr.rel .LBB2_1-.Ltmp0, $4  }
0x14: {  	s4 =	sadd.s32 $0x1E08600, s9;
	p0 =	sne.s32 s7, s10;
	s10 =	simm.s32 $0x1  }
0x15: {  	s9 =	sadd.s32 $0x6AFC00, s9;
	s7 =	simm.s32 $0x2;
	s10 =	simm.s32 @!p0 $0x0  }
0x16: {  	[sflag:s7] =	ssyncpa.u1 $0x0;
	p0 =	por $0x0, $0x0;
	s8 =	sadd.s32 s10, s8  }
0x17: {  	vm0 =	vmmov $0xff;
	vm1 =	vcmask $0x3F20;
	[sflag:s11] =	ssyncpa.u1 $0x0;
	s11 =	smov.u32 s2;
	s10 =	sadd.s32 $0x1, s8  }
.LBB2_6:
0x18: {  	[hbm:s17] =	stream.linear.scatter [tilespmem:s14], [sflag:$0x3], $0x400, $0x38;
	[tilespmem:$0x14280] =	vst v63  }
.LBB2_7:
0x19: {  	s13 =	sadd.s32 $0x140, s11  }
0x1a: {  	s15 =	smov.u32 s2;
	p2 =	slt.s32 s13, s3  }
0x1b: {  	s15 =	smov.u32 @p2 s13;
	p2 =	sne.s32 s12, s10  }
.Ltmp1:
0x1c: {  	p1 =	slt.u32 s12, $0x2;
	(pc) =	sbr.rel @!p2 .LBB2_8-.Ltmp1, $4  }
0x1d: {  	s14 =	simm.s32 @!p1 $0x3  }
0x1e: {  	s16 =	sadd.s32 $0x1, s12;
	_ =	swait.ge @!p1 [sflag:s14], $0xA000  }
0x1f: {  	p0 =	por !p0, !p0;
	s13 =	smov.u32 s11;
	[sflag:s14] =	ssyncset.done @!p1 $0x0  }
0x20: {  	s12 =	smov.u32 s16;
	s11 =	smov.u32 s15;
	[sflag:s14] =	ssyncadd.s32 @!p1 $0xFFFF6000  }
.LBB2_1:
0x21: {  	p1 =	sge.u32 s12, s8  }
0x22: {  	s14 =	sxor.u32 @!p1 $0xFFFFFFFF, s12  }
0x23: {  	s14 =	sand.u32 @!p1 $0x1, s14  }
0x24: {  	s14 =	smul.u32 @!p1 $0x500, s14  }
0x25: {  	s31 =	sadd.s32 $0xFFFFFFFF, s12;
	s15 =	sshrl.u32 @!p1 s11, $0x3  }
0x26: {  	s16 =	sand.u32 @!p1 $0x7, s11;
	s15 =	sadd.s32 @!p1 s5, s15;
	s14 =	sshrl.u32 @!p1 s14, $0x2  }
0x27: {  	[tilespmem:s14], [sflag:$0x2] =	stream.linear.gather @!p1 [hbm4b:s15+s16], $0x140, $0x38;
	[tilespmem:$0x14280] =	vst v63  }
0x28: {  	p1 =	sge.u32 s31, s8  }
.Ltmp2:
0x29: {  	_ = 	snop;
	(pc) =	sbr.rel @p1 .LBB2_7-.Ltmp2, $1  }
0x2a: {  	_ =	sdelay $0x3  }
0x2b: {  	s14 =	simm.s32 $0x1  }
0x2c: {  	s14 =	simm.s32 @!p0 $0x0  }
0x2d: {  	s15 =	smul.u32 $0x500, s14  }
0x2e: {  	_ =	swait.ge [sflag:s7], $0x140  }
0x2f: {  	[sflag:s7] =	ssyncset.done $0x0;
	s16 =	sshrl.u32 s15, $0x2  }
0x30: {  	[sflag:s7] =	ssyncadd.s32 $0xFFFFFEC0;
	s15 =	sadd.s32 $0x0, s16  }
0x31: {  	v0 =	vld.msk [tilespmem:s15+$0x0 ss:$0x1], $0xffff;
	_ =	sdelay $0x4  }
0x32: {  	vm2 =	vgt.s32 v0, $0x0  }
0x33: {  	v0 =	vnsel vm2, $0x0, v0  }
0x34: {  	v0 =	vmin.u32 v0, $0x270FF  }
0x35: {  	v0 =	vshll.u32 v0, $0x4  }
0x36: {  	s14 =	smul.u32 $0x28000, s14;
	_ =	sdelay $0x1  }
0x37: {  	s14 =	sshrl.u32 s14, $0x2  }
0x38: {  	s14 =	sor.u32 $0x280, s14  }
0x39: {  	[tilespmem:s14], [sflag:$0x1] =	stream.indirect_vreg.gather [hbm:s4], $0x80, v0, vm0, $0x38;
	[tilespmem:$0x14280] =	vst v63  }
0x3a: {  	s17 =	sadd.s32 $0x10, s16;
	s15 =	sadd.s32 $0x400, s14  }
0x3b: {  	[tilespmem:s15], [sflag:$0x1] =	stream.indirect_vreg.gather [hbm:s4], $0x80, v0, vm1, $0x38;
	[tilespmem:$0x14280] =	vst v63  }
0x3c: {  	s18 =	simm.s32 $0x80;
	v0 =	vld.msk [tilespmem:s17+$0x0 ss:$0x1], $0xffff;
	s17 =	smov.u32 s14  }
.LBB2_3:
0x3d: {  	p1 =	sne.s32 s18, $0x4C0;
	_ =	sdelay $0x4  }
0x3e: {  	vm2 =	vgt.s32 v0, $0x0  }
0x3f: {  	v0 =	vnsel vm2, $0x0, v0  }
0x40: {  	v0 =	vmin.u32 v0, $0x270FF  }
0x41: {  	v0 =	vshll.u32 v0, $0x4;
	_ =	sdelay $0x3  }
.Ltmp3:
0x42: {  	s19 =	sshra.s32 s18, $0x2;
	s17 =	sadd.s32 $0x800, s17;
	(pc) =	sbr.rel @p1 .LBB2_3-.Ltmp3, $4  }
0x43: {  	[tilespmem:s17], [sflag:$0x1] =	stream.indirect_vreg.gather [hbm:s4], $0x80, v0, vm0, $0x38;
	[tilespmem:$0x14280] =	vst v63  }
0x44: {  	s19 =	sadd.s32 s19, s16;
	s20 =	sadd.s32 $0x400, s17  }
0x45: {  	[tilespmem:s20], [sflag:$0x1] =	stream.indirect_vreg.gather [hbm:s4], $0x80, v0, vm1, $0x38;
	[tilespmem:$0x14280] =	vst v63  }
0x46: {  	s18 =	sadd.s32 $0x40, s18;
	v0 =	vld.msk [tilespmem:s19+$0x0 ss:$0x1], $0xffff  }
0x47: {  	_ =	sdelay $0x3  }
0x48: {  	vm2 =	vgt.s32 v0, $0x0  }
0x49: {  	v0 =	vnsel vm2, $0x0, v0  }
0x4a: {  	v0 =	vmin.u32 v0, $0x270FF  }
0x4b: {  	v0 =	vshll.u32 v0, $0x4;
	_ =	sdelay $0x3  }
0x4c: {  	s16 =	sadd.s32 $0x800, s17  }
0x4d: {  	[tilespmem:s16], [sflag:$0x1] =	stream.indirect_vreg.gather [hbm:s4], $0x80, v0, vm0, $0x38;
	[tilespmem:$0x14280] =	vst v63  }
0x4e: {  	s16 =	sadd.s32 $0x400, s16  }
0x4f: {  	[tilespmem:s16], [sflag:$0x1] =	stream.indirect_vreg.gather [hbm:s4], $0x80, v0, vm1, $0x38;
	[tilespmem:$0x14280] =	vst v63  }
0x50: {  	s13 =	sshll.u32 s13, $0x4;
	_ =	swait.ge [sflag:s6], $0xA000  }
0x51: {  	s13 =	sadd.s32 s13, s9;
	[sflag:s6] =	ssyncset.done $0x0  }
0x52: {  	s17 =	sadd.s32 $0x0, s13;
	s16 =	simm.s32 $0x80;
	[sflag:s6] =	ssyncadd.s32 $0xFFFF6000  }
.LBB2_5:
0x53: {  	[hbm:s17] =	stream.linear.scatter [tilespmem:s14], [sflag:$0x3], $0x400, $0x38;
	[tilespmem:$0x14280] =	vst v63  }
0x54: {  	s17 =	smov.u32 s16;
	s14 =	smov.u32 s15;
	p1 =	sne.s32 s16, $0x1380  }
.Ltmp4:
0x55: {  	s16 =	sadd.s32 $0x80, s16;
	(pc) =	sbr.rel @p1 .LBB2_5-.Ltmp4, $2  }
0x56: {  	_ =	sdelay $0x2  }
0x57: {  	s15 =	sadd.s32 $0x400, s15;
	s17 =	sadd.s32 s17, s13  }
.Ltmp5:
0x58: {  	_ = 	snop;
	(pc) =	sbr.rel .LBB2_6-.Ltmp5, $1  }
0x59: {  	_ =	sdelay $0x3  }
.LBB2_8:
0x5a: {  	_ =	sfence.sel $0x180000  }
0x5b: {  	s2 =	simm.s32 $0x2;
	[bflag:$0x0] =	sbarrier.arrive $0xFFFF  }
0x5c: {  	s30 =	simm.s32 $0x3;
	[sflag:s2] =	ssyncpa.u1 $0x1  }
0x5d: {  	s31 =	simm.s32 $0x1;
	[sflag:s30] =	ssyncpa.u1 $0x1  }
0x5e: {  	[sflag:s31] =	ssyncpa.u1 $0x1  }
0x5f: {  	p0 =	sne.s32 s0, $0x0;
	_ =	strace $0x90000056  }
0x60: {  	s0 =	sadd.s32 @!p0 $0x100000, s1;
	[bflag:$0x2] =	sbarrier.arrive $0xFFFF  }
0x61: {  	[sflag:s0] =	ssyncadd.tile.s32 @!p0 $0x1;
	_ =	shalt  }
.Lfunc_end2:
_tile_overlayer_lowered:
.L_overlay_start_2:
0x62: {  	(tag) =	ssettag $0x2  }
0x63: {  	s0 =	rddreg [dreg:$0x0];
	s2 =	stileid.u32  }
0x64: {  	s1 =	rddreg [dreg:$0x1];
	p0 =	sne.s32 s2, $0x0  }
0x65: {  	s3 =	rddreg [dreg:$0x2];
	[bflag:$0x3] =	sbarrier.arrive $0xFFFF;
	s2 =	simm.s32 @!p0 $0x1C01  }
0x66: {  	[timem:s3], [sflag:s2] =	dma.local @!p0 [hbm:s0], s1  }
0x67: {  	s0 =	simm.s32 @!p0 $0x1  }
0x68: {  	_ =	swait.ge @!p0 [sflag:s0], s1  }
0x69: {  	s1 =	ssub.s32 @!p0 $0x0, s1;
	[sflag:s0] =	ssyncset.done @!p0 $0x0  }
0x6a: {  	[sflag:s0] =	ssyncadd.s32 @!p0 s1  }
0x6b: {  	[bflag:$0x3] =	sbarrier.arrive $0xFFFF  }
0x6c: {  	_ =	shalt  }

// kernel: gather_offload_async_start.3
scs
__scs_entry_jumppad:
0x0: {  	(pc) =	sbr.rel $0x88, $3  }
0x1: {  	(tag) =	ssettag $0x0;
	lr =	simm.s32 $0x1  }
0x2: {  	[smem:$0x3F7E] =	sst lr;
	_ =	strace $0xD0000000  }
0x3: {  	_ = 	snop  }
0x4: {  	_ = 	snop  }
0x5: {  	_ = 	snop  }
0x6: {  	_ = 	snop  }
0x7: {  	_ = 	snop  }
__scs_overlays_trampoline_lowered:
0x8: {  	[smem:$0x3F8D] =	sst s0  }
0x9: {  	[smem:$0x3F8E] =	sst s1  }
0xa: {  	[smem:$0x3F8F] =	sst s2  }
0xb: {  	[smem:$0x3F90] =	sst s3  }
0xc: {  	[smem:$0x3F91] =	sst s4  }
0xd: {  	[smem:$0x3F92] =	sst s5  }
0xe: {  	[smem:$0x3F93] =	sst s6  }
0xf: {  	[smem:$0x3F94] =	sst s7  }
0x10: {  	[smem:$0x3F95] =	sst s8  }
0x11: {  	[smem:$0x3F96] =	sst s9;
	s0 =	simm.s32 @!p0 $0x0  }
0x12: {  	s1 =	sld [smem:$0x3F7C];
	s0 =	simm.s32 @p0 $0x1  }
0x13: {  	[smem:$0x3F97] =	sst s0;
	s0 =	simm.s32 @!p1 $0x0  }
0x14: {  	s2 =	sld [smem:$0x3F7B];
	s0 =	simm.s32 @p1 $0x1  }
0x15: {  	[smem:$0x3F98] =	sst s0;
	s0 =	simm.s32 @!p2 $0x0  }
0x16: {  	s3 =	sld [smem:$0x3FDB];
	s0 =	simm.s32 @p2 $0x1  }
0x17: {  	s4 =	simm.s32 $0x1BF5;
	[smem:$0x3F9A] =	sst s0  }
0x18: {  	s0 =	sld [smem:$0x3F7D];
	_ =	swait.ge [sflag:s4], $0x0  }
0x19: {  	s7 =	sld [smem:$0x3F7E]  }
0x1a: {  	s8 =	sadd.s32 $0xFFFFE003, lr  }
0x1b: {  	s9 =	sadd.s32 $0xFFFFFEF7, lr;
	s5 =	simm.s32 $0xFFFFFFFF;
	p2 =	slt.u32 s8, $0xFFFFF086  }
0x1c: {  	p1 =	slt.u32 s9, $0xF7A;
	s5 =	simm.s32 @!p2 $0x0  }
0x1d: {  	s5 =	simm.s32 @p1 $0x1;
	p0 =	seq.s32 s7, s2  }
0x1e: {  	s7 =	smul.u32 @!p0 $0xF7A, s2;
	p2 =	seq.s32 @!p0 s5, $0x0  }
0x1f: {  	s9 =	smul.u32 $0xF7A, s1;
	s8 =	simm.s32 @!p0 $0x1BF5;
	p2 =	por !p2, p0  }
0x20: {  	[sflag:s8] =	ssyncset.s32 @!p0 $0xFFFFF086;
	s6 =	sadd.s32 @!p0 s3, s7;
	s7 =	simm.s32 @!p0 $0x108  }
0x21: {  	s3 =	sadd.s32 s3, s9;
	s6 =	sadd.s32 @!p0 $0x88, s6;
	s7 =	simm.s32 @p2 $0x1082  }
0x22: {  	[simem:s7], [sflag:s8] =	dma.local @!p0 [hbm:s6], $0xF7A  }
0x23: {  	s9 =	sor.u32 $0xD0000000, s2;
	s6 =	simm.s32 $0x108;
	_ =	swait.ge @!p0 [sflag:s8], $0x0  }
0x24: {  	s3 =	sadd.s32 $0x88, s3;
	s6 =	simm.s32 @!p1 $0x1082;
	[sflag:s4] =	ssyncset.s32 $0xFFFFF086  }
0x25: {  	[simem:s6], [sflag:s4] =	dma.local [hbm:s3], $0xF7A  }
0x26: {  	[smem:$0x3F7E] =	sst s1;
	(tag) =	ssettag s2;
	_ =	strace s9  }
0x27: {  	s1 =	sld [smem:$0x3F8E]  }
0x28: {  	s2 =	sld [smem:$0x3F8F]  }
0x29: {  	s4 =	sld [smem:$0x3F91]  }
0x2a: {  	p0 =	seq.s32 s5, $0x0;
	s5 =	sld [smem:$0x3F92]  }
0x2b: {  	s6 =	sld [smem:$0x3F93]  }
0x2c: {  	s7 =	sld [smem:$0x3F94]  }
0x2d: {  	s3 =	simm.s32 $0x108;
	s8 =	sld [smem:$0x3F95]  }
0x2e: {  	s3 =	simm.s32 @!p0 $0x1082;
	s9 =	sld [smem:$0x3F96]  }
0x2f: {  	lr =	sadd.s32 s0, s3;
	s0 =	sld [smem:$0x3F8D]  }
0x30: {  	s3 =	sld [smem:$0x3F90]  }
0x31: {  	[smem:$0x3F99] =	sst s10  }
0x32: {  	s10 =	sld [smem:$0x3F97];
	_ =	sdelay $0x3  }
0x33: {  	p0 =	seq.s32 s10, $0x1;
	s10 =	sld [smem:$0x3F99];
	_ =	sdelay $0x3  }
0x34: {  	[smem:$0x3F99] =	sst s10  }
0x35: {  	s10 =	sld [smem:$0x3F98];
	_ =	sdelay $0x3  }
0x36: {  	p1 =	seq.s32 s10, $0x1;
	s10 =	sld [smem:$0x3F99];
	_ =	sdelay $0x3  }
0x37: {  	[smem:$0x3F99] =	sst s10  }
0x38: {  	s10 =	sld [smem:$0x3F9A]  }
0x39: {  	_ = 	snop;
	(pc) =	sbr.ind lr, $3  }
0x3a: {  	_ = 	snop  }
0x3b: {  	_ = 	snop  }
0x3c: {  	p2 =	seq.s32 s10, $0x1;
	s10 =	sld [smem:$0x3F99]  }
0x3d: {  	_ =	shalt  }
0x3e: {  	_ =	shalt  }
0x3f: {  	_ =	shalt  }
0x40: {  	_ =	shalt  }
0x41: {  	_ =	shalt  }
0x42: {  	_ =	shalt  }
0x43: {  	_ =	shalt  }
0x44: {  	_ =	shalt  }
0x45: {  	_ =	shalt  }
0x46: {  	_ =	shalt  }
0x47: {  	_ =	shalt  }
0x48: {  	_ =	shalt  }
0x49: {  	_ =	shalt  }
0x4a: {  	_ =	shalt  }
0x4b: {  	_ =	shalt  }
0x4c: {  	_ =	shalt  }
0x4d: {  	_ =	shalt  }
0x4e: {  	_ =	shalt  }
0x4f: {  	_ =	shalt  }
0x50: {  	_ =	shalt  }
0x51: {  	_ =	shalt  }
0x52: {  	_ =	shalt  }
0x53: {  	_ =	shalt  }
0x54: {  	_ =	shalt  }
0x55: {  	_ =	shalt  }
0x56: {  	_ =	shalt  }
0x57: {  	_ =	shalt  }
0x58: {  	_ =	shalt  }
0x59: {  	_ =	shalt  }
0x5a: {  	_ =	shalt  }
0x5b: {  	_ =	shalt  }
0x5c: {  	_ =	shalt  }
0x5d: {  	_ =	shalt  }
0x5e: {  	_ =	shalt  }
0x5f: {  	_ =	shalt  }
0x60: {  	_ =	shalt  }
0x61: {  	_ =	shalt  }
0x62: {  	_ =	shalt  }
0x63: {  	_ =	shalt  }
0x64: {  	_ =	shalt  }
0x65: {  	_ =	shalt  }
0x66: {  	_ =	shalt  }
0x67: {  	_ =	shalt  }
0x68: {  	_ =	shalt  }
0x69: {  	_ =	shalt  }
0x6a: {  	_ =	shalt  }
0x6b: {  	_ =	shalt  }
0x6c: {  	_ =	shalt  }
0x6d: {  	_ =	shalt  }
0x6e: {  	_ =	shalt  }
0x6f: {  	_ =	shalt  }
0x70: {  	_ =	shalt  }
0x71: {  	_ =	shalt  }
0x72: {  	_ =	shalt  }
0x73: {  	_ =	shalt  }
0x74: {  	_ =	shalt  }
0x75: {  	_ =	shalt  }
0x76: {  	_ =	shalt  }
0x77: {  	_ =	shalt  }
0x78: {  	_ =	shalt  }
0x79: {  	_ =	shalt  }
0x7a: {  	_ =	shalt  }
0x7b: {  	_ =	shalt  }
0x7c: {  	_ =	shalt  }
0x7d: {  	_ =	shalt  }
0x7e: {  	_ =	shalt  }
0x7f: {  	_ =	shalt  }
0x80: {  	_ =	shalt  }
0x81: {  	_ =	shalt  }
0x82: {  	_ =	shalt  }
0x83: {  	_ =	shalt  }
0x84: {  	_ =	shalt  }
0x85: {  	_ =	shalt  }
0x86: {  	_ =	shalt  }
0x87: {  	_ =	shalt  }
.Lfunc_end0:
.L_simem_size_0:
called_computation.5_lowered:
.L_overlay_start_0:
0x88: {  	s2 =	sld [smem:$0x3FD9]  }
0x89: {  	s3 =	sld [smem:$0x3FFE];
	_ =	sdelay $0x1  }
0x8a: {  	s1 =	srdreg.scid  }
0x8b: {  	s0 =	sand.u32 $0x1, s1  }
0x8c: {  	s17 =	sshll.u32 s0, $0xA;
	s2 =	sadd.s32 s3, s2  }
0x8d: {  	s2 =	sadd.s32 s2, s17  }
0x8e: {  	[smem:$0x3FA5] =	sst s2  }
0x8f: {  	_ = 	snop  }
0x90: {  	s18 =	sld [smem:$0x3FC6];
	(tm) =	ssettm $0x1  }
0x91: {  	s19 =	sld [smem:$0x3FFB];
	_ =	sdelay $0x3  }
0x92: {  	_ =	strace s19  }
0x93: {  	s2 =	sld [smem:$0x3FFC];
	_ =	sdelay $0x3  }
0x94: {  	_ =	strace s2  }
0x95: {  	s2 =	sld [smem:$0x3FFD];
	_ =	sdelay $0x3  }
0x96: {  	_ =	strace s2  }
0x97: {  	_ =	strace $0x8FFFFFFF  }
0x98: {  	s20 =	sld [smem:$0x3FDB];
	_ =	sdelay $0x1  }
0x99: {  	s4 =	simm.s32 $_scs_section_size  }
0x9a: {  	s5 =	simm.s32 $_size__tile_overlayer_lowered;
	s6 =	simm.s32 $_tile_overlayer_lowered  }
0x9b: {  	s7 =	simm.s32 $0x1BFF;
	s21 =	sshll.u32 s6, $0x1;
	s4 =	sadd.s32 s4, s20  }
0x9c: {  	s22 =	simm.s32 $0x0;
	s5 =	sshll.u32 s5, $0x1;
	s6 =	sadd.s32 s21, s4  }
0x9d: {  	[timem:s22], [sflag:s7] =	dma.local [hbm:s6], s5  }
0x9e: {  	_ =	swait.ge [sflag:s7], s5  }
0x9f: {  	s5 =	ssub.s32 $0x0, s5;
	[sflag:s7] =	ssyncset.done $0x0  }
0xa0: {  	[sflag:s7] =	ssyncadd.s32 s5;
	_ =	sdelay $0x1  }
0xa1: {  	s23 =	simm.s32 $0x1B8B  }
0xa2: {  	_ =	swait.ge [sflag:s23], $0x1  }
0xa3: {  	[sflag:s23] =	ssyncset.done $0x0  }
0xa4: {  	[sflag:s23] =	ssyncadd.s32 $0xFFFFFFFF  }
0xa5: {  	s5 =	sld [smem:$0x0]  }
0xa6: {  	s6 =	sand.u32 $0xFFFFFFFE, s1  }
0xa7: {  	p0 =	sne.s32 s1, s6  }
0xa8: {  	s6 =	sshll.u32 @p0 s6, $0xE  }
0xa9: {  	s6 =	sadd.s32 @p0 $0x11B8D, s6;
	s7 =	sshll.u32 @p0 s5, $0x11  }
0xaa: {  	s6 =	sor.u32 @p0 s7, s6  }
0xab: {  	[sflag:s6] =	ssyncadd.remote.s32 @p0 $0x1;
	_ =	sdelay $0x1  }
0xac: {  	s6 =	simm.s32 @p0 $0x1B8D  }
0xad: {  	_ =	swait.eq @p0 [sflag:s6], $0x1  }
0xae: {  	[sflag:s6] =	ssyncadd.s32 @p0 $0xFFFFFFFF  }
0xaf: {  	s7 =	sshll.u32 @!p0 s1, $0xE  }
0xb0: {  	s7 =	sor.u32 @!p0 $0x4000, s7;
	s6 =	simm.s32 @!p0 $0x1B8D  }
0xb1: {  	s5 =	sshll.u32 @!p0 s5, $0x11;
	s7 =	sadd.s32 @!p0 $0x11B8D, s7;
	_ =	swait.eq @!p0 [sflag:s6], $0x1  }
0xb2: {  	s5 =	sor.u32 @!p0 s5, s7;
	[sflag:s6] =	ssyncadd.s32 @!p0 $0xFFFFFFFF  }
0xb3: {  	s25 =	simm.s32 $0x1B8E;
	s24 =	sld [smem:$0x3FFE];
	[sflag:s5] =	ssyncadd.remote.s32 @!p0 $0x1  }
0xb4: {  	s26 =	simm.s32 $execute0_lowered;
	[smem:$0x3FD2] =	sst s25  }
0xb5: {  	s6 =	sshll.u32 s26, $0x1;
	_ =	strace $0x8000004C;
	[dreg:$0x1] =	wrdreg $0xFFFFFFFF  }
0xb6: {  	s28 =	simm.s32 $_size_execute0_lowered;
	s4 =	sadd.s32 s4, s6;
	[dreg:$0x0] =	wrdreg $0x0  }
0xb7: {  	s6 =	sshll.u32 s28, $0x1;
	[dreg:$0x2] =	wrdreg s4  }
0xb8: {  	[dreg:$0x3] =	wrdreg s6  }
0xb9: {  	[dreg:$0x4] =	wrdreg $0xC0  }
0xba: {  	_ =	task [dreg:s22], $0x5FFFF  }
0xbb: {  	[dreg:$0x1] =	wrdreg $0xFFFFFFFF  }
0xbc: {  	[dreg:$0x0] =	wrdreg $0x60  }
0xbd: {  	[dreg:$0x2] =	wrdreg s18  }
0xbe: {  	[dreg:$0x3] =	wrdreg s24  }
0xbf: {  	[dreg:$0x4] =	wrdreg $0x9  }
0xc0: {  	_ =	task.clear_ibuf [dreg:s22], $0x5FFFF;
	_ =	strace $0x9000004C  }
0xc1: {  	s29 =	simm.s32 $0x9;
	_ =	strace $0x8000004E  }
0xc2: {  	_ =	swait.ge [sflag:s29], $0x1  }
0xc3: {  	[sflag:s29] =	ssyncadd.s32 $0xFFFFFFFF  }
0xc4: {  	_ =	strace $0x9000004E  }
0xc5: {  	_ =	sfence  }
0xc6: {  	s30 =	sld [smem:$0x0];
	_ =	sdelay $0x2  }
0xc7: {  	s31 =	sshll.u32 s1, $0xD;
	s1 =	sshrl.u32 s1, $0x2  }
0xc8: {  	s4 =	sand.u32 $0x4000, s31;
	s1 =	sadd.s32 s1, s30  }
0xc9: {  	s0 =	sor.u32 s4, s0;
	s1 =	sshll.u32 s1, $0x11  }
0xca: {  	s0 =	sor.u32 s1, s0  }
0xcb: {  	s0 =	sadd.s32 $0x8F2B, s0  }
0xcc: {  	[sflag:s0] =	ssyncadd.remote.s32 $0x1  }
0xcd: {  	_ =	sfence.sel $0xFFFF  }
0xce: {  	[dreg:$0x0] =	wrdreg $0xFFFFFFFF;
	(pc) =	sbr.abs _section_cstart, $3  }
0xcf: {  	[dreg:$0x1] =	wrdreg $0xFFFFFFFF  }
0xd0: {  	_ =	task.clear_ibuf [dreg:s22], $0x2FFFF;
	_ =	strace $0x9FFFFFFF  }
0xd1: {  	(tm) =	ssettm $0x7FFFFFFF  }
tec
execute0_lowered:
.L_overlay_start_1:
0x0: {  	(tag) =	ssettag $0x1  }
0x1: {  	s2 =	rddreg [dreg:$0x0]  }
0x2: {  	s8 =	rddreg [dreg:$0x1]  }
0x3: {  	s0 =	rddreg [dreg:$0x2];
	s1 =	stileid.u32  }
0x4: {  	s3 =	srdreg.scid;
	_ =	strace $0x8000004D;
	s4 =	simm.s32 $0x1  }
0x5: {  	s7 =	simm.s32 $0x1;
	s9 =	simm.s32 $0x1;
	s10 =	simm.s32 $0x3  }
0x6: {  	s13 =	simm.s32 $0x0;
	s5 =	sand.u32 $0x1, s3;
	s6 =	sshll.u32 s1, $0x1  }
0x7: {  	s12 =	simm.s32 $0x0;
	s3 =	sadd.s32 $0x3AE00, s8;
	s5 =	sor.u32 s6, s5  }
.Ltmp0:
0x8: {  	[sflag:s4] =	ssyncpa.u1 $0x0;
	p0 =	slt.u32 s5, $0x9;
	(pc) =	sbr.rel .LBB2_1-.Ltmp0, $4  }
0x9: {  	s6 =	simm.s32 $0x2;
	s7 =	simm.s32 @!p0 $0x0;
	p0 =	sne.s32 s5, $0x8  }
0xa: {  	[sflag:s6] =	ssyncpa.u1 $0x0;
	s5 =	smul.u32 $0xFA0, s5;
	s9 =	simm.s32 @!p0 $0x0  }
0xb: {  	s8 =	sadd.s32 $0x66B800, s8;
	[sflag:s10] =	ssyncpa.u1 $0x0;
	s7 =	sadd.s32 s9, s7  }
0xc: {  	vm0 =	vmmov $0xffff;
	s10 =	simm.s32 $0x0;
	s11 =	smov.u32 s5;
	s9 =	sadd.s32 $0x1, s7  }
.LBB2_4:
0xd: {  	v2 =	vnsel vm1, $0x0, v2  }
0xe: {  	vm1 =	vgt.s32 v0, $0x0;
	v2 =	vmin.u32 v2, $0x270FF  }
0xf: {  	v0 =	vnsel vm1, $0x0, v0  }
0x10: {  	v0 =	vmin.u32 v0, $0x270FF  }
0x11: {  	[tilespmem:s18], [sflag:$0x1] =	stream.indirect_vreg.gather [hbm4b:s2+s10], $0x1, v1, vm0, $0x4038;
	[tilespmem:$0x3E80] =	vst v63  }
0x12: {  	(ifvalue) =	ssetifvalue $0x7FFFFFFF  }
0x13: {  	[tilespmem:s15], [sflag:$0x1] =	stream.indirect_vreg.gather [hbm4b:s2+s10], $0x1, v2, vm0, $0x4038;
	[tilespmem:$0x3E80] =	vst v63  }
0x14: {  	s29 =	sadd.s32 $0x10, s15;
	(ifvalue) =	ssetifvalue $0x7FFFFFFF  }
0x15: {  	[tilespmem:s29], [sflag:$0x1] =	stream.indirect_vreg.gather [hbm4b:s2+s10], $0x1, v0, vm0, $0x4038;
	[tilespmem:$0x3E80] =	vst v63  }
0x16: {  	_ =	swait.ge [sflag:s4], $0xFA0  }
0x17: {  	s30 =	sshrl.u32 s13, $0x3;
	[sflag:s4] =	ssyncset.done $0x0  }
0x18: {  	s31 =	sand.u32 $0x7, s13;
	s15 =	sadd.s32 s8, s30;
	[sflag:s4] =	ssyncadd.s32 $0xFFFFF060  }
0x19: {  	[hbm4b:s15+s31] =	stream.linear.scatter [tilespmem:s14], [sflag:$0x3], $0xFA0, $0x38;
	[tilespmem:$0x3E80] =	vst v63  }
.LBB2_5:
0x1a: {  	s15 =	sadd.s32 $0x1F400, s11  }
0x1b: {  	p1 =	sgt.s32 s15, $0x270FF  }
0x1c: {  	s15 =	smov.u32 @p1 s5;
	p1 =	sne.s32 s12, s9  }
.Ltmp1:
0x1d: {  	p0 =	slt.u32 s12, $0x2;
	(pc) =	sbr.rel @!p1 .LBB2_6-.Ltmp1, $4  }
0x1e: {  	s14 =	simm.s32 @!p0 $0x3  }
0x1f: {  	_ =	swait.ge @!p0 [sflag:s14], $0xFA0  }
0x20: {  	s16 =	sadd.s32 $0x1, s12;
	s13 =	smov.u32 s11;
	[sflag:s14] =	ssyncset.done @!p0 $0x0  }
0x21: {  	s12 =	smov.u32 s16;
	s11 =	smov.u32 s15;
	[sflag:s14] =	ssyncadd.s32 @!p0 $0xFFFFF060  }
.LBB2_1:
0x22: {  	p0 =	sge.u32 s12, s7  }
0x23: {  	s14 =	sxor.u32 @!p0 $0x1, s12  }
0x24: {  	s14 =	smul.u32 @!p0 $0x3E80, s14  }
0x25: {  	s31 =	sadd.s32 $0xFFFFFFFF, s12;
	s15 =	sshrl.u32 @!p0 s11, $0x3  }
0x26: {  	s16 =	sand.u32 @!p0 $0x7, s11;
	s15 =	sadd.s32 @!p0 s3, s15;
	s14 =	sshra.s32 @!p0 s14, $0x2  }
0x27: {  	[tilespmem:s14], [sflag:$0x2] =	stream.linear.gather @!p0 [hbm4b:s15+s16], $0xFA0, $0x38;
	[tilespmem:$0x3E80] =	vst v63  }
0x28: {  	p0 =	sge.u32 s31, s7  }
.Ltmp2:
0x29: {  	_ = 	snop;
	(pc) =	sbr.rel @p0 .LBB2_5-.Ltmp2, $1  }
0x2a: {  	_ =	sdelay $0x3  }
0x2b: {  	s14 =	sand.u32 $0x1, s12  }
0x2c: {  	_ =	swait.ge [sflag:s6], $0xFA0;
	p0 =	seq.s32 s14, $0x1;
	s14 =	simm.s32 $0xFA0  }
0x2d: {  	[sflag:s6] =	ssyncset.done $0x0;
	s14 =	simm.s32 @!p0 $0x0  }
0x2e: {  	[sflag:s6] =	ssyncadd.s32 $0xFFFFF060;
	(ifvalue) =	ssetifvalue $0x7FFFFFFF;
	v0 =	vld.msk [tilespmem:s14+$0x0 ss:$0x1], $0xffff;
	_ =	sdelay $0x4  }
0x2f: {  	s15 =	sadd.s32 $0x10, s14;
	vm1 =	vgt.s32 v0, $0x0  }
0x30: {  	v2 =	vld.msk [tilespmem:s15+$0x0 ss:$0x1], $0xffff;
	v1 =	vnsel vm1, $0x0, v0  }
0x31: {  	v1 =	vmin.u32 v1, $0x270FF;
	_ =	sdelay $0x2  }
0x32: {  	s17 =	simm.s32 $0x20;
	s14 =	sadd.s32 $0x1F40, s14;
	s16 =	sadd.s32 $0x10, s15  }
0x33: {  	s15 =	sadd.s32 $0x10, s14;
	s18 =	smov.u32 s14;
	v0 =	vld.msk [tilespmem:s16+$0x0 ss:$0x1], $0xffff;
	vm1 =	vgt.s32 v2, $0x0;
	(ifvalue) =	ssetifvalue $0x7FFFFFFF  }
.LBB2_3:
0x34: {  	[tilespmem:s18], [sflag:$0x1] =	stream.indirect_vreg.gather [hbm4b:s2+s10], $0x1, v1, vm0, $0x4038;
	[tilespmem:$0x3E80] =	vst v63  }
0x35: {  	s17 =	sadd.s32 $0x10, s17  }
0x36: {  	v2 =	vnsel vm1, $0x0, v2;
	p0 =	slt.u32 s17, $0xF90  }
.Ltmp3:
0x37: {  	s18 =	smov.u32 s15;
	v1 =	vmin.u32 v2, $0x270FF;
	(pc) =	sbr.rel @p0 .LBB2_3-.Ltmp3, $3  }
0x38: {  	_ =	sdelay $0x1  }
0x39: {  	s16 =	sadd.s32 $0x10, s16  }
0x3a: {  	vm1 =	vgt.s32 v0, $0x0;
	s15 =	sadd.s32 $0x10, s15;
	v2 =	vmov v0;
	(ifvalue) =	ssetifvalue $0x7FFFFFFF;
	v0 =	vld.msk [tilespmem:s16+$0x0 ss:$0x1], $0xffff  }
.Ltmp4:
0x3b: {  	_ = 	snop;
	(pc) =	sbr.rel .LBB2_4-.Ltmp4, $1  }
0x3c: {  	_ =	sdelay $0x3  }
.LBB2_6:
0x3d: {  	_ =	sfence.sel $0x180000  }
0x3e: {  	s2 =	simm.s32 $0x2;
	[bflag:$0x0] =	sbarrier.arrive $0xFFFF  }
0x3f: {  	s30 =	simm.s32 $0x3;
	[sflag:s2] =	ssyncpa.u1 $0x1  }
0x40: {  	s31 =	simm.s32 $0x1;
	[sflag:s30] =	ssyncpa.u1 $0x1  }
0x41: {  	[sflag:s31] =	ssyncpa.u1 $0x1  }
0x42: {  	p0 =	sne.s32 s1, $0x0;
	_ =	strace $0x9000004D  }
0x43: {  	s0 =	sadd.s32 @!p0 $0x100000, s0;
	[bflag:$0x2] =	sbarrier.arrive $0xFFFF  }
0x44: {  	[sflag:s0] =	ssyncadd.tile.s32 @!p0 $0x1;
	_ =	shalt  }
.Lfunc_end2:
_tile_overlayer_lowered:
.L_overlay_start_2:
0x45: {  	(tag) =	ssettag $0x2  }
0x46: {  	s0 =	rddreg [dreg:$0x0];
	s2 =	stileid.u32  }
0x47: {  	s1 =	rddreg [dreg:$0x1];
	p0 =	sne.s32 s2, $0x0  }
0x48: {  	s3 =	rddreg [dreg:$0x2];
	[bflag:$0x3] =	sbarrier.arrive $0xFFFF;
	s2 =	simm.s32 @!p0 $0x1C01  }
0x49: {  	[timem:s3], [sflag:s2] =	dma.local @!p0 [hbm:s0], s1  }
0x4a: {  	s0 =	simm.s32 @!p0 $0x1  }
0x4b: {  	_ =	swait.ge @!p0 [sflag:s0], s1  }
0x4c: {  	s1 =	ssub.s32 @!p0 $0x0, s1;
	[sflag:s0] =	ssyncset.done @!p0 $0x0  }
0x4d: {  	[sflag:s0] =	ssyncadd.s32 @!p0 s1  }
0x4e: {  	[bflag:$0x3] =	sbarrier.arrive $0xFFFF  }
0x4f: {  	_ =	shalt  }

// kernel: gather_offload_async_start.4
scs
__scs_entry_jumppad:
0x0: {  	(pc) =	sbr.rel $0x88, $3  }
0x1: {  	(tag) =	ssettag $0x0;
	lr =	simm.s32 $0x1  }
0x2: {  	[smem:$0x3F7E] =	sst lr;
	_ =	strace $0xD0000000  }
0x3: {  	_ = 	snop  }
0x4: {  	_ = 	snop  }
0x5: {  	_ = 	snop  }
0x6: {  	_ = 	snop  }
0x7: {  	_ = 	snop  }
__scs_overlays_trampoline_lowered:
0x8: {  	[smem:$0x3F8D] =	sst s0  }
0x9: {  	[smem:$0x3F8E] =	sst s1  }
0xa: {  	[smem:$0x3F8F] =	sst s2  }
0xb: {  	[smem:$0x3F90] =	sst s3  }
0xc: {  	[smem:$0x3F91] =	sst s4  }
0xd: {  	[smem:$0x3F92] =	sst s5  }
0xe: {  	[smem:$0x3F93] =	sst s6  }
0xf: {  	[smem:$0x3F94] =	sst s7  }
0x10: {  	[smem:$0x3F95] =	sst s8  }
0x11: {  	[smem:$0x3F96] =	sst s9;
	s0 =	simm.s32 @!p0 $0x0  }
0x12: {  	s1 =	sld [smem:$0x3F7C];
	s0 =	simm.s32 @p0 $0x1  }
0x13: {  	[smem:$0x3F97] =	sst s0;
	s0 =	simm.s32 @!p1 $0x0  }
0x14: {  	s2 =	sld [smem:$0x3F7B];
	s0 =	simm.s32 @p1 $0x1  }
0x15: {  	[smem:$0x3F98] =	sst s0;
	s0 =	simm.s32 @!p2 $0x0  }
0x16: {  	s3 =	sld [smem:$0x3FDB];
	s0 =	simm.s32 @p2 $0x1  }
0x17: {  	s4 =	simm.s32 $0x1BF5;
	[smem:$0x3F9A] =	sst s0  }
0x18: {  	s0 =	sld [smem:$0x3F7D];
	_ =	swait.ge [sflag:s4], $0x0  }
0x19: {  	s7 =	sld [smem:$0x3F7E]  }
0x1a: {  	s8 =	sadd.s32 $0xFFFFE003, lr  }
0x1b: {  	s9 =	sadd.s32 $0xFFFFFEF7, lr;
	s5 =	simm.s32 $0xFFFFFFFF;
	p2 =	slt.u32 s8, $0xFFFFF086  }
0x1c: {  	p1 =	slt.u32 s9, $0xF7A;
	s5 =	simm.s32 @!p2 $0x0  }
0x1d: {  	s5 =	simm.s32 @p1 $0x1;
	p0 =	seq.s32 s7, s2  }
0x1e: {  	s7 =	smul.u32 @!p0 $0xF7A, s2;
	p2 =	seq.s32 @!p0 s5, $0x0  }
0x1f: {  	s9 =	smul.u32 $0xF7A, s1;
	s8 =	simm.s32 @!p0 $0x1BF5;
	p2 =	por !p2, p0  }
0x20: {  	[sflag:s8] =	ssyncset.s32 @!p0 $0xFFFFF086;
	s6 =	sadd.s32 @!p0 s3, s7;
	s7 =	simm.s32 @!p0 $0x108  }
0x21: {  	s3 =	sadd.s32 s3, s9;
	s6 =	sadd.s32 @!p0 $0x88, s6;
	s7 =	simm.s32 @p2 $0x1082  }
0x22: {  	[simem:s7], [sflag:s8] =	dma.local @!p0 [hbm:s6], $0xF7A  }
0x23: {  	s9 =	sor.u32 $0xD0000000, s2;
	s6 =	simm.s32 $0x108;
	_ =	swait.ge @!p0 [sflag:s8], $0x0  }
0x24: {  	s3 =	sadd.s32 $0x88, s3;
	s6 =	simm.s32 @!p1 $0x1082;
	[sflag:s4] =	ssyncset.s32 $0xFFFFF086  }
0x25: {  	[simem:s6], [sflag:s4] =	dma.local [hbm:s3], $0xF7A  }
0x26: {  	[smem:$0x3F7E] =	sst s1;
	(tag) =	ssettag s2;
	_ =	strace s9  }
0x27: {  	s1 =	sld [smem:$0x3F8E]  }
0x28: {  	s2 =	sld [smem:$0x3F8F]  }
0x29: {  	s4 =	sld [smem:$0x3F91]  }
0x2a: {  	p0 =	seq.s32 s5, $0x0;
	s5 =	sld [smem:$0x3F92]  }
0x2b: {  	s6 =	sld [smem:$0x3F93]  }
0x2c: {  	s7 =	sld [smem:$0x3F94]  }
0x2d: {  	s3 =	simm.s32 $0x108;
	s8 =	sld [smem:$0x3F95]  }
0x2e: {  	s3 =	simm.s32 @!p0 $0x1082;
	s9 =	sld [smem:$0x3F96]  }
0x2f: {  	lr =	sadd.s32 s0, s3;
	s0 =	sld [smem:$0x3F8D]  }
0x30: {  	s3 =	sld [smem:$0x3F90]  }
0x31: {  	[smem:$0x3F99] =	sst s10  }
0x32: {  	s10 =	sld [smem:$0x3F97];
	_ =	sdelay $0x3  }
0x33: {  	p0 =	seq.s32 s10, $0x1;
	s10 =	sld [smem:$0x3F99];
	_ =	sdelay $0x3  }
0x34: {  	[smem:$0x3F99] =	sst s10  }
0x35: {  	s10 =	sld [smem:$0x3F98];
	_ =	sdelay $0x3  }
0x36: {  	p1 =	seq.s32 s10, $0x1;
	s10 =	sld [smem:$0x3F99];
	_ =	sdelay $0x3  }
0x37: {  	[smem:$0x3F99] =	sst s10  }
0x38: {  	s10 =	sld [smem:$0x3F9A]  }
0x39: {  	_ = 	snop;
	(pc) =	sbr.ind lr, $3  }
0x3a: {  	_ = 	snop  }
0x3b: {  	_ = 	snop  }
0x3c: {  	p2 =	seq.s32 s10, $0x1;
	s10 =	sld [smem:$0x3F99]  }
0x3d: {  	_ =	shalt  }
0x3e: {  	_ =	shalt  }
0x3f: {  	_ =	shalt  }
0x40: {  	_ =	shalt  }
0x41: {  	_ =	shalt  }
0x42: {  	_ =	shalt  }
0x43: {  	_ =	shalt  }
0x44: {  	_ =	shalt  }
0x45: {  	_ =	shalt  }
0x46: {  	_ =	shalt  }
0x47: {  	_ =	shalt  }
0x48: {  	_ =	shalt  }
0x49: {  	_ =	shalt  }
0x4a: {  	_ =	shalt  }
0x4b: {  	_ =	shalt  }
0x4c: {  	_ =	shalt  }
0x4d: {  	_ =	shalt  }
0x4e: {  	_ =	shalt  }
0x4f: {  	_ =	shalt  }
0x50: {  	_ =	shalt  }
0x51: {  	_ =	shalt  }
0x52: {  	_ =	shalt  }
0x53: {  	_ =	shalt  }
0x54: {  	_ =	shalt  }
0x55: {  	_ =	shalt  }
0x56: {  	_ =	shalt  }
0x57: {  	_ =	shalt  }
0x58: {  	_ =	shalt  }
0x59: {  	_ =	shalt  }
0x5a: {  	_ =	shalt  }
0x5b: {  	_ =	shalt  }
0x5c: {  	_ =	shalt  }
0x5d: {  	_ =	shalt  }
0x5e: {  	_ =	shalt  }
0x5f: {  	_ =	shalt  }
0x60: {  	_ =	shalt  }
0x61: {  	_ =	shalt  }
0x62: {  	_ =	shalt  }
0x63: {  	_ =	shalt  }
0x64: {  	_ =	shalt  }
0x65: {  	_ =	shalt  }
0x66: {  	_ =	shalt  }
0x67: {  	_ =	shalt  }
0x68: {  	_ =	shalt  }
0x69: {  	_ =	shalt  }
0x6a: {  	_ =	shalt  }
0x6b: {  	_ =	shalt  }
0x6c: {  	_ =	shalt  }
0x6d: {  	_ =	shalt  }
0x6e: {  	_ =	shalt  }
0x6f: {  	_ =	shalt  }
0x70: {  	_ =	shalt  }
0x71: {  	_ =	shalt  }
0x72: {  	_ =	shalt  }
0x73: {  	_ =	shalt  }
0x74: {  	_ =	shalt  }
0x75: {  	_ =	shalt  }
0x76: {  	_ =	shalt  }
0x77: {  	_ =	shalt  }
0x78: {  	_ =	shalt  }
0x79: {  	_ =	shalt  }
0x7a: {  	_ =	shalt  }
0x7b: {  	_ =	shalt  }
0x7c: {  	_ =	shalt  }
0x7d: {  	_ =	shalt  }
0x7e: {  	_ =	shalt  }
0x7f: {  	_ =	shalt  }
0x80: {  	_ =	shalt  }
0x81: {  	_ =	shalt  }
0x82: {  	_ =	shalt  }
0x83: {  	_ =	shalt  }
0x84: {  	_ =	shalt  }
0x85: {  	_ =	shalt  }
0x86: {  	_ =	shalt  }
0x87: {  	_ =	shalt  }
.Lfunc_end0:
.L_simem_size_0:
called_computation.6_lowered:
.L_overlay_start_0:
0x88: {  	s2 =	sld [smem:$0x3FD9]  }
0x89: {  	s3 =	sld [smem:$0x3FFE];
	_ =	sdelay $0x1  }
0x8a: {  	s1 =	srdreg.scid  }
0x8b: {  	s0 =	sand.u32 $0x1, s1  }
0x8c: {  	s17 =	sshll.u32 s0, $0xA;
	s2 =	sadd.s32 s3, s2  }
0x8d: {  	s2 =	sadd.s32 s2, s17  }
0x8e: {  	[smem:$0x3FA5] =	sst s2  }
0x8f: {  	_ = 	snop  }
0x90: {  	(tm) =	ssettm $0x1  }
0x91: {  	s18 =	sld [smem:$0x3FFB];
	_ =	sdelay $0x3  }
0x92: {  	_ =	strace s18  }
0x93: {  	s2 =	sld [smem:$0x3FFC];
	_ =	sdelay $0x3  }
0x94: {  	_ =	strace s2  }
0x95: {  	s2 =	sld [smem:$0x3FFD];
	_ =	sdelay $0x3  }
0x96: {  	_ =	strace s2  }
0x97: {  	_ =	strace $0x8FFFFFFF  }
0x98: {  	s19 =	sld [smem:$0x3FDB];
	_ =	sdelay $0x1  }
0x99: {  	s20 =	simm.s32 $_scs_section_size  }
0x9a: {  	s4 =	simm.s32 $_size__tile_overlayer_lowered;
	s5 =	simm.s32 $_tile_overlayer_lowered  }
0x9b: {  	s6 =	simm.s32 $0x1BFF;
	s21 =	sshll.u32 s5, $0x1;
	s3 =	sadd.s32 s20, s19  }
0x9c: {  	s22 =	simm.s32 $0x0;
	s4 =	sshll.u32 s4, $0x1;
	s5 =	sadd.s32 s21, s3  }
0x9d: {  	[timem:s22], [sflag:s6] =	dma.local [hbm:s5], s4  }
0x9e: {  	_ =	swait.ge [sflag:s6], s4  }
0x9f: {  	s4 =	ssub.s32 $0x0, s4;
	[sflag:s6] =	ssyncset.done $0x0  }
0xa0: {  	[sflag:s6] =	ssyncadd.s32 s4;
	_ =	sdelay $0x1  }
0xa1: {  	s23 =	simm.s32 $0x1B8B  }
0xa2: {  	_ =	swait.ge [sflag:s23], $0x1  }
0xa3: {  	[sflag:s23] =	ssyncset.done $0x0  }
0xa4: {  	[sflag:s23] =	ssyncadd.s32 $0xFFFFFFFF  }
0xa5: {  	s4 =	sld [smem:$0x0]  }
0xa6: {  	s5 =	sand.u32 $0xFFFFFFFE, s1  }
0xa7: {  	p0 =	sne.s32 s1, s5  }
0xa8: {  	s5 =	sshll.u32 @p0 s5, $0xE  }
0xa9: {  	s5 =	sadd.s32 @p0 $0x11B8D, s5;
	s6 =	sshll.u32 @p0 s4, $0x11  }
0xaa: {  	s5 =	sor.u32 @p0 s6, s5  }
0xab: {  	[sflag:s5] =	ssyncadd.remote.s32 @p0 $0x1;
	_ =	sdelay $0x1  }
0xac: {  	s5 =	simm.s32 @p0 $0x1B8D  }
0xad: {  	_ =	swait.eq @p0 [sflag:s5], $0x1  }
0xae: {  	[sflag:s5] =	ssyncadd.s32 @p0 $0xFFFFFFFF  }
0xaf: {  	s6 =	sshll.u32 @!p0 s1, $0xE  }
0xb0: {  	s6 =	sor.u32 @!p0 $0x4000, s6;
	s5 =	simm.s32 @!p0 $0x1B8D  }
0xb1: {  	s4 =	sshll.u32 @!p0 s4, $0x11;
	s6 =	sadd.s32 @!p0 $0x11B8D, s6;
	_ =	swait.eq @!p0 [sflag:s5], $0x1  }
0xb2: {  	s4 =	sor.u32 @!p0 s4, s6;
	[sflag:s5] =	ssyncadd.s32 @!p0 $0xFFFFFFFF  }
0xb3: {  	s25 =	simm.s32 $0x1B8E;
	s24 =	sld [smem:$0x3FFE];
	[sflag:s4] =	ssyncadd.remote.s32 @!p0 $0x1  }
0xb4: {  	s26 =	simm.s32 $execute0_lowered;
	[smem:$0x3FD2] =	sst s25  }
0xb5: {  	s5 =	sshll.u32 s26, $0x1;
	_ =	strace $0x80000052;
	[dreg:$0x1] =	wrdreg $0xFFFFFFFF  }
0xb6: {  	s28 =	simm.s32 $_size_execute0_lowered;
	s3 =	sadd.s32 s3, s5;
	[dreg:$0x0] =	wrdreg $0x0  }
0xb7: {  	s5 =	sshll.u32 s28, $0x1;
	[dreg:$0x2] =	wrdreg s3  }
0xb8: {  	[dreg:$0x3] =	wrdreg s5  }
0xb9: {  	[dreg:$0x4] =	wrdreg $0xC0  }
0xba: {  	_ =	task [dreg:s22], $0x5FFFF  }
0xbb: {  	[dreg:$0x1] =	wrdreg $0xFFFFFFFF  }
0xbc: {  	[dreg:$0x0] =	wrdreg $0x60  }
0xbd: {  	[dreg:$0x2] =	wrdreg s24  }
0xbe: {  	[dreg:$0x3] =	wrdreg $0xA  }
0xbf: {  	_ =	task.clear_ibuf [dreg:s22], $0x4FFFF;
	_ =	strace $0x90000052  }
0xc0: {  	s29 =	simm.s32 $0xA;
	_ =	strace $0x80000054  }
0xc1: {  	_ =	swait.ge [sflag:s29], $0x1  }
0xc2: {  	[sflag:s29] =	ssyncadd.s32 $0xFFFFFFFF  }
0xc3: {  	_ =	strace $0x90000054  }
0xc4: {  	_ =	sfence  }
0xc5: {  	s30 =	sld [smem:$0x0];
	_ =	sdelay $0x2  }
0xc6: {  	s31 =	sshll.u32 s1, $0xD;
	s1 =	sshrl.u32 s1, $0x2  }
0xc7: {  	s4 =	sand.u32 $0x4000, s31;
	s1 =	sadd.s32 s1, s30  }
0xc8: {  	s0 =	sor.u32 s4, s0;
	s1 =	sshll.u32 s1, $0x11  }
0xc9: {  	s0 =	sor.u32 s1, s0  }
0xca: {  	s0 =	sadd.s32 $0x8F2B, s0  }
0xcb: {  	[sflag:s0] =	ssyncadd.remote.s32 $0x1  }
0xcc: {  	_ =	sfence.sel $0xFFFF  }
0xcd: {  	[dreg:$0x0] =	wrdreg $0xFFFFFFFF;
	(pc) =	sbr.abs _section_cstart, $3  }
0xce: {  	[dreg:$0x1] =	wrdreg $0xFFFFFFFF  }
0xcf: {  	_ =	task.clear_ibuf [dreg:s22], $0x2FFFF;
	_ =	strace $0x9FFFFFFF  }
0xd0: {  	(tm) =	ssettm $0x7FFFFFFF  }
0xd1: {  	_ =	shalt  }
tec
execute0_lowered:
.L_overlay_start_1:
0x0: {  	(tag) =	ssettag $0x1  }
0x1: {  	s0 =	srdreg.scid  }
0x2: {  	s1 =	sshll.u32 s0, $0x4  }
0x3: {  	s0 =	stileid.u32;
	s1 =	sand.u32 $0x10, s1  }
0x4: {  	s2 =	sor.u32 s0, s1  }
0x5: {  	s3 =	smul.u32 $0x138, s2  }
0x6: {  	s2 =	smin.u32 s2, $0x10  }
0x7: {  	s2 =	sadd.s32 s2, s3  }
0x8: {  	s10 =	rddreg [dreg:$0x0];
	s7 =	simm.s32 $0x1;
	s2 =	sshll.u32 s2, $0x4  }
0x9: {  	s8 =	simm.s32 $0x2;
	s11 =	simm.s32 $0x3;
	s31 =	ssub.s32 s2, s1  }
0xa: {  	s13 =	simm.s32 $0x0;
	p3 =	por $0x0, $0x0;
	s3 =	sadd.s32 $0x1390, s31  }
0xb: {  	s12 =	simm.s32 $0x80;
	s4 =	sadd.s32 $0x2079600, s10;
	s3 =	smin.u32 s3, $0x27100  }
.Ltmp0:
0xc: {  	s5 =	sadd.s32 $0x670800, s10;
	s9 =	ssub.s32 s3, s2;
	(pc) =	sbr.rel .LBB2_1-.Ltmp0, $4  }
0xd: {  	s1 =	rddreg [dreg:$0x1];
	_ =	strace $0x80000053;
	p0 =	sgt.s32 s9, $0x0  }
0xe: {  	s6 =	sadd.s32 $0x235FA00, s10;
	[sflag:s7] =	ssyncpa.u1 $0x0;
	s9 =	simm.s32 @!p0 $0x0  }
0xf: {  	s10 =	sadd.s32 $0x675800, s10;
	[sflag:s8] =	ssyncpa.u1 $0x0;
	s9 =	sshrl.u32 s9, $0x4  }
0x10: {  	v0 =	vlaneseq.u32;
	s14 =	smov.u32 s2;
	[sflag:s11] =	ssyncpa.u1 $0x0;
	s11 =	sadd.s32 $0x1, s9  }
.LBB2_6:
0x11: {  	s17 =	sadd.s32 s19, s17  }
0x12: {  	v2 =	vld.msk [tilespmem:s17+$0x0 ss:$0x1], $0x1;
	_ =	sdelay $0x2  }
0x13: {  	(v2sf) =	vpush v1, $0x1  }
0x14: {  	(v2sf) =	vpush v1, $0x0  }
0x15: {  	(v2sf) =	vpush v2, $0x0;
	_ =	sdelay $0xc  }
0x16: {  	p0 =	seq.s32 s21, $0x3C;
	s20 =	simm.s32 $0x1;
	s17 =	spop (v2sf)  }
0x17: {  	s20 =	simm.s32 @!p0 $0x2;
	s17 =	simm.s32 @p1 $0xFFFFFFFF;
	s23 =	spop (v2sf)  }
0x18: {  	p0 =	sne.s32 s23, s17;
	s17 =	simm.s32 $0x1;
	s22 =	spop (v2sf)  }
0x19: {  	v1 =	vmov s20;
	s17 =	simm.s32 @!p0 $0x0;
	s24 =	sshrl.u32 s22, $0x3  }
0x1a: {  	vm0 =	vgt.u32 v1, v0;
	s17 =	sadd.s32 s17, s18;
	s26 =	sshll.u32 s22, $0x7;
	s25 =	smul.u32 $0x4C00, s24  }
0x1b: {  	s17 =	smul.u32 $0x2600, s17;
	s28 =	sand.u32 $0x380, s26  }
0x1c: {  	s18 =	sor.u32 s28, s25  }
0x1d: {  	s17 =	sshra.s32 s17, $0x2;
	s18 =	sshrl.u32 s18, $0x3  }
0x1e: {  	s15 =	sadd.s32 s19, s15;
	s16 =	sadd.s32 s17, s16;
	s29 =	sadd.s32 s6, s18  }
0x1f: {  	[hbm:s29] =	stream.strided.scatter [tilespmem:s16], [sflag:$0x3], $0x980, s12, s12, $0x38;
	[tilespmem:$0x13040] =	vst v63  }
0x20: {  	v1 =	vld.msk [tilespmem:s15+$0x0 ss:$0x1], vm0;
	_ =	sdelay $0x4  }
0x21: {  	(v2sf) =	vpush v1, $0x1  }
0x22: {  	(v2sf) =	vpush v1, $0x0;
	_ =	sdelay $0xb  }
0x23: {  	s15 =	sld [smem:$0x7FB];
	_ =	sdelay $0x1  }
0x24: {  	s30 =	spop (v2sf)  }
0x25: {  	p3 =	seq.s32 s15, $0x1;
	s31 =	spop (v2sf)  }
.LBB2_7:
0x26: {  	p2 =	sne.s32 s13, s11  }
.Ltmp1:
0x27: {  	p0 =	slt.u32 s13, $0x2;
	(pc) =	sbr.rel @!p2 .LBB2_8-.Ltmp1, $4  }
0x28: {  	s16 =	sadd.s32 $0x10, s14;
	s15 =	simm.s32 @!p0 $0x3  }
0x29: {  	s14 =	smov.u32 s2;
	s17 =	sadd.s32 $0x1, s13;
	_ =	swait.ge @!p0 [sflag:s15], $0x9800  }
0x2a: {  	p3 =	por !p3, !p3;
	p1 =	slt.s32 s16, s3;
	[sflag:s15] =	ssyncset.done @!p0 $0x0  }
0x2b: {  	s13 =	smov.u32 s17;
	s14 =	smov.u32 @p1 s16;
	[sflag:s15] =	ssyncadd.s32 @!p0 $0xFFFF6800  }
.LBB2_1:
0x2c: {  	p0 =	sge.u32 s13, s9  }
0x2d: {  	s15 =	sxor.u32 @!p0 $0xFFFFFFFF, s13  }
0x2e: {  	s16 =	sshrl.u32 @!p0 s14, $0x3;
	s15 =	sshll.u32 @!p0 s15, $0x4  }
0x2f: {  	s18 =	sand.u32 @!p0 $0x7, s14;
	s17 =	sadd.s32 @!p0 s5, s16;
	s15 =	sand.u32 @!p0 $0x10, s15  }
0x30: {  	[tilespmem:s15], [sflag:$0x2] =	stream.linear.gather @!p0 [hbm4b:s17+s18], $0x10, $0x38;
	[tilespmem:$0x13040] =	vst v63  }
0x31: {  	s31 =	sadd.s32 $0xFFFFFFFF, s13;
	s16 =	sadd.s32 @!p0 s10, s16;
	s15 =	sor.u32 @!p0 $0x20, s15  }
0x32: {  	[tilespmem:s15], [sflag:$0x2] =	stream.linear.gather @!p0 [hbm4b:s16+s18], $0x10, $0x38;
	[tilespmem:$0x13040] =	vst v63  }
0x33: {  	p0 =	sge.u32 s31, s9  }
.Ltmp2:
0x34: {  	_ = 	snop;
	(pc) =	sbr.rel @p0 .LBB2_7-.Ltmp2, $1  }
0x35: {  	_ =	sdelay $0x3  }
0x36: {  	p2 =	por $0x0, $0x0;
	s15 =	simm.s32 $0x1  }
0x37: {  	s15 =	simm.s32 @!p2 $0x2  }
0x38: {  	v1 =	vmov s15  }
0x39: {  	s16 =	simm.s32 @!p3 $0x0;
	vm0 =	vgt.u32 v1, v0  }
0x3a: {  	s16 =	simm.s32 @p3 $0x1  }
0x3b: {  	s15 =	simm.s32 $0x1;
	[smem:$0x7FB] =	sst s16  }
0x3c: {  	s15 =	simm.s32 @!p3 $0x0;
	_ =	swait.ge [sflag:s8], $0x20  }
0x3d: {  	s15 =	sshll.u32 s15, $0x4;
	[sflag:s8] =	ssyncset.done $0x0  }
0x3e: {  	[sflag:s8] =	ssyncadd.s32 $0xFFFFFFE0;
	s24 =	sadd.s32 $0x0, s15  }
0x3f: {  	v1 =	vld.msk [tilespmem:s24+$0x0 ss:$0x1], vm0;
	_ =	sdelay $0x4  }
0x40: {  	(v2sf) =	vpush v1, $0x1  }
0x41: {  	(v2sf) =	vpush v1, $0x0  }
0x42: {  	p0 =	por $0x0, $0x0;
	s16 =	simm.s32 $0x1  }
0x43: {  	s16 =	simm.s32 @!p0 $0x2  }
0x44: {  	v2 =	vmov s16  }
0x45: {  	vm12 =	vgt.u32 v2, v0;
	_ =	sdelay $0x4  }
0x46: {  	p1 =	por $0x0, $0x0;
	s17 =	simm.s32 $0x1;
	s25 =	sadd.s32 $0x1, s15  }
0x47: {  	s17 =	simm.s32 @!p1 $0x2;
	v2 =	vld.msk [tilespmem:s25+$0x0 ss:$0x1], vm12  }
0x48: {  	v3 =	vmov s17  }
0x49: {  	p2 =	por p2, p2;
	vm13 =	vgt.u32 v3, v0  }
0x4a: {  	p2 =	por p2, p2  }
0x4b: {  	p2 =	por p2, p2;
	s16 =	spop (v2sf)  }
0x4c: {  	(v2sf) =	vpush v2, $0x1;
	s16 =	simm.s32 @p2 $0xFFFFFFFF;
	s18 =	spop (v2sf)  }
0x4d: {  	p2 =	seq.s32 s18, s16  }
0x4e: {  	s26 =	sadd.s32 $0x2, s15;
	(v2sf) =	vpush v2, $0x0;
	vm0 =	vgt.s32 @!p2 v1, $0x0  }
0x4f: {  	v3 =	vld.msk [tilespmem:s26+$0x0 ss:$0x1], vm13;
	v1 =	vnsel @!p2 vm0, $0x0, v1  }
0x50: {  	v1 =	vmin.u32 @!p2 v1, $0x270F  }
0x51: {  	(v2sf) =	vpush @!p2 v1, $0x0  }
0x52: {  	s22 =	simm.s32 $0x1;
	p4 =	por p1, p1;
	p1 =	por $0x0, $0x0  }
0x53: {  	s29 =	sand.u32 $0x1, s13;
	s22 =	simm.s32 @!p1 $0x2  }
0x54: {  	p4 =	por p4, p4;
	p5 =	por p1, p1;
	p0 =	por p0, p0;
	(v2sf) =	vpush v3, $0x1  }
0x55: {  	p1 =	por $0x0, $0x0;
	p5 =	por p5, p5;
	p0 =	por p0, p0;
	(v2sf) =	vpush v3, $0x0  }
0x56: {  	s17 =	sor.u32 $0x20, s15;
	p3 =	por p0, p0;
	s30 =	sadd.s32 $0x3, s15  }
0x57: {  	s31 =	sadd.s32 $0x4, s15;
	s26 =	simm.s32 $0x1;
	s24 =	simm.s32 $0x18  }
0x58: {  	s26 =	simm.s32 @!p1 $0x2;
	s16 =	smul.u32 $0x26000, s29;
	s18 =	simm.s32 $0x0  }
0x59: {  	p1 =	por p4, p4;
	p4 =	por $0x0, $0x0;
	s19 =	smul.u32 @!p2 $0x2600, s18  }
0x5a: {  	s20 =	simm.s32 @!p2 $0x1;
	s21 =	simm.s32 @!p2 $0x80;
	p6 =	por p2, p2;
	v1 =	vmov s22  }
0x5b: {  	s16 =	sshrl.u32 s16, $0x2;
	s20 =	smov.u32 @p2 s18;
	s18 =	spop (v2sf);
	vm14 =	vgt.u32 v1, v0  }
0x5c: {  	s16 =	sor.u32 $0x40, s16;
	s19 =	sshra.s32 @!p2 s19, $0x2;
	s18 =	simm.s32 @p3 $0xFFFFFFFF  }
0x5d: {  	s23 =	spop (v2sf);
	p3 =	por p4, p4;
	p4 =	por p6, p6  }
0x5e: {  	v4 =	vmov s26;
	p6 =	por $0x0, $0x0;
	p0 =	seq.s32 s23, s18;
	s26 =	simm.s32 @!p3 $0x0  }
0x5f: {  	s18 =	smul.u32 @!p0 $0x2600, s20;
	s25 =	sadd.s32 @!p0 $0x1, s20;
	s26 =	simm.s32 @p3 $0x1;
	vm1 =	vgt.s32 @!p0 v2, $0x0  }
0x60: {  	[smem:$0x7FC] =	sst s26;
	v2 =	vnsel @!p0 vm1, $0x0, v2;
	s26 =	spop @!p2 (v2sf);
	p2 =	por p0, p0  }
0x61: {  	s22 =	simm.s32 $0x14;
	s25 =	smov.u32 @p0 s20;
	v2 =	vmin.u32 @!p0 v2, $0x270F;
	v1 =	vld.msk [tilespmem:s30+$0x0 ss:$0x1], vm14;
	s23 =	simm.s32 @!p2 $0x0  }
0x62: {  	vm15 =	vgt.u32 v4, v0;
	s20 =	sshra.s32 @!p0 s18, $0x2;
	(v2sf) =	vpush @!p0 v2, $0x0;
	s28 =	sshrl.u32 @!p4 s26, $0x3;
	s23 =	simm.s32 @p2 $0x1  }
0x63: {  	s26 =	sshll.u32 @!p4 s26, $0x7;
	[smem:$0x7FD] =	sst s23;
	s23 =	spop (v2sf)  }
0x64: {  	s28 =	smul.u32 @!p4 $0x4C00, s28;
	s23 =	simm.s32 @p1 $0xFFFFFFFF;
	s29 =	spop (v2sf)  }
0x65: {  	s18 =	simm.s32 @!p0 $0x80;
	s26 =	sand.u32 @!p4 $0x380, s26;
	p3 =	seq.s32 s29, s23  }
0x66: {  	s30 =	simm.s32 $0x1;
	(v2sf) =	vpush v1, $0x1;
	s28 =	sor.u32 @!p4 s26, s28;
	vm1 =	vgt.s32 @!p3 v3, $0x0;
	s29 =	smul.u32 @!p3 $0x2600, s25  }
0x67: {  	s30 =	simm.s32 @!p6 $0x2;
	(v2sf) =	vpush v1, $0x0;
	s28 =	sshrl.u32 @!p4 s28, $0x3;
	s23 =	sadd.s32 @!p3 $0x1, s25;
	v4 =	vnsel @!p3 vm1, $0x0, v3  }
0x68: {  	v2 =	vld.msk [tilespmem:s31+$0x0 ss:$0x1], vm15;
	s23 =	smov.u32 @p3 s25;
	v3 =	vmov s30;
	s25 =	simm.s32 @!p3 $0x80;
	v4 =	vmin.u32 @!p3 v4, $0x270F;
	s26 =	sshra.s32 @!p3 s29, $0x2  }
.LBB2_3:
0x69: {  	s29 =	smov.u32 s23;
	p2 =	por p0, p0  }
0x6a: {  	s23 =	sadd.s32 @!p4 s4, s28;
	s28 =	sadd.s32 @!p4 s19, s16;
	s31 =	sld [smem:$0x7FC]  }
0x6b: {  	[tilespmem:s28], [sflag:$0x1] =	stream.strided.gather @!p4 [hbm:s23], $0x980, s21, s21, $0x38;
	[tilespmem:$0x13040] =	vst v63  }
0x6c: {  	s21 =	smov.u32 s18;
	s18 =	smov.u32 s25;
	s25 =	sld [smem:$0x7FD]  }
0x6d: {  	p0 =	por p3, p3;
	s30 =	smov.u32 s24;
	s24 =	sadd.s32 $0x4, s24  }
0x6e: {  	(v2sf) =	vpush @!p3 v4, $0x0;
	s19 =	smov.u32 s20;
	p3 =	por p5, p5;
	p1 =	seq.s32 s31, $0x1  }
0x6f: {  	p5 =	por p1, p1;
	p1 =	por p6, p6;
	p6 =	seq.s32 s25, $0x1  }
0x70: {  	s20 =	smov.u32 s26;
	s26 =	simm.s32 @!p1 $0x0;
	p4 =	por p6, p6  }
0x71: {  	p6 =	por p0, p0;
	s25 =	spop @!p2 (v2sf);
	s26 =	simm.s32 @p1 $0x1  }
0x72: {  	vm0 =	vgt.u32 v3, v0;
	p1 =	sne.s32 s24, $0x40;
	s23 =	simm.s32 @!p6 $0x0;
	s28 =	sshrl.u32 @!p4 s25, $0x3  }
0x73: {  	s25 =	sshll.u32 @!p4 s25, $0x7;
	[smem:$0x7FC] =	sst s26;
	s23 =	simm.s32 @p6 $0x1  }
0x74: {  	s26 =	sshra.s32 s22, $0x2;
	s22 =	smov.u32 s30;
	s25 =	sand.u32 @!p4 $0x380, s25  }
0x75: {  	[smem:$0x7FD] =	sst s23;
	s23 =	sadd.s32 s26, s15;
	s26 =	spop (v2sf)  }
.Ltmp3:
0x76: {  	s26 =	simm.s32 @p3 $0xFFFFFFFF;
	s31 =	spop (v2sf);
	(pc) =	sbr.rel @p1 .LBB2_3-.Ltmp3, $4  }
0x77: {  	s30 =	simm.s32 $0x1;
	p3 =	seq.s32 s31, s26;
	s26 =	smul.u32 @!p4 $0x4C00, s28  }
0x78: {  	(v2sf) =	vpush v2, $0x1;
	v3 =	vmov v2;
	p6 =	seq.s32 s22, $0x3C;
	v2 =	vld.msk [tilespmem:s23+$0x0 ss:$0x1], vm0;
	vm0 =	vgt.s32 @!p3 v1, $0x0;
	s28 =	smul.u32 @!p3 $0x2600, s29;
	s23 =	sadd.s32 @!p3 $0x1, s29  }
0x79: {  	s30 =	simm.s32 @!p6 $0x2;
	v4 =	vnsel @!p3 vm0, $0x0, v1;
	s23 =	smov.u32 @p3 s29;
	s29 =	sor.u32 @!p4 s25, s26  }
0x7a: {  	(v2sf) =	vpush v3, $0x0;
	v1 =	vmovc v3;
	v3 =	vmov s30;
	s25 =	simm.s32 @!p3 $0x80;
	v4 =	vmin.u32 @!p3 v4, $0x270F;
	s26 =	sshra.s32 @!p3 s28, $0x2;
	s28 =	sshrl.u32 @!p4 s29, $0x3  }
0x7b: {  	_ =	sdelay $0x3  }
0x7c: {  	vm0 =	vgt.u32 v3, v0;
	_ =	sdelay $0x2  }
0x7d: {  	(v2sf) =	vpush @!p3 v4, $0x0  }
0x7e: {  	s22 =	sshra.s32 s22, $0x2  }
0x7f: {  	s22 =	sadd.s32 s22, s15;
	(v2sf) =	vpush v2, $0x1  }
0x80: {  	s19 =	sadd.s32 @!p4 s19, s16;
	s24 =	spop @!p0 (v2sf);
	(v2sf) =	vpush v2, $0x0;
	v3 =	vld.msk [tilespmem:s22+$0x0 ss:$0x1], vm0;
	s22 =	sadd.s32 @!p4 s4, s28  }
0x81: {  	[tilespmem:s19], [sflag:$0x1] =	stream.strided.gather @!p4 [hbm:s22], $0x980, s21, s21, $0x38;
	[tilespmem:$0x13040] =	vst v63  }
0x82: {  	s19 =	sld [smem:$0x7FD]  }
0x83: {  	p0 =	por p5, p5;
	s29 =	spop (v2sf)  }
0x84: {  	s29 =	simm.s32 @p0 $0xFFFFFFFF;
	s30 =	spop (v2sf)  }
0x85: {  	p1 =	seq.s32 s19, $0x1;
	p0 =	seq.s32 s30, s29  }
0x86: {  	p2 =	por p1, p1;
	vm0 =	vgt.s32 @!p0 v1, $0x0  }
0x87: {  	s19 =	sshrl.u32 @!p2 s24, $0x3;
	v1 =	vnsel @!p0 vm0, $0x0, v1  }
0x88: {  	s21 =	sshll.u32 @!p2 s24, $0x7;
	s19 =	smul.u32 @!p2 $0x4C00, s19;
	s29 =	sld [smem:$0x7FC];
	v1 =	vmin.u32 @!p0 v1, $0x270F  }
0x89: {  	s21 =	sand.u32 @!p2 $0x380, s21;
	(v2sf) =	vpush @!p0 v1, $0x0  }
0x8a: {  	s19 =	sor.u32 @!p2 s21, s19;
	(v2sf) =	vpush v3, $0x1  }
0x8b: {  	s20 =	sadd.s32 @!p2 s20, s16;
	s19 =	sshrl.u32 @!p2 s19, $0x3;
	p5 =	seq.s32 s29, $0x1;
	(v2sf) =	vpush v3, $0x0  }
0x8c: {  	s22 =	spop @!p3 (v2sf);
	s19 =	sadd.s32 @!p2 s4, s19;
	p1 =	por p5, p5  }
0x8d: {  	[tilespmem:s20], [sflag:$0x1] =	stream.strided.gather @!p2 [hbm:s19], $0x980, s18, s18, $0x38;
	[tilespmem:$0x13040] =	vst v63  }
0x8e: {  	s24 =	spop (v2sf);
	p1 =	por p1, p1  }
0x8f: {  	p4 =	por p3, p3;
	s30 =	spop (v2sf);
	s24 =	simm.s32 @p1 $0xFFFFFFFF  }
0x90: {  	p3 =	por p4, p4;
	p1 =	seq.s32 s30, s24  }
0x91: {  	s18 =	sshrl.u32 @!p3 s22, $0x3;
	vm0 =	vgt.s32 @!p1 v2, $0x0  }
0x92: {  	s19 =	sshll.u32 @!p3 s22, $0x7;
	s18 =	smul.u32 @!p3 $0x4C00, s18;
	v1 =	vnsel @!p1 vm0, $0x0, v2  }
0x93: {  	s19 =	sand.u32 @!p3 $0x380, s19;
	v1 =	vmin.u32 @!p1 v1, $0x270F  }
0x94: {  	s18 =	sor.u32 @!p3 s19, s18;
	(v2sf) =	vpush @!p1 v1, $0x0  }
0x95: {  	s18 =	sshrl.u32 @!p3 s18, $0x3  }
0x96: {  	p5 =	por p6, p6;
	s19 =	sadd.s32 @!p3 s26, s16;
	s18 =	sadd.s32 @!p3 s4, s18  }
0x97: {  	[tilespmem:s19], [sflag:$0x1] =	stream.strided.gather @!p3 [hbm:s18], $0x980, s25, s25, $0x38;
	[tilespmem:$0x13040] =	vst v63  }
0x98: {  	p2 =	por p5, p5;
	s20 =	spop @!p0 (v2sf)  }
0x99: {  	p2 =	por p2, p2;
	s21 =	spop (v2sf)  }
0x9a: {  	p6 =	por p0, p0;
	s21 =	simm.s32 @p2 $0xFFFFFFFF;
	s31 =	spop (v2sf)  }
0x9b: {  	p3 =	por p6, p6;
	p2 =	seq.s32 s31, s21  }
0x9c: {  	s18 =	sshrl.u32 @!p3 s20, $0x3;
	vm0 =	vgt.s32 @!p2 v3, $0x0  }
0x9d: {  	s19 =	sshll.u32 @!p3 s20, $0x7;
	s18 =	smul.u32 @!p3 $0x4C00, s18;
	v1 =	vnsel @!p2 vm0, $0x0, v3  }
0x9e: {  	s20 =	smul.u32 @!p0 $0x2600, s23;
	s19 =	sand.u32 @!p3 $0x380, s19;
	v1 =	vmin.u32 @!p2 v1, $0x270F  }
0x9f: {  	s18 =	sor.u32 @!p3 s19, s18;
	(v2sf) =	vpush @!p2 v1, $0x0  }
0xa0: {  	p5 =	por p1, p1;
	s19 =	sshra.s32 @!p0 s20, $0x2;
	s18 =	sshrl.u32 @!p3 s18, $0x3  }
0xa1: {  	s20 =	simm.s32 @!p0 $0x80;
	s19 =	sadd.s32 @!p3 s19, s16;
	s18 =	sadd.s32 @!p3 s4, s18  }
0xa2: {  	[tilespmem:s19], [sflag:$0x1] =	stream.strided.gather @!p3 [hbm:s18], $0x980, s20, s20, $0x38;
	[tilespmem:$0x13040] =	vst v63  }
0xa3: {  	p3 =	por p5, p5;
	s18 =	spop @!p1 (v2sf)  }
0xa4: {  	s19 =	sadd.s32 @!p0 $0x1, s23;
	s20 =	sshrl.u32 @!p3 s18, $0x3  }
0xa5: {  	s19 =	smov.u32 @p0 s23;
	s18 =	sshll.u32 @!p3 s18, $0x7;
	s20 =	smul.u32 @!p3 $0x4C00, s20  }
0xa6: {  	s21 =	smul.u32 @!p1 $0x2600, s19;
	s18 =	sand.u32 @!p3 $0x380, s18  }
0xa7: {  	s18 =	sor.u32 @!p3 s18, s20  }
0xa8: {  	s20 =	sshra.s32 @!p1 s21, $0x2;
	s18 =	sshrl.u32 @!p3 s18, $0x3  }
0xa9: {  	s21 =	simm.s32 @!p1 $0x80;
	s20 =	sadd.s32 @!p3 s20, s16;
	s18 =	sadd.s32 @!p3 s4, s18  }
0xaa: {  	[tilespmem:s20], [sflag:$0x1] =	stream.strided.gather @!p3 [hbm:s18], $0x980, s21, s21, $0x38;
	[tilespmem:$0x13040] =	vst v63  }
0xab: {  	s20 =	sadd.s32 @!p1 $0x1, s19  }
0xac: {  	s20 =	smov.u32 @p1 s19  }
0xad: {  	p6 =	por p2, p2;
	s22 =	sadd.s32 @!p2 $0x1, s20  }
0xae: {  	p0 =	por p6, p6;
	s22 =	smov.u32 @p2 s20;
	s18 =	spop @!p2 (v2sf)  }
0xaf: {  	s22 =	smul.u32 $0x2600, s22;
	s21 =	sshrl.u32 @!p0 s18, $0x3  }
0xb0: {  	s18 =	sshll.u32 @!p0 s18, $0x7;
	s19 =	smul.u32 @!p0 $0x4C00, s21  }
0xb1: {  	s21 =	smul.u32 @!p2 $0x2600, s20;
	s18 =	sand.u32 @!p0 $0x380, s18  }
0xb2: {  	s18 =	sor.u32 @!p0 s18, s19  }
0xb3: {  	s23 =	sshrl.u32 s22, $0x2;
	s19 =	sshra.s32 @!p2 s21, $0x2;
	s18 =	sshrl.u32 @!p0 s18, $0x3  }
0xb4: {  	s20 =	simm.s32 @!p2 $0x80;
	s19 =	sadd.s32 @!p0 s19, s16;
	s18 =	sadd.s32 @!p0 s4, s18  }
0xb5: {  	[tilespmem:s19], [sflag:$0x1] =	stream.strided.gather @!p0 [hbm:s18], $0x980, s20, s20, $0x38;
	[tilespmem:$0x13040] =	vst v63  }
0xb6: {  	_ =	swait.ge [sflag:s7], s23  }
0xb7: {  	s18 =	ssub.s32 $0x0, s23;
	[sflag:s7] =	ssyncset.done $0x0  }
0xb8: {  	s24 =	sadd.s32 $0x0, s17;
	[sflag:s7] =	ssyncadd.s32 s18  }
0xb9: {  	v1 =	vld.msk [tilespmem:s24+$0x0 ss:$0x1], $0x1;
	_ =	sdelay $0x4  }
0xba: {  	(v2sf) =	vpush v1, $0x0;
	_ =	sdelay $0xd  }
0xbb: {  	p1 =	por $0x0, $0x0;
	s19 =	simm.s32 $0x1  }
0xbc: {  	s19 =	simm.s32 @!p1 $0x2;
	s25 =	spop (v2sf)  }
0xbd: {  	v1 =	vmov s19;
	s26 =	sshrl.u32 s25, $0x3  }
0xbe: {  	s18 =	simm.s32 $0x0;
	vm15 =	vgt.u32 v1, v0;
	s20 =	sshll.u32 s25, $0x7;
	s28 =	smul.u32 $0x4C00, s26  }
0xbf: {  	s29 =	smul.u32 $0x2600, s18;
	s20 =	sand.u32 $0x380, s20  }
0xc0: {  	s19 =	sor.u32 s20, s28  }
0xc1: {  	s30 =	sshra.s32 s29, $0x2;
	s19 =	sshrl.u32 s19, $0x3  }
0xc2: {  	s31 =	sadd.s32 $0x0, s15;
	s20 =	sadd.s32 s30, s16;
	s19 =	sadd.s32 s6, s19  }
0xc3: {  	[hbm:s19] =	stream.strided.scatter [tilespmem:s20], [sflag:$0x3], $0x980, s12, s12, $0x38;
	[tilespmem:$0x13040] =	vst v63  }
0xc4: {  	s21 =	simm.s32 $0x4;
	s19 =	simm.s32 $0x1;
	s20 =	simm.s32 $0x8;
	v1 =	vld.msk [tilespmem:s31+$0x0 ss:$0x1], vm15  }
.LBB2_5:
0xc5: {  	p0 =	sne.s32 s20, $0x3C;
	s22 =	sadd.s32 s19, s17  }
0xc6: {  	v2 =	vld.msk [tilespmem:s22+$0x0 ss:$0x1], $0x1;
	_ =	sdelay $0x3  }
0xc7: {  	(v2sf) =	vpush v1, $0x1  }
0xc8: {  	(v2sf) =	vpush v1, $0x0  }
0xc9: {  	(v2sf) =	vpush v2, $0x0;
	_ =	sdelay $0xc  }
0xca: {  	s22 =	spop (v2sf)  }
0xcb: {  	s23 =	simm.s32 $0x1;
	s22 =	simm.s32 @p1 $0xFFFFFFFF;
	p1 =	seq.s32 s21, $0x3C  }
0xcc: {  	s21 =	spop (v2sf);
	s23 =	simm.s32 @!p1 $0x2  }
0xcd: {  	s24 =	spop (v2sf);
	p2 =	sne.s32 s21, s22;
	v1 =	vmov s23;
	s23 =	simm.s32 $0x1  }
0xce: {  	s21 =	smov.u32 s20;
	s22 =	sshrl.u32 s24, $0x3;
	s23 =	simm.s32 @!p2 $0x0  }
0xcf: {  	s24 =	sshll.u32 s24, $0x7;
	s22 =	smul.u32 $0x4C00, s22;
	vm0 =	vgt.u32 v1, v0;
	s18 =	sadd.s32 s23, s18  }
0xd0: {  	s23 =	sand.u32 $0x380, s24;
	s24 =	smul.u32 $0x2600, s18  }
.Ltmp4:
0xd1: {  	s22 =	sor.u32 s23, s22;
	(pc) =	sbr.rel @p0 .LBB2_5-.Ltmp4, $4  }
0xd2: {  	s22 =	sshrl.u32 s22, $0x3;
	s23 =	sshra.s32 s24, $0x2  }
0xd3: {  	s22 =	sadd.s32 s6, s22;
	s24 =	sadd.s32 s19, s15;
	s23 =	sadd.s32 s23, s16  }
0xd4: {  	[hbm:s22] =	stream.strided.scatter [tilespmem:s23], [sflag:$0x3], $0x980, s12, s12, $0x38;
	[tilespmem:$0x13040] =	vst v63  }
0xd5: {  	s20 =	sadd.s32 $0x4, s20;
	s19 =	sshra.s32 s21, $0x2;
	v1 =	vld.msk [tilespmem:s24+$0x0 ss:$0x1], vm0  }
.Ltmp5:
0xd6: {  	_ = 	snop;
	(pc) =	sbr.rel .LBB2_6-.Ltmp5, $1  }
0xd7: {  	_ =	sdelay $0x3  }
.LBB2_8:
0xd8: {  	_ =	sfence.sel $0x180000  }
0xd9: {  	s2 =	simm.s32 $0x2;
	[bflag:$0x0] =	sbarrier.arrive $0xFFFF  }
0xda: {  	s30 =	simm.s32 $0x3;
	[sflag:s2] =	ssyncpa.u1 $0x1  }
0xdb: {  	s31 =	simm.s32 $0x1;
	[sflag:s30] =	ssyncpa.u1 $0x1  }
0xdc: {  	[sflag:s31] =	ssyncpa.u1 $0x1  }
0xdd: {  	p0 =	sne.s32 s0, $0x0;
	_ =	strace $0x90000053  }
0xde: {  	s0 =	sadd.s32 @!p0 $0x100000, s1;
	[bflag:$0x2] =	sbarrier.arrive $0xFFFF  }
0xdf: {  	[sflag:s0] =	ssyncadd.tile.s32 @!p0 $0x1;
	_ =	shalt  }
.Lfunc_end2:
_tile_overlayer_lowered:
.L_overlay_start_2:
0xe0: {  	(tag) =	ssettag $0x2  }
0xe1: {  	s0 =	rddreg [dreg:$0x0];
	s2 =	stileid.u32  }
0xe2: {  	s1 =	rddreg [dreg:$0x1];
	p0 =	sne.s32 s2, $0x0  }
0xe3: {  	s3 =	rddreg [dreg:$0x2];
	[bflag:$0x3] =	sbarrier.arrive $0xFFFF;
	s2 =	simm.s32 @!p0 $0x1C01  }
0xe4: {  	[timem:s3], [sflag:s2] =	dma.local @!p0 [hbm:s0], s1  }
0xe5: {  	s0 =	simm.s32 @!p0 $0x1  }
0xe6: {  	_ =	swait.ge @!p0 [sflag:s0], s1  }
0xe7: {  	s1 =	ssub.s32 @!p0 $0x0, s1;
	[sflag:s0] =	ssyncset.done @!p0 $0x0  }
0xe8: {  	[sflag:s0] =	ssyncadd.s32 @!p0 s1  }
0xe9: {  	[bflag:$0x3] =	sbarrier.arrive $0xFFFF  }
0xea: {  	_ =	shalt  }

// kernel: gather_offload_async_start.5
scs
__scs_entry_jumppad:
0x0: {  	(pc) =	sbr.rel $0x88, $3  }
0x1: {  	(tag) =	ssettag $0x0;
	lr =	simm.s32 $0x1  }
0x2: {  	[smem:$0x3F7E] =	sst lr;
	_ =	strace $0xD0000000  }
0x3: {  	_ = 	snop  }
0x4: {  	_ = 	snop  }
0x5: {  	_ = 	snop  }
0x6: {  	_ = 	snop  }
0x7: {  	_ = 	snop  }
__scs_overlays_trampoline_lowered:
0x8: {  	[smem:$0x3F8D] =	sst s0  }
0x9: {  	[smem:$0x3F8E] =	sst s1  }
0xa: {  	[smem:$0x3F8F] =	sst s2  }
0xb: {  	[smem:$0x3F90] =	sst s3  }
0xc: {  	[smem:$0x3F91] =	sst s4  }
0xd: {  	[smem:$0x3F92] =	sst s5  }
0xe: {  	[smem:$0x3F93] =	sst s6  }
0xf: {  	[smem:$0x3F94] =	sst s7  }
0x10: {  	[smem:$0x3F95] =	sst s8  }
0x11: {  	[smem:$0x3F96] =	sst s9;
	s0 =	simm.s32 @!p0 $0x0  }
0x12: {  	s1 =	sld [smem:$0x3F7C];
	s0 =	simm.s32 @p0 $0x1  }
0x13: {  	[smem:$0x3F97] =	sst s0;
	s0 =	simm.s32 @!p1 $0x0  }
0x14: {  	s2 =	sld [smem:$0x3F7B];
	s0 =	simm.s32 @p1 $0x1  }
0x15: {  	[smem:$0x3F98] =	sst s0;
	s0 =	simm.s32 @!p2 $0x0  }
0x16: {  	s3 =	sld [smem:$0x3FDB];
	s0 =	simm.s32 @p2 $0x1  }
0x17: {  	s4 =	simm.s32 $0x1BF5;
	[smem:$0x3F9A] =	sst s0  }
0x18: {  	s0 =	sld [smem:$0x3F7D];
	_ =	swait.ge [sflag:s4], $0x0  }
0x19: {  	s7 =	sld [smem:$0x3F7E]  }
0x1a: {  	s8 =	sadd.s32 $0xFFFFE003, lr  }
0x1b: {  	s9 =	sadd.s32 $0xFFFFFEF7, lr;
	s5 =	simm.s32 $0xFFFFFFFF;
	p2 =	slt.u32 s8, $0xFFFFF086  }
0x1c: {  	p1 =	slt.u32 s9, $0xF7A;
	s5 =	simm.s32 @!p2 $0x0  }
0x1d: {  	s5 =	simm.s32 @p1 $0x1;
	p0 =	seq.s32 s7, s2  }
0x1e: {  	s7 =	smul.u32 @!p0 $0xF7A, s2;
	p2 =	seq.s32 @!p0 s5, $0x0  }
0x1f: {  	s9 =	smul.u32 $0xF7A, s1;
	s8 =	simm.s32 @!p0 $0x1BF5;
	p2 =	por !p2, p0  }
0x20: {  	[sflag:s8] =	ssyncset.s32 @!p0 $0xFFFFF086;
	s6 =	sadd.s32 @!p0 s3, s7;
	s7 =	simm.s32 @!p0 $0x108  }
0x21: {  	s3 =	sadd.s32 s3, s9;
	s6 =	sadd.s32 @!p0 $0x88, s6;
	s7 =	simm.s32 @p2 $0x1082  }
0x22: {  	[simem:s7], [sflag:s8] =	dma.local @!p0 [hbm:s6], $0xF7A  }
0x23: {  	s9 =	sor.u32 $0xD0000000, s2;
	s6 =	simm.s32 $0x108;
	_ =	swait.ge @!p0 [sflag:s8], $0x0  }
0x24: {  	s3 =	sadd.s32 $0x88, s3;
	s6 =	simm.s32 @!p1 $0x1082;
	[sflag:s4] =	ssyncset.s32 $0xFFFFF086  }
0x25: {  	[simem:s6], [sflag:s4] =	dma.local [hbm:s3], $0xF7A  }
0x26: {  	[smem:$0x3F7E] =	sst s1;
	(tag) =	ssettag s2;
	_ =	strace s9  }
0x27: {  	s1 =	sld [smem:$0x3F8E]  }
0x28: {  	s2 =	sld [smem:$0x3F8F]  }
0x29: {  	s4 =	sld [smem:$0x3F91]  }
0x2a: {  	p0 =	seq.s32 s5, $0x0;
	s5 =	sld [smem:$0x3F92]  }
0x2b: {  	s6 =	sld [smem:$0x3F93]  }
0x2c: {  	s7 =	sld [smem:$0x3F94]  }
0x2d: {  	s3 =	simm.s32 $0x108;
	s8 =	sld [smem:$0x3F95]  }
0x2e: {  	s3 =	simm.s32 @!p0 $0x1082;
	s9 =	sld [smem:$0x3F96]  }
0x2f: {  	lr =	sadd.s32 s0, s3;
	s0 =	sld [smem:$0x3F8D]  }
0x30: {  	s3 =	sld [smem:$0x3F90]  }
0x31: {  	[smem:$0x3F99] =	sst s10  }
0x32: {  	s10 =	sld [smem:$0x3F97];
	_ =	sdelay $0x3  }
0x33: {  	p0 =	seq.s32 s10, $0x1;
	s10 =	sld [smem:$0x3F99];
	_ =	sdelay $0x3  }
0x34: {  	[smem:$0x3F99] =	sst s10  }
0x35: {  	s10 =	sld [smem:$0x3F98];
	_ =	sdelay $0x3  }
0x36: {  	p1 =	seq.s32 s10, $0x1;
	s10 =	sld [smem:$0x3F99];
	_ =	sdelay $0x3  }
0x37: {  	[smem:$0x3F99] =	sst s10  }
0x38: {  	s10 =	sld [smem:$0x3F9A]  }
0x39: {  	_ = 	snop;
	(pc) =	sbr.ind lr, $3  }
0x3a: {  	_ = 	snop  }
0x3b: {  	_ = 	snop  }
0x3c: {  	p2 =	seq.s32 s10, $0x1;
	s10 =	sld [smem:$0x3F99]  }
0x3d: {  	_ =	shalt  }
0x3e: {  	_ =	shalt  }
0x3f: {  	_ =	shalt  }
0x40: {  	_ =	shalt  }
0x41: {  	_ =	shalt  }
0x42: {  	_ =	shalt  }
0x43: {  	_ =	shalt  }
0x44: {  	_ =	shalt  }
0x45: {  	_ =	shalt  }
0x46: {  	_ =	shalt  }
0x47: {  	_ =	shalt  }
0x48: {  	_ =	shalt  }
0x49: {  	_ =	shalt  }
0x4a: {  	_ =	shalt  }
0x4b: {  	_ =	shalt  }
0x4c: {  	_ =	shalt  }
0x4d: {  	_ =	shalt  }
0x4e: {  	_ =	shalt  }
0x4f: {  	_ =	shalt  }
0x50: {  	_ =	shalt  }
0x51: {  	_ =	shalt  }
0x52: {  	_ =	shalt  }
0x53: {  	_ =	shalt  }
0x54: {  	_ =	shalt  }
0x55: {  	_ =	shalt  }
0x56: {  	_ =	shalt  }
0x57: {  	_ =	shalt  }
0x58: {  	_ =	shalt  }
0x59: {  	_ =	shalt  }
0x5a: {  	_ =	shalt  }
0x5b: {  	_ =	shalt  }
0x5c: {  	_ =	shalt  }
0x5d: {  	_ =	shalt  }
0x5e: {  	_ =	shalt  }
0x5f: {  	_ =	shalt  }
0x60: {  	_ =	shalt  }
0x61: {  	_ =	shalt  }
0x62: {  	_ =	shalt  }
0x63: {  	_ =	shalt  }
0x64: {  	_ =	shalt  }
0x65: {  	_ =	shalt  }
0x66: {  	_ =	shalt  }
0x67: {  	_ =	shalt  }
0x68: {  	_ =	shalt  }
0x69: {  	_ =	shalt  }
0x6a: {  	_ =	shalt  }
0x6b: {  	_ =	shalt  }
0x6c: {  	_ =	shalt  }
0x6d: {  	_ =	shalt  }
0x6e: {  	_ =	shalt  }
0x6f: {  	_ =	shalt  }
0x70: {  	_ =	shalt  }
0x71: {  	_ =	shalt  }
0x72: {  	_ =	shalt  }
0x73: {  	_ =	shalt  }
0x74: {  	_ =	shalt  }
0x75: {  	_ =	shalt  }
0x76: {  	_ =	shalt  }
0x77: {  	_ =	shalt  }
0x78: {  	_ =	shalt  }
0x79: {  	_ =	shalt  }
0x7a: {  	_ =	shalt  }
0x7b: {  	_ =	shalt  }
0x7c: {  	_ =	shalt  }
0x7d: {  	_ =	shalt  }
0x7e: {  	_ =	shalt  }
0x7f: {  	_ =	shalt  }
0x80: {  	_ =	shalt  }
0x81: {  	_ =	shalt  }
0x82: {  	_ =	shalt  }
0x83: {  	_ =	shalt  }
0x84: {  	_ =	shalt  }
0x85: {  	_ =	shalt  }
0x86: {  	_ =	shalt  }
0x87: {  	_ =	shalt  }
.Lfunc_end0:
.L_simem_size_0:
called_computation.7_lowered:
.L_overlay_start_0:
0x88: {  	s2 =	sld [smem:$0x3FD9]  }
0x89: {  	s3 =	sld [smem:$0x3FFE];
	_ =	sdelay $0x1  }
0x8a: {  	s1 =	srdreg.scid  }
0x8b: {  	s0 =	sand.u32 $0x1, s1  }
0x8c: {  	s17 =	sshll.u32 s0, $0xA;
	s2 =	sadd.s32 s3, s2  }
0x8d: {  	s2 =	sadd.s32 s2, s17  }
0x8e: {  	[smem:$0x3FA5] =	sst s2  }
0x8f: {  	_ = 	snop  }
0x90: {  	(tm) =	ssettm $0x1  }
0x91: {  	s18 =	sld [smem:$0x3FFB];
	_ =	sdelay $0x3  }
0x92: {  	_ =	strace s18  }
0x93: {  	s2 =	sld [smem:$0x3FFC];
	_ =	sdelay $0x3  }
0x94: {  	_ =	strace s2  }
0x95: {  	s2 =	sld [smem:$0x3FFD];
	_ =	sdelay $0x3  }
0x96: {  	_ =	strace s2  }
0x97: {  	_ =	strace $0x8FFFFFFF  }
0x98: {  	s19 =	sld [smem:$0x3FDB];
	_ =	sdelay $0x1  }
0x99: {  	s20 =	simm.s32 $_scs_section_size  }
0x9a: {  	s4 =	simm.s32 $_size__tile_overlayer_lowered;
	s5 =	simm.s32 $_tile_overlayer_lowered  }
0x9b: {  	s6 =	simm.s32 $0x1BFF;
	s21 =	sshll.u32 s5, $0x1;
	s3 =	sadd.s32 s20, s19  }
0x9c: {  	s22 =	simm.s32 $0x0;
	s4 =	sshll.u32 s4, $0x1;
	s5 =	sadd.s32 s21, s3  }
0x9d: {  	[timem:s22], [sflag:s6] =	dma.local [hbm:s5], s4  }
0x9e: {  	_ =	swait.ge [sflag:s6], s4  }
0x9f: {  	s4 =	ssub.s32 $0x0, s4;
	[sflag:s6] =	ssyncset.done $0x0  }
0xa0: {  	[sflag:s6] =	ssyncadd.s32 s4;
	_ =	sdelay $0x1  }
0xa1: {  	s23 =	simm.s32 $0x1B8B  }
0xa2: {  	_ =	swait.ge [sflag:s23], $0x1  }
0xa3: {  	[sflag:s23] =	ssyncset.done $0x0  }
0xa4: {  	[sflag:s23] =	ssyncadd.s32 $0xFFFFFFFF  }
0xa5: {  	s4 =	sld [smem:$0x0]  }
0xa6: {  	s5 =	sand.u32 $0xFFFFFFFE, s1  }
0xa7: {  	p0 =	sne.s32 s1, s5  }
0xa8: {  	s5 =	sshll.u32 @p0 s5, $0xE  }
0xa9: {  	s5 =	sadd.s32 @p0 $0x11B8D, s5;
	s6 =	sshll.u32 @p0 s4, $0x11  }
0xaa: {  	s5 =	sor.u32 @p0 s6, s5  }
0xab: {  	[sflag:s5] =	ssyncadd.remote.s32 @p0 $0x1;
	_ =	sdelay $0x1  }
0xac: {  	s5 =	simm.s32 @p0 $0x1B8D  }
0xad: {  	_ =	swait.eq @p0 [sflag:s5], $0x1  }
0xae: {  	[sflag:s5] =	ssyncadd.s32 @p0 $0xFFFFFFFF  }
0xaf: {  	s6 =	sshll.u32 @!p0 s1, $0xE  }
0xb0: {  	s6 =	sor.u32 @!p0 $0x4000, s6;
	s5 =	simm.s32 @!p0 $0x1B8D  }
0xb1: {  	s4 =	sshll.u32 @!p0 s4, $0x11;
	s6 =	sadd.s32 @!p0 $0x11B8D, s6;
	_ =	swait.eq @!p0 [sflag:s5], $0x1  }
0xb2: {  	s4 =	sor.u32 @!p0 s4, s6;
	[sflag:s5] =	ssyncadd.s32 @!p0 $0xFFFFFFFF  }
0xb3: {  	s25 =	simm.s32 $0x1B8E;
	s24 =	sld [smem:$0x3FFE];
	[sflag:s4] =	ssyncadd.remote.s32 @!p0 $0x1  }
0xb4: {  	s26 =	simm.s32 $execute0_lowered;
	[smem:$0x3FD2] =	sst s25  }
0xb5: {  	s5 =	sshll.u32 s26, $0x1;
	_ =	strace $0x8000004F;
	[dreg:$0x1] =	wrdreg $0xFFFFFFFF  }
0xb6: {  	s28 =	simm.s32 $_size_execute0_lowered;
	s3 =	sadd.s32 s3, s5;
	[dreg:$0x0] =	wrdreg $0x0  }
0xb7: {  	s5 =	sshll.u32 s28, $0x1;
	[dreg:$0x2] =	wrdreg s3  }
0xb8: {  	[dreg:$0x3] =	wrdreg s5  }
0xb9: {  	[dreg:$0x4] =	wrdreg $0xC0  }
0xba: {  	_ =	task [dreg:s22], $0x5FFFF  }
0xbb: {  	[dreg:$0x1] =	wrdreg $0xFFFFFFFF  }
0xbc: {  	[dreg:$0x0] =	wrdreg $0x60  }
0xbd: {  	[dreg:$0x2] =	wrdreg s24  }
0xbe: {  	[dreg:$0x3] =	wrdreg $0xB  }
0xbf: {  	_ =	task.clear_ibuf [dreg:s22], $0x4FFFF;
	_ =	strace $0x9000004F  }
0xc0: {  	s29 =	simm.s32 $0xB;
	_ =	strace $0x80000051  }
0xc1: {  	_ =	swait.ge [sflag:s29], $0x1  }
0xc2: {  	[sflag:s29] =	ssyncadd.s32 $0xFFFFFFFF  }
0xc3: {  	_ =	strace $0x90000051  }
0xc4: {  	_ =	sfence  }
0xc5: {  	s30 =	sld [smem:$0x0];
	_ =	sdelay $0x2  }
0xc6: {  	s31 =	sshll.u32 s1, $0xD;
	s1 =	sshrl.u32 s1, $0x2  }
0xc7: {  	s4 =	sand.u32 $0x4000, s31;
	s1 =	sadd.s32 s1, s30  }
0xc8: {  	s0 =	sor.u32 s4, s0;
	s1 =	sshll.u32 s1, $0x11  }
0xc9: {  	s0 =	sor.u32 s1, s0  }
0xca: {  	s0 =	sadd.s32 $0x8F2B, s0  }
0xcb: {  	[sflag:s0] =	ssyncadd.remote.s32 $0x1  }
0xcc: {  	_ =	sfence.sel $0xFFFF  }
0xcd: {  	[dreg:$0x0] =	wrdreg $0xFFFFFFFF;
	(pc) =	sbr.abs _section_cstart, $3  }
0xce: {  	[dreg:$0x1] =	wrdreg $0xFFFFFFFF  }
0xcf: {  	_ =	task.clear_ibuf [dreg:s22], $0x2FFFF;
	_ =	strace $0x9FFFFFFF  }
0xd0: {  	(tm) =	ssettm $0x7FFFFFFF  }
0xd1: {  	_ =	shalt  }
tec
execute0_lowered:
.L_overlay_start_1:
0x0: {  	(tag) =	ssettag $0x1  }
0x1: {  	s8 =	rddreg [dreg:$0x0]  }
0x2: {  	s0 =	rddreg [dreg:$0x1];
	s1 =	srdreg.scid;
	_ =	strace $0x80000050  }
0x3: {  	s4 =	simm.s32 $0x1;
	s6 =	simm.s32 $0x2;
	s10 =	simm.s32 $0x3  }
0x4: {  	p3 =	por $0x0, $0x0;
	s11 =	simm.s32 $0x80;
	s3 =	sshll.u32 s1, $0x4  }
.Ltmp0:
0x5: {  	s1 =	stileid.u32;
	s5 =	sand.u32 $0x10, s3;
	(pc) =	sbr.rel .LBB2_1-.Ltmp0, $4  }
0x6: {  	s2 =	sadd.s32 $0x6AFC00, s8;
	[sflag:s4] =	ssyncpa.u1 $0x0;
	s5 =	sor.u32 s1, s5  }
0x7: {  	s7 =	sadd.s32 $0x80F600, s8;
	[sflag:s6] =	ssyncpa.u1 $0x0;
	s5 =	smul.u32 $0x1388, s5  }
0x8: {  	s3 =	sadd.s32 $0x65C800, s8;
	s8 =	sadd.s32 $0x661800, s8;
	[sflag:s10] =	ssyncpa.u1 $0x0  }
0x9: {  	v0 =	vlaneseq.u32;
	s10 =	simm.s32 $0x0;
	s9 =	sadd.s32 $0x1388, s5;
	s12 =	smov.u32 s5  }
.LBB2_6:
0xa: {  	s15 =	sadd.s32 s17, s15  }
0xb: {  	v2 =	vld.msk [tilespmem:s15+$0x0 ss:$0x1], $0x1;
	_ =	sdelay $0x2  }
0xc: {  	(v2sf) =	vpush v1, $0x1  }
0xd: {  	(v2sf) =	vpush v1, $0x0  }
0xe: {  	(v2sf) =	vpush v2, $0x0;
	_ =	sdelay $0xc  }
0xf: {  	p0 =	seq.s32 s19, $0x9C;
	s18 =	simm.s32 $0x1;
	s15 =	spop (v2sf)  }
0x10: {  	s18 =	simm.s32 @!p0 $0x2;
	s15 =	simm.s32 @p1 $0xFFFFFFFF;
	s23 =	spop (v2sf)  }
0x11: {  	p0 =	sne.s32 s23, s15;
	s15 =	simm.s32 $0x1;
	s20 =	spop (v2sf)  }
0x12: {  	v1 =	vmov s18;
	s15 =	simm.s32 @!p0 $0x0;
	s24 =	sshrl.u32 s20, $0x3  }
0x13: {  	vm0 =	vgt.u32 v1, v0;
	s15 =	sadd.s32 s15, s16;
	s26 =	sshll.u32 s20, $0x7;
	s25 =	smul.u32 $0x2400, s24  }
0x14: {  	s15 =	smul.u32 $0x1200, s15;
	s28 =	sand.u32 $0x380, s26  }
0x15: {  	s16 =	sor.u32 s28, s25  }
0x16: {  	s15 =	sshra.s32 s15, $0x2;
	s16 =	sshrl.u32 s16, $0x3  }
0x17: {  	s13 =	sadd.s32 s17, s13;
	s14 =	sadd.s32 s15, s14;
	s29 =	sadd.s32 s7, s16  }
0x18: {  	[hbm:s29] =	stream.strided.scatter [tilespmem:s14], [sflag:$0x3], $0x480, s11, s11, $0x38;
	[tilespmem:$0x168A0] =	vst v63  }
0x19: {  	v1 =	vld.msk [tilespmem:s13+$0x0 ss:$0x1], vm0;
	_ =	sdelay $0x4  }
0x1a: {  	(v2sf) =	vpush v1, $0x1  }
0x1b: {  	(v2sf) =	vpush v1, $0x0;
	_ =	sdelay $0xb  }
0x1c: {  	s13 =	sld [smem:$0x7FB];
	_ =	sdelay $0x1  }
0x1d: {  	s30 =	spop (v2sf)  }
0x1e: {  	p3 =	seq.s32 s13, $0x1;
	s31 =	spop (v2sf)  }
.LBB2_7:
0x1f: {  	p0 =	slt.u32 s10, $0x2;
	s10 =	sadd.s32 $0x1, s10  }
0x20: {  	p2 =	sne.s32 s10, $0x7F  }
.Ltmp1:
0x21: {  	_ = 	snop;
	(pc) =	sbr.rel @!p2 .LBB2_8-.Ltmp1, $4  }
0x22: {  	s13 =	simm.s32 @!p0 $0x3  }
0x23: {  	s14 =	sadd.s32 $0x28, s12;
	_ =	swait.ge @!p0 [sflag:s13], $0xB400  }
0x24: {  	s12 =	smov.u32 s5;
	p1 =	slt.s32 s14, s9;
	[sflag:s13] =	ssyncset.done @!p0 $0x0  }
0x25: {  	p3 =	por !p3, !p3;
	s12 =	smov.u32 @p1 s14;
	[sflag:s13] =	ssyncadd.s32 @!p0 $0xFFFF4C00  }
.LBB2_1:
0x26: {  	p0 =	sgt.u32 s10, $0x7C  }
0x27: {  	s13 =	sxor.u32 @!p0 $0xFFFFFFFF, s10  }
0x28: {  	s13 =	sand.u32 @!p0 $0x1, s13  }
0x29: {  	s14 =	sshrl.u32 @!p0 s12, $0x3;
	s13 =	smul.u32 @!p0 $0x28, s13  }
0x2a: {  	s16 =	sand.u32 @!p0 $0x7, s12;
	s15 =	sadd.s32 @!p0 s3, s14  }
0x2b: {  	[tilespmem:s13], [sflag:$0x2] =	stream.linear.gather @!p0 [hbm4b:s15+s16], $0x28, $0x38;
	[tilespmem:$0x168A0] =	vst v63  }
0x2c: {  	s31 =	sadd.s32 $0xFFFFFFFF, s10;
	s14 =	sadd.s32 @!p0 s8, s14;
	s13 =	sadd.s32 @!p0 $0x50, s13  }
0x2d: {  	[tilespmem:s13], [sflag:$0x2] =	stream.linear.gather @!p0 [hbm4b:s14+s16], $0x28, $0x38;
	[tilespmem:$0x168A0] =	vst v63  }
0x2e: {  	p0 =	sgt.u32 s31, $0x7C  }
.Ltmp2:
0x2f: {  	_ = 	snop;
	(pc) =	sbr.rel @p0 .LBB2_7-.Ltmp2, $1  }
0x30: {  	_ =	sdelay $0x3  }
0x31: {  	p2 =	por $0x0, $0x0;
	s13 =	simm.s32 $0x1  }
0x32: {  	s13 =	simm.s32 @!p2 $0x2  }
0x33: {  	v1 =	vmov s13  }
0x34: {  	s14 =	simm.s32 @!p3 $0x0;
	s13 =	simm.s32 $0x1;
	vm0 =	vgt.u32 v1, v0  }
0x35: {  	s14 =	simm.s32 @p3 $0x1;
	s13 =	simm.s32 @!p3 $0x0  }
0x36: {  	[smem:$0x7FB] =	sst s14;
	s13 =	smul.u32 $0xA0, s13  }
0x37: {  	_ =	swait.ge [sflag:s6], $0x50  }
0x38: {  	[sflag:s6] =	ssyncset.done $0x0;
	s13 =	sshrl.u32 s13, $0x2  }
0x39: {  	[sflag:s6] =	ssyncadd.s32 $0xFFFFFFB0;
	s25 =	sadd.s32 $0x0, s13  }
0x3a: {  	v1 =	vld.msk [tilespmem:s25+$0x0 ss:$0x1], vm0;
	_ =	sdelay $0x4  }
0x3b: {  	(v2sf) =	vpush v1, $0x1  }
0x3c: {  	(v2sf) =	vpush v1, $0x0;
	_ =	sdelay $0x1  }
0x3d: {  	p0 =	por $0x0, $0x0;
	s14 =	simm.s32 $0x1  }
0x3e: {  	s14 =	simm.s32 @!p0 $0x2  }
0x3f: {  	v2 =	vmov s14  }
0x40: {  	vm12 =	vgt.u32 v2, v0;
	_ =	sdelay $0x3  }
0x41: {  	p1 =	por $0x0, $0x0;
	s15 =	simm.s32 $0x1  }
0x42: {  	s15 =	simm.s32 @!p1 $0x2;
	s26 =	sadd.s32 $0x1, s13  }
0x43: {  	v3 =	vmov s15;
	v2 =	vld.msk [tilespmem:s26+$0x0 ss:$0x1], vm12  }
0x44: {  	p2 =	por p2, p2;
	vm13 =	vgt.u32 v3, v0  }
0x45: {  	p2 =	por p2, p2  }
0x46: {  	p2 =	por p2, p2;
	s14 =	spop (v2sf)  }
0x47: {  	s14 =	simm.s32 @p2 $0xFFFFFFFF;
	s16 =	spop (v2sf)  }
0x48: {  	(v2sf) =	vpush v2, $0x1;
	p2 =	seq.s32 s16, s14  }
0x49: {  	s28 =	sadd.s32 $0x2, s13;
	(v2sf) =	vpush v2, $0x0;
	vm0 =	vgt.s32 @!p2 v1, $0x0  }
0x4a: {  	v3 =	vld.msk [tilespmem:s28+$0x0 ss:$0x1], vm13;
	v1 =	vnsel @!p2 vm0, $0x0, v1  }
0x4b: {  	v1 =	vmin.u32 @!p2 v1, $0x270F  }
0x4c: {  	(v2sf) =	vpush @!p2 v1, $0x0  }
0x4d: {  	s29 =	sand.u32 $0x1, s10;
	s20 =	simm.s32 $0x1  }
0x4e: {  	s24 =	simm.s32 $0x1;
	p4 =	por p1, p1;
	p1 =	por $0x0, $0x0  }
0x4f: {  	s22 =	simm.s32 $0x18;
	s20 =	simm.s32 @!p1 $0x2;
	p4 =	por p4, p4;
	(v2sf) =	vpush v3, $0x1  }
0x50: {  	p5 =	por p1, p1;
	p1 =	por $0x0, $0x0;
	p0 =	por p0, p0;
	(v2sf) =	vpush v3, $0x0  }
0x51: {  	s24 =	simm.s32 @!p1 $0x2;
	p1 =	por p4, p4;
	p0 =	por p0, p0  }
0x52: {  	p5 =	por p5, p5;
	p4 =	por $0x0, $0x0;
	p3 =	por p0, p0  }
0x53: {  	s15 =	sadd.s32 $0x50, s13;
	s30 =	sadd.s32 $0x3, s13;
	s31 =	sadd.s32 $0x4, s13  }
0x54: {  	s28 =	simm.s32 $0x1;
	s14 =	smul.u32 $0x2D000, s29;
	s16 =	simm.s32 $0x0  }
0x55: {  	s17 =	smul.u32 @!p2 $0x1200, s16;
	s18 =	simm.s32 @!p2 $0x1;
	s19 =	simm.s32 @!p2 $0x80;
	v1 =	vmov s20  }
0x56: {  	p6 =	por p2, p2;
	s14 =	sshrl.u32 s14, $0x2;
	s18 =	smov.u32 @p2 s16;
	vm14 =	vgt.u32 v1, v0  }
0x57: {  	s16 =	spop (v2sf);
	s14 =	sor.u32 $0xA0, s14;
	s17 =	sshra.s32 @!p2 s17, $0x2  }
0x58: {  	s16 =	simm.s32 @p3 $0xFFFFFFFF;
	s21 =	spop (v2sf);
	p3 =	por p4, p4  }
0x59: {  	v4 =	vmov s24;
	p4 =	por p6, p6;
	p6 =	por $0x0, $0x0;
	s24 =	simm.s32 @!p3 $0x0  }
0x5a: {  	s20 =	simm.s32 $0x14;
	p0 =	seq.s32 s21, s16;
	s24 =	simm.s32 @p3 $0x1  }
0x5b: {  	[smem:$0x7FC] =	sst s24;
	s24 =	spop @!p2 (v2sf);
	p2 =	por p0, p0  }
0x5c: {  	s28 =	simm.s32 @!p6 $0x2;
	s16 =	smul.u32 @!p0 $0x1200, s18;
	vm1 =	vgt.s32 @!p0 v2, $0x0;
	v1 =	vld.msk [tilespmem:s30+$0x0 ss:$0x1], vm14;
	s21 =	simm.s32 @!p2 $0x0  }
0x5d: {  	vm15 =	vgt.u32 v4, v0;
	s23 =	sadd.s32 @!p0 $0x1, s18;
	v2 =	vnsel @!p0 vm1, $0x0, v2;
	s25 =	sshrl.u32 @!p4 s24, $0x3;
	s21 =	simm.s32 @p2 $0x1  }
0x5e: {  	v2 =	vmin.u32 @!p0 v2, $0x270F;
	s24 =	sshll.u32 @!p4 s24, $0x7;
	[smem:$0x7FD] =	sst s21;
	s21 =	spop (v2sf)  }
0x5f: {  	(v2sf) =	vpush @!p0 v2, $0x0;
	s25 =	smul.u32 @!p4 $0x2400, s25;
	s21 =	simm.s32 @p1 $0xFFFFFFFF;
	s26 =	spop (v2sf)  }
0x60: {  	s23 =	smov.u32 @p0 s18;
	s24 =	sand.u32 @!p4 $0x380, s24;
	p3 =	seq.s32 s26, s21  }
0x61: {  	s18 =	sshra.s32 @!p0 s16, $0x2;
	(v2sf) =	vpush v1, $0x1;
	s25 =	sor.u32 @!p4 s24, s25;
	vm1 =	vgt.s32 @!p3 v3, $0x0;
	s26 =	smul.u32 @!p3 $0x1200, s23  }
0x62: {  	s16 =	simm.s32 @!p0 $0x80;
	(v2sf) =	vpush v1, $0x0;
	s25 =	sshrl.u32 @!p4 s25, $0x3;
	s21 =	sadd.s32 @!p3 $0x1, s23;
	v4 =	vnsel @!p3 vm1, $0x0, v3  }
0x63: {  	v2 =	vld.msk [tilespmem:s31+$0x0 ss:$0x1], vm15;
	s21 =	smov.u32 @p3 s23;
	v3 =	vmov s28;
	s23 =	simm.s32 @!p3 $0x80;
	v4 =	vmin.u32 @!p3 v4, $0x270F;
	s24 =	sshra.s32 @!p3 s26, $0x2  }
.LBB2_3:
0x64: {  	s26 =	smov.u32 s21;
	p2 =	por p0, p0  }
0x65: {  	p0 =	por p3, p3;
	s21 =	sadd.s32 @!p4 s2, s25;
	s25 =	sadd.s32 @!p4 s17, s14  }
0x66: {  	s28 =	smov.u32 s22;
	s22 =	sadd.s32 $0x4, s22;
	s31 =	sld [smem:$0x7FC]  }
0x67: {  	s17 =	smov.u32 s18;
	s18 =	smov.u32 s24;
	s29 =	sld [smem:$0x7FD]  }
0x68: {  	[tilespmem:s25], [sflag:$0x1] =	stream.strided.gather @!p4 [hbm:s21], $0x480, s19, s19, $0x38;
	[tilespmem:$0x168A0] =	vst v63  }
0x69: {  	(v2sf) =	vpush @!p3 v4, $0x0;
	p3 =	por p5, p5;
	s30 =	sshra.s32 s20, $0x2;
	s19 =	smov.u32 s16  }
0x6a: {  	s16 =	smov.u32 s23;
	s20 =	smov.u32 s28;
	p1 =	seq.s32 s31, $0x1  }
0x6b: {  	p5 =	por p1, p1;
	p1 =	por p6, p6;
	p6 =	seq.s32 s29, $0x1  }
0x6c: {  	s28 =	simm.s32 $0x1;
	s24 =	simm.s32 @!p1 $0x0;
	p4 =	por p6, p6  }
0x6d: {  	vm0 =	vgt.u32 v3, v0;
	p6 =	por p0, p0;
	s24 =	simm.s32 @p1 $0x1;
	p1 =	sne.s32 s22, $0xA0  }
0x6e: {  	s21 =	simm.s32 @!p6 $0x0;
	s23 =	spop @!p2 (v2sf);
	[smem:$0x7FC] =	sst s24  }
0x6f: {  	s21 =	simm.s32 @p6 $0x1;
	s25 =	sshrl.u32 @!p4 s23, $0x3;
	s23 =	sshll.u32 @!p4 s23, $0x7  }
0x70: {  	p6 =	seq.s32 s20, $0x9C;
	[smem:$0x7FD] =	sst s21;
	s24 =	spop (v2sf)  }
.Ltmp3:
0x71: {  	s24 =	simm.s32 @p3 $0xFFFFFFFF;
	s31 =	spop (v2sf);
	(pc) =	sbr.rel @p1 .LBB2_3-.Ltmp3, $4  }
0x72: {  	s21 =	sadd.s32 s30, s13;
	p3 =	seq.s32 s31, s24;
	s24 =	smul.u32 @!p4 $0x2400, s25  }
0x73: {  	(v2sf) =	vpush v2, $0x1;
	v3 =	vmov v2;
	s23 =	sand.u32 @!p4 $0x380, s23;
	v2 =	vld.msk [tilespmem:s21+$0x0 ss:$0x1], vm0;
	vm0 =	vgt.s32 @!p3 v1, $0x0;
	s25 =	smul.u32 @!p3 $0x1200, s26;
	s21 =	sadd.s32 @!p3 $0x1, s26  }
0x74: {  	s28 =	simm.s32 @!p6 $0x2;
	v4 =	vnsel @!p3 vm0, $0x0, v1;
	s21 =	smov.u32 @p3 s26;
	s26 =	sor.u32 @!p4 s23, s24  }
0x75: {  	(v2sf) =	vpush v3, $0x0;
	v1 =	vmovc v3;
	v3 =	vmov s28;
	s23 =	simm.s32 @!p3 $0x80;
	v4 =	vmin.u32 @!p3 v4, $0x270F;
	s24 =	sshra.s32 @!p3 s25, $0x2;
	s25 =	sshrl.u32 @!p4 s26, $0x3  }
0x76: {  	_ =	sdelay $0x4  }
0x77: {  	vm0 =	vgt.u32 v3, v0;
	_ =	sdelay $0x1  }
0x78: {  	(v2sf) =	vpush @!p3 v4, $0x0  }
0x79: {  	(v2sf) =	vpush v2, $0x1  }
0x7a: {  	s20 =	sshra.s32 s20, $0x2;
	s22 =	spop @!p0 (v2sf);
	(v2sf) =	vpush v2, $0x0  }
0x7b: {  	s20 =	sadd.s32 s20, s13  }
0x7c: {  	s17 =	sadd.s32 @!p4 s17, s14;
	v3 =	vld.msk [tilespmem:s20+$0x0 ss:$0x1], vm0;
	s20 =	sadd.s32 @!p4 s2, s25  }
0x7d: {  	[tilespmem:s17], [sflag:$0x1] =	stream.strided.gather @!p4 [hbm:s20], $0x480, s19, s19, $0x38;
	[tilespmem:$0x168A0] =	vst v63  }
0x7e: {  	p0 =	por p5, p5;
	s26 =	spop (v2sf)  }
0x7f: {  	s26 =	simm.s32 @p0 $0xFFFFFFFF;
	s28 =	spop (v2sf)  }
0x80: {  	s17 =	sld [smem:$0x7FD];
	p0 =	seq.s32 s28, s26  }
0x81: {  	vm0 =	vgt.s32 @!p0 v1, $0x0  }
0x82: {  	s30 =	sld [smem:$0x7FC];
	v1 =	vnsel @!p0 vm0, $0x0, v1  }
0x83: {  	p1 =	seq.s32 s17, $0x1;
	v1 =	vmin.u32 @!p0 v1, $0x270F  }
0x84: {  	p2 =	por p1, p1;
	(v2sf) =	vpush @!p0 v1, $0x0  }
0x85: {  	p4 =	por p3, p3;
	p5 =	seq.s32 s30, $0x1;
	s17 =	sshrl.u32 @!p2 s22, $0x3;
	(v2sf) =	vpush v3, $0x1  }
0x86: {  	p1 =	por p5, p5;
	s19 =	sshll.u32 @!p2 s22, $0x7;
	s17 =	smul.u32 @!p2 $0x2400, s17;
	(v2sf) =	vpush v3, $0x0  }
0x87: {  	p1 =	por p1, p1;
	s19 =	sand.u32 @!p2 $0x380, s19;
	s20 =	spop @!p3 (v2sf)  }
0x88: {  	s18 =	sadd.s32 @!p2 s18, s14;
	s17 =	sor.u32 @!p2 s19, s17;
	s22 =	spop (v2sf)  }
0x89: {  	s17 =	sshrl.u32 @!p2 s17, $0x3;
	s22 =	simm.s32 @p1 $0xFFFFFFFF;
	s31 =	spop (v2sf)  }
0x8a: {  	p3 =	por p4, p4;
	s17 =	sadd.s32 @!p2 s2, s17;
	p1 =	seq.s32 s31, s22  }
0x8b: {  	[tilespmem:s18], [sflag:$0x1] =	stream.strided.gather @!p2 [hbm:s17], $0x480, s16, s16, $0x38;
	[tilespmem:$0x168A0] =	vst v63  }
0x8c: {  	s16 =	sshrl.u32 @!p3 s20, $0x3;
	vm0 =	vgt.s32 @!p1 v2, $0x0  }
0x8d: {  	s17 =	sshll.u32 @!p3 s20, $0x7;
	s16 =	smul.u32 @!p3 $0x2400, s16;
	v1 =	vnsel @!p1 vm0, $0x0, v2  }
0x8e: {  	s17 =	sand.u32 @!p3 $0x380, s17;
	v1 =	vmin.u32 @!p1 v1, $0x270F  }
0x8f: {  	s16 =	sor.u32 @!p3 s17, s16;
	(v2sf) =	vpush @!p1 v1, $0x0  }
0x90: {  	s16 =	sshrl.u32 @!p3 s16, $0x3  }
0x91: {  	p5 =	por p6, p6;
	s17 =	sadd.s32 @!p3 s24, s14;
	s16 =	sadd.s32 @!p3 s2, s16  }
0x92: {  	[tilespmem:s17], [sflag:$0x1] =	stream.strided.gather @!p3 [hbm:s16], $0x480, s23, s23, $0x38;
	[tilespmem:$0x168A0] =	vst v63  }
0x93: {  	p2 =	por p5, p5;
	s18 =	spop @!p0 (v2sf)  }
0x94: {  	p2 =	por p2, p2;
	s19 =	spop (v2sf)  }
0x95: {  	p6 =	por p0, p0;
	s19 =	simm.s32 @p2 $0xFFFFFFFF;
	s20 =	spop (v2sf)  }
0x96: {  	p3 =	por p6, p6;
	p2 =	seq.s32 s20, s19  }
0x97: {  	s16 =	sshrl.u32 @!p3 s18, $0x3;
	vm0 =	vgt.s32 @!p2 v3, $0x0  }
0x98: {  	s17 =	sshll.u32 @!p3 s18, $0x7;
	s16 =	smul.u32 @!p3 $0x2400, s16;
	v1 =	vnsel @!p2 vm0, $0x0, v3  }
0x99: {  	s18 =	smul.u32 @!p0 $0x1200, s21;
	s17 =	sand.u32 @!p3 $0x380, s17;
	v1 =	vmin.u32 @!p2 v1, $0x270F  }
0x9a: {  	s16 =	sor.u32 @!p3 s17, s16;
	(v2sf) =	vpush @!p2 v1, $0x0  }
0x9b: {  	p5 =	por p1, p1;
	s17 =	sshra.s32 @!p0 s18, $0x2;
	s16 =	sshrl.u32 @!p3 s16, $0x3  }
0x9c: {  	s18 =	simm.s32 @!p0 $0x80;
	s17 =	sadd.s32 @!p3 s17, s14;
	s16 =	sadd.s32 @!p3 s2, s16  }
0x9d: {  	[tilespmem:s17], [sflag:$0x1] =	stream.strided.gather @!p3 [hbm:s16], $0x480, s18, s18, $0x38;
	[tilespmem:$0x168A0] =	vst v63  }
0x9e: {  	p3 =	por p5, p5;
	s16 =	spop @!p1 (v2sf)  }
0x9f: {  	s17 =	sadd.s32 @!p0 $0x1, s21;
	s18 =	sshrl.u32 @!p3 s16, $0x3  }
0xa0: {  	s17 =	smov.u32 @p0 s21;
	s16 =	sshll.u32 @!p3 s16, $0x7;
	s18 =	smul.u32 @!p3 $0x2400, s18  }
0xa1: {  	s19 =	smul.u32 @!p1 $0x1200, s17;
	s16 =	sand.u32 @!p3 $0x380, s16  }
0xa2: {  	s16 =	sor.u32 @!p3 s16, s18  }
0xa3: {  	s18 =	sshra.s32 @!p1 s19, $0x2;
	s16 =	sshrl.u32 @!p3 s16, $0x3  }
0xa4: {  	s19 =	simm.s32 @!p1 $0x80;
	s18 =	sadd.s32 @!p3 s18, s14;
	s16 =	sadd.s32 @!p3 s2, s16  }
0xa5: {  	[tilespmem:s18], [sflag:$0x1] =	stream.strided.gather @!p3 [hbm:s16], $0x480, s19, s19, $0x38;
	[tilespmem:$0x168A0] =	vst v63  }
0xa6: {  	s18 =	sadd.s32 @!p1 $0x1, s17  }
0xa7: {  	s18 =	smov.u32 @p1 s17  }
0xa8: {  	p6 =	por p2, p2;
	s20 =	sadd.s32 @!p2 $0x1, s18  }
0xa9: {  	p0 =	por p6, p6;
	s20 =	smov.u32 @p2 s18;
	s16 =	spop @!p2 (v2sf)  }
0xaa: {  	s22 =	smul.u32 $0x1200, s20;
	s19 =	sshrl.u32 @!p0 s16, $0x3  }
0xab: {  	s16 =	sshll.u32 @!p0 s16, $0x7;
	s17 =	smul.u32 @!p0 $0x2400, s19  }
0xac: {  	s19 =	smul.u32 @!p2 $0x1200, s18;
	s16 =	sand.u32 @!p0 $0x380, s16  }
0xad: {  	s16 =	sor.u32 @!p0 s16, s17  }
0xae: {  	s23 =	sshrl.u32 s22, $0x2;
	s17 =	sshra.s32 @!p2 s19, $0x2;
	s16 =	sshrl.u32 @!p0 s16, $0x3  }
0xaf: {  	s18 =	simm.s32 @!p2 $0x80;
	s17 =	sadd.s32 @!p0 s17, s14;
	s16 =	sadd.s32 @!p0 s2, s16  }
0xb0: {  	[tilespmem:s17], [sflag:$0x1] =	stream.strided.gather @!p0 [hbm:s16], $0x480, s18, s18, $0x38;
	[tilespmem:$0x168A0] =	vst v63  }
0xb1: {  	_ =	swait.ge [sflag:s4], s23  }
0xb2: {  	s16 =	ssub.s32 $0x0, s23;
	[sflag:s4] =	ssyncset.done $0x0  }
0xb3: {  	s24 =	sadd.s32 $0x0, s15;
	[sflag:s4] =	ssyncadd.s32 s16  }
0xb4: {  	v1 =	vld.msk [tilespmem:s24+$0x0 ss:$0x1], $0x1;
	_ =	sdelay $0x4  }
0xb5: {  	(v2sf) =	vpush v1, $0x0;
	_ =	sdelay $0xd  }
0xb6: {  	p1 =	por $0x0, $0x0;
	s17 =	simm.s32 $0x1  }
0xb7: {  	s17 =	simm.s32 @!p1 $0x2;
	s25 =	spop (v2sf)  }
0xb8: {  	v1 =	vmov s17;
	s26 =	sshrl.u32 s25, $0x3  }
0xb9: {  	s16 =	simm.s32 $0x0;
	vm15 =	vgt.u32 v1, v0;
	s18 =	sshll.u32 s25, $0x7;
	s28 =	smul.u32 $0x2400, s26  }
0xba: {  	s29 =	smul.u32 $0x1200, s16;
	s18 =	sand.u32 $0x380, s18  }
0xbb: {  	s17 =	sor.u32 s18, s28  }
0xbc: {  	s30 =	sshra.s32 s29, $0x2;
	s17 =	sshrl.u32 s17, $0x3  }
0xbd: {  	s31 =	sadd.s32 $0x0, s13;
	s18 =	sadd.s32 s30, s14;
	s17 =	sadd.s32 s7, s17  }
0xbe: {  	[hbm:s17] =	stream.strided.scatter [tilespmem:s18], [sflag:$0x3], $0x480, s11, s11, $0x38;
	[tilespmem:$0x168A0] =	vst v63  }
0xbf: {  	s19 =	simm.s32 $0x4;
	s17 =	simm.s32 $0x1;
	s18 =	simm.s32 $0x8;
	v1 =	vld.msk [tilespmem:s31+$0x0 ss:$0x1], vm15  }
.LBB2_5:
0xc0: {  	p0 =	sne.s32 s18, $0x9C;
	s20 =	sadd.s32 s17, s15  }
0xc1: {  	v2 =	vld.msk [tilespmem:s20+$0x0 ss:$0x1], $0x1;
	_ =	sdelay $0x3  }
0xc2: {  	(v2sf) =	vpush v1, $0x1  }
0xc3: {  	(v2sf) =	vpush v1, $0x0  }
0xc4: {  	(v2sf) =	vpush v2, $0x0;
	_ =	sdelay $0xc  }
0xc5: {  	s20 =	spop (v2sf)  }
0xc6: {  	s21 =	simm.s32 $0x1;
	s20 =	simm.s32 @p1 $0xFFFFFFFF;
	p1 =	seq.s32 s19, $0x9C  }
0xc7: {  	s19 =	spop (v2sf);
	s21 =	simm.s32 @!p1 $0x2  }
0xc8: {  	s22 =	spop (v2sf);
	p2 =	sne.s32 s19, s20;
	v1 =	vmov s21;
	s21 =	simm.s32 $0x1  }
0xc9: {  	s19 =	smov.u32 s18;
	s20 =	sshrl.u32 s22, $0x3;
	s21 =	simm.s32 @!p2 $0x0  }
0xca: {  	s22 =	sshll.u32 s22, $0x7;
	s20 =	smul.u32 $0x2400, s20;
	vm0 =	vgt.u32 v1, v0;
	s16 =	sadd.s32 s21, s16  }
0xcb: {  	s21 =	sand.u32 $0x380, s22;
	s22 =	smul.u32 $0x1200, s16  }
.Ltmp4:
0xcc: {  	s20 =	sor.u32 s21, s20;
	(pc) =	sbr.rel @p0 .LBB2_5-.Ltmp4, $4  }
0xcd: {  	s20 =	sshrl.u32 s20, $0x3;
	s21 =	sshra.s32 s22, $0x2  }
0xce: {  	s20 =	sadd.s32 s7, s20;
	s22 =	sadd.s32 s17, s13;
	s21 =	sadd.s32 s21, s14  }
0xcf: {  	[hbm:s20] =	stream.strided.scatter [tilespmem:s21], [sflag:$0x3], $0x480, s11, s11, $0x38;
	[tilespmem:$0x168A0] =	vst v63  }
0xd0: {  	s18 =	sadd.s32 $0x4, s18;
	s17 =	sshra.s32 s19, $0x2;
	v1 =	vld.msk [tilespmem:s22+$0x0 ss:$0x1], vm0  }
.Ltmp5:
0xd1: {  	_ = 	snop;
	(pc) =	sbr.rel .LBB2_6-.Ltmp5, $1  }
0xd2: {  	_ =	sdelay $0x3  }
.LBB2_8:
0xd3: {  	_ =	sfence.sel $0x180000  }
0xd4: {  	s2 =	simm.s32 $0x2;
	[bflag:$0x0] =	sbarrier.arrive $0xFFFF  }
0xd5: {  	s30 =	simm.s32 $0x3;
	[sflag:s2] =	ssyncpa.u1 $0x1  }
0xd6: {  	s31 =	simm.s32 $0x1;
	[sflag:s30] =	ssyncpa.u1 $0x1  }
0xd7: {  	[sflag:s31] =	ssyncpa.u1 $0x1  }
0xd8: {  	p0 =	sne.s32 s1, $0x0;
	_ =	strace $0x90000050  }
0xd9: {  	s0 =	sadd.s32 @!p0 $0x100000, s0;
	[bflag:$0x2] =	sbarrier.arrive $0xFFFF  }
0xda: {  	[sflag:s0] =	ssyncadd.tile.s32 @!p0 $0x1;
	_ =	shalt  }
.Lfunc_end2:
_tile_overlayer_lowered:
.L_overlay_start_2:
0xdb: {  	(tag) =	ssettag $0x2  }
0xdc: {  	s0 =	rddreg [dreg:$0x0];
	s2 =	stileid.u32  }
0xdd: {  	s1 =	rddreg [dreg:$0x1];
	p0 =	sne.s32 s2, $0x0  }
0xde: {  	s3 =	rddreg [dreg:$0x2];
	[bflag:$0x3] =	sbarrier.arrive $0xFFFF;
	s2 =	simm.s32 @!p0 $0x1C01  }
0xdf: {  	[timem:s3], [sflag:s2] =	dma.local @!p0 [hbm:s0], s1  }
0xe0: {  	s0 =	simm.s32 @!p0 $0x1  }
0xe1: {  	_ =	swait.ge @!p0 [sflag:s0], s1  }
0xe2: {  	s1 =	ssub.s32 @!p0 $0x0, s1;
	[sflag:s0] =	ssyncset.done @!p0 $0x0  }
0xe3: {  	[sflag:s0] =	ssyncadd.s32 @!p0 s1  }
0xe4: {  	[bflag:$0x3] =	sbarrier.arrive $0xFFFF  }
0xe5: {  	_ =	shalt  }

// kernel: gather_offload_async_start.6
scs
__scs_entry_jumppad:
0x0: {  	(pc) =	sbr.rel $0x88, $3  }
0x1: {  	(tag) =	ssettag $0x0;
	lr =	simm.s32 $0x1  }
0x2: {  	[smem:$0x3F7E] =	sst lr;
	_ =	strace $0xD0000000  }
0x3: {  	_ = 	snop  }
0x4: {  	_ = 	snop  }
0x5: {  	_ = 	snop  }
0x6: {  	_ = 	snop  }
0x7: {  	_ = 	snop  }
__scs_overlays_trampoline_lowered:
0x8: {  	[smem:$0x3F8D] =	sst s0  }
0x9: {  	[smem:$0x3F8E] =	sst s1  }
0xa: {  	[smem:$0x3F8F] =	sst s2  }
0xb: {  	[smem:$0x3F90] =	sst s3  }
0xc: {  	[smem:$0x3F91] =	sst s4  }
0xd: {  	[smem:$0x3F92] =	sst s5  }
0xe: {  	[smem:$0x3F93] =	sst s6  }
0xf: {  	[smem:$0x3F94] =	sst s7  }
0x10: {  	[smem:$0x3F95] =	sst s8  }
0x11: {  	[smem:$0x3F96] =	sst s9;
	s0 =	simm.s32 @!p0 $0x0  }
0x12: {  	s1 =	sld [smem:$0x3F7C];
	s0 =	simm.s32 @p0 $0x1  }
0x13: {  	[smem:$0x3F97] =	sst s0;
	s0 =	simm.s32 @!p1 $0x0  }
0x14: {  	s2 =	sld [smem:$0x3F7B];
	s0 =	simm.s32 @p1 $0x1  }
0x15: {  	[smem:$0x3F98] =	sst s0;
	s0 =	simm.s32 @!p2 $0x0  }
0x16: {  	s3 =	sld [smem:$0x3FDB];
	s0 =	simm.s32 @p2 $0x1  }
0x17: {  	s4 =	simm.s32 $0x1BF5;
	[smem:$0x3F9A] =	sst s0  }
0x18: {  	s0 =	sld [smem:$0x3F7D];
	_ =	swait.ge [sflag:s4], $0x0  }
0x19: {  	s7 =	sld [smem:$0x3F7E]  }
0x1a: {  	s8 =	sadd.s32 $0xFFFFE003, lr  }
0x1b: {  	s9 =	sadd.s32 $0xFFFFFEF7, lr;
	s5 =	simm.s32 $0xFFFFFFFF;
	p2 =	slt.u32 s8, $0xFFFFF086  }
0x1c: {  	p1 =	slt.u32 s9, $0xF7A;
	s5 =	simm.s32 @!p2 $0x0  }
0x1d: {  	s5 =	simm.s32 @p1 $0x1;
	p0 =	seq.s32 s7, s2  }
0x1e: {  	s7 =	smul.u32 @!p0 $0xF7A, s2;
	p2 =	seq.s32 @!p0 s5, $0x0  }
0x1f: {  	s9 =	smul.u32 $0xF7A, s1;
	s8 =	simm.s32 @!p0 $0x1BF5;
	p2 =	por !p2, p0  }
0x20: {  	[sflag:s8] =	ssyncset.s32 @!p0 $0xFFFFF086;
	s6 =	sadd.s32 @!p0 s3, s7;
	s7 =	simm.s32 @!p0 $0x108  }
0x21: {  	s3 =	sadd.s32 s3, s9;
	s6 =	sadd.s32 @!p0 $0x88, s6;
	s7 =	simm.s32 @p2 $0x1082  }
0x22: {  	[simem:s7], [sflag:s8] =	dma.local @!p0 [hbm:s6], $0xF7A  }
0x23: {  	s9 =	sor.u32 $0xD0000000, s2;
	s6 =	simm.s32 $0x108;
	_ =	swait.ge @!p0 [sflag:s8], $0x0  }
0x24: {  	s3 =	sadd.s32 $0x88, s3;
	s6 =	simm.s32 @!p1 $0x1082;
	[sflag:s4] =	ssyncset.s32 $0xFFFFF086  }
0x25: {  	[simem:s6], [sflag:s4] =	dma.local [hbm:s3], $0xF7A  }
0x26: {  	[smem:$0x3F7E] =	sst s1;
	(tag) =	ssettag s2;
	_ =	strace s9  }
0x27: {  	s1 =	sld [smem:$0x3F8E]  }
0x28: {  	s2 =	sld [smem:$0x3F8F]  }
0x29: {  	s4 =	sld [smem:$0x3F91]  }
0x2a: {  	p0 =	seq.s32 s5, $0x0;
	s5 =	sld [smem:$0x3F92]  }
0x2b: {  	s6 =	sld [smem:$0x3F93]  }
0x2c: {  	s7 =	sld [smem:$0x3F94]  }
0x2d: {  	s3 =	simm.s32 $0x108;
	s8 =	sld [smem:$0x3F95]  }
0x2e: {  	s3 =	simm.s32 @!p0 $0x1082;
	s9 =	sld [smem:$0x3F96]  }
0x2f: {  	lr =	sadd.s32 s0, s3;
	s0 =	sld [smem:$0x3F8D]  }
0x30: {  	s3 =	sld [smem:$0x3F90]  }
0x31: {  	[smem:$0x3F99] =	sst s10  }
0x32: {  	s10 =	sld [smem:$0x3F97];
	_ =	sdelay $0x3  }
0x33: {  	p0 =	seq.s32 s10, $0x1;
	s10 =	sld [smem:$0x3F99];
	_ =	sdelay $0x3  }
0x34: {  	[smem:$0x3F99] =	sst s10  }
0x35: {  	s10 =	sld [smem:$0x3F98];
	_ =	sdelay $0x3  }
0x36: {  	p1 =	seq.s32 s10, $0x1;
	s10 =	sld [smem:$0x3F99];
	_ =	sdelay $0x3  }
0x37: {  	[smem:$0x3F99] =	sst s10  }
0x38: {  	s10 =	sld [smem:$0x3F9A]  }
0x39: {  	_ = 	snop;
	(pc) =	sbr.ind lr, $3  }
0x3a: {  	_ = 	snop  }
0x3b: {  	_ = 	snop  }
0x3c: {  	p2 =	seq.s32 s10, $0x1;
	s10 =	sld [smem:$0x3F99]  }
0x3d: {  	_ =	shalt  }
0x3e: {  	_ =	shalt  }
0x3f: {  	_ =	shalt  }
0x40: {  	_ =	shalt  }
0x41: {  	_ =	shalt  }
0x42: {  	_ =	shalt  }
0x43: {  	_ =	shalt  }
0x44: {  	_ =	shalt  }
0x45: {  	_ =	shalt  }
0x46: {  	_ =	shalt  }
0x47: {  	_ =	shalt  }
0x48: {  	_ =	shalt  }
0x49: {  	_ =	shalt  }
0x4a: {  	_ =	shalt  }
0x4b: {  	_ =	shalt  }
0x4c: {  	_ =	shalt  }
0x4d: {  	_ =	shalt  }
0x4e: {  	_ =	shalt  }
0x4f: {  	_ =	shalt  }
0x50: {  	_ =	shalt  }
0x51: {  	_ =	shalt  }
0x52: {  	_ =	shalt  }
0x53: {  	_ =	shalt  }
0x54: {  	_ =	shalt  }
0x55: {  	_ =	shalt  }
0x56: {  	_ =	shalt  }
0x57: {  	_ =	shalt  }
0x58: {  	_ =	shalt  }
0x59: {  	_ =	shalt  }
0x5a: {  	_ =	shalt  }
0x5b: {  	_ =	shalt  }
0x5c: {  	_ =	shalt  }
0x5d: {  	_ =	shalt  }
0x5e: {  	_ =	shalt  }
0x5f: {  	_ =	shalt  }
0x60: {  	_ =	shalt  }
0x61: {  	_ =	shalt  }
0x62: {  	_ =	shalt  }
0x63: {  	_ =	shalt  }
0x64: {  	_ =	shalt  }
0x65: {  	_ =	shalt  }
0x66: {  	_ =	shalt  }
0x67: {  	_ =	shalt  }
0x68: {  	_ =	shalt  }
0x69: {  	_ =	shalt  }
0x6a: {  	_ =	shalt  }
0x6b: {  	_ =	shalt  }
0x6c: {  	_ =	shalt  }
0x6d: {  	_ =	shalt  }
0x6e: {  	_ =	shalt  }
0x6f: {  	_ =	shalt  }
0x70: {  	_ =	shalt  }
0x71: {  	_ =	shalt  }
0x72: {  	_ =	shalt  }
0x73: {  	_ =	shalt  }
0x74: {  	_ =	shalt  }
0x75: {  	_ =	shalt  }
0x76: {  	_ =	shalt  }
0x77: {  	_ =	shalt  }
0x78: {  	_ =	shalt  }
0x79: {  	_ =	shalt  }
0x7a: {  	_ =	shalt  }
0x7b: {  	_ =	shalt  }
0x7c: {  	_ =	shalt  }
0x7d: {  	_ =	shalt  }
0x7e: {  	_ =	shalt  }
0x7f: {  	_ =	shalt  }
0x80: {  	_ =	shalt  }
0x81: {  	_ =	shalt  }
0x82: {  	_ =	shalt  }
0x83: {  	_ =	shalt  }
0x84: {  	_ =	shalt  }
0x85: {  	_ =	shalt  }
0x86: {  	_ =	shalt  }
0x87: {  	_ =	shalt  }
.Lfunc_end0:
.L_simem_size_0:
called_computation.8_lowered:
.L_overlay_start_0:
0x88: {  	s2 =	sld [smem:$0x3FD9]  }
0x89: {  	s3 =	sld [smem:$0x3FFE];
	_ =	sdelay $0x1  }
0x8a: {  	s1 =	srdreg.scid  }
0x8b: {  	s0 =	sand.u32 $0x1, s1  }
0x8c: {  	s17 =	sshll.u32 s0, $0xA;
	s2 =	sadd.s32 s3, s2  }
0x8d: {  	s2 =	sadd.s32 s2, s17  }
0x8e: {  	[smem:$0x3FA5] =	sst s2  }
0x8f: {  	_ = 	snop  }
0x90: {  	(tm) =	ssettm $0x1  }
0x91: {  	s18 =	sld [smem:$0x3FFB];
	_ =	sdelay $0x3  }
0x92: {  	_ =	strace s18  }
0x93: {  	s2 =	sld [smem:$0x3FFC];
	_ =	sdelay $0x3  }
0x94: {  	_ =	strace s2  }
0x95: {  	s2 =	sld [smem:$0x3FFD];
	_ =	sdelay $0x3  }
0x96: {  	_ =	strace s2  }
0x97: {  	_ =	strace $0x8FFFFFFF  }
0x98: {  	s19 =	sld [smem:$0x3FDB];
	_ =	sdelay $0x1  }
0x99: {  	s20 =	simm.s32 $_scs_section_size  }
0x9a: {  	s4 =	simm.s32 $_size__tile_overlayer_lowered;
	s5 =	simm.s32 $_tile_overlayer_lowered  }
0x9b: {  	s6 =	simm.s32 $0x1BFF;
	s21 =	sshll.u32 s5, $0x1;
	s3 =	sadd.s32 s20, s19  }
0x9c: {  	s22 =	simm.s32 $0x0;
	s4 =	sshll.u32 s4, $0x1;
	s5 =	sadd.s32 s21, s3  }
0x9d: {  	[timem:s22], [sflag:s6] =	dma.local [hbm:s5], s4  }
0x9e: {  	_ =	swait.ge [sflag:s6], s4  }
0x9f: {  	s4 =	ssub.s32 $0x0, s4;
	[sflag:s6] =	ssyncset.done $0x0  }
0xa0: {  	[sflag:s6] =	ssyncadd.s32 s4;
	_ =	sdelay $0x1  }
0xa1: {  	s23 =	simm.s32 $0x1B8B  }
0xa2: {  	_ =	swait.ge [sflag:s23], $0x1  }
0xa3: {  	[sflag:s23] =	ssyncset.done $0x0  }
0xa4: {  	[sflag:s23] =	ssyncadd.s32 $0xFFFFFFFF  }
0xa5: {  	s4 =	sld [smem:$0x0]  }
0xa6: {  	s5 =	sand.u32 $0xFFFFFFFE, s1  }
0xa7: {  	p0 =	sne.s32 s1, s5  }
0xa8: {  	s5 =	sshll.u32 @p0 s5, $0xE  }
0xa9: {  	s5 =	sadd.s32 @p0 $0x11B8D, s5;
	s6 =	sshll.u32 @p0 s4, $0x11  }
0xaa: {  	s5 =	sor.u32 @p0 s6, s5  }
0xab: {  	[sflag:s5] =	ssyncadd.remote.s32 @p0 $0x1;
	_ =	sdelay $0x1  }
0xac: {  	s5 =	simm.s32 @p0 $0x1B8D  }
0xad: {  	_ =	swait.eq @p0 [sflag:s5], $0x1  }
0xae: {  	[sflag:s5] =	ssyncadd.s32 @p0 $0xFFFFFFFF  }
0xaf: {  	s6 =	sshll.u32 @!p0 s1, $0xE  }
0xb0: {  	s6 =	sor.u32 @!p0 $0x4000, s6;
	s5 =	simm.s32 @!p0 $0x1B8D  }
0xb1: {  	s4 =	sshll.u32 @!p0 s4, $0x11;
	s6 =	sadd.s32 @!p0 $0x11B8D, s6;
	_ =	swait.eq @!p0 [sflag:s5], $0x1  }
0xb2: {  	s4 =	sor.u32 @!p0 s4, s6;
	[sflag:s5] =	ssyncadd.s32 @!p0 $0xFFFFFFFF  }
0xb3: {  	s25 =	simm.s32 $0x1B8E;
	s24 =	sld [smem:$0x3FFE];
	[sflag:s4] =	ssyncadd.remote.s32 @!p0 $0x1  }
0xb4: {  	s26 =	simm.s32 $execute0_lowered;
	[smem:$0x3FD2] =	sst s25  }
0xb5: {  	s5 =	sshll.u32 s26, $0x1;
	_ =	strace $0x8000005E;
	[dreg:$0x1] =	wrdreg $0xFFFFFFFF  }
0xb6: {  	s28 =	simm.s32 $_size_execute0_lowered;
	s3 =	sadd.s32 s3, s5;
	[dreg:$0x0] =	wrdreg $0x0  }
0xb7: {  	s5 =	sshll.u32 s28, $0x1;
	[dreg:$0x2] =	wrdreg s3  }
0xb8: {  	[dreg:$0x3] =	wrdreg s5  }
0xb9: {  	[dreg:$0x4] =	wrdreg $0xC0  }
0xba: {  	_ =	task [dreg:s22], $0x5FFFF  }
0xbb: {  	[dreg:$0x1] =	wrdreg $0xFFFFFFFF  }
0xbc: {  	[dreg:$0x0] =	wrdreg $0x60  }
0xbd: {  	[dreg:$0x2] =	wrdreg s24  }
0xbe: {  	[dreg:$0x3] =	wrdreg $0x9  }
0xbf: {  	_ =	task.clear_ibuf [dreg:s22], $0x4FFFF;
	_ =	strace $0x9000005E  }
0xc0: {  	s29 =	simm.s32 $0x9;
	_ =	strace $0x80000060  }
0xc1: {  	_ =	swait.ge [sflag:s29], $0x1  }
0xc2: {  	[sflag:s29] =	ssyncadd.s32 $0xFFFFFFFF  }
0xc3: {  	_ =	strace $0x90000060  }
0xc4: {  	_ =	sfence  }
0xc5: {  	s30 =	sld [smem:$0x0];
	_ =	sdelay $0x2  }
0xc6: {  	s31 =	sshll.u32 s1, $0xD;
	s1 =	sshrl.u32 s1, $0x2  }
0xc7: {  	s4 =	sand.u32 $0x4000, s31;
	s1 =	sadd.s32 s1, s30  }
0xc8: {  	s0 =	sor.u32 s4, s0;
	s1 =	sshll.u32 s1, $0x11  }
0xc9: {  	s0 =	sor.u32 s1, s0  }
0xca: {  	s0 =	sadd.s32 $0x8F2B, s0  }
0xcb: {  	[sflag:s0] =	ssyncadd.remote.s32 $0x1  }
0xcc: {  	_ =	sfence.sel $0xFFFF  }
0xcd: {  	[dreg:$0x0] =	wrdreg $0xFFFFFFFF;
	(pc) =	sbr.abs _section_cstart, $3  }
0xce: {  	[dreg:$0x1] =	wrdreg $0xFFFFFFFF  }
0xcf: {  	_ =	task.clear_ibuf [dreg:s22], $0x2FFFF;
	_ =	strace $0x9FFFFFFF  }
0xd0: {  	(tm) =	ssettm $0x7FFFFFFF  }
0xd1: {  	_ =	shalt  }
tec
execute0_lowered:
.L_overlay_start_1:
0x0: {  	(tag) =	ssettag $0x1  }
0x1: {  	s0 =	srdreg.scid  }
0x2: {  	s1 =	sshll.u32 s0, $0x4  }
0x3: {  	s0 =	stileid.u32;
	s1 =	sand.u32 $0x10, s1  }
0x4: {  	s2 =	sor.u32 s0, s1  }
0x5: {  	s3 =	smul.u32 $0x138, s2  }
0x6: {  	s2 =	smin.u32 s2, $0x10  }
0x7: {  	s2 =	sadd.s32 s2, s3  }
0x8: {  	s10 =	rddreg [dreg:$0x0];
	s7 =	simm.s32 $0x1;
	s2 =	sshll.u32 s2, $0x4  }
0x9: {  	s8 =	simm.s32 $0x2;
	s11 =	simm.s32 $0x3;
	s31 =	ssub.s32 s2, s1  }
0xa: {  	s13 =	simm.s32 $0x0;
	p3 =	por $0x0, $0x0;
	s3 =	sadd.s32 $0x1390, s31  }
0xb: {  	s12 =	simm.s32 $0x80;
	s4 =	sadd.s32 $0x2422E00, s10;
	s3 =	smin.u32 s3, $0x27100  }
.Ltmp0:
0xc: {  	s5 =	sadd.s32 $0x9C00, s10;
	s9 =	ssub.s32 s3, s2;
	(pc) =	sbr.rel .LBB2_1-.Ltmp0, $4  }
0xd: {  	s1 =	rddreg [dreg:$0x1];
	_ =	strace $0x8000005F;
	p0 =	sgt.s32 s9, $0x0  }
0xe: {  	s6 =	sadd.s32 $0x5433A00, s10;
	[sflag:s7] =	ssyncpa.u1 $0x0;
	s9 =	simm.s32 @!p0 $0x0  }
0xf: {  	s10 =	sadd.s32 $0x67C800, s10;
	[sflag:s8] =	ssyncpa.u1 $0x0;
	s9 =	sshrl.u32 s9, $0x4  }
0x10: {  	v0 =	vlaneseq.u32;
	s14 =	smov.u32 s2;
	[sflag:s11] =	ssyncpa.u1 $0x0;
	s11 =	sadd.s32 $0x1, s9  }
.LBB2_6:
0x11: {  	s17 =	sadd.s32 s19, s17  }
0x12: {  	v2 =	vld.msk [tilespmem:s17+$0x0 ss:$0x1], $0x1;
	_ =	sdelay $0x2  }
0x13: {  	(v2sf) =	vpush v1, $0x1  }
0x14: {  	(v2sf) =	vpush v1, $0x0  }
0x15: {  	(v2sf) =	vpush v2, $0x0;
	_ =	sdelay $0xc  }
0x16: {  	p0 =	seq.s32 s21, $0x3C;
	s20 =	simm.s32 $0x1;
	s17 =	spop (v2sf)  }
0x17: {  	s20 =	simm.s32 @!p0 $0x2;
	s17 =	simm.s32 @p1 $0xFFFFFFFF;
	s23 =	spop (v2sf)  }
0x18: {  	p0 =	sne.s32 s23, s17;
	s17 =	simm.s32 $0x1;
	s22 =	spop (v2sf)  }
0x19: {  	v1 =	vmov s20;
	s17 =	simm.s32 @!p0 $0x0;
	s24 =	sshrl.u32 s22, $0x3  }
0x1a: {  	vm0 =	vgt.u32 v1, v0;
	s17 =	sadd.s32 s17, s18;
	s26 =	sshll.u32 s22, $0x7;
	s25 =	smul.u32 $0x4C00, s24  }
0x1b: {  	s17 =	smul.u32 $0x2600, s17;
	s28 =	sand.u32 $0x380, s26  }
0x1c: {  	s18 =	sor.u32 s28, s25  }
0x1d: {  	s17 =	sshra.s32 s17, $0x2;
	s18 =	sshrl.u32 s18, $0x3  }
0x1e: {  	s15 =	sadd.s32 s19, s15;
	s16 =	sadd.s32 s17, s16;
	s29 =	sadd.s32 s6, s18  }
0x1f: {  	[hbm:s29] =	stream.strided.scatter [tilespmem:s16], [sflag:$0x3], $0x980, s12, s12, $0x38;
	[tilespmem:$0x13040] =	vst v63  }
0x20: {  	v1 =	vld.msk [tilespmem:s15+$0x0 ss:$0x1], vm0;
	_ =	sdelay $0x4  }
0x21: {  	(v2sf) =	vpush v1, $0x1  }
0x22: {  	(v2sf) =	vpush v1, $0x0;
	_ =	sdelay $0xb  }
0x23: {  	s15 =	sld [smem:$0x7FB];
	_ =	sdelay $0x1  }
0x24: {  	s30 =	spop (v2sf)  }
0x25: {  	p3 =	seq.s32 s15, $0x1;
	s31 =	spop (v2sf)  }
.LBB2_7:
0x26: {  	p2 =	sne.s32 s13, s11  }
.Ltmp1:
0x27: {  	p0 =	slt.u32 s13, $0x2;
	(pc) =	sbr.rel @!p2 .LBB2_8-.Ltmp1, $4  }
0x28: {  	s16 =	sadd.s32 $0x10, s14;
	s15 =	simm.s32 @!p0 $0x3  }
0x29: {  	s14 =	smov.u32 s2;
	s17 =	sadd.s32 $0x1, s13;
	_ =	swait.ge @!p0 [sflag:s15], $0x9800  }
0x2a: {  	p3 =	por !p3, !p3;
	p1 =	slt.s32 s16, s3;
	[sflag:s15] =	ssyncset.done @!p0 $0x0  }
0x2b: {  	s13 =	smov.u32 s17;
	s14 =	smov.u32 @p1 s16;
	[sflag:s15] =	ssyncadd.s32 @!p0 $0xFFFF6800  }
.LBB2_1:
0x2c: {  	p0 =	sge.u32 s13, s9  }
0x2d: {  	s15 =	sxor.u32 @!p0 $0xFFFFFFFF, s13  }
0x2e: {  	s16 =	sshrl.u32 @!p0 s14, $0x3;
	s15 =	sshll.u32 @!p0 s15, $0x4  }
0x2f: {  	s18 =	sand.u32 @!p0 $0x7, s14;
	s17 =	sadd.s32 @!p0 s5, s16;
	s15 =	sand.u32 @!p0 $0x10, s15  }
0x30: {  	[tilespmem:s15], [sflag:$0x2] =	stream.linear.gather @!p0 [hbm4b:s17+s18], $0x10, $0x38;
	[tilespmem:$0x13040] =	vst v63  }
0x31: {  	s31 =	sadd.s32 $0xFFFFFFFF, s13;
	s16 =	sadd.s32 @!p0 s10, s16;
	s15 =	sor.u32 @!p0 $0x20, s15  }
0x32: {  	[tilespmem:s15], [sflag:$0x2] =	stream.linear.gather @!p0 [hbm4b:s16+s18], $0x10, $0x38;
	[tilespmem:$0x13040] =	vst v63  }
0x33: {  	p0 =	sge.u32 s31, s9  }
.Ltmp2:
0x34: {  	_ = 	snop;
	(pc) =	sbr.rel @p0 .LBB2_7-.Ltmp2, $1  }
0x35: {  	_ =	sdelay $0x3  }
0x36: {  	p2 =	por $0x0, $0x0;
	s15 =	simm.s32 $0x1  }
0x37: {  	s15 =	simm.s32 @!p2 $0x2  }
0x38: {  	v1 =	vmov s15  }
0x39: {  	s16 =	simm.s32 @!p3 $0x0;
	vm0 =	vgt.u32 v1, v0  }
0x3a: {  	s16 =	simm.s32 @p3 $0x1  }
0x3b: {  	s15 =	simm.s32 $0x1;
	[smem:$0x7FB] =	sst s16  }
0x3c: {  	s15 =	simm.s32 @!p3 $0x0;
	_ =	swait.ge [sflag:s8], $0x20  }
0x3d: {  	s15 =	sshll.u32 s15, $0x4;
	[sflag:s8] =	ssyncset.done $0x0  }
0x3e: {  	[sflag:s8] =	ssyncadd.s32 $0xFFFFFFE0;
	s24 =	sadd.s32 $0x0, s15  }
0x3f: {  	v1 =	vld.msk [tilespmem:s24+$0x0 ss:$0x1], vm0;
	_ =	sdelay $0x4  }
0x40: {  	(v2sf) =	vpush v1, $0x1  }
0x41: {  	(v2sf) =	vpush v1, $0x0  }
0x42: {  	p0 =	por $0x0, $0x0;
	s16 =	simm.s32 $0x1  }
0x43: {  	s16 =	simm.s32 @!p0 $0x2  }
0x44: {  	v2 =	vmov s16  }
0x45: {  	vm12 =	vgt.u32 v2, v0;
	_ =	sdelay $0x4  }
0x46: {  	p1 =	por $0x0, $0x0;
	s17 =	simm.s32 $0x1;
	s25 =	sadd.s32 $0x1, s15  }
0x47: {  	s17 =	simm.s32 @!p1 $0x2;
	v2 =	vld.msk [tilespmem:s25+$0x0 ss:$0x1], vm12  }
0x48: {  	v3 =	vmov s17  }
0x49: {  	p2 =	por p2, p2;
	vm13 =	vgt.u32 v3, v0  }
0x4a: {  	p2 =	por p2, p2  }
0x4b: {  	p2 =	por p2, p2;
	s16 =	spop (v2sf)  }
0x4c: {  	(v2sf) =	vpush v2, $0x1;
	s16 =	simm.s32 @p2 $0xFFFFFFFF;
	s18 =	spop (v2sf)  }
0x4d: {  	p2 =	seq.s32 s18, s16  }
0x4e: {  	s26 =	sadd.s32 $0x2, s15;
	(v2sf) =	vpush v2, $0x0;
	vm0 =	vgt.s32 @!p2 v1, $0x0  }
0x4f: {  	v3 =	vld.msk [tilespmem:s26+$0x0 ss:$0x1], vm13;
	v1 =	vnsel @!p2 vm0, $0x0, v1  }
0x50: {  	v1 =	vmin.u32 @!p2 v1, $0x270F  }
0x51: {  	(v2sf) =	vpush @!p2 v1, $0x0  }
0x52: {  	s22 =	simm.s32 $0x1;
	p4 =	por p1, p1;
	p1 =	por $0x0, $0x0  }
0x53: {  	s29 =	sand.u32 $0x1, s13;
	s22 =	simm.s32 @!p1 $0x2  }
0x54: {  	p4 =	por p4, p4;
	p5 =	por p1, p1;
	p0 =	por p0, p0;
	(v2sf) =	vpush v3, $0x1  }
0x55: {  	p1 =	por $0x0, $0x0;
	p5 =	por p5, p5;
	p0 =	por p0, p0;
	(v2sf) =	vpush v3, $0x0  }
0x56: {  	s17 =	sor.u32 $0x20, s15;
	p3 =	por p0, p0;
	s30 =	sadd.s32 $0x3, s15  }
0x57: {  	s31 =	sadd.s32 $0x4, s15;
	s26 =	simm.s32 $0x1;
	s24 =	simm.s32 $0x18  }
0x58: {  	s26 =	simm.s32 @!p1 $0x2;
	s16 =	smul.u32 $0x26000, s29;
	s18 =	simm.s32 $0x0  }
0x59: {  	p1 =	por p4, p4;
	p4 =	por $0x0, $0x0;
	s19 =	smul.u32 @!p2 $0x2600, s18  }
0x5a: {  	s20 =	simm.s32 @!p2 $0x1;
	s21 =	simm.s32 @!p2 $0x80;
	p6 =	por p2, p2;
	v1 =	vmov s22  }
0x5b: {  	s16 =	sshrl.u32 s16, $0x2;
	s20 =	smov.u32 @p2 s18;
	s18 =	spop (v2sf);
	vm14 =	vgt.u32 v1, v0  }
0x5c: {  	s16 =	sor.u32 $0x40, s16;
	s19 =	sshra.s32 @!p2 s19, $0x2;
	s18 =	simm.s32 @p3 $0xFFFFFFFF  }
0x5d: {  	s23 =	spop (v2sf);
	p3 =	por p4, p4;
	p4 =	por p6, p6  }
0x5e: {  	v4 =	vmov s26;
	p6 =	por $0x0, $0x0;
	p0 =	seq.s32 s23, s18;
	s26 =	simm.s32 @!p3 $0x0  }
0x5f: {  	s18 =	smul.u32 @!p0 $0x2600, s20;
	s25 =	sadd.s32 @!p0 $0x1, s20;
	s26 =	simm.s32 @p3 $0x1;
	vm1 =	vgt.s32 @!p0 v2, $0x0  }
0x60: {  	[smem:$0x7FC] =	sst s26;
	v2 =	vnsel @!p0 vm1, $0x0, v2;
	s26 =	spop @!p2 (v2sf);
	p2 =	por p0, p0  }
0x61: {  	s22 =	simm.s32 $0x14;
	s25 =	smov.u32 @p0 s20;
	v2 =	vmin.u32 @!p0 v2, $0x270F;
	v1 =	vld.msk [tilespmem:s30+$0x0 ss:$0x1], vm14;
	s23 =	simm.s32 @!p2 $0x0  }
0x62: {  	vm15 =	vgt.u32 v4, v0;
	s20 =	sshra.s32 @!p0 s18, $0x2;
	(v2sf) =	vpush @!p0 v2, $0x0;
	s28 =	sshrl.u32 @!p4 s26, $0x3;
	s23 =	simm.s32 @p2 $0x1  }
0x63: {  	s26 =	sshll.u32 @!p4 s26, $0x7;
	[smem:$0x7FD] =	sst s23;
	s23 =	spop (v2sf)  }
0x64: {  	s28 =	smul.u32 @!p4 $0x4C00, s28;
	s23 =	simm.s32 @p1 $0xFFFFFFFF;
	s29 =	spop (v2sf)  }
0x65: {  	s18 =	simm.s32 @!p0 $0x80;
	s26 =	sand.u32 @!p4 $0x380, s26;
	p3 =	seq.s32 s29, s23  }
0x66: {  	s30 =	simm.s32 $0x1;
	(v2sf) =	vpush v1, $0x1;
	s28 =	sor.u32 @!p4 s26, s28;
	vm1 =	vgt.s32 @!p3 v3, $0x0;
	s29 =	smul.u32 @!p3 $0x2600, s25  }
0x67: {  	s30 =	simm.s32 @!p6 $0x2;
	(v2sf) =	vpush v1, $0x0;
	s28 =	sshrl.u32 @!p4 s28, $0x3;
	s23 =	sadd.s32 @!p3 $0x1, s25;
	v4 =	vnsel @!p3 vm1, $0x0, v3  }
0x68: {  	v2 =	vld.msk [tilespmem:s31+$0x0 ss:$0x1], vm15;
	s23 =	smov.u32 @p3 s25;
	v3 =	vmov s30;
	s25 =	simm.s32 @!p3 $0x80;
	v4 =	vmin.u32 @!p3 v4, $0x270F;
	s26 =	sshra.s32 @!p3 s29, $0x2  }
.LBB2_3:
0x69: {  	s29 =	smov.u32 s23;
	p2 =	por p0, p0  }
0x6a: {  	s23 =	sadd.s32 @!p4 s4, s28;
	s28 =	sadd.s32 @!p4 s19, s16;
	s31 =	sld [smem:$0x7FC]  }
0x6b: {  	[tilespmem:s28], [sflag:$0x1] =	stream.strided.gather @!p4 [hbm:s23], $0x980, s21, s21, $0x38;
	[tilespmem:$0x13040] =	vst v63  }
0x6c: {  	s21 =	smov.u32 s18;
	s18 =	smov.u32 s25;
	s25 =	sld [smem:$0x7FD]  }
0x6d: {  	p0 =	por p3, p3;
	s30 =	smov.u32 s24;
	s24 =	sadd.s32 $0x4, s24  }
0x6e: {  	(v2sf) =	vpush @!p3 v4, $0x0;
	s19 =	smov.u32 s20;
	p3 =	por p5, p5;
	p1 =	seq.s32 s31, $0x1  }
0x6f: {  	p5 =	por p1, p1;
	p1 =	por p6, p6;
	p6 =	seq.s32 s25, $0x1  }
0x70: {  	s20 =	smov.u32 s26;
	s26 =	simm.s32 @!p1 $0x0;
	p4 =	por p6, p6  }
0x71: {  	p6 =	por p0, p0;
	s25 =	spop @!p2 (v2sf);
	s26 =	simm.s32 @p1 $0x1  }
0x72: {  	vm0 =	vgt.u32 v3, v0;
	p1 =	sne.s32 s24, $0x40;
	s23 =	simm.s32 @!p6 $0x0;
	s28 =	sshrl.u32 @!p4 s25, $0x3  }
0x73: {  	s25 =	sshll.u32 @!p4 s25, $0x7;
	[smem:$0x7FC] =	sst s26;
	s23 =	simm.s32 @p6 $0x1  }
0x74: {  	s26 =	sshra.s32 s22, $0x2;
	s22 =	smov.u32 s30;
	s25 =	sand.u32 @!p4 $0x380, s25  }
0x75: {  	[smem:$0x7FD] =	sst s23;
	s23 =	sadd.s32 s26, s15;
	s26 =	spop (v2sf)  }
.Ltmp3:
0x76: {  	s26 =	simm.s32 @p3 $0xFFFFFFFF;
	s31 =	spop (v2sf);
	(pc) =	sbr.rel @p1 .LBB2_3-.Ltmp3, $4  }
0x77: {  	s30 =	simm.s32 $0x1;
	p3 =	seq.s32 s31, s26;
	s26 =	smul.u32 @!p4 $0x4C00, s28  }
0x78: {  	(v2sf) =	vpush v2, $0x1;
	v3 =	vmov v2;
	p6 =	seq.s32 s22, $0x3C;
	v2 =	vld.msk [tilespmem:s23+$0x0 ss:$0x1], vm0;
	vm0 =	vgt.s32 @!p3 v1, $0x0;
	s28 =	smul.u32 @!p3 $0x2600, s29;
	s23 =	sadd.s32 @!p3 $0x1, s29  }
0x79: {  	s30 =	simm.s32 @!p6 $0x2;
	v4 =	vnsel @!p3 vm0, $0x0, v1;
	s23 =	smov.u32 @p3 s29;
	s29 =	sor.u32 @!p4 s25, s26  }
0x7a: {  	(v2sf) =	vpush v3, $0x0;
	v1 =	vmovc v3;
	v3 =	vmov s30;
	s25 =	simm.s32 @!p3 $0x80;
	v4 =	vmin.u32 @!p3 v4, $0x270F;
	s26 =	sshra.s32 @!p3 s28, $0x2;
	s28 =	sshrl.u32 @!p4 s29, $0x3  }
0x7b: {  	_ =	sdelay $0x3  }
0x7c: {  	vm0 =	vgt.u32 v3, v0;
	_ =	sdelay $0x2  }
0x7d: {  	(v2sf) =	vpush @!p3 v4, $0x0  }
0x7e: {  	s22 =	sshra.s32 s22, $0x2  }
0x7f: {  	s22 =	sadd.s32 s22, s15;
	(v2sf) =	vpush v2, $0x1  }
0x80: {  	s19 =	sadd.s32 @!p4 s19, s16;
	s24 =	spop @!p0 (v2sf);
	(v2sf) =	vpush v2, $0x0;
	v3 =	vld.msk [tilespmem:s22+$0x0 ss:$0x1], vm0;
	s22 =	sadd.s32 @!p4 s4, s28  }
0x81: {  	[tilespmem:s19], [sflag:$0x1] =	stream.strided.gather @!p4 [hbm:s22], $0x980, s21, s21, $0x38;
	[tilespmem:$0x13040] =	vst v63  }
0x82: {  	s19 =	sld [smem:$0x7FD]  }
0x83: {  	p0 =	por p5, p5;
	s29 =	spop (v2sf)  }
0x84: {  	s29 =	simm.s32 @p0 $0xFFFFFFFF;
	s30 =	spop (v2sf)  }
0x85: {  	p1 =	seq.s32 s19, $0x1;
	p0 =	seq.s32 s30, s29  }
0x86: {  	p2 =	por p1, p1;
	vm0 =	vgt.s32 @!p0 v1, $0x0  }
0x87: {  	s19 =	sshrl.u32 @!p2 s24, $0x3;
	v1 =	vnsel @!p0 vm0, $0x0, v1  }
0x88: {  	s21 =	sshll.u32 @!p2 s24, $0x7;
	s19 =	smul.u32 @!p2 $0x4C00, s19;
	s29 =	sld [smem:$0x7FC];
	v1 =	vmin.u32 @!p0 v1, $0x270F  }
0x89: {  	s21 =	sand.u32 @!p2 $0x380, s21;
	(v2sf) =	vpush @!p0 v1, $0x0  }
0x8a: {  	s19 =	sor.u32 @!p2 s21, s19;
	(v2sf) =	vpush v3, $0x1  }
0x8b: {  	s20 =	sadd.s32 @!p2 s20, s16;
	s19 =	sshrl.u32 @!p2 s19, $0x3;
	p5 =	seq.s32 s29, $0x1;
	(v2sf) =	vpush v3, $0x0  }
0x8c: {  	s22 =	spop @!p3 (v2sf);
	s19 =	sadd.s32 @!p2 s4, s19;
	p1 =	por p5, p5  }
0x8d: {  	[tilespmem:s20], [sflag:$0x1] =	stream.strided.gather @!p2 [hbm:s19], $0x980, s18, s18, $0x38;
	[tilespmem:$0x13040] =	vst v63  }
0x8e: {  	s24 =	spop (v2sf);
	p1 =	por p1, p1  }
0x8f: {  	p4 =	por p3, p3;
	s30 =	spop (v2sf);
	s24 =	simm.s32 @p1 $0xFFFFFFFF  }
0x90: {  	p3 =	por p4, p4;
	p1 =	seq.s32 s30, s24  }
0x91: {  	s18 =	sshrl.u32 @!p3 s22, $0x3;
	vm0 =	vgt.s32 @!p1 v2, $0x0  }
0x92: {  	s19 =	sshll.u32 @!p3 s22, $0x7;
	s18 =	smul.u32 @!p3 $0x4C00, s18;
	v1 =	vnsel @!p1 vm0, $0x0, v2  }
0x93: {  	s19 =	sand.u32 @!p3 $0x380, s19;
	v1 =	vmin.u32 @!p1 v1, $0x270F  }
0x94: {  	s18 =	sor.u32 @!p3 s19, s18;
	(v2sf) =	vpush @!p1 v1, $0x0  }
0x95: {  	s18 =	sshrl.u32 @!p3 s18, $0x3  }
0x96: {  	p5 =	por p6, p6;
	s19 =	sadd.s32 @!p3 s26, s16;
	s18 =	sadd.s32 @!p3 s4, s18  }
0x97: {  	[tilespmem:s19], [sflag:$0x1] =	stream.strided.gather @!p3 [hbm:s18], $0x980, s25, s25, $0x38;
	[tilespmem:$0x13040] =	vst v63  }
0x98: {  	p2 =	por p5, p5;
	s20 =	spop @!p0 (v2sf)  }
0x99: {  	p2 =	por p2, p2;
	s21 =	spop (v2sf)  }
0x9a: {  	p6 =	por p0, p0;
	s21 =	simm.s32 @p2 $0xFFFFFFFF;
	s31 =	spop (v2sf)  }
0x9b: {  	p3 =	por p6, p6;
	p2 =	seq.s32 s31, s21  }
0x9c: {  	s18 =	sshrl.u32 @!p3 s20, $0x3;
	vm0 =	vgt.s32 @!p2 v3, $0x0  }
0x9d: {  	s19 =	sshll.u32 @!p3 s20, $0x7;
	s18 =	smul.u32 @!p3 $0x4C00, s18;
	v1 =	vnsel @!p2 vm0, $0x0, v3  }
0x9e: {  	s20 =	smul.u32 @!p0 $0x2600, s23;
	s19 =	sand.u32 @!p3 $0x380, s19;
	v1 =	vmin.u32 @!p2 v1, $0x270F  }
0x9f: {  	s18 =	sor.u32 @!p3 s19, s18;
	(v2sf) =	vpush @!p2 v1, $0x0  }
0xa0: {  	p5 =	por p1, p1;
	s19 =	sshra.s32 @!p0 s20, $0x2;
	s18 =	sshrl.u32 @!p3 s18, $0x3  }
0xa1: {  	s20 =	simm.s32 @!p0 $0x80;
	s19 =	sadd.s32 @!p3 s19, s16;
	s18 =	sadd.s32 @!p3 s4, s18  }
0xa2: {  	[tilespmem:s19], [sflag:$0x1] =	stream.strided.gather @!p3 [hbm:s18], $0x980, s20, s20, $0x38;
	[tilespmem:$0x13040] =	vst v63  }
0xa3: {  	p3 =	por p5, p5;
	s18 =	spop @!p1 (v2sf)  }
0xa4: {  	s19 =	sadd.s32 @!p0 $0x1, s23;
	s20 =	sshrl.u32 @!p3 s18, $0x3  }
0xa5: {  	s19 =	smov.u32 @p0 s23;
	s18 =	sshll.u32 @!p3 s18, $0x7;
	s20 =	smul.u32 @!p3 $0x4C00, s20  }
0xa6: {  	s21 =	smul.u32 @!p1 $0x2600, s19;
	s18 =	sand.u32 @!p3 $0x380, s18  }
0xa7: {  	s18 =	sor.u32 @!p3 s18, s20  }
0xa8: {  	s20 =	sshra.s32 @!p1 s21, $0x2;
	s18 =	sshrl.u32 @!p3 s18, $0x3  }
0xa9: {  	s21 =	simm.s32 @!p1 $0x80;
	s20 =	sadd.s32 @!p3 s20, s16;
	s18 =	sadd.s32 @!p3 s4, s18  }
0xaa: {  	[tilespmem:s20], [sflag:$0x1] =	stream.strided.gather @!p3 [hbm:s18], $0x980, s21, s21, $0x38;
	[tilespmem:$0x13040] =	vst v63  }
0xab: {  	s20 =	sadd.s32 @!p1 $0x1, s19  }
0xac: {  	s20 =	smov.u32 @p1 s19  }
0xad: {  	p6 =	por p2, p2;
	s22 =	sadd.s32 @!p2 $0x1, s20  }
0xae: {  	p0 =	por p6, p6;
	s22 =	smov.u32 @p2 s20;
	s18 =	spop @!p2 (v2sf)  }
0xaf: {  	s22 =	smul.u32 $0x2600, s22;
	s21 =	sshrl.u32 @!p0 s18, $0x3  }
0xb0: {  	s18 =	sshll.u32 @!p0 s18, $0x7;
	s19 =	smul.u32 @!p0 $0x4C00, s21  }
0xb1: {  	s21 =	smul.u32 @!p2 $0x2600, s20;
	s18 =	sand.u32 @!p0 $0x380, s18  }
0xb2: {  	s18 =	sor.u32 @!p0 s18, s19  }
0xb3: {  	s23 =	sshrl.u32 s22, $0x2;
	s19 =	sshra.s32 @!p2 s21, $0x2;
	s18 =	sshrl.u32 @!p0 s18, $0x3  }
0xb4: {  	s20 =	simm.s32 @!p2 $0x80;
	s19 =	sadd.s32 @!p0 s19, s16;
	s18 =	sadd.s32 @!p0 s4, s18  }
0xb5: {  	[tilespmem:s19], [sflag:$0x1] =	stream.strided.gather @!p0 [hbm:s18], $0x980, s20, s20, $0x38;
	[tilespmem:$0x13040] =	vst v63  }
0xb6: {  	_ =	swait.ge [sflag:s7], s23  }
0xb7: {  	s18 =	ssub.s32 $0x0, s23;
	[sflag:s7] =	ssyncset.done $0x0  }
0xb8: {  	s24 =	sadd.s32 $0x0, s17;
	[sflag:s7] =	ssyncadd.s32 s18  }
0xb9: {  	v1 =	vld.msk [tilespmem:s24+$0x0 ss:$0x1], $0x1;
	_ =	sdelay $0x4  }
0xba: {  	(v2sf) =	vpush v1, $0x0;
	_ =	sdelay $0xd  }
0xbb: {  	p1 =	por $0x0, $0x0;
	s19 =	simm.s32 $0x1  }
0xbc: {  	s19 =	simm.s32 @!p1 $0x2;
	s25 =	spop (v2sf)  }
0xbd: {  	v1 =	vmov s19;
	s26 =	sshrl.u32 s25, $0x3  }
0xbe: {  	s18 =	simm.s32 $0x0;
	vm15 =	vgt.u32 v1, v0;
	s20 =	sshll.u32 s25, $0x7;
	s28 =	smul.u32 $0x4C00, s26  }
0xbf: {  	s29 =	smul.u32 $0x2600, s18;
	s20 =	sand.u32 $0x380, s20  }
0xc0: {  	s19 =	sor.u32 s20, s28  }
0xc1: {  	s30 =	sshra.s32 s29, $0x2;
	s19 =	sshrl.u32 s19, $0x3  }
0xc2: {  	s31 =	sadd.s32 $0x0, s15;
	s20 =	sadd.s32 s30, s16;
	s19 =	sadd.s32 s6, s19  }
0xc3: {  	[hbm:s19] =	stream.strided.scatter [tilespmem:s20], [sflag:$0x3], $0x980, s12, s12, $0x38;
	[tilespmem:$0x13040] =	vst v63  }
0xc4: {  	s21 =	simm.s32 $0x4;
	s19 =	simm.s32 $0x1;
	s20 =	simm.s32 $0x8;
	v1 =	vld.msk [tilespmem:s31+$0x0 ss:$0x1], vm15  }
.LBB2_5:
0xc5: {  	p0 =	sne.s32 s20, $0x3C;
	s22 =	sadd.s32 s19, s17  }
0xc6: {  	v2 =	vld.msk [tilespmem:s22+$0x0 ss:$0x1], $0x1;
	_ =	sdelay $0x3  }
0xc7: {  	(v2sf) =	vpush v1, $0x1  }
0xc8: {  	(v2sf) =	vpush v1, $0x0  }
0xc9: {  	(v2sf) =	vpush v2, $0x0;
	_ =	sdelay $0xc  }
0xca: {  	s22 =	spop (v2sf)  }
0xcb: {  	s23 =	simm.s32 $0x1;
	s22 =	simm.s32 @p1 $0xFFFFFFFF;
	p1 =	seq.s32 s21, $0x3C  }
0xcc: {  	s21 =	spop (v2sf);
	s23 =	simm.s32 @!p1 $0x2  }
0xcd: {  	s24 =	spop (v2sf);
	p2 =	sne.s32 s21, s22;
	v1 =	vmov s23;
	s23 =	simm.s32 $0x1  }
0xce: {  	s21 =	smov.u32 s20;
	s22 =	sshrl.u32 s24, $0x3;
	s23 =	simm.s32 @!p2 $0x0  }
0xcf: {  	s24 =	sshll.u32 s24, $0x7;
	s22 =	smul.u32 $0x4C00, s22;
	vm0 =	vgt.u32 v1, v0;
	s18 =	sadd.s32 s23, s18  }
0xd0: {  	s23 =	sand.u32 $0x380, s24;
	s24 =	smul.u32 $0x2600, s18  }
.Ltmp4:
0xd1: {  	s22 =	sor.u32 s23, s22;
	(pc) =	sbr.rel @p0 .LBB2_5-.Ltmp4, $4  }
0xd2: {  	s22 =	sshrl.u32 s22, $0x3;
	s23 =	sshra.s32 s24, $0x2  }
0xd3: {  	s22 =	sadd.s32 s6, s22;
	s24 =	sadd.s32 s19, s15;
	s23 =	sadd.s32 s23, s16  }
0xd4: {  	[hbm:s22] =	stream.strided.scatter [tilespmem:s23], [sflag:$0x3], $0x980, s12, s12, $0x38;
	[tilespmem:$0x13040] =	vst v63  }
0xd5: {  	s20 =	sadd.s32 $0x4, s20;
	s19 =	sshra.s32 s21, $0x2;
	v1 =	vld.msk [tilespmem:s24+$0x0 ss:$0x1], vm0  }
.Ltmp5:
0xd6: {  	_ = 	snop;
	(pc) =	sbr.rel .LBB2_6-.Ltmp5, $1  }
0xd7: {  	_ =	sdelay $0x3  }
.LBB2_8:
0xd8: {  	_ =	sfence.sel $0x180000  }
0xd9: {  	s2 =	simm.s32 $0x2;
	[bflag:$0x0] =	sbarrier.arrive $0xFFFF  }
0xda: {  	s30 =	simm.s32 $0x3;
	[sflag:s2] =	ssyncpa.u1 $0x1  }
0xdb: {  	s31 =	simm.s32 $0x1;
	[sflag:s30] =	ssyncpa.u1 $0x1  }
0xdc: {  	[sflag:s31] =	ssyncpa.u1 $0x1  }
0xdd: {  	p0 =	sne.s32 s0, $0x0;
	_ =	strace $0x9000005F  }
0xde: {  	s0 =	sadd.s32 @!p0 $0x100000, s1;
	[bflag:$0x2] =	sbarrier.arrive $0xFFFF  }
0xdf: {  	[sflag:s0] =	ssyncadd.tile.s32 @!p0 $0x1;
	_ =	shalt  }
.Lfunc_end2:
_tile_overlayer_lowered:
.L_overlay_start_2:
0xe0: {  	(tag) =	ssettag $0x2  }
0xe1: {  	s0 =	rddreg [dreg:$0x0];
	s2 =	stileid.u32  }
0xe2: {  	s1 =	rddreg [dreg:$0x1];
	p0 =	sne.s32 s2, $0x0  }
0xe3: {  	s3 =	rddreg [dreg:$0x2];
	[bflag:$0x3] =	sbarrier.arrive $0xFFFF;
	s2 =	simm.s32 @!p0 $0x1C01  }
0xe4: {  	[timem:s3], [sflag:s2] =	dma.local @!p0 [hbm:s0], s1  }
0xe5: {  	s0 =	simm.s32 @!p0 $0x1  }
0xe6: {  	_ =	swait.ge @!p0 [sflag:s0], s1  }
0xe7: {  	s1 =	ssub.s32 @!p0 $0x0, s1;
	[sflag:s0] =	ssyncset.done @!p0 $0x0  }
0xe8: {  	[sflag:s0] =	ssyncadd.s32 @!p0 s1  }
0xe9: {  	[bflag:$0x3] =	sbarrier.arrive $0xFFFF  }
0xea: {  	_ =	shalt  }

// kernel: gather_offload_async_start.7
scs
__scs_entry_jumppad:
0x0: {  	(pc) =	sbr.rel $0x88, $3  }
0x1: {  	(tag) =	ssettag $0x0;
	lr =	simm.s32 $0x1  }
0x2: {  	[smem:$0x3F7E] =	sst lr;
	_ =	strace $0xD0000000  }
0x3: {  	_ = 	snop  }
0x4: {  	_ = 	snop  }
0x5: {  	_ = 	snop  }
0x6: {  	_ = 	snop  }
0x7: {  	_ = 	snop  }
__scs_overlays_trampoline_lowered:
0x8: {  	[smem:$0x3F8D] =	sst s0  }
0x9: {  	[smem:$0x3F8E] =	sst s1  }
0xa: {  	[smem:$0x3F8F] =	sst s2  }
0xb: {  	[smem:$0x3F90] =	sst s3  }
0xc: {  	[smem:$0x3F91] =	sst s4  }
0xd: {  	[smem:$0x3F92] =	sst s5  }
0xe: {  	[smem:$0x3F93] =	sst s6  }
0xf: {  	[smem:$0x3F94] =	sst s7  }
0x10: {  	[smem:$0x3F95] =	sst s8  }
0x11: {  	[smem:$0x3F96] =	sst s9;
	s0 =	simm.s32 @!p0 $0x0  }
0x12: {  	s1 =	sld [smem:$0x3F7C];
	s0 =	simm.s32 @p0 $0x1  }
0x13: {  	[smem:$0x3F97] =	sst s0;
	s0 =	simm.s32 @!p1 $0x0  }
0x14: {  	s2 =	sld [smem:$0x3F7B];
	s0 =	simm.s32 @p1 $0x1  }
0x15: {  	[smem:$0x3F98] =	sst s0;
	s0 =	simm.s32 @!p2 $0x0  }
0x16: {  	s3 =	sld [smem:$0x3FDB];
	s0 =	simm.s32 @p2 $0x1  }
0x17: {  	s4 =	simm.s32 $0x1BF5;
	[smem:$0x3F9A] =	sst s0  }
0x18: {  	s0 =	sld [smem:$0x3F7D];
	_ =	swait.ge [sflag:s4], $0x0  }
0x19: {  	s7 =	sld [smem:$0x3F7E]  }
0x1a: {  	s8 =	sadd.s32 $0xFFFFE003, lr  }
0x1b: {  	s9 =	sadd.s32 $0xFFFFFEF7, lr;
	s5 =	simm.s32 $0xFFFFFFFF;
	p2 =	slt.u32 s8, $0xFFFFF086  }
0x1c: {  	p1 =	slt.u32 s9, $0xF7A;
	s5 =	simm.s32 @!p2 $0x0  }
0x1d: {  	s5 =	simm.s32 @p1 $0x1;
	p0 =	seq.s32 s7, s2  }
0x1e: {  	s7 =	smul.u32 @!p0 $0xF7A, s2;
	p2 =	seq.s32 @!p0 s5, $0x0  }
0x1f: {  	s9 =	smul.u32 $0xF7A, s1;
	s8 =	simm.s32 @!p0 $0x1BF5;
	p2 =	por !p2, p0  }
0x20: {  	[sflag:s8] =	ssyncset.s32 @!p0 $0xFFFFF086;
	s6 =	sadd.s32 @!p0 s3, s7;
	s7 =	simm.s32 @!p0 $0x108  }
0x21: {  	s3 =	sadd.s32 s3, s9;
	s6 =	sadd.s32 @!p0 $0x88, s6;
	s7 =	simm.s32 @p2 $0x1082  }
0x22: {  	[simem:s7], [sflag:s8] =	dma.local @!p0 [hbm:s6], $0xF7A  }
0x23: {  	s9 =	sor.u32 $0xD0000000, s2;
	s6 =	simm.s32 $0x108;
	_ =	swait.ge @!p0 [sflag:s8], $0x0  }
0x24: {  	s3 =	sadd.s32 $0x88, s3;
	s6 =	simm.s32 @!p1 $0x1082;
	[sflag:s4] =	ssyncset.s32 $0xFFFFF086  }
0x25: {  	[simem:s6], [sflag:s4] =	dma.local [hbm:s3], $0xF7A  }
0x26: {  	[smem:$0x3F7E] =	sst s1;
	(tag) =	ssettag s2;
	_ =	strace s9  }
0x27: {  	s1 =	sld [smem:$0x3F8E]  }
0x28: {  	s2 =	sld [smem:$0x3F8F]  }
0x29: {  	s4 =	sld [smem:$0x3F91]  }
0x2a: {  	p0 =	seq.s32 s5, $0x0;
	s5 =	sld [smem:$0x3F92]  }
0x2b: {  	s6 =	sld [smem:$0x3F93]  }
0x2c: {  	s7 =	sld [smem:$0x3F94]  }
0x2d: {  	s3 =	simm.s32 $0x108;
	s8 =	sld [smem:$0x3F95]  }
0x2e: {  	s3 =	simm.s32 @!p0 $0x1082;
	s9 =	sld [smem:$0x3F96]  }
0x2f: {  	lr =	sadd.s32 s0, s3;
	s0 =	sld [smem:$0x3F8D]  }
0x30: {  	s3 =	sld [smem:$0x3F90]  }
0x31: {  	[smem:$0x3F99] =	sst s10  }
0x32: {  	s10 =	sld [smem:$0x3F97];
	_ =	sdelay $0x3  }
0x33: {  	p0 =	seq.s32 s10, $0x1;
	s10 =	sld [smem:$0x3F99];
	_ =	sdelay $0x3  }
0x34: {  	[smem:$0x3F99] =	sst s10  }
0x35: {  	s10 =	sld [smem:$0x3F98];
	_ =	sdelay $0x3  }
0x36: {  	p1 =	seq.s32 s10, $0x1;
	s10 =	sld [smem:$0x3F99];
	_ =	sdelay $0x3  }
0x37: {  	[smem:$0x3F99] =	sst s10  }
0x38: {  	s10 =	sld [smem:$0x3F9A]  }
0x39: {  	_ = 	snop;
	(pc) =	sbr.ind lr, $3  }
0x3a: {  	_ = 	snop  }
0x3b: {  	_ = 	snop  }
0x3c: {  	p2 =	seq.s32 s10, $0x1;
	s10 =	sld [smem:$0x3F99]  }
0x3d: {  	_ =	shalt  }
0x3e: {  	_ =	shalt  }
0x3f: {  	_ =	shalt  }
0x40: {  	_ =	shalt  }
0x41: {  	_ =	shalt  }
0x42: {  	_ =	shalt  }
0x43: {  	_ =	shalt  }
0x44: {  	_ =	shalt  }
0x45: {  	_ =	shalt  }
0x46: {  	_ =	shalt  }
0x47: {  	_ =	shalt  }
0x48: {  	_ =	shalt  }
0x49: {  	_ =	shalt  }
0x4a: {  	_ =	shalt  }
0x4b: {  	_ =	shalt  }
0x4c: {  	_ =	shalt  }
0x4d: {  	_ =	shalt  }
0x4e: {  	_ =	shalt  }
0x4f: {  	_ =	shalt  }
0x50: {  	_ =	shalt  }
0x51: {  	_ =	shalt  }
0x52: {  	_ =	shalt  }
0x53: {  	_ =	shalt  }
0x54: {  	_ =	shalt  }
0x55: {  	_ =	shalt  }
0x56: {  	_ =	shalt  }
0x57: {  	_ =	shalt  }
0x58: {  	_ =	shalt  }
0x59: {  	_ =	shalt  }
0x5a: {  	_ =	shalt  }
0x5b: {  	_ =	shalt  }
0x5c: {  	_ =	shalt  }
0x5d: {  	_ =	shalt  }
0x5e: {  	_ =	shalt  }
0x5f: {  	_ =	shalt  }
0x60: {  	_ =	shalt  }
0x61: {  	_ =	shalt  }
0x62: {  	_ =	shalt  }
0x63: {  	_ =	shalt  }
0x64: {  	_ =	shalt  }
0x65: {  	_ =	shalt  }
0x66: {  	_ =	shalt  }
0x67: {  	_ =	shalt  }
0x68: {  	_ =	shalt  }
0x69: {  	_ =	shalt  }
0x6a: {  	_ =	shalt  }
0x6b: {  	_ =	shalt  }
0x6c: {  	_ =	shalt  }
0x6d: {  	_ =	shalt  }
0x6e: {  	_ =	shalt  }
0x6f: {  	_ =	shalt  }
0x70: {  	_ =	shalt  }
0x71: {  	_ =	shalt  }
0x72: {  	_ =	shalt  }
0x73: {  	_ =	shalt  }
0x74: {  	_ =	shalt  }
0x75: {  	_ =	shalt  }
0x76: {  	_ =	shalt  }
0x77: {  	_ =	shalt  }
0x78: {  	_ =	shalt  }
0x79: {  	_ =	shalt  }
0x7a: {  	_ =	shalt  }
0x7b: {  	_ =	shalt  }
0x7c: {  	_ =	shalt  }
0x7d: {  	_ =	shalt  }
0x7e: {  	_ =	shalt  }
0x7f: {  	_ =	shalt  }
0x80: {  	_ =	shalt  }
0x81: {  	_ =	shalt  }
0x82: {  	_ =	shalt  }
0x83: {  	_ =	shalt  }
0x84: {  	_ =	shalt  }
0x85: {  	_ =	shalt  }
0x86: {  	_ =	shalt  }
0x87: {  	_ =	shalt  }
.Lfunc_end0:
.L_simem_size_0:
called_computation.9_lowered:
.L_overlay_start_0:
0x88: {  	s2 =	sld [smem:$0x3FD9]  }
0x89: {  	s3 =	sld [smem:$0x3FFE];
	_ =	sdelay $0x1  }
0x8a: {  	s1 =	srdreg.scid  }
0x8b: {  	s0 =	sand.u32 $0x1, s1  }
0x8c: {  	s16 =	sshll.u32 s0, $0xA;
	s2 =	sadd.s32 s3, s2  }
0x8d: {  	s2 =	sadd.s32 s2, s16  }
0x8e: {  	[smem:$0x3FA5] =	sst s2  }
0x8f: {  	_ = 	snop  }
0x90: {  	(tm) =	ssettm $0x1  }
0x91: {  	s17 =	sld [smem:$0x3FFB];
	_ =	sdelay $0x3  }
0x92: {  	_ =	strace s17  }
0x93: {  	s2 =	sld [smem:$0x3FFC];
	_ =	sdelay $0x3  }
0x94: {  	_ =	strace s2  }
0x95: {  	s2 =	sld [smem:$0x3FFD];
	_ =	sdelay $0x3  }
0x96: {  	_ =	strace s2  }
0x97: {  	_ =	strace $0x8FFFFFFF  }
0x98: {  	s18 =	sld [smem:$0x3FDB];
	_ =	sdelay $0x1  }
0x99: {  	s19 =	simm.s32 $_scs_section_size  }
0x9a: {  	s4 =	simm.s32 $_size__tile_overlayer_lowered;
	s5 =	simm.s32 $_tile_overlayer_lowered  }
0x9b: {  	s22 =	simm.s32 $0x1BFF;
	s21 =	sshll.u32 s5, $0x1;
	s2 =	sadd.s32 s19, s18  }
0x9c: {  	s6 =	simm.s32 $0x0;
	s20 =	sshll.u32 s4, $0x1;
	s4 =	sadd.s32 s21, s2  }
0x9d: {  	[timem:s6], [sflag:s22] =	dma.local [hbm:s4], s20  }
0x9e: {  	_ =	swait.ge [sflag:s22], s20  }
0x9f: {  	s3 =	ssub.s32 $0x0, s20;
	[sflag:s22] =	ssyncset.done $0x0  }
0xa0: {  	[sflag:s22] =	ssyncadd.s32 s3;
	_ =	sdelay $0x1  }
0xa1: {  	s23 =	simm.s32 $0x1B8B  }
0xa2: {  	_ =	swait.ge [sflag:s23], $0x1  }
0xa3: {  	[sflag:s23] =	ssyncset.done $0x0  }
0xa4: {  	s25 =	simm.s32 $0x1B8E;
	s24 =	sld [smem:$0x3FFE];
	[sflag:s23] =	ssyncadd.s32 $0xFFFFFFFF  }
0xa5: {  	s26 =	simm.s32 $execute0_lowered;
	[smem:$0x3FD2] =	sst s25  }
0xa6: {  	s4 =	sshll.u32 s26, $0x1;
	_ =	strace $0x8000005B;
	[dreg:$0x1] =	wrdreg $0xFFFFFFFF  }
0xa7: {  	s28 =	simm.s32 $_size_execute0_lowered;
	s2 =	sadd.s32 s2, s4;
	[dreg:$0x0] =	wrdreg $0x0  }
0xa8: {  	s4 =	sshll.u32 s28, $0x1;
	[dreg:$0x2] =	wrdreg s2  }
0xa9: {  	[dreg:$0x3] =	wrdreg s4  }
0xaa: {  	[dreg:$0x4] =	wrdreg $0xC0  }
0xab: {  	_ =	task [dreg:s6], $0x5FFFF  }
0xac: {  	[dreg:$0x1] =	wrdreg $0xFFFFFFFF  }
0xad: {  	[dreg:$0x0] =	wrdreg $0x60  }
0xae: {  	[dreg:$0x2] =	wrdreg s24  }
0xaf: {  	[dreg:$0x3] =	wrdreg $0xA  }
0xb0: {  	_ =	task.clear_ibuf [dreg:s6], $0x4FFFF;
	_ =	strace $0x9000005B  }
0xb1: {  	s29 =	simm.s32 $0xA;
	_ =	strace $0x8000005D  }
0xb2: {  	_ =	swait.ge [sflag:s29], $0x1  }
0xb3: {  	[sflag:s29] =	ssyncadd.s32 $0xFFFFFFFF  }
0xb4: {  	_ =	strace $0x9000005D  }
0xb5: {  	_ =	sfence  }
0xb6: {  	s30 =	sld [smem:$0x0];
	_ =	sdelay $0x2  }
0xb7: {  	s31 =	sshll.u32 s1, $0xD;
	s1 =	sshrl.u32 s1, $0x2  }
0xb8: {  	s3 =	sand.u32 $0x4000, s31;
	s1 =	sadd.s32 s1, s30  }
0xb9: {  	s0 =	sor.u32 s3, s0;
	s1 =	sshll.u32 s1, $0x11  }
0xba: {  	s0 =	sor.u32 s1, s0  }
0xbb: {  	s0 =	sadd.s32 $0x8F2B, s0  }
0xbc: {  	[sflag:s0] =	ssyncadd.remote.s32 $0x1  }
0xbd: {  	_ =	sfence.sel $0xFFFF  }
0xbe: {  	[dreg:$0x0] =	wrdreg $0xFFFFFFFF;
	(pc) =	sbr.abs _section_cstart, $3  }
0xbf: {  	[dreg:$0x1] =	wrdreg $0xFFFFFFFF  }
0xc0: {  	_ =	task.clear_ibuf [dreg:s6], $0x2FFFF;
	_ =	strace $0x9FFFFFFF  }
0xc1: {  	(tm) =	ssettm $0x7FFFFFFF  }
tec
execute0_lowered:
.L_overlay_start_1:
0x0: {  	(tag) =	ssettag $0x1  }
0x1: {  	s8 =	rddreg [dreg:$0x0]  }
0x2: {  	s0 =	rddreg [dreg:$0x1];
	s1 =	srdreg.scid;
	_ =	strace $0x8000005C  }
0x3: {  	s4 =	simm.s32 $0x1;
	s6 =	simm.s32 $0x2;
	s10 =	simm.s32 $0x3  }
0x4: {  	p3 =	por $0x0, $0x0;
	s11 =	simm.s32 $0x80;
	s3 =	sshll.u32 s1, $0x4  }
.Ltmp0:
0x5: {  	s1 =	stileid.u32;
	s5 =	sand.u32 $0x10, s3;
	(pc) =	sbr.rel .LBB2_1-.Ltmp0, $4  }
0x6: {  	s2 =	sadd.s32 $0xA59400, s8;
	[sflag:s4] =	ssyncpa.u1 $0x0;
	s5 =	sor.u32 s1, s5  }
0x7: {  	s7 =	sadd.s32 $0xBB8E00, s8;
	[sflag:s6] =	ssyncpa.u1 $0x0;
	s5 =	smul.u32 $0x1388, s5  }
0x8: {  	s3 =	sadd.s32 $0xEC00, s8;
	s8 =	sadd.s32 $0x672800, s8;
	[sflag:s10] =	ssyncpa.u1 $0x0  }
0x9: {  	v0 =	vlaneseq.u32;
	s10 =	simm.s32 $0x0;
	s9 =	sadd.s32 $0x1388, s5;
	s12 =	smov.u32 s5  }
.LBB2_6:
0xa: {  	s15 =	sadd.s32 s17, s15  }
0xb: {  	v2 =	vld.msk [tilespmem:s15+$0x0 ss:$0x1], $0x1;
	_ =	sdelay $0x2  }
0xc: {  	(v2sf) =	vpush v1, $0x1  }
0xd: {  	(v2sf) =	vpush v1, $0x0  }
0xe: {  	(v2sf) =	vpush v2, $0x0;
	_ =	sdelay $0xc  }
0xf: {  	p0 =	seq.s32 s19, $0x9C;
	s18 =	simm.s32 $0x1;
	s15 =	spop (v2sf)  }
0x10: {  	s18 =	simm.s32 @!p0 $0x2;
	s15 =	simm.s32 @p1 $0xFFFFFFFF;
	s23 =	spop (v2sf)  }
0x11: {  	p0 =	sne.s32 s23, s15;
	s15 =	simm.s32 $0x1;
	s20 =	spop (v2sf)  }
0x12: {  	v1 =	vmov s18;
	s15 =	simm.s32 @!p0 $0x0;
	s24 =	sshrl.u32 s20, $0x3  }
0x13: {  	vm0 =	vgt.u32 v1, v0;
	s15 =	sadd.s32 s15, s16;
	s26 =	sshll.u32 s20, $0x7;
	s25 =	smul.u32 $0x2400, s24  }
0x14: {  	s15 =	smul.u32 $0x1200, s15;
	s28 =	sand.u32 $0x380, s26  }
0x15: {  	s16 =	sor.u32 s28, s25  }
0x16: {  	s15 =	sshra.s32 s15, $0x2;
	s16 =	sshrl.u32 s16, $0x3  }
0x17: {  	s13 =	sadd.s32 s17, s13;
	s14 =	sadd.s32 s15, s14;
	s29 =	sadd.s32 s7, s16  }
0x18: {  	[hbm:s29] =	stream.strided.scatter [tilespmem:s14], [sflag:$0x3], $0x480, s11, s11, $0x38;
	[tilespmem:$0x168A0] =	vst v63  }
0x19: {  	v1 =	vld.msk [tilespmem:s13+$0x0 ss:$0x1], vm0;
	_ =	sdelay $0x4  }
0x1a: {  	(v2sf) =	vpush v1, $0x1  }
0x1b: {  	(v2sf) =	vpush v1, $0x0;
	_ =	sdelay $0xb  }
0x1c: {  	s13 =	sld [smem:$0x7FB];
	_ =	sdelay $0x1  }
0x1d: {  	s30 =	spop (v2sf)  }
0x1e: {  	p3 =	seq.s32 s13, $0x1;
	s31 =	spop (v2sf)  }
.LBB2_7:
0x1f: {  	p0 =	slt.u32 s10, $0x2;
	s10 =	sadd.s32 $0x1, s10  }
0x20: {  	p2 =	sne.s32 s10, $0x7F  }
.Ltmp1:
0x21: {  	_ = 	snop;
	(pc) =	sbr.rel @!p2 .LBB2_8-.Ltmp1, $4  }
0x22: {  	s13 =	simm.s32 @!p0 $0x3  }
0x23: {  	s14 =	sadd.s32 $0x28, s12;
	_ =	swait.ge @!p0 [sflag:s13], $0xB400  }
0x24: {  	s12 =	smov.u32 s5;
	p1 =	slt.s32 s14, s9;
	[sflag:s13] =	ssyncset.done @!p0 $0x0  }
0x25: {  	p3 =	por !p3, !p3;
	s12 =	smov.u32 @p1 s14;
	[sflag:s13] =	ssyncadd.s32 @!p0 $0xFFFF4C00  }
.LBB2_1:
0x26: {  	p0 =	sgt.u32 s10, $0x7C  }
0x27: {  	s13 =	sxor.u32 @!p0 $0xFFFFFFFF, s10  }
0x28: {  	s13 =	sand.u32 @!p0 $0x1, s13  }
0x29: {  	s14 =	sshrl.u32 @!p0 s12, $0x3;
	s13 =	smul.u32 @!p0 $0x28, s13  }
0x2a: {  	s16 =	sand.u32 @!p0 $0x7, s12;
	s15 =	sadd.s32 @!p0 s3, s14  }
0x2b: {  	[tilespmem:s13], [sflag:$0x2] =	stream.linear.gather @!p0 [hbm4b:s15+s16], $0x28, $0x38;
	[tilespmem:$0x168A0] =	vst v63  }
0x2c: {  	s31 =	sadd.s32 $0xFFFFFFFF, s10;
	s14 =	sadd.s32 @!p0 s8, s14;
	s13 =	sadd.s32 @!p0 $0x50, s13  }
0x2d: {  	[tilespmem:s13], [sflag:$0x2] =	stream.linear.gather @!p0 [hbm4b:s14+s16], $0x28, $0x38;
	[tilespmem:$0x168A0] =	vst v63  }
0x2e: {  	p0 =	sgt.u32 s31, $0x7C  }
.Ltmp2:
0x2f: {  	_ = 	snop;
	(pc) =	sbr.rel @p0 .LBB2_7-.Ltmp2, $1  }
0x30: {  	_ =	sdelay $0x3  }
0x31: {  	p2 =	por $0x0, $0x0;
	s13 =	simm.s32 $0x1  }
0x32: {  	s13 =	simm.s32 @!p2 $0x2  }
0x33: {  	v1 =	vmov s13  }
0x34: {  	s14 =	simm.s32 @!p3 $0x0;
	s13 =	simm.s32 $0x1;
	vm0 =	vgt.u32 v1, v0  }
0x35: {  	s14 =	simm.s32 @p3 $0x1;
	s13 =	simm.s32 @!p3 $0x0  }
0x36: {  	[smem:$0x7FB] =	sst s14;
	s13 =	smul.u32 $0xA0, s13  }
0x37: {  	_ =	swait.ge [sflag:s6], $0x50  }
0x38: {  	[sflag:s6] =	ssyncset.done $0x0;
	s13 =	sshrl.u32 s13, $0x2  }
0x39: {  	[sflag:s6] =	ssyncadd.s32 $0xFFFFFFB0;
	s25 =	sadd.s32 $0x0, s13  }
0x3a: {  	v1 =	vld.msk [tilespmem:s25+$0x0 ss:$0x1], vm0;
	_ =	sdelay $0x4  }
0x3b: {  	(v2sf) =	vpush v1, $0x1  }
0x3c: {  	(v2sf) =	vpush v1, $0x0;
	_ =	sdelay $0x1  }
0x3d: {  	p0 =	por $0x0, $0x0;
	s14 =	simm.s32 $0x1  }
0x3e: {  	s14 =	simm.s32 @!p0 $0x2  }
0x3f: {  	v2 =	vmov s14  }
0x40: {  	vm12 =	vgt.u32 v2, v0;
	_ =	sdelay $0x3  }
0x41: {  	p1 =	por $0x0, $0x0;
	s15 =	simm.s32 $0x1  }
0x42: {  	s15 =	simm.s32 @!p1 $0x2;
	s26 =	sadd.s32 $0x1, s13  }
0x43: {  	v3 =	vmov s15;
	v2 =	vld.msk [tilespmem:s26+$0x0 ss:$0x1], vm12  }
0x44: {  	p2 =	por p2, p2;
	vm13 =	vgt.u32 v3, v0  }
0x45: {  	p2 =	por p2, p2  }
0x46: {  	p2 =	por p2, p2;
	s14 =	spop (v2sf)  }
0x47: {  	s14 =	simm.s32 @p2 $0xFFFFFFFF;
	s16 =	spop (v2sf)  }
0x48: {  	(v2sf) =	vpush v2, $0x1;
	p2 =	seq.s32 s16, s14  }
0x49: {  	s28 =	sadd.s32 $0x2, s13;
	(v2sf) =	vpush v2, $0x0;
	vm0 =	vgt.s32 @!p2 v1, $0x0  }
0x4a: {  	v3 =	vld.msk [tilespmem:s28+$0x0 ss:$0x1], vm13;
	v1 =	vnsel @!p2 vm0, $0x0, v1  }
0x4b: {  	v1 =	vmin.u32 @!p2 v1, $0x270F  }
0x4c: {  	(v2sf) =	vpush @!p2 v1, $0x0  }
0x4d: {  	s29 =	sand.u32 $0x1, s10;
	s20 =	simm.s32 $0x1  }
0x4e: {  	s24 =	simm.s32 $0x1;
	p4 =	por p1, p1;
	p1 =	por $0x0, $0x0  }
0x4f: {  	s22 =	simm.s32 $0x18;
	s20 =	simm.s32 @!p1 $0x2;
	p4 =	por p4, p4;
	(v2sf) =	vpush v3, $0x1  }
0x50: {  	p5 =	por p1, p1;
	p1 =	por $0x0, $0x0;
	p0 =	por p0, p0;
	(v2sf) =	vpush v3, $0x0  }
0x51: {  	s24 =	simm.s32 @!p1 $0x2;
	p1 =	por p4, p4;
	p0 =	por p0, p0  }
0x52: {  	p5 =	por p5, p5;
	p4 =	por $0x0, $0x0;
	p3 =	por p0, p0  }
0x53: {  	s15 =	sadd.s32 $0x50, s13;
	s30 =	sadd.s32 $0x3, s13;
	s31 =	sadd.s32 $0x4, s13  }
0x54: {  	s28 =	simm.s32 $0x1;
	s14 =	smul.u32 $0x2D000, s29;
	s16 =	simm.s32 $0x0  }
0x55: {  	s17 =	smul.u32 @!p2 $0x1200, s16;
	s18 =	simm.s32 @!p2 $0x1;
	s19 =	simm.s32 @!p2 $0x80;
	v1 =	vmov s20  }
0x56: {  	p6 =	por p2, p2;
	s14 =	sshrl.u32 s14, $0x2;
	s18 =	smov.u32 @p2 s16;
	vm14 =	vgt.u32 v1, v0  }
0x57: {  	s16 =	spop (v2sf);
	s14 =	sor.u32 $0xA0, s14;
	s17 =	sshra.s32 @!p2 s17, $0x2  }
0x58: {  	s16 =	simm.s32 @p3 $0xFFFFFFFF;
	s21 =	spop (v2sf);
	p3 =	por p4, p4  }
0x59: {  	v4 =	vmov s24;
	p4 =	por p6, p6;
	p6 =	por $0x0, $0x0;
	s24 =	simm.s32 @!p3 $0x0  }
0x5a: {  	s20 =	simm.s32 $0x14;
	p0 =	seq.s32 s21, s16;
	s24 =	simm.s32 @p3 $0x1  }
0x5b: {  	[smem:$0x7FC] =	sst s24;
	s24 =	spop @!p2 (v2sf);
	p2 =	por p0, p0  }
0x5c: {  	s28 =	simm.s32 @!p6 $0x2;
	s16 =	smul.u32 @!p0 $0x1200, s18;
	vm1 =	vgt.s32 @!p0 v2, $0x0;
	v1 =	vld.msk [tilespmem:s30+$0x0 ss:$0x1], vm14;
	s21 =	simm.s32 @!p2 $0x0  }
0x5d: {  	vm15 =	vgt.u32 v4, v0;
	s23 =	sadd.s32 @!p0 $0x1, s18;
	v2 =	vnsel @!p0 vm1, $0x0, v2;
	s25 =	sshrl.u32 @!p4 s24, $0x3;
	s21 =	simm.s32 @p2 $0x1  }
0x5e: {  	v2 =	vmin.u32 @!p0 v2, $0x270F;
	s24 =	sshll.u32 @!p4 s24, $0x7;
	[smem:$0x7FD] =	sst s21;
	s21 =	spop (v2sf)  }
0x5f: {  	(v2sf) =	vpush @!p0 v2, $0x0;
	s25 =	smul.u32 @!p4 $0x2400, s25;
	s21 =	simm.s32 @p1 $0xFFFFFFFF;
	s26 =	spop (v2sf)  }
0x60: {  	s23 =	smov.u32 @p0 s18;
	s24 =	sand.u32 @!p4 $0x380, s24;
	p3 =	seq.s32 s26, s21  }
0x61: {  	s18 =	sshra.s32 @!p0 s16, $0x2;
	(v2sf) =	vpush v1, $0x1;
	s25 =	sor.u32 @!p4 s24, s25;
	vm1 =	vgt.s32 @!p3 v3, $0x0;
	s26 =	smul.u32 @!p3 $0x1200, s23  }
0x62: {  	s16 =	simm.s32 @!p0 $0x80;
	(v2sf) =	vpush v1, $0x0;
	s25 =	sshrl.u32 @!p4 s25, $0x3;
	s21 =	sadd.s32 @!p3 $0x1, s23;
	v4 =	vnsel @!p3 vm1, $0x0, v3  }
0x63: {  	v2 =	vld.msk [tilespmem:s31+$0x0 ss:$0x1], vm15;
	s21 =	smov.u32 @p3 s23;
	v3 =	vmov s28;
	s23 =	simm.s32 @!p3 $0x80;
	v4 =	vmin.u32 @!p3 v4, $0x270F;
	s24 =	sshra.s32 @!p3 s26, $0x2  }
.LBB2_3:
0x64: {  	s26 =	smov.u32 s21;
	p2 =	por p0, p0  }
0x65: {  	p0 =	por p3, p3;
	s21 =	sadd.s32 @!p4 s2, s25;
	s25 =	sadd.s32 @!p4 s17, s14  }
0x66: {  	s28 =	smov.u32 s22;
	s22 =	sadd.s32 $0x4, s22;
	s31 =	sld [smem:$0x7FC]  }
0x67: {  	s17 =	smov.u32 s18;
	s18 =	smov.u32 s24;
	s29 =	sld [smem:$0x7FD]  }
0x68: {  	[tilespmem:s25], [sflag:$0x1] =	stream.strided.gather @!p4 [hbm:s21], $0x480, s19, s19, $0x38;
	[tilespmem:$0x168A0] =	vst v63  }
0x69: {  	(v2sf) =	vpush @!p3 v4, $0x0;
	p3 =	por p5, p5;
	s30 =	sshra.s32 s20, $0x2;
	s19 =	smov.u32 s16  }
0x6a: {  	s16 =	smov.u32 s23;
	s20 =	smov.u32 s28;
	p1 =	seq.s32 s31, $0x1  }
0x6b: {  	p5 =	por p1, p1;
	p1 =	por p6, p6;
	p6 =	seq.s32 s29, $0x1  }
0x6c: {  	s28 =	simm.s32 $0x1;
	s24 =	simm.s32 @!p1 $0x0;
	p4 =	por p6, p6  }
0x6d: {  	vm0 =	vgt.u32 v3, v0;
	p6 =	por p0, p0;
	s24 =	simm.s32 @p1 $0x1;
	p1 =	sne.s32 s22, $0xA0  }
0x6e: {  	s21 =	simm.s32 @!p6 $0x0;
	s23 =	spop @!p2 (v2sf);
	[smem:$0x7FC] =	sst s24  }
0x6f: {  	s21 =	simm.s32 @p6 $0x1;
	s25 =	sshrl.u32 @!p4 s23, $0x3;
	s23 =	sshll.u32 @!p4 s23, $0x7  }
0x70: {  	p6 =	seq.s32 s20, $0x9C;
	[smem:$0x7FD] =	sst s21;
	s24 =	spop (v2sf)  }
.Ltmp3:
0x71: {  	s24 =	simm.s32 @p3 $0xFFFFFFFF;
	s31 =	spop (v2sf);
	(pc) =	sbr.rel @p1 .LBB2_3-.Ltmp3, $4  }
0x72: {  	s21 =	sadd.s32 s30, s13;
	p3 =	seq.s32 s31, s24;
	s24 =	smul.u32 @!p4 $0x2400, s25  }
0x73: {  	(v2sf) =	vpush v2, $0x1;
	v3 =	vmov v2;
	s23 =	sand.u32 @!p4 $0x380, s23;
	v2 =	vld.msk [tilespmem:s21+$0x0 ss:$0x1], vm0;
	vm0 =	vgt.s32 @!p3 v1, $0x0;
	s25 =	smul.u32 @!p3 $0x1200, s26;
	s21 =	sadd.s32 @!p3 $0x1, s26  }
0x74: {  	s28 =	simm.s32 @!p6 $0x2;
	v4 =	vnsel @!p3 vm0, $0x0, v1;
	s21 =	smov.u32 @p3 s26;
	s26 =	sor.u32 @!p4 s23, s24  }
0x75: {  	(v2sf) =	vpush v3, $0x0;
	v1 =	vmovc v3;
	v3 =	vmov s28;
	s23 =	simm.s32 @!p3 $0x80;
	v4 =	vmin.u32 @!p3 v4, $0x270F;
	s24 =	sshra.s32 @!p3 s25, $0x2;
	s25 =	sshrl.u32 @!p4 s26, $0x3  }
0x76: {  	_ =	sdelay $0x4  }
0x77: {  	vm0 =	vgt.u32 v3, v0;
	_ =	sdelay $0x1  }
0x78: {  	(v2sf) =	vpush @!p3 v4, $0x0  }
0x79: {  	(v2sf) =	vpush v2, $0x1  }
0x7a: {  	s20 =	sshra.s32 s20, $0x2;
	s22 =	spop @!p0 (v2sf);
	(v2sf) =	vpush v2, $0x0  }
0x7b: {  	s20 =	sadd.s32 s20, s13  }
0x7c: {  	s17 =	sadd.s32 @!p4 s17, s14;
	v3 =	vld.msk [tilespmem:s20+$0x0 ss:$0x1], vm0;
	s20 =	sadd.s32 @!p4 s2, s25  }
0x7d: {  	[tilespmem:s17], [sflag:$0x1] =	stream.strided.gather @!p4 [hbm:s20], $0x480, s19, s19, $0x38;
	[tilespmem:$0x168A0] =	vst v63  }
0x7e: {  	p0 =	por p5, p5;
	s26 =	spop (v2sf)  }
0x7f: {  	s26 =	simm.s32 @p0 $0xFFFFFFFF;
	s28 =	spop (v2sf)  }
0x80: {  	s17 =	sld [smem:$0x7FD];
	p0 =	seq.s32 s28, s26  }
0x81: {  	vm0 =	vgt.s32 @!p0 v1, $0x0  }
0x82: {  	s30 =	sld [smem:$0x7FC];
	v1 =	vnsel @!p0 vm0, $0x0, v1  }
0x83: {  	p1 =	seq.s32 s17, $0x1;
	v1 =	vmin.u32 @!p0 v1, $0x270F  }
0x84: {  	p2 =	por p1, p1;
	(v2sf) =	vpush @!p0 v1, $0x0  }
0x85: {  	p4 =	por p3, p3;
	p5 =	seq.s32 s30, $0x1;
	s17 =	sshrl.u32 @!p2 s22, $0x3;
	(v2sf) =	vpush v3, $0x1  }
0x86: {  	p1 =	por p5, p5;
	s19 =	sshll.u32 @!p2 s22, $0x7;
	s17 =	smul.u32 @!p2 $0x2400, s17;
	(v2sf) =	vpush v3, $0x0  }
0x87: {  	p1 =	por p1, p1;
	s19 =	sand.u32 @!p2 $0x380, s19;
	s20 =	spop @!p3 (v2sf)  }
0x88: {  	s18 =	sadd.s32 @!p2 s18, s14;
	s17 =	sor.u32 @!p2 s19, s17;
	s22 =	spop (v2sf)  }
0x89: {  	s17 =	sshrl.u32 @!p2 s17, $0x3;
	s22 =	simm.s32 @p1 $0xFFFFFFFF;
	s31 =	spop (v2sf)  }
0x8a: {  	p3 =	por p4, p4;
	s17 =	sadd.s32 @!p2 s2, s17;
	p1 =	seq.s32 s31, s22  }
0x8b: {  	[tilespmem:s18], [sflag:$0x1] =	stream.strided.gather @!p2 [hbm:s17], $0x480, s16, s16, $0x38;
	[tilespmem:$0x168A0] =	vst v63  }
0x8c: {  	s16 =	sshrl.u32 @!p3 s20, $0x3;
	vm0 =	vgt.s32 @!p1 v2, $0x0  }
0x8d: {  	s17 =	sshll.u32 @!p3 s20, $0x7;
	s16 =	smul.u32 @!p3 $0x2400, s16;
	v1 =	vnsel @!p1 vm0, $0x0, v2  }
0x8e: {  	s17 =	sand.u32 @!p3 $0x380, s17;
	v1 =	vmin.u32 @!p1 v1, $0x270F  }
0x8f: {  	s16 =	sor.u32 @!p3 s17, s16;
	(v2sf) =	vpush @!p1 v1, $0x0  }
0x90: {  	s16 =	sshrl.u32 @!p3 s16, $0x3  }
0x91: {  	p5 =	por p6, p6;
	s17 =	sadd.s32 @!p3 s24, s14;
	s16 =	sadd.s32 @!p3 s2, s16  }
0x92: {  	[tilespmem:s17], [sflag:$0x1] =	stream.strided.gather @!p3 [hbm:s16], $0x480, s23, s23, $0x38;
	[tilespmem:$0x168A0] =	vst v63  }
0x93: {  	p2 =	por p5, p5;
	s18 =	spop @!p0 (v2sf)  }
0x94: {  	p2 =	por p2, p2;
	s19 =	spop (v2sf)  }
0x95: {  	p6 =	por p0, p0;
	s19 =	simm.s32 @p2 $0xFFFFFFFF;
	s20 =	spop (v2sf)  }
0x96: {  	p3 =	por p6, p6;
	p2 =	seq.s32 s20, s19  }
0x97: {  	s16 =	sshrl.u32 @!p3 s18, $0x3;
	vm0 =	vgt.s32 @!p2 v3, $0x0  }
0x98: {  	s17 =	sshll.u32 @!p3 s18, $0x7;
	s16 =	smul.u32 @!p3 $0x2400, s16;
	v1 =	vnsel @!p2 vm0, $0x0, v3  }
0x99: {  	s18 =	smul.u32 @!p0 $0x1200, s21;
	s17 =	sand.u32 @!p3 $0x380, s17;
	v1 =	vmin.u32 @!p2 v1, $0x270F  }
0x9a: {  	s16 =	sor.u32 @!p3 s17, s16;
	(v2sf) =	vpush @!p2 v1, $0x0  }
0x9b: {  	p5 =	por p1, p1;
	s17 =	sshra.s32 @!p0 s18, $0x2;
	s16 =	sshrl.u32 @!p3 s16, $0x3  }
0x9c: {  	s18 =	simm.s32 @!p0 $0x80;
	s17 =	sadd.s32 @!p3 s17, s14;
	s16 =	sadd.s32 @!p3 s2, s16  }
0x9d: {  	[tilespmem:s17], [sflag:$0x1] =	stream.strided.gather @!p3 [hbm:s16], $0x480, s18, s18, $0x38;
	[tilespmem:$0x168A0] =	vst v63  }
0x9e: {  	p3 =	por p5, p5;
	s16 =	spop @!p1 (v2sf)  }
0x9f: {  	s17 =	sadd.s32 @!p0 $0x1, s21;
	s18 =	sshrl.u32 @!p3 s16, $0x3  }
0xa0: {  	s17 =	smov.u32 @p0 s21;
	s16 =	sshll.u32 @!p3 s16, $0x7;
	s18 =	smul.u32 @!p3 $0x2400, s18  }
0xa1: {  	s19 =	smul.u32 @!p1 $0x1200, s17;
	s16 =	sand.u32 @!p3 $0x380, s16  }
0xa2: {  	s16 =	sor.u32 @!p3 s16, s18  }
0xa3: {  	s18 =	sshra.s32 @!p1 s19, $0x2;
	s16 =	sshrl.u32 @!p3 s16, $0x3  }
0xa4: {  	s19 =	simm.s32 @!p1 $0x80;
	s18 =	sadd.s32 @!p3 s18, s14;
	s16 =	sadd.s32 @!p3 s2, s16  }
0xa5: {  	[tilespmem:s18], [sflag:$0x1] =	stream.strided.gather @!p3 [hbm:s16], $0x480, s19, s19, $0x38;
	[tilespmem:$0x168A0] =	vst v63  }
0xa6: {  	s18 =	sadd.s32 @!p1 $0x1, s17  }
0xa7: {  	s18 =	smov.u32 @p1 s17  }
0xa8: {  	p6 =	por p2, p2;
	s20 =	sadd.s32 @!p2 $0x1, s18  }
0xa9: {  	p0 =	por p6, p6;
	s20 =	smov.u32 @p2 s18;
	s16 =	spop @!p2 (v2sf)  }
0xaa: {  	s22 =	smul.u32 $0x1200, s20;
	s19 =	sshrl.u32 @!p0 s16, $0x3  }
0xab: {  	s16 =	sshll.u32 @!p0 s16, $0x7;
	s17 =	smul.u32 @!p0 $0x2400, s19  }
0xac: {  	s19 =	smul.u32 @!p2 $0x1200, s18;
	s16 =	sand.u32 @!p0 $0x380, s16  }
0xad: {  	s16 =	sor.u32 @!p0 s16, s17  }
0xae: {  	s23 =	sshrl.u32 s22, $0x2;
	s17 =	sshra.s32 @!p2 s19, $0x2;
	s16 =	sshrl.u32 @!p0 s16, $0x3  }
0xaf: {  	s18 =	simm.s32 @!p2 $0x80;
	s17 =	sadd.s32 @!p0 s17, s14;
	s16 =	sadd.s32 @!p0 s2, s16  }
0xb0: {  	[tilespmem:s17], [sflag:$0x1] =	stream.strided.gather @!p0 [hbm:s16], $0x480, s18, s18, $0x38;
	[tilespmem:$0x168A0] =	vst v63  }
0xb1: {  	_ =	swait.ge [sflag:s4], s23  }
0xb2: {  	s16 =	ssub.s32 $0x0, s23;
	[sflag:s4] =	ssyncset.done $0x0  }
0xb3: {  	s24 =	sadd.s32 $0x0, s15;
	[sflag:s4] =	ssyncadd.s32 s16  }
0xb4: {  	v1 =	vld.msk [tilespmem:s24+$0x0 ss:$0x1], $0x1;
	_ =	sdelay $0x4  }
0xb5: {  	(v2sf) =	vpush v1, $0x0;
	_ =	sdelay $0xd  }
0xb6: {  	p1 =	por $0x0, $0x0;
	s17 =	simm.s32 $0x1  }
0xb7: {  	s17 =	simm.s32 @!p1 $0x2;
	s25 =	spop (v2sf)  }
0xb8: {  	v1 =	vmov s17;
	s26 =	sshrl.u32 s25, $0x3  }
0xb9: {  	s16 =	simm.s32 $0x0;
	vm15 =	vgt.u32 v1, v0;
	s18 =	sshll.u32 s25, $0x7;
	s28 =	smul.u32 $0x2400, s26  }
0xba: {  	s29 =	smul.u32 $0x1200, s16;
	s18 =	sand.u32 $0x380, s18  }
0xbb: {  	s17 =	sor.u32 s18, s28  }
0xbc: {  	s30 =	sshra.s32 s29, $0x2;
	s17 =	sshrl.u32 s17, $0x3  }
0xbd: {  	s31 =	sadd.s32 $0x0, s13;
	s18 =	sadd.s32 s30, s14;
	s17 =	sadd.s32 s7, s17  }
0xbe: {  	[hbm:s17] =	stream.strided.scatter [tilespmem:s18], [sflag:$0x3], $0x480, s11, s11, $0x38;
	[tilespmem:$0x168A0] =	vst v63  }
0xbf: {  	s19 =	simm.s32 $0x4;
	s17 =	simm.s32 $0x1;
	s18 =	simm.s32 $0x8;
	v1 =	vld.msk [tilespmem:s31+$0x0 ss:$0x1], vm15  }
.LBB2_5:
0xc0: {  	p0 =	sne.s32 s18, $0x9C;
	s20 =	sadd.s32 s17, s15  }
0xc1: {  	v2 =	vld.msk [tilespmem:s20+$0x0 ss:$0x1], $0x1;
	_ =	sdelay $0x3  }
0xc2: {  	(v2sf) =	vpush v1, $0x1  }
0xc3: {  	(v2sf) =	vpush v1, $0x0  }
0xc4: {  	(v2sf) =	vpush v2, $0x0;
	_ =	sdelay $0xc  }
0xc5: {  	s20 =	spop (v2sf)  }
0xc6: {  	s21 =	simm.s32 $0x1;
	s20 =	simm.s32 @p1 $0xFFFFFFFF;
	p1 =	seq.s32 s19, $0x9C  }
0xc7: {  	s19 =	spop (v2sf);
	s21 =	simm.s32 @!p1 $0x2  }
0xc8: {  	s22 =	spop (v2sf);
	p2 =	sne.s32 s19, s20;
	v1 =	vmov s21;
	s21 =	simm.s32 $0x1  }
0xc9: {  	s19 =	smov.u32 s18;
	s20 =	sshrl.u32 s22, $0x3;
	s21 =	simm.s32 @!p2 $0x0  }
0xca: {  	s22 =	sshll.u32 s22, $0x7;
	s20 =	smul.u32 $0x2400, s20;
	vm0 =	vgt.u32 v1, v0;
	s16 =	sadd.s32 s21, s16  }
0xcb: {  	s21 =	sand.u32 $0x380, s22;
	s22 =	smul.u32 $0x1200, s16  }
.Ltmp4:
0xcc: {  	s20 =	sor.u32 s21, s20;
	(pc) =	sbr.rel @p0 .LBB2_5-.Ltmp4, $4  }
0xcd: {  	s20 =	sshrl.u32 s20, $0x3;
	s21 =	sshra.s32 s22, $0x2  }
0xce: {  	s20 =	sadd.s32 s7, s20;
	s22 =	sadd.s32 s17, s13;
	s21 =	sadd.s32 s21, s14  }
0xcf: {  	[hbm:s20] =	stream.strided.scatter [tilespmem:s21], [sflag:$0x3], $0x480, s11, s11, $0x38;
	[tilespmem:$0x168A0] =	vst v63  }
0xd0: {  	s18 =	sadd.s32 $0x4, s18;
	s17 =	sshra.s32 s19, $0x2;
	v1 =	vld.msk [tilespmem:s22+$0x0 ss:$0x1], vm0  }
.Ltmp5:
0xd1: {  	_ = 	snop;
	(pc) =	sbr.rel .LBB2_6-.Ltmp5, $1  }
0xd2: {  	_ =	sdelay $0x3  }
.LBB2_8:
0xd3: {  	_ =	sfence.sel $0x180000  }
0xd4: {  	s2 =	simm.s32 $0x2;
	[bflag:$0x0] =	sbarrier.arrive $0xFFFF  }
0xd5: {  	s30 =	simm.s32 $0x3;
	[sflag:s2] =	ssyncpa.u1 $0x1  }
0xd6: {  	s31 =	simm.s32 $0x1;
	[sflag:s30] =	ssyncpa.u1 $0x1  }
0xd7: {  	[sflag:s31] =	ssyncpa.u1 $0x1  }
0xd8: {  	p0 =	sne.s32 s1, $0x0;
	_ =	strace $0x9000005C  }
0xd9: {  	s0 =	sadd.s32 @!p0 $0x100000, s0;
	[bflag:$0x2] =	sbarrier.arrive $0xFFFF  }
0xda: {  	[sflag:s0] =	ssyncadd.tile.s32 @!p0 $0x1;
	_ =	shalt  }
.Lfunc_end2:
_tile_overlayer_lowered:
.L_overlay_start_2:
0xdb: {  	(tag) =	ssettag $0x2  }
0xdc: {  	s0 =	rddreg [dreg:$0x0];
	s2 =	stileid.u32  }
0xdd: {  	s1 =	rddreg [dreg:$0x1];
	p0 =	sne.s32 s2, $0x0  }
0xde: {  	s3 =	rddreg [dreg:$0x2];
	[bflag:$0x3] =	sbarrier.arrive $0xFFFF;
	s2 =	simm.s32 @!p0 $0x1C01  }
0xdf: {  	[timem:s3], [sflag:s2] =	dma.local @!p0 [hbm:s0], s1  }
0xe0: {  	s0 =	simm.s32 @!p0 $0x1  }
0xe1: {  	_ =	swait.ge @!p0 [sflag:s0], s1  }
0xe2: {  	s1 =	ssub.s32 @!p0 $0x0, s1;
	[sflag:s0] =	ssyncset.done @!p0 $0x0  }
0xe3: {  	[sflag:s0] =	ssyncadd.s32 @!p0 s1  }
0xe4: {  	[bflag:$0x3] =	sbarrier.arrive $0xFFFF  }
0xe5: {  	_ =	shalt  }

// kernel: gather_offload_async_start
scs
__scs_entry_jumppad:
0x0: {  	(pc) =	sbr.rel $0x88, $3  }
0x1: {  	(tag) =	ssettag $0x0;
	lr =	simm.s32 $0x1  }
0x2: {  	[smem:$0x3F7E] =	sst lr;
	_ =	strace $0xD0000000  }
0x3: {  	_ = 	snop  }
0x4: {  	_ = 	snop  }
0x5: {  	_ = 	snop  }
0x6: {  	_ = 	snop  }
0x7: {  	_ = 	snop  }
__scs_overlays_trampoline_lowered:
0x8: {  	[smem:$0x3F8D] =	sst s0  }
0x9: {  	[smem:$0x3F8E] =	sst s1  }
0xa: {  	[smem:$0x3F8F] =	sst s2  }
0xb: {  	[smem:$0x3F90] =	sst s3  }
0xc: {  	[smem:$0x3F91] =	sst s4  }
0xd: {  	[smem:$0x3F92] =	sst s5  }
0xe: {  	[smem:$0x3F93] =	sst s6  }
0xf: {  	[smem:$0x3F94] =	sst s7  }
0x10: {  	[smem:$0x3F95] =	sst s8  }
0x11: {  	[smem:$0x3F96] =	sst s9;
	s0 =	simm.s32 @!p0 $0x0  }
0x12: {  	s1 =	sld [smem:$0x3F7C];
	s0 =	simm.s32 @p0 $0x1  }
0x13: {  	[smem:$0x3F97] =	sst s0;
	s0 =	simm.s32 @!p1 $0x0  }
0x14: {  	s2 =	sld [smem:$0x3F7B];
	s0 =	simm.s32 @p1 $0x1  }
0x15: {  	[smem:$0x3F98] =	sst s0;
	s0 =	simm.s32 @!p2 $0x0  }
0x16: {  	s3 =	sld [smem:$0x3FDB];
	s0 =	simm.s32 @p2 $0x1  }
0x17: {  	s4 =	simm.s32 $0x1BF5;
	[smem:$0x3F9A] =	sst s0  }
0x18: {  	s0 =	sld [smem:$0x3F7D];
	_ =	swait.ge [sflag:s4], $0x0  }
0x19: {  	s7 =	sld [smem:$0x3F7E]  }
0x1a: {  	s8 =	sadd.s32 $0xFFFFE003, lr  }
0x1b: {  	s9 =	sadd.s32 $0xFFFFFEF7, lr;
	s5 =	simm.s32 $0xFFFFFFFF;
	p2 =	slt.u32 s8, $0xFFFFF086  }
0x1c: {  	p1 =	slt.u32 s9, $0xF7A;
	s5 =	simm.s32 @!p2 $0x0  }
0x1d: {  	s5 =	simm.s32 @p1 $0x1;
	p0 =	seq.s32 s7, s2  }
0x1e: {  	s7 =	smul.u32 @!p0 $0xF7A, s2;
	p2 =	seq.s32 @!p0 s5, $0x0  }
0x1f: {  	s9 =	smul.u32 $0xF7A, s1;
	s8 =	simm.s32 @!p0 $0x1BF5;
	p2 =	por !p2, p0  }
0x20: {  	[sflag:s8] =	ssyncset.s32 @!p0 $0xFFFFF086;
	s6 =	sadd.s32 @!p0 s3, s7;
	s7 =	simm.s32 @!p0 $0x108  }
0x21: {  	s3 =	sadd.s32 s3, s9;
	s6 =	sadd.s32 @!p0 $0x88, s6;
	s7 =	simm.s32 @p2 $0x1082  }
0x22: {  	[simem:s7], [sflag:s8] =	dma.local @!p0 [hbm:s6], $0xF7A  }
0x23: {  	s9 =	sor.u32 $0xD0000000, s2;
	s6 =	simm.s32 $0x108;
	_ =	swait.ge @!p0 [sflag:s8], $0x0  }
0x24: {  	s3 =	sadd.s32 $0x88, s3;
	s6 =	simm.s32 @!p1 $0x1082;
	[sflag:s4] =	ssyncset.s32 $0xFFFFF086  }
0x25: {  	[simem:s6], [sflag:s4] =	dma.local [hbm:s3], $0xF7A  }
0x26: {  	[smem:$0x3F7E] =	sst s1;
	(tag) =	ssettag s2;
	_ =	strace s9  }
0x27: {  	s1 =	sld [smem:$0x3F8E]  }
0x28: {  	s2 =	sld [smem:$0x3F8F]  }
0x29: {  	s4 =	sld [smem:$0x3F91]  }
0x2a: {  	p0 =	seq.s32 s5, $0x0;
	s5 =	sld [smem:$0x3F92]  }
0x2b: {  	s6 =	sld [smem:$0x3F93]  }
0x2c: {  	s7 =	sld [smem:$0x3F94]  }
0x2d: {  	s3 =	simm.s32 $0x108;
	s8 =	sld [smem:$0x3F95]  }
0x2e: {  	s3 =	simm.s32 @!p0 $0x1082;
	s9 =	sld [smem:$0x3F96]  }
0x2f: {  	lr =	sadd.s32 s0, s3;
	s0 =	sld [smem:$0x3F8D]  }
0x30: {  	s3 =	sld [smem:$0x3F90]  }
0x31: {  	[smem:$0x3F99] =	sst s10  }
0x32: {  	s10 =	sld [smem:$0x3F97];
	_ =	sdelay $0x3  }
0x33: {  	p0 =	seq.s32 s10, $0x1;
	s10 =	sld [smem:$0x3F99];
	_ =	sdelay $0x3  }
0x34: {  	[smem:$0x3F99] =	sst s10  }
0x35: {  	s10 =	sld [smem:$0x3F98];
	_ =	sdelay $0x3  }
0x36: {  	p1 =	seq.s32 s10, $0x1;
	s10 =	sld [smem:$0x3F99];
	_ =	sdelay $0x3  }
0x37: {  	[smem:$0x3F99] =	sst s10  }
0x38: {  	s10 =	sld [smem:$0x3F9A]  }
0x39: {  	_ = 	snop;
	(pc) =	sbr.ind lr, $3  }
0x3a: {  	_ = 	snop  }
0x3b: {  	_ = 	snop  }
0x3c: {  	p2 =	seq.s32 s10, $0x1;
	s10 =	sld [smem:$0x3F99]  }
0x3d: {  	_ =	shalt  }
0x3e: {  	_ =	shalt  }
0x3f: {  	_ =	shalt  }
0x40: {  	_ =	shalt  }
0x41: {  	_ =	shalt  }
0x42: {  	_ =	shalt  }
0x43: {  	_ =	shalt  }
0x44: {  	_ =	shalt  }
0x45: {  	_ =	shalt  }
0x46: {  	_ =	shalt  }
0x47: {  	_ =	shalt  }
0x48: {  	_ =	shalt  }
0x49: {  	_ =	shalt  }
0x4a: {  	_ =	shalt  }
0x4b: {  	_ =	shalt  }
0x4c: {  	_ =	shalt  }
0x4d: {  	_ =	shalt  }
0x4e: {  	_ =	shalt  }
0x4f: {  	_ =	shalt  }
0x50: {  	_ =	shalt  }
0x51: {  	_ =	shalt  }
0x52: {  	_ =	shalt  }
0x53: {  	_ =	shalt  }
0x54: {  	_ =	shalt  }
0x55: {  	_ =	shalt  }
0x56: {  	_ =	shalt  }
0x57: {  	_ =	shalt  }
0x58: {  	_ =	shalt  }
0x59: {  	_ =	shalt  }
0x5a: {  	_ =	shalt  }
0x5b: {  	_ =	shalt  }
0x5c: {  	_ =	shalt  }
0x5d: {  	_ =	shalt  }
0x5e: {  	_ =	shalt  }
0x5f: {  	_ =	shalt  }
0x60: {  	_ =	shalt  }
0x61: {  	_ =	shalt  }
0x62: {  	_ =	shalt  }
0x63: {  	_ =	shalt  }
0x64: {  	_ =	shalt  }
0x65: {  	_ =	shalt  }
0x66: {  	_ =	shalt  }
0x67: {  	_ =	shalt  }
0x68: {  	_ =	shalt  }
0x69: {  	_ =	shalt  }
0x6a: {  	_ =	shalt  }
0x6b: {  	_ =	shalt  }
0x6c: {  	_ =	shalt  }
0x6d: {  	_ =	shalt  }
0x6e: {  	_ =	shalt  }
0x6f: {  	_ =	shalt  }
0x70: {  	_ =	shalt  }
0x71: {  	_ =	shalt  }
0x72: {  	_ =	shalt  }
0x73: {  	_ =	shalt  }
0x74: {  	_ =	shalt  }
0x75: {  	_ =	shalt  }
0x76: {  	_ =	shalt  }
0x77: {  	_ =	shalt  }
0x78: {  	_ =	shalt  }
0x79: {  	_ =	shalt  }
0x7a: {  	_ =	shalt  }
0x7b: {  	_ =	shalt  }
0x7c: {  	_ =	shalt  }
0x7d: {  	_ =	shalt  }
0x7e: {  	_ =	shalt  }
0x7f: {  	_ =	shalt  }
0x80: {  	_ =	shalt  }
0x81: {  	_ =	shalt  }
0x82: {  	_ =	shalt  }
0x83: {  	_ =	shalt  }
0x84: {  	_ =	shalt  }
0x85: {  	_ =	shalt  }
0x86: {  	_ =	shalt  }
0x87: {  	_ =	shalt  }
.Lfunc_end0:
.L_simem_size_0:
called_computation.2_lowered:
.L_overlay_start_0:
0x88: {  	s2 =	sld [smem:$0x3FD9]  }
0x89: {  	s3 =	sld [smem:$0x3FFE];
	_ =	sdelay $0x1  }
0x8a: {  	s1 =	srdreg.scid  }
0x8b: {  	s0 =	sand.u32 $0x1, s1  }
0x8c: {  	s16 =	sshll.u32 s0, $0xA;
	s2 =	sadd.s32 s3, s2  }
0x8d: {  	s2 =	sadd.s32 s2, s16  }
0x8e: {  	[smem:$0x3FA5] =	sst s2  }
0x8f: {  	_ = 	snop  }
0x90: {  	(tm) =	ssettm $0x1  }
0x91: {  	s17 =	sld [smem:$0x3FFB];
	_ =	sdelay $0x3  }
0x92: {  	_ =	strace s17  }
0x93: {  	s2 =	sld [smem:$0x3FFC];
	_ =	sdelay $0x3  }
0x94: {  	_ =	strace s2  }
0x95: {  	s2 =	sld [smem:$0x3FFD];
	_ =	sdelay $0x3  }
0x96: {  	_ =	strace s2  }
0x97: {  	_ =	strace $0x8FFFFFFF  }
0x98: {  	s18 =	sld [smem:$0x3FDB];
	_ =	sdelay $0x1  }
0x99: {  	s19 =	simm.s32 $_scs_section_size  }
0x9a: {  	s4 =	simm.s32 $_size__tile_overlayer_lowered;
	s5 =	simm.s32 $_tile_overlayer_lowered  }
0x9b: {  	s22 =	simm.s32 $0x1BFF;
	s21 =	sshll.u32 s5, $0x1;
	s2 =	sadd.s32 s19, s18  }
0x9c: {  	s6 =	simm.s32 $0x0;
	s20 =	sshll.u32 s4, $0x1;
	s4 =	sadd.s32 s21, s2  }
0x9d: {  	[timem:s6], [sflag:s22] =	dma.local [hbm:s4], s20  }
0x9e: {  	_ =	swait.ge [sflag:s22], s20  }
0x9f: {  	s3 =	ssub.s32 $0x0, s20;
	[sflag:s22] =	ssyncset.done $0x0  }
0xa0: {  	[sflag:s22] =	ssyncadd.s32 s3;
	_ =	sdelay $0x1  }
0xa1: {  	s23 =	simm.s32 $0x1B8B  }
0xa2: {  	_ =	swait.ge [sflag:s23], $0x1  }
0xa3: {  	[sflag:s23] =	ssyncset.done $0x0  }
0xa4: {  	s25 =	simm.s32 $0x1B8E;
	s24 =	sld [smem:$0x3FFE];
	[sflag:s23] =	ssyncadd.s32 $0xFFFFFFFF  }
0xa5: {  	s26 =	simm.s32 $execute0_lowered;
	[smem:$0x3FD2] =	sst s25  }
0xa6: {  	s4 =	sshll.u32 s26, $0x1;
	_ =	strace $0x80000049;
	[dreg:$0x1] =	wrdreg $0xFFFFFFFF  }
0xa7: {  	s28 =	simm.s32 $_size_execute0_lowered;
	s2 =	sadd.s32 s2, s4;
	[dreg:$0x0] =	wrdreg $0x0  }
0xa8: {  	s4 =	sshll.u32 s28, $0x1;
	[dreg:$0x2] =	wrdreg s2  }
0xa9: {  	[dreg:$0x3] =	wrdreg s4  }
0xaa: {  	[dreg:$0x4] =	wrdreg $0xC0  }
0xab: {  	_ =	task [dreg:s6], $0x5FFFF  }
0xac: {  	[dreg:$0x1] =	wrdreg $0xFFFFFFFF  }
0xad: {  	[dreg:$0x0] =	wrdreg $0x60  }
0xae: {  	[dreg:$0x2] =	wrdreg s24  }
0xaf: {  	[dreg:$0x3] =	wrdreg $0xA  }
0xb0: {  	_ =	task.clear_ibuf [dreg:s6], $0x4FFFF;
	_ =	strace $0x90000049  }
0xb1: {  	s29 =	simm.s32 $0xA;
	_ =	strace $0x8000004B  }
0xb2: {  	_ =	swait.ge [sflag:s29], $0x1  }
0xb3: {  	[sflag:s29] =	ssyncadd.s32 $0xFFFFFFFF  }
0xb4: {  	_ =	strace $0x9000004B  }
0xb5: {  	_ =	sfence  }
0xb6: {  	s30 =	sld [smem:$0x0];
	_ =	sdelay $0x2  }
0xb7: {  	s31 =	sshll.u32 s1, $0xD;
	s1 =	sshrl.u32 s1, $0x2  }
0xb8: {  	s3 =	sand.u32 $0x4000, s31;
	s1 =	sadd.s32 s1, s30  }
0xb9: {  	s0 =	sor.u32 s3, s0;
	s1 =	sshll.u32 s1, $0x11  }
0xba: {  	s0 =	sor.u32 s1, s0  }
0xbb: {  	s0 =	sadd.s32 $0x8F2B, s0  }
0xbc: {  	[sflag:s0] =	ssyncadd.remote.s32 $0x1  }
0xbd: {  	_ =	sfence.sel $0xFFFF  }
0xbe: {  	[dreg:$0x0] =	wrdreg $0xFFFFFFFF;
	(pc) =	sbr.abs _section_cstart, $3  }
0xbf: {  	[dreg:$0x1] =	wrdreg $0xFFFFFFFF  }
0xc0: {  	_ =	task.clear_ibuf [dreg:s6], $0x2FFFF;
	_ =	strace $0x9FFFFFFF  }
0xc1: {  	(tm) =	ssettm $0x7FFFFFFF  }
tec
execute0_lowered:
.L_overlay_start_1:
0x0: {  	(tag) =	ssettag $0x1  }
0x1: {  	s8 =	rddreg [dreg:$0x0]  }
0x2: {  	s0 =	rddreg [dreg:$0x1];
	_ =	strace $0x8000004A;
	s1 =	stileid.u32  }
0x3: {  	s3 =	srdreg.scid;
	s4 =	simm.s32 $0x1;
	s7 =	simm.s32 $0x1  }
0x4: {  	s9 =	simm.s32 $0x1;
	s10 =	simm.s32 $0x3;
	s13 =	simm.s32 $0x0  }
0x5: {  	s12 =	simm.s32 $0x0;
	s5 =	sand.u32 $0x1, s3;
	s6 =	sshll.u32 s1, $0x1  }
0x6: {  	s2 =	sadd.s32 $0x9C00, s8;
	s3 =	sadd.s32 $0x3AE00, s8;
	s5 =	sor.u32 s6, s5  }
.Ltmp0:
0x7: {  	[sflag:s4] =	ssyncpa.u1 $0x0;
	p0 =	slt.u32 s5, $0x9;
	(pc) =	sbr.rel .LBB2_1-.Ltmp0, $4  }
0x8: {  	s6 =	simm.s32 $0x2;
	s7 =	simm.s32 @!p0 $0x0;
	p0 =	sne.s32 s5, $0x8  }
0x9: {  	[sflag:s6] =	ssyncpa.u1 $0x0;
	s5 =	smul.u32 $0xFA0, s5;
	s9 =	simm.s32 @!p0 $0x0  }
0xa: {  	s8 =	sadd.s32 $0x666800, s8;
	[sflag:s10] =	ssyncpa.u1 $0x0;
	s7 =	sadd.s32 s9, s7  }
0xb: {  	vm0 =	vmmov $0xffff;
	s10 =	simm.s32 $0x0;
	s11 =	smov.u32 s5;
	s9 =	sadd.s32 $0x1, s7  }
.LBB2_4:
0xc: {  	v2 =	vnsel vm1, $0x0, v2  }
0xd: {  	vm1 =	vgt.s32 v0, $0x0;
	v2 =	vmin.u32 v2, $0x270FF  }
0xe: {  	v0 =	vnsel vm1, $0x0, v0  }
0xf: {  	v0 =	vmin.u32 v0, $0x270FF  }
0x10: {  	[tilespmem:s18], [sflag:$0x1] =	stream.indirect_vreg.gather [hbm4b:s2+s10], $0x1, v1, vm0, $0x4038;
	[tilespmem:$0x3E80] =	vst v63  }
0x11: {  	(ifvalue) =	ssetifvalue $0x7FFFFFFF  }
0x12: {  	[tilespmem:s15], [sflag:$0x1] =	stream.indirect_vreg.gather [hbm4b:s2+s10], $0x1, v2, vm0, $0x4038;
	[tilespmem:$0x3E80] =	vst v63  }
0x13: {  	s29 =	sadd.s32 $0x10, s15;
	(ifvalue) =	ssetifvalue $0x7FFFFFFF  }
0x14: {  	[tilespmem:s29], [sflag:$0x1] =	stream.indirect_vreg.gather [hbm4b:s2+s10], $0x1, v0, vm0, $0x4038;
	[tilespmem:$0x3E80] =	vst v63  }
0x15: {  	_ =	swait.ge [sflag:s4], $0xFA0  }
0x16: {  	s30 =	sshrl.u32 s13, $0x3;
	[sflag:s4] =	ssyncset.done $0x0  }
0x17: {  	s31 =	sand.u32 $0x7, s13;
	s15 =	sadd.s32 s8, s30;
	[sflag:s4] =	ssyncadd.s32 $0xFFFFF060  }
0x18: {  	[hbm4b:s15+s31] =	stream.linear.scatter [tilespmem:s14], [sflag:$0x3], $0xFA0, $0x38;
	[tilespmem:$0x3E80] =	vst v63  }
.LBB2_5:
0x19: {  	s15 =	sadd.s32 $0x1F400, s11  }
0x1a: {  	p1 =	sgt.s32 s15, $0x270FF  }
0x1b: {  	s15 =	smov.u32 @p1 s5;
	p1 =	sne.s32 s12, s9  }
.Ltmp1:
0x1c: {  	p0 =	slt.u32 s12, $0x2;
	(pc) =	sbr.rel @!p1 .LBB2_6-.Ltmp1, $4  }
0x1d: {  	s14 =	simm.s32 @!p0 $0x3  }
0x1e: {  	_ =	swait.ge @!p0 [sflag:s14], $0xFA0  }
0x1f: {  	s16 =	sadd.s32 $0x1, s12;
	s13 =	smov.u32 s11;
	[sflag:s14] =	ssyncset.done @!p0 $0x0  }
0x20: {  	s12 =	smov.u32 s16;
	s11 =	smov.u32 s15;
	[sflag:s14] =	ssyncadd.s32 @!p0 $0xFFFFF060  }
.LBB2_1:
0x21: {  	p0 =	sge.u32 s12, s7  }
0x22: {  	s14 =	sxor.u32 @!p0 $0x1, s12  }
0x23: {  	s14 =	smul.u32 @!p0 $0x3E80, s14  }
0x24: {  	s31 =	sadd.s32 $0xFFFFFFFF, s12;
	s15 =	sshrl.u32 @!p0 s11, $0x3  }
0x25: {  	s16 =	sand.u32 @!p0 $0x7, s11;
	s15 =	sadd.s32 @!p0 s3, s15;
	s14 =	sshra.s32 @!p0 s14, $0x2  }
0x26: {  	[tilespmem:s14], [sflag:$0x2] =	stream.linear.gather @!p0 [hbm4b:s15+s16], $0xFA0, $0x38;
	[tilespmem:$0x3E80] =	vst v63  }
0x27: {  	p0 =	sge.u32 s31, s7  }
.Ltmp2:
0x28: {  	_ = 	snop;
	(pc) =	sbr.rel @p0 .LBB2_5-.Ltmp2, $1  }
0x29: {  	_ =	sdelay $0x3  }
0x2a: {  	s14 =	sand.u32 $0x1, s12  }
0x2b: {  	_ =	swait.ge [sflag:s6], $0xFA0;
	p0 =	seq.s32 s14, $0x1;
	s14 =	simm.s32 $0xFA0  }
0x2c: {  	[sflag:s6] =	ssyncset.done $0x0;
	s14 =	simm.s32 @!p0 $0x0  }
0x2d: {  	[sflag:s6] =	ssyncadd.s32 $0xFFFFF060;
	(ifvalue) =	ssetifvalue $0x7FFFFFFF;
	v0 =	vld.msk [tilespmem:s14+$0x0 ss:$0x1], $0xffff;
	_ =	sdelay $0x4  }
0x2e: {  	s15 =	sadd.s32 $0x10, s14;
	vm1 =	vgt.s32 v0, $0x0  }
0x2f: {  	v2 =	vld.msk [tilespmem:s15+$0x0 ss:$0x1], $0xffff;
	v1 =	vnsel vm1, $0x0, v0  }
0x30: {  	v1 =	vmin.u32 v1, $0x270FF;
	_ =	sdelay $0x2  }
0x31: {  	s17 =	simm.s32 $0x20;
	s14 =	sadd.s32 $0x1F40, s14;
	s16 =	sadd.s32 $0x10, s15  }
0x32: {  	s15 =	sadd.s32 $0x10, s14;
	s18 =	smov.u32 s14;
	v0 =	vld.msk [tilespmem:s16+$0x0 ss:$0x1], $0xffff;
	vm1 =	vgt.s32 v2, $0x0;
	(ifvalue) =	ssetifvalue $0x7FFFFFFF  }
.LBB2_3:
0x33: {  	[tilespmem:s18], [sflag:$0x1] =	stream.indirect_vreg.gather [hbm4b:s2+s10], $0x1, v1, vm0, $0x4038;
	[tilespmem:$0x3E80] =	vst v63  }
0x34: {  	s17 =	sadd.s32 $0x10, s17  }
0x35: {  	v2 =	vnsel vm1, $0x0, v2;
	p0 =	slt.u32 s17, $0xF90  }
.Ltmp3:
0x36: {  	s18 =	smov.u32 s15;
	v1 =	vmin.u32 v2, $0x270FF;
	(pc) =	sbr.rel @p0 .LBB2_3-.Ltmp3, $3  }
0x37: {  	_ =	sdelay $0x1  }
0x38: {  	s16 =	sadd.s32 $0x10, s16  }
0x39: {  	vm1 =	vgt.s32 v0, $0x0;
	s15 =	sadd.s32 $0x10, s15;
	v2 =	vmov v0;
	(ifvalue) =	ssetifvalue $0x7FFFFFFF;
	v0 =	vld.msk [tilespmem:s16+$0x0 ss:$0x1], $0xffff  }
.Ltmp4:
0x3a: {  	_ = 	snop;
	(pc) =	sbr.rel .LBB2_4-.Ltmp4, $1  }
0x3b: {  	_ =	sdelay $0x3  }
.LBB2_6:
0x3c: {  	_ =	sfence.sel $0x180000  }
0x3d: {  	s2 =	simm.s32 $0x2;
	[bflag:$0x0] =	sbarrier.arrive $0xFFFF  }
0x3e: {  	s30 =	simm.s32 $0x3;
	[sflag:s2] =	ssyncpa.u1 $0x1  }
0x3f: {  	s31 =	simm.s32 $0x1;
	[sflag:s30] =	ssyncpa.u1 $0x1  }
0x40: {  	[sflag:s31] =	ssyncpa.u1 $0x1  }
0x41: {  	p0 =	sne.s32 s1, $0x0;
	_ =	strace $0x9000004A  }
0x42: {  	s0 =	sadd.s32 @!p0 $0x100000, s0;
	[bflag:$0x2] =	sbarrier.arrive $0xFFFF  }
0x43: {  	[sflag:s0] =	ssyncadd.tile.s32 @!p0 $0x1;
	_ =	shalt  }
.Lfunc_end2:
_tile_overlayer_lowered:
.L_overlay_start_2:
0x44: {  	(tag) =	ssettag $0x2  }
0x45: {  	s0 =	rddreg [dreg:$0x0];
	s2 =	stileid.u32  }
0x46: {  	s1 =	rddreg [dreg:$0x1];
	p0 =	sne.s32 s2, $0x0  }
0x47: {  	s3 =	rddreg [dreg:$0x2];
	[bflag:$0x3] =	sbarrier.arrive $0xFFFF;
	s2 =	simm.s32 @!p0 $0x1C01  }
0x48: {  	[timem:s3], [sflag:s2] =	dma.local @!p0 [hbm:s0], s1  }
0x49: {  	s0 =	simm.s32 @!p0 $0x1  }
0x4a: {  	_ =	swait.ge @!p0 [sflag:s0], s1  }
0x4b: {  	s1 =	ssub.s32 @!p0 $0x0, s1;
	[sflag:s0] =	ssyncset.done @!p0 $0x0  }
0x4c: {  	[sflag:s0] =	ssyncadd.s32 @!p0 s1  }
0x4d: {  	[bflag:$0x3] =	sbarrier.arrive $0xFFFF  }
0x4e: {  	_ =	shalt  }

// kernel: sparse-core-data-format-call.1.cloned.1.call-start
scs
called_computation.1_lowered:
.L_overlay_start_0:
0x0: {  	s1 =	sld [smem:$0x3FD9]  }
0x1: {  	s2 =	sld [smem:$0x3FFE];
	_ =	sdelay $0x1  }
0x2: {  	s3 =	srdreg.scid  }
0x3: {  	s0 =	sand.u32 $0x1, s3  }
0x4: {  	s17 =	sshll.u32 s0, $0xA;
	s1 =	sadd.s32 s2, s1  }
0x5: {  	s1 =	sadd.s32 s1, s17  }
0x6: {  	[smem:$0x3FA5] =	sst s1  }
0x7: {  	_ = 	snop  }
0x8: {  	(tm) =	ssettm $0x1  }
0x9: {  	s18 =	sld [smem:$0x3FFB];
	_ =	sdelay $0x3  }
0xa: {  	_ =	strace s18  }
0xb: {  	s1 =	sld [smem:$0x3FFC];
	_ =	sdelay $0x3  }
0xc: {  	_ =	strace s1  }
0xd: {  	s1 =	sld [smem:$0x3FFD];
	_ =	sdelay $0x3  }
0xe: {  	_ =	strace s1  }
0xf: {  	_ =	strace $0x8FFFFFFF  }
0x10: {  	s19 =	sld [smem:$0x3FDB];
	_ =	sdelay $0x1  }
0x11: {  	s20 =	simm.s32 $_scs_section_size  }
0x12: {  	s4 =	simm.s32 $_size__tile_overlayer_lowered;
	s5 =	simm.s32 $_tile_overlayer_lowered  }
0x13: {  	s23 =	simm.s32 $0x1BFF;
	s22 =	sshll.u32 s5, $0x1;
	s1 =	sadd.s32 s20, s19  }
0x14: {  	s6 =	simm.s32 $0x0;
	s21 =	sshll.u32 s4, $0x1;
	s4 =	sadd.s32 s22, s1  }
0x15: {  	[timem:s6], [sflag:s23] =	dma.local [hbm:s4], s21  }
0x16: {  	_ =	swait.ge [sflag:s23], s21  }
0x17: {  	s2 =	ssub.s32 $0x0, s21;
	[sflag:s23] =	ssyncset.done $0x0  }
0x18: {  	[sflag:s23] =	ssyncadd.s32 s2;
	_ =	sdelay $0x1  }
0x19: {  	s24 =	simm.s32 $0x1B8B  }
0x1a: {  	_ =	swait.ge [sflag:s24], $0x1  }
0x1b: {  	[sflag:s24] =	ssyncset.done $0x0  }
0x1c: {  	s26 =	simm.s32 $0x1B8E;
	s25 =	sld [smem:$0x3FFE];
	[sflag:s24] =	ssyncadd.s32 $0xFFFFFFFF  }
0x1d: {  	s27 =	simm.s32 $execute0_lowered;
	[smem:$0x3FD2] =	sst s26  }
0x1e: {  	s4 =	sshll.u32 s27, $0x1;
	_ =	strace $0x80000058;
	[dreg:$0x1] =	wrdreg $0xFFFFFFFF  }
0x1f: {  	s28 =	simm.s32 $_size_execute0_lowered;
	s1 =	sadd.s32 s1, s4;
	[dreg:$0x0] =	wrdreg $0x0  }
0x20: {  	s4 =	sshll.u32 s28, $0x1;
	[dreg:$0x2] =	wrdreg s1  }
0x21: {  	[dreg:$0x3] =	wrdreg s4  }
0x22: {  	[dreg:$0x4] =	wrdreg $0xC0  }
0x23: {  	_ =	task [dreg:s6], $0x5FFFF  }
0x24: {  	[dreg:$0x1] =	wrdreg $0xFFFFFFFF  }
0x25: {  	[dreg:$0x0] =	wrdreg $0x60  }
0x26: {  	[dreg:$0x2] =	wrdreg s25  }
0x27: {  	[dreg:$0x3] =	wrdreg $0x9  }
0x28: {  	_ =	task.clear_ibuf [dreg:s6], $0x4FFFF;
	_ =	strace $0x90000058  }
0x29: {  	s29 =	simm.s32 $0x9;
	_ =	strace $0x8000005A  }
0x2a: {  	_ =	swait.ge [sflag:s29], $0x1  }
0x2b: {  	[sflag:s29] =	ssyncadd.s32 $0xFFFFFFFF  }
0x2c: {  	_ =	strace $0x9000005A  }
0x2d: {  	_ =	sfence  }
0x2e: {  	s30 =	sld [smem:$0x0];
	_ =	sdelay $0x2  }
0x2f: {  	s31 =	sshll.u32 s3, $0xD;
	s3 =	sshrl.u32 s3, $0x2  }
0x30: {  	s2 =	sand.u32 $0x4000, s31;
	s1 =	sadd.s32 s3, s30  }
0x31: {  	s0 =	sor.u32 s2, s0;
	s1 =	sshll.u32 s1, $0x11  }
0x32: {  	s0 =	sor.u32 s1, s0  }
0x33: {  	s0 =	sadd.s32 $0x8F2B, s0  }
0x34: {  	[sflag:s0] =	ssyncadd.remote.s32 $0x1  }
0x35: {  	_ =	sfence.sel $0xFFFF  }
0x36: {  	[dreg:$0x0] =	wrdreg $0xFFFFFFFF;
	(pc) =	sbr.abs _section_cstart, $3  }
0x37: {  	[dreg:$0x1] =	wrdreg $0xFFFFFFFF  }
0x38: {  	_ =	task.clear_ibuf [dreg:s6], $0x2FFFF;
	_ =	strace $0x9FFFFFFF  }
0x39: {  	(tm) =	ssettm $0x7FFFFFFF  }
tec
execute0_lowered:
.L_overlay_start_1:
0x0: {  	(tag) =	ssettag $0x1  }
0x1: {  	s0 =	srdreg.scid  }
0x2: {  	s1 =	sshll.u32 s0, $0x4  }
0x3: {  	s4 =	rddreg [dreg:$0x0];
	s0 =	stileid.u32;
	s1 =	sand.u32 $0x10, s1  }
0x4: {  	s7 =	simm.s32 $0x1;
	s8 =	simm.s32 $0x2;
	s2 =	sor.u32 s0, s1  }
0x5: {  	s9 =	simm.s32 $0x0;
	s12 =	simm.s32 $0x0;
	s2 =	sshll.u32 s2, $0x1  }
0x6: {  	s11 =	simm.s32 $0x0;
	s3 =	sadd.s32 $0x521E00, s4;
	s6 =	ssub.s32 $0x4E2, s2  }
.Ltmp0:
0x7: {  	s4 =	sadd.s32 $0xACE800, s4;
	s5 =	sand.u32 $0x3E, s6;
	(pc) =	sbr.rel .LBB1_1-.Ltmp0, $4  }
0x8: {  	s1 =	rddreg [dreg:$0x1];
	_ =	strace $0x80000059;
	p0 =	sne.s32 s5, $0x0  }
0x9: {  	s6 =	sshrl.u32 s6, $0x6;
	s5 =	simm.s32 $0x1;
	s7 =	simm.s32 @!p0 $0x0  }
0xa: {  	s10 =	smov.u32 s2;
	[sflag:s5] =	ssyncpa.u1 $0x0;
	s6 =	sadd.s32 s7, s6  }
0xb: {  	[sflag:s8] =	ssyncpa.u1 $0x0;
	s8 =	simm.s32 $0x0;
	s7 =	sadd.s32 $0x1, s6  }
.LBB1_9:
0xc: {  	s14 =	sadd.s32 $0x40, s10  }
0xd: {  	p1 =	sgt.s32 s14, $0x4E1  }
0xe: {  	s14 =	smov.u32 @p1 s2;
	p1 =	sne.s32 s11, s7  }
.Ltmp1:
0xf: {  	p0 =	slt.u32 s11, $0x2;
	(pc) =	sbr.rel @!p1 .LBB1_10-.Ltmp1, $4  }
0x10: {  	s13 =	simm.s32 @!p0 $0x2  }
0x11: {  	s15 =	sadd.s32 $0x1, s11;
	_ =	swait.ge @!p0 [sflag:s13], $0x4000  }
0x12: {  	s12 =	smov.u32 s10;
	s9 =	sadd.s32 $0x4000, s9;
	[sflag:s13] =	ssyncset.done @!p0 $0x0  }
0x13: {  	s11 =	smov.u32 s15;
	s10 =	smov.u32 s14;
	[sflag:s13] =	ssyncadd.s32 @!p0 $0xFFFFC000  }
.LBB1_1:
0x14: {  	p0 =	sge.u32 s11, s6  }
0x15: {  	s13 =	sxor.u32 @!p0 $0xFFFFFFFF, s11  }
0x16: {  	s31 =	sadd.s32 $0xFFFFFFFF, s11;
	s14 =	sshll.u32 @!p0 s10, $0xA;
	s13 =	sshll.u32 @!p0 s13, $0xE  }
0x17: {  	s15 =	simm.s32 @!p0 $0x0;
	s14 =	sadd.s32 @!p0 s3, s14;
	s13 =	sand.u32 @!p0 $0x4000, s13  }
0x18: {  	[tilespmem:s13], [sflag:$0x1] =	stream.linear.gather @!p0 [hbm4b:s14+s15], $0x4000, $0x38;
	[tilespmem:$0x10000] =	vst v63  }
0x19: {  	p0 =	sge.u32 s31, s6  }
.Ltmp2:
0x1a: {  	_ = 	snop;
	(pc) =	sbr.rel @p0 .LBB1_9-.Ltmp2, $1  }
0x1b: {  	_ =	sdelay $0x3  }
0x1c: {  	s13 =	sshll.u32 s9, $0x2  }
0x1d: {  	_ =	swait.ge [sflag:s5], $0x4000;
	s14 =	sshll.u32 s11, $0xE;
	s18 =	simm.s32 $0x0  }
0x1e: {  	p1 =	por $0x1, $0x1;
	s13 =	sand.u32 $0x10000, s13;
	[sflag:s5] =	ssyncset.done $0x0  }
0x1f: {  	s15 =	sand.u32 $0x4000, s14;
	s13 =	sshrl.u32 s13, $0x2;
	[sflag:s5] =	ssyncadd.s32 $0xFFFFC000  }
0x20: {  	s14 =	sor.u32 $0x8000, s15;
	s16 =	sor.u32 $0x8000, s13;
	s17 =	sadd.s32 $0x8400, s13  }
.LBB1_3:
0x21: {  	s19 =	sshll.u32 s18, $0x2  }
0x22: {  	s19 =	sshrl.u32 s19, $0x2  }
0x23: {  	v0 =	vmov s19;
	_ =	sdelay $0x2  }
0x24: {  	p0 =	por p1, p1;
	p1 =	por $0x0, $0x0;
	s20 =	simm.s32 $0x0  }
0x25: {  	s21 =	smov.u32 s13;
	s22 =	simm.s32 $0x0;
	s19 =	smov.u32 s16  }
.LBB1_4:
0x26: {  	_ =	sdelay $0x3  }
0x27: {  	v2 =	vld.idx.msk [tilespmem:v0+s21+$0x10 ss:$0x1], $0xffff  }
0x28: {  	v3 =	vld.idx.msk [tilespmem:v0+s21+$0x270 ss:$0x1], $0xffff  }
0x29: {  	s23 =	sshll.u32 s22, $0xA;
	v5 =	vld.idx.msk [tilespmem:v0+s21+$0x20 ss:$0x1], $0xffff  }
0x2a: {  	v8 =	vld.idx.msk [tilespmem:v0+s21+$0x30 ss:$0x1], $0xffff;
	s23 =	sadd.s32 s18, s23  }
0x2b: {  	v9 =	vld.idx.msk [tilespmem:v0+s21+$0x40 ss:$0x1], $0xffff;
	v1 =	vmov s23  }
0x2c: {  	s30 =	simm.s32 $0x0;
	v10 =	vld.idx.msk [tilespmem:v0+s21+$0x50 ss:$0x1], $0xffff  }
0x2d: {  	v11 =	vld.idx.msk [tilespmem:v0+s21+$0x60 ss:$0x1], $0xffff;
	s24 =	sand.u32 $0x100, s30  }
0x2e: {  	v12 =	vld.idx.msk [tilespmem:v0+s21+$0x70 ss:$0x1], $0xffff;
	s23 =	sand.u32 $0x80, s30;
	s24 =	sadd.s32 s24, s15;
	[tilespmem:v0+s19+$0x470 ss:$0x1] =	vst.idx.msk $0xffff, v3  }
0x2f: {  	v7 =	vld.idx.msk [tilespmem:v0+s21+$0x210 ss:$0x1], $0xffff;
	s23 =	sadd.s32 s23, s24;
	s24 =	simm.s32 $0x1;
	[tilespmem:v0+s19+$0x10 ss:$0x1] =	vst.idx.msk $0xffff, v2  }
0x30: {  	s31 =	sshll.u32 s20, $0x2;
	s24 =	simm.s32 @!p1 $0x0;
	[tilespmem:v0+s19+$0x20 ss:$0x1] =	vst.idx.msk $0xffff, v5;
	v4 =	vld.idx.msk [tilespmem:v1+s23+$0x200 ss:$0x1], $0xffff  }
0x31: {  	v6 =	vld.idx.msk [tilespmem:v0+s21+$0x220 ss:$0x1], $0xffff;
	s24 =	sshll.u32 s24, $0x9;
	[tilespmem:v0+s19+$0x30 ss:$0x1] =	vst.idx.msk $0xffff, v8;
	s23 =	sand.u32 $0xFFFFFC00, s31  }
0x32: {  	v3 =	vld.idx.msk [tilespmem:v0+s21+$0x230 ss:$0x1], $0xffff;
	[tilespmem:v0+s19+$0x40 ss:$0x1] =	vst.idx.msk $0xffff, v9;
	s23 =	sor.u32 s24, s23  }
0x33: {  	[tilespmem:v0+s19+$0x50 ss:$0x1] =	vst.idx.msk $0xffff, v10;
	v5 =	vld.idx.msk [tilespmem:v0+s21+$0x250 ss:$0x1], $0xffff;
	s23 =	sshrl.u32 s23, $0x2  }
0x34: {  	[tilespmem:v0+s19+$0x60 ss:$0x1] =	vst.idx.msk $0xffff, v11;
	v2 =	vld.idx.msk [tilespmem:v0+s21+$0x260 ss:$0x1], $0xffff;
	s23 =	sadd.s32 s23, s17  }
0x35: {  	s27 =	simm.s32 $0x80;
	s26 =	simm.s32 $0x100;
	[tilespmem:v0+s23+$0x0 ss:$0x1] =	vst.idx.msk $0xffff, v4;
	v4 =	vld.idx.msk [tilespmem:v0+s21+$0x240 ss:$0x1], $0xffff  }
0x36: {  	s25 =	smov.u32 s19;
	s28 =	sand.u32 $0x100, s27;
	v8 =	vld.idx.msk [tilespmem:v0+s21+$0x0 ss:$0x1], $0xffff;
	[tilespmem:v0+s19+$0x70 ss:$0x1] =	vst.idx.msk $0xffff, v12;
	s24 =	sadd.s32 $0x80, s21  }
.LBB1_5:
0x37: {  	p2 =	sne.s32 s26, $0x180;
	v9 =	vld.idx.msk [tilespmem:v0+s24+$0x10 ss:$0x1], $0xffff;
	s27 =	sand.u32 $0x80, s27;
	s28 =	sadd.s32 s28, s15;
	[tilespmem:v0+s25+$0x410 ss:$0x1] =	vst.idx.msk $0xffff, v7  }
0x38: {  	s28 =	sadd.s32 s27, s28;
	v7 =	vld.idx.msk [tilespmem:v0+s24+$0x270 ss:$0x1], $0xffff;
	[tilespmem:v0+s25+$0x420 ss:$0x1] =	vst.idx.msk $0xffff, v6;
	s27 =	smov.u32 s26  }
0x39: {  	v6 =	vld.idx.msk [tilespmem:v1+s28+$0x200 ss:$0x1], $0xffff;
	[tilespmem:v0+s25+$0x430 ss:$0x1] =	vst.idx.msk $0xffff, v3  }
0x3a: {  	v3 =	vld.idx.msk [tilespmem:v0+s24+$0x20 ss:$0x1], $0xffff;
	[tilespmem:v0+s25+$0x440 ss:$0x1] =	vst.idx.msk $0xffff, v4  }
0x3b: {  	v4 =	vld.idx.msk [tilespmem:v0+s24+$0x30 ss:$0x1], $0xffff;
	[tilespmem:v0+s25+$0x450 ss:$0x1] =	vst.idx.msk $0xffff, v5  }
0x3c: {  	v5 =	vld.idx.msk [tilespmem:v0+s24+$0x40 ss:$0x1], $0xffff;
	[tilespmem:v0+s25+$0x0 ss:$0x1] =	vst.idx.msk $0xffff, v8  }
0x3d: {  	v8 =	vld.idx.msk [tilespmem:v0+s24+$0x50 ss:$0x1], $0xffff;
	[tilespmem:v0+s25+$0x460 ss:$0x1] =	vst.idx.msk $0xffff, v2;
	s25 =	sadd.s32 $0x800, s25  }
0x3e: {  	s23 =	sadd.s32 $0x800, s23;
	v2 =	vld.idx.msk [tilespmem:v0+s24+$0x60 ss:$0x1], $0xffff;
	[tilespmem:v0+s25+$0x470 ss:$0x1] =	vst.idx.msk $0xffff, v7  }
0x3f: {  	v10 =	vld.idx.msk [tilespmem:v0+s24+$0x70 ss:$0x1], $0xffff;
	[tilespmem:v0+s23+$0x0 ss:$0x1] =	vst.idx.msk $0xffff, v6  }
0x40: {  	[tilespmem:v0+s25+$0x10 ss:$0x1] =	vst.idx.msk $0xffff, v9;
	v7 =	vld.idx.msk [tilespmem:v0+s24+$0x210 ss:$0x1], $0xffff  }
0x41: {  	[tilespmem:v0+s25+$0x20 ss:$0x1] =	vst.idx.msk $0xffff, v3;
	v6 =	vld.idx.msk [tilespmem:v0+s24+$0x220 ss:$0x1], $0xffff  }
.Ltmp3:
0x42: {  	[tilespmem:v0+s25+$0x30 ss:$0x1] =	vst.idx.msk $0xffff, v4;
	v3 =	vld.idx.msk [tilespmem:v0+s24+$0x230 ss:$0x1], $0xffff;
	(pc) =	sbr.rel @p2 .LBB1_5-.Ltmp3, $4  }
0x43: {  	[tilespmem:v0+s25+$0x40 ss:$0x1] =	vst.idx.msk $0xffff, v5;
	v4 =	vld.idx.msk [tilespmem:v0+s24+$0x240 ss:$0x1], $0xffff  }
0x44: {  	[tilespmem:v0+s25+$0x50 ss:$0x1] =	vst.idx.msk $0xffff, v8;
	v5 =	vld.idx.msk [tilespmem:v0+s24+$0x250 ss:$0x1], $0xffff  }
0x45: {  	[tilespmem:v0+s25+$0x60 ss:$0x1] =	vst.idx.msk $0xffff, v2;
	v2 =	vld.idx.msk [tilespmem:v0+s24+$0x260 ss:$0x1], $0xffff  }
0x46: {  	s26 =	sadd.s32 $0x80, s26;
	s28 =	sand.u32 $0x100, s27;
	v8 =	vld.idx.msk [tilespmem:v0+s24+$0x0 ss:$0x1], $0xffff;
	[tilespmem:v0+s25+$0x70 ss:$0x1] =	vst.idx.msk $0xffff, v10;
	s24 =	sadd.s32 $0x80, s24  }
0x47: {  	_ =	sdelay $0x3  }
0x48: {  	[tilespmem:v0+s25+$0x410 ss:$0x1] =	vst.idx.msk $0xffff, v7  }
0x49: {  	[tilespmem:v0+s25+$0x420 ss:$0x1] =	vst.idx.msk $0xffff, v6  }
0x4a: {  	v56 =	vld.idx.msk [tilespmem:v0+s24+$0x270 ss:$0x1], $0xffff;
	[tilespmem:v0+s25+$0x430 ss:$0x1] =	vst.idx.msk $0xffff, v3  }
0x4b: {  	v3 =	vld.idx.msk [tilespmem:v0+s24+$0x10 ss:$0x1], $0xffff;
	[tilespmem:v0+s25+$0x440 ss:$0x1] =	vst.idx.msk $0xffff, v4  }
0x4c: {  	v57 =	vld.idx.msk [tilespmem:v0+s24+$0x20 ss:$0x1], $0xffff;
	[tilespmem:v0+s25+$0x450 ss:$0x1] =	vst.idx.msk $0xffff, v5  }
0x4d: {  	s26 =	sand.u32 $0x80, s27;
	s30 =	sadd.s32 s28, s15;
	v58 =	vld.idx.msk [tilespmem:v0+s24+$0x30 ss:$0x1], $0xffff;
	[tilespmem:v0+s25+$0x460 ss:$0x1] =	vst.idx.msk $0xffff, v2  }
0x4e: {  	s31 =	sadd.s32 $0x800, s25;
	v59 =	vld.idx.msk [tilespmem:v0+s24+$0x50 ss:$0x1], $0xffff;
	s26 =	sadd.s32 s26, s30;
	[tilespmem:v0+s25+$0x0 ss:$0x1] =	vst.idx.msk $0xffff, v8  }
0x4f: {  	v1 =	vld.idx.msk [tilespmem:v1+s26+$0x200 ss:$0x1], $0xffff;
	[tilespmem:v0+s31+$0x470 ss:$0x1] =	vst.idx.msk $0xffff, v56  }
0x50: {  	v60 =	vld.idx.msk [tilespmem:v0+s24+$0x210 ss:$0x1], $0xffff;
	[tilespmem:v0+s31+$0x10 ss:$0x1] =	vst.idx.msk $0xffff, v3  }
0x51: {  	v61 =	vld.idx.msk [tilespmem:v0+s24+$0x220 ss:$0x1], $0xffff;
	[tilespmem:v0+s31+$0x20 ss:$0x1] =	vst.idx.msk $0xffff, v57  }
0x52: {  	v2 =	vld.idx.msk [tilespmem:v0+s24+$0x40 ss:$0x1], $0xffff;
	[tilespmem:v0+s31+$0x30 ss:$0x1] =	vst.idx.msk $0xffff, v58  }
0x53: {  	s23 =	sadd.s32 $0x800, s23;
	v3 =	vld.idx.msk [tilespmem:v0+s24+$0x70 ss:$0x1], $0xffff;
	[tilespmem:v0+s31+$0x50 ss:$0x1] =	vst.idx.msk $0xffff, v59  }
0x54: {  	[tilespmem:v0+s23+$0x0 ss:$0x1] =	vst.idx.msk $0xffff, v1;
	v1 =	vld.idx.msk [tilespmem:v0+s24+$0x60 ss:$0x1], $0xffff  }
0x55: {  	v62 =	vld.idx.msk [tilespmem:v0+s24+$0x240 ss:$0x1], $0xffff;
	[tilespmem:v0+s31+$0x410 ss:$0x1] =	vst.idx.msk $0xffff, v60  }
0x56: {  	v63 =	vld.idx.msk [tilespmem:v0+s24+$0x260 ss:$0x1], $0xffff;
	[tilespmem:v0+s31+$0x420 ss:$0x1] =	vst.idx.msk $0xffff, v61  }
0x57: {  	[tilespmem:v0+s31+$0x40 ss:$0x1] =	vst.idx.msk $0xffff, v2;
	v2 =	vld.idx.msk [tilespmem:v0+s24+$0x230 ss:$0x1], $0xffff  }
0x58: {  	s22 =	sadd.s32 $0x1, s22;
	[tilespmem:v0+s31+$0x70 ss:$0x1] =	vst.idx.msk $0xffff, v3;
	v3 =	vld.idx.msk [tilespmem:v0+s24+$0x0 ss:$0x1], $0xffff  }
0x59: {  	p2 =	sne.s32 s22, $0x8;
	[tilespmem:v0+s31+$0x60 ss:$0x1] =	vst.idx.msk $0xffff, v1;
	v1 =	vld.idx.msk [tilespmem:v0+s24+$0x250 ss:$0x1], $0xffff  }
.Ltmp4:
0x5a: {  	[tilespmem:v0+s31+$0x440 ss:$0x1] =	vst.idx.msk $0xffff, v62;
	(pc) =	sbr.rel @p2 .LBB1_4-.Ltmp4, $4  }
0x5b: {  	[tilespmem:v0+s31+$0x460 ss:$0x1] =	vst.idx.msk $0xffff, v63  }
0x5c: {  	[tilespmem:v0+s31+$0x430 ss:$0x1] =	vst.idx.msk $0xffff, v2  }
0x5d: {  	s21 =	sadd.s32 $0x400, s21;
	[tilespmem:v0+s31+$0x0 ss:$0x1] =	vst.idx.msk $0xffff, v3  }
0x5e: {  	s20 =	sadd.s32 $0x80, s20;
	p1 =	por !p1, !p1;
	s19 =	sadd.s32 $0x80, s19;
	[tilespmem:v0+s31+$0x450 ss:$0x1] =	vst.idx.msk $0xffff, v1  }
.Ltmp5:
0x5f: {  	(pc) =	sbr.rel @p0 .LBB1_3-.Ltmp5, $2  }
0x60: {  	_ =	sdelay $0x2  }
0x61: {  	s18 =	simm.s32 $0x2000;
	p1 =	por $0x0, $0x0  }
.Ltmp6:
0x62: {  	(pc) =	sbr.rel .LBB1_9-.Ltmp6, $4  }
0x63: {  	_ = 	snop  }
0x64: {  	s12 =	sshll.u32 s12, $0xA  }
0x65: {  	s12 =	sadd.s32 s4, s12  }
0x66: {  	[hbm4b:s12+s8] =	stream.linear.scatter [tilespmem:s14], [sflag:$0x2], $0x4000, $0x38;
	[tilespmem:$0x10000] =	vst v63  }
.LBB1_10:
0x67: {  	_ =	sfence.sel $0x180000  }
0x68: {  	s2 =	simm.s32 $0x1;
	[bflag:$0x0] =	sbarrier.arrive $0xFFFF  }
0x69: {  	s31 =	simm.s32 $0x2;
	[sflag:s2] =	ssyncpa.u1 $0x1  }
0x6a: {  	[sflag:s31] =	ssyncpa.u1 $0x1  }
0x6b: {  	p0 =	sne.s32 s0, $0x0;
	_ =	strace $0x90000059  }
0x6c: {  	s0 =	sadd.s32 @!p0 $0x100000, s1;
	[bflag:$0x2] =	sbarrier.arrive $0xFFFF  }
0x6d: {  	[sflag:s0] =	ssyncadd.tile.s32 @!p0 $0x1;
	_ =	shalt  }
.Lfunc_end1:
_tile_overlayer_lowered:
.L_overlay_start_2:
0x6e: {  	(tag) =	ssettag $0x2  }
0x6f: {  	s0 =	rddreg [dreg:$0x0];
	s2 =	stileid.u32  }
0x70: {  	s1 =	rddreg [dreg:$0x1];
	p0 =	sne.s32 s2, $0x0  }
0x71: {  	s3 =	rddreg [dreg:$0x2];
	[bflag:$0x3] =	sbarrier.arrive $0xFFFF;
	s2 =	simm.s32 @!p0 $0x1C01  }
0x72: {  	[timem:s3], [sflag:s2] =	dma.local @!p0 [hbm:s0], s1  }
0x73: {  	s0 =	simm.s32 @!p0 $0x1  }
0x74: {  	_ =	swait.ge @!p0 [sflag:s0], s1  }
0x75: {  	s1 =	ssub.s32 @!p0 $0x0, s1;
	[sflag:s0] =	ssyncset.done @!p0 $0x0  }
0x76: {  	[sflag:s0] =	ssyncadd.s32 @!p0 s1  }
0x77: {  	[bflag:$0x3] =	sbarrier.arrive $0xFFFF  }
0x78: {  	_ =	shalt  }

// kernel: sparse-core-data-format-call.cloned.1.call-start
scs
called_computation_lowered:
.L_overlay_start_0:
0x0: {  	s1 =	sld [smem:$0x3FD9]  }
0x1: {  	s2 =	sld [smem:$0x3FFE];
	_ =	sdelay $0x1  }
0x2: {  	s3 =	srdreg.scid  }
0x3: {  	s0 =	sand.u32 $0x1, s3  }
0x4: {  	s17 =	sshll.u32 s0, $0xA;
	s1 =	sadd.s32 s2, s1  }
0x5: {  	s1 =	sadd.s32 s1, s17  }
0x6: {  	[smem:$0x3FA5] =	sst s1  }
0x7: {  	_ = 	snop  }
0x8: {  	(tm) =	ssettm $0x1  }
0x9: {  	s18 =	sld [smem:$0x3FFB];
	_ =	sdelay $0x3  }
0xa: {  	_ =	strace s18  }
0xb: {  	s1 =	sld [smem:$0x3FFC];
	_ =	sdelay $0x3  }
0xc: {  	_ =	strace s1  }
0xd: {  	s1 =	sld [smem:$0x3FFD];
	_ =	sdelay $0x3  }
0xe: {  	_ =	strace s1  }
0xf: {  	_ =	strace $0x8FFFFFFF  }
0x10: {  	s19 =	sld [smem:$0x3FDB];
	_ =	sdelay $0x1  }
0x11: {  	s20 =	simm.s32 $_scs_section_size  }
0x12: {  	s4 =	simm.s32 $_size__tile_overlayer_lowered;
	s5 =	simm.s32 $_tile_overlayer_lowered  }
0x13: {  	s23 =	simm.s32 $0x1BFF;
	s22 =	sshll.u32 s5, $0x1;
	s1 =	sadd.s32 s20, s19  }
0x14: {  	s6 =	simm.s32 $0x0;
	s21 =	sshll.u32 s4, $0x1;
	s4 =	sadd.s32 s22, s1  }
0x15: {  	[timem:s6], [sflag:s23] =	dma.local [hbm:s4], s21  }
0x16: {  	_ =	swait.ge [sflag:s23], s21  }
0x17: {  	s2 =	ssub.s32 $0x0, s21;
	[sflag:s23] =	ssyncset.done $0x0  }
0x18: {  	[sflag:s23] =	ssyncadd.s32 s2;
	_ =	sdelay $0x1  }
0x19: {  	s24 =	simm.s32 $0x1B8B  }
0x1a: {  	_ =	swait.ge [sflag:s24], $0x1  }
0x1b: {  	[sflag:s24] =	ssyncset.done $0x0  }
0x1c: {  	s26 =	simm.s32 $0x1B8E;
	s25 =	sld [smem:$0x3FFE];
	[sflag:s24] =	ssyncadd.s32 $0xFFFFFFFF  }
0x1d: {  	s27 =	simm.s32 $execute0_lowered;
	[smem:$0x3FD2] =	sst s26  }
0x1e: {  	s4 =	sshll.u32 s27, $0x1;
	_ =	strace $0x80000061;
	[dreg:$0x1] =	wrdreg $0xFFFFFFFF  }
0x1f: {  	s28 =	simm.s32 $_size_execute0_lowered;
	s1 =	sadd.s32 s1, s4;
	[dreg:$0x0] =	wrdreg $0x0  }
0x20: {  	s4 =	sshll.u32 s28, $0x1;
	[dreg:$0x2] =	wrdreg s1  }
0x21: {  	[dreg:$0x3] =	wrdreg s4  }
0x22: {  	[dreg:$0x4] =	wrdreg $0xC0  }
0x23: {  	_ =	task [dreg:s6], $0x5FFFF  }
0x24: {  	[dreg:$0x1] =	wrdreg $0xFFFFFFFF  }
0x25: {  	[dreg:$0x0] =	wrdreg $0x60  }
0x26: {  	[dreg:$0x2] =	wrdreg s25  }
0x27: {  	[dreg:$0x3] =	wrdreg $0x9  }
0x28: {  	_ =	task.clear_ibuf [dreg:s6], $0x4FFFF;
	_ =	strace $0x90000061  }
0x29: {  	s29 =	simm.s32 $0x9;
	_ =	strace $0x80000063  }
0x2a: {  	_ =	swait.ge [sflag:s29], $0x1  }
0x2b: {  	[sflag:s29] =	ssyncadd.s32 $0xFFFFFFFF  }
0x2c: {  	_ =	strace $0x90000063  }
0x2d: {  	_ =	sfence  }
0x2e: {  	s30 =	sld [smem:$0x0];
	_ =	sdelay $0x2  }
0x2f: {  	s31 =	sshll.u32 s3, $0xD;
	s3 =	sshrl.u32 s3, $0x2  }
0x30: {  	s2 =	sand.u32 $0x4000, s31;
	s1 =	sadd.s32 s3, s30  }
0x31: {  	s0 =	sor.u32 s2, s0;
	s1 =	sshll.u32 s1, $0x11  }
0x32: {  	s0 =	sor.u32 s1, s0  }
0x33: {  	s0 =	sadd.s32 $0x8F2B, s0  }
0x34: {  	[sflag:s0] =	ssyncadd.remote.s32 $0x1  }
0x35: {  	_ =	sfence.sel $0xFFFF  }
0x36: {  	[dreg:$0x0] =	wrdreg $0xFFFFFFFF;
	(pc) =	sbr.abs _section_cstart, $3  }
0x37: {  	[dreg:$0x1] =	wrdreg $0xFFFFFFFF  }
0x38: {  	_ =	task.clear_ibuf [dreg:s6], $0x2FFFF;
	_ =	strace $0x9FFFFFFF  }
0x39: {  	(tm) =	ssettm $0x7FFFFFFF  }
tec
execute0_lowered:
.L_overlay_start_1:
0x0: {  	(tag) =	ssettag $0x1  }
0x1: {  	s0 =	srdreg.scid  }
0x2: {  	s1 =	sshll.u32 s0, $0x4  }
0x3: {  	s4 =	rddreg [dreg:$0x0];
	s0 =	stileid.u32;
	s1 =	sand.u32 $0x10, s1  }
0x4: {  	s7 =	simm.s32 $0x1;
	s8 =	simm.s32 $0x2;
	s2 =	sor.u32 s0, s1  }
0x5: {  	s9 =	simm.s32 $0x0;
	s12 =	simm.s32 $0x0;
	s2 =	sshll.u32 s2, $0x1  }
0x6: {  	s11 =	simm.s32 $0x0;
	s3 =	sadd.s32 $0x65A800, s4;
	s6 =	ssub.s32 $0x4E2, s2  }
.Ltmp0:
0x7: {  	s4 =	sadd.s32 $0x9C7E00, s4;
	s5 =	sand.u32 $0x3E, s6;
	(pc) =	sbr.rel .LBB1_1-.Ltmp0, $4  }
0x8: {  	s1 =	rddreg [dreg:$0x1];
	_ =	strace $0x80000062;
	p0 =	sne.s32 s5, $0x0  }
0x9: {  	s6 =	sshrl.u32 s6, $0x6;
	s5 =	simm.s32 $0x1;
	s7 =	simm.s32 @!p0 $0x0  }
0xa: {  	s10 =	smov.u32 s2;
	[sflag:s5] =	ssyncpa.u1 $0x0;
	s6 =	sadd.s32 s7, s6  }
0xb: {  	[sflag:s8] =	ssyncpa.u1 $0x0;
	s8 =	simm.s32 $0x0;
	s7 =	sadd.s32 $0x1, s6  }
.LBB1_9:
0xc: {  	s14 =	sadd.s32 $0x40, s10  }
0xd: {  	p1 =	sgt.s32 s14, $0x4E1  }
0xe: {  	s14 =	smov.u32 @p1 s2;
	p1 =	sne.s32 s11, s7  }
.Ltmp1:
0xf: {  	p0 =	slt.u32 s11, $0x2;
	(pc) =	sbr.rel @!p1 .LBB1_10-.Ltmp1, $4  }
0x10: {  	s13 =	simm.s32 @!p0 $0x2  }
0x11: {  	s15 =	sadd.s32 $0x1, s11;
	_ =	swait.ge @!p0 [sflag:s13], $0x4000  }
0x12: {  	s12 =	smov.u32 s10;
	s9 =	sadd.s32 $0x4000, s9;
	[sflag:s13] =	ssyncset.done @!p0 $0x0  }
0x13: {  	s11 =	smov.u32 s15;
	s10 =	smov.u32 s14;
	[sflag:s13] =	ssyncadd.s32 @!p0 $0xFFFFC000  }
.LBB1_1:
0x14: {  	p0 =	sge.u32 s11, s6  }
0x15: {  	s13 =	sxor.u32 @!p0 $0xFFFFFFFF, s11  }
0x16: {  	s31 =	sadd.s32 $0xFFFFFFFF, s11;
	s14 =	sshll.u32 @!p0 s10, $0xA;
	s13 =	sshll.u32 @!p0 s13, $0xE  }
0x17: {  	s15 =	simm.s32 @!p0 $0x0;
	s14 =	sadd.s32 @!p0 s3, s14;
	s13 =	sand.u32 @!p0 $0x4000, s13  }
0x18: {  	[tilespmem:s13], [sflag:$0x1] =	stream.linear.gather @!p0 [hbm4b:s14+s15], $0x4000, $0x38;
	[tilespmem:$0x10000] =	vst v63  }
0x19: {  	p0 =	sge.u32 s31, s6  }
.Ltmp2:
0x1a: {  	_ = 	snop;
	(pc) =	sbr.rel @p0 .LBB1_9-.Ltmp2, $1  }
0x1b: {  	_ =	sdelay $0x3  }
0x1c: {  	s13 =	sshll.u32 s9, $0x2  }
0x1d: {  	_ =	swait.ge [sflag:s5], $0x4000;
	s14 =	sshll.u32 s11, $0xE;
	s18 =	simm.s32 $0x0  }
0x1e: {  	p1 =	por $0x1, $0x1;
	s13 =	sand.u32 $0x10000, s13;
	[sflag:s5] =	ssyncset.done $0x0  }
0x1f: {  	s15 =	sand.u32 $0x4000, s14;
	s13 =	sshrl.u32 s13, $0x2;
	[sflag:s5] =	ssyncadd.s32 $0xFFFFC000  }
0x20: {  	s14 =	sor.u32 $0x8000, s15;
	s16 =	sor.u32 $0x8000, s13;
	s17 =	sadd.s32 $0x8400, s13  }
.LBB1_3:
0x21: {  	s19 =	sshll.u32 s18, $0x2  }
0x22: {  	s19 =	sshrl.u32 s19, $0x2  }
0x23: {  	v0 =	vmov s19;
	_ =	sdelay $0x2  }
0x24: {  	p0 =	por p1, p1;
	p1 =	por $0x0, $0x0;
	s20 =	simm.s32 $0x0  }
0x25: {  	s21 =	smov.u32 s13;
	s22 =	simm.s32 $0x0;
	s19 =	smov.u32 s16  }
.LBB1_4:
0x26: {  	_ =	sdelay $0x3  }
0x27: {  	v2 =	vld.idx.msk [tilespmem:v0+s21+$0x10 ss:$0x1], $0xffff  }
0x28: {  	v3 =	vld.idx.msk [tilespmem:v0+s21+$0x270 ss:$0x1], $0xffff  }
0x29: {  	s23 =	sshll.u32 s22, $0xA;
	v5 =	vld.idx.msk [tilespmem:v0+s21+$0x20 ss:$0x1], $0xffff  }
0x2a: {  	v8 =	vld.idx.msk [tilespmem:v0+s21+$0x30 ss:$0x1], $0xffff;
	s23 =	sadd.s32 s18, s23  }
0x2b: {  	v9 =	vld.idx.msk [tilespmem:v0+s21+$0x40 ss:$0x1], $0xffff;
	v1 =	vmov s23  }
0x2c: {  	s30 =	simm.s32 $0x0;
	v10 =	vld.idx.msk [tilespmem:v0+s21+$0x50 ss:$0x1], $0xffff  }
0x2d: {  	v11 =	vld.idx.msk [tilespmem:v0+s21+$0x60 ss:$0x1], $0xffff;
	s24 =	sand.u32 $0x100, s30  }
0x2e: {  	v12 =	vld.idx.msk [tilespmem:v0+s21+$0x70 ss:$0x1], $0xffff;
	s23 =	sand.u32 $0x80, s30;
	s24 =	sadd.s32 s24, s15;
	[tilespmem:v0+s19+$0x470 ss:$0x1] =	vst.idx.msk $0xffff, v3  }
0x2f: {  	v7 =	vld.idx.msk [tilespmem:v0+s21+$0x210 ss:$0x1], $0xffff;
	s23 =	sadd.s32 s23, s24;
	s24 =	simm.s32 $0x1;
	[tilespmem:v0+s19+$0x10 ss:$0x1] =	vst.idx.msk $0xffff, v2  }
0x30: {  	s31 =	sshll.u32 s20, $0x2;
	s24 =	simm.s32 @!p1 $0x0;
	[tilespmem:v0+s19+$0x20 ss:$0x1] =	vst.idx.msk $0xffff, v5;
	v4 =	vld.idx.msk [tilespmem:v1+s23+$0x200 ss:$0x1], $0xffff  }
0x31: {  	v6 =	vld.idx.msk [tilespmem:v0+s21+$0x220 ss:$0x1], $0xffff;
	s24 =	sshll.u32 s24, $0x9;
	[tilespmem:v0+s19+$0x30 ss:$0x1] =	vst.idx.msk $0xffff, v8;
	s23 =	sand.u32 $0xFFFFFC00, s31  }
0x32: {  	v3 =	vld.idx.msk [tilespmem:v0+s21+$0x230 ss:$0x1], $0xffff;
	[tilespmem:v0+s19+$0x40 ss:$0x1] =	vst.idx.msk $0xffff, v9;
	s23 =	sor.u32 s24, s23  }
0x33: {  	[tilespmem:v0+s19+$0x50 ss:$0x1] =	vst.idx.msk $0xffff, v10;
	v5 =	vld.idx.msk [tilespmem:v0+s21+$0x250 ss:$0x1], $0xffff;
	s23 =	sshrl.u32 s23, $0x2  }
0x34: {  	[tilespmem:v0+s19+$0x60 ss:$0x1] =	vst.idx.msk $0xffff, v11;
	v2 =	vld.idx.msk [tilespmem:v0+s21+$0x260 ss:$0x1], $0xffff;
	s23 =	sadd.s32 s23, s17  }
0x35: {  	s27 =	simm.s32 $0x80;
	s26 =	simm.s32 $0x100;
	[tilespmem:v0+s23+$0x0 ss:$0x1] =	vst.idx.msk $0xffff, v4;
	v4 =	vld.idx.msk [tilespmem:v0+s21+$0x240 ss:$0x1], $0xffff  }
0x36: {  	s25 =	smov.u32 s19;
	s28 =	sand.u32 $0x100, s27;
	v8 =	vld.idx.msk [tilespmem:v0+s21+$0x0 ss:$0x1], $0xffff;
	[tilespmem:v0+s19+$0x70 ss:$0x1] =	vst.idx.msk $0xffff, v12;
	s24 =	sadd.s32 $0x80, s21  }
.LBB1_5:
0x37: {  	p2 =	sne.s32 s26, $0x180;
	v9 =	vld.idx.msk [tilespmem:v0+s24+$0x10 ss:$0x1], $0xffff;
	s27 =	sand.u32 $0x80, s27;
	s28 =	sadd.s32 s28, s15;
	[tilespmem:v0+s25+$0x410 ss:$0x1] =	vst.idx.msk $0xffff, v7  }
0x38: {  	s28 =	sadd.s32 s27, s28;
	v7 =	vld.idx.msk [tilespmem:v0+s24+$0x270 ss:$0x1], $0xffff;
	[tilespmem:v0+s25+$0x420 ss:$0x1] =	vst.idx.msk $0xffff, v6;
	s27 =	smov.u32 s26  }
0x39: {  	v6 =	vld.idx.msk [tilespmem:v1+s28+$0x200 ss:$0x1], $0xffff;
	[tilespmem:v0+s25+$0x430 ss:$0x1] =	vst.idx.msk $0xffff, v3  }
0x3a: {  	v3 =	vld.idx.msk [tilespmem:v0+s24+$0x20 ss:$0x1], $0xffff;
	[tilespmem:v0+s25+$0x440 ss:$0x1] =	vst.idx.msk $0xffff, v4  }
0x3b: {  	v4 =	vld.idx.msk [tilespmem:v0+s24+$0x30 ss:$0x1], $0xffff;
	[tilespmem:v0+s25+$0x450 ss:$0x1] =	vst.idx.msk $0xffff, v5  }
0x3c: {  	v5 =	vld.idx.msk [tilespmem:v0+s24+$0x40 ss:$0x1], $0xffff;
	[tilespmem:v0+s25+$0x0 ss:$0x1] =	vst.idx.msk $0xffff, v8  }
0x3d: {  	v8 =	vld.idx.msk [tilespmem:v0+s24+$0x50 ss:$0x1], $0xffff;
	[tilespmem:v0+s25+$0x460 ss:$0x1] =	vst.idx.msk $0xffff, v2;
	s25 =	sadd.s32 $0x800, s25  }
0x3e: {  	s23 =	sadd.s32 $0x800, s23;
	v2 =	vld.idx.msk [tilespmem:v0+s24+$0x60 ss:$0x1], $0xffff;
	[tilespmem:v0+s25+$0x470 ss:$0x1] =	vst.idx.msk $0xffff, v7  }
0x3f: {  	v10 =	vld.idx.msk [tilespmem:v0+s24+$0x70 ss:$0x1], $0xffff;
	[tilespmem:v0+s23+$0x0 ss:$0x1] =	vst.idx.msk $0xffff, v6  }
0x40: {  	[tilespmem:v0+s25+$0x10 ss:$0x1] =	vst.idx.msk $0xffff, v9;
	v7 =	vld.idx.msk [tilespmem:v0+s24+$0x210 ss:$0x1], $0xffff  }
0x41: {  	[tilespmem:v0+s25+$0x20 ss:$0x1] =	vst.idx.msk $0xffff, v3;
	v6 =	vld.idx.msk [tilespmem:v0+s24+$0x220 ss:$0x1], $0xffff  }
.Ltmp3:
0x42: {  	[tilespmem:v0+s25+$0x30 ss:$0x1] =	vst.idx.msk $0xffff, v4;
	v3 =	vld.idx.msk [tilespmem:v0+s24+$0x230 ss:$0x1], $0xffff;
	(pc) =	sbr.rel @p2 .LBB1_5-.Ltmp3, $4  }
0x43: {  	[tilespmem:v0+s25+$0x40 ss:$0x1] =	vst.idx.msk $0xffff, v5;
	v4 =	vld.idx.msk [tilespmem:v0+s24+$0x240 ss:$0x1], $0xffff  }
0x44: {  	[tilespmem:v0+s25+$0x50 ss:$0x1] =	vst.idx.msk $0xffff, v8;
	v5 =	vld.idx.msk [tilespmem:v0+s24+$0x250 ss:$0x1], $0xffff  }
0x45: {  	[tilespmem:v0+s25+$0x60 ss:$0x1] =	vst.idx.msk $0xffff, v2;
	v2 =	vld.idx.msk [tilespmem:v0+s24+$0x260 ss:$0x1], $0xffff  }
0x46: {  	s26 =	sadd.s32 $0x80, s26;
	s28 =	sand.u32 $0x100, s27;
	v8 =	vld.idx.msk [tilespmem:v0+s24+$0x0 ss:$0x1], $0xffff;
	[tilespmem:v0+s25+$0x70 ss:$0x1] =	vst.idx.msk $0xffff, v10;
	s24 =	sadd.s32 $0x80, s24  }
0x47: {  	_ =	sdelay $0x3  }
0x48: {  	[tilespmem:v0+s25+$0x410 ss:$0x1] =	vst.idx.msk $0xffff, v7  }
0x49: {  	[tilespmem:v0+s25+$0x420 ss:$0x1] =	vst.idx.msk $0xffff, v6  }
0x4a: {  	v56 =	vld.idx.msk [tilespmem:v0+s24+$0x270 ss:$0x1], $0xffff;
	[tilespmem:v0+s25+$0x430 ss:$0x1] =	vst.idx.msk $0xffff, v3  }
0x4b: {  	v3 =	vld.idx.msk [tilespmem:v0+s24+$0x10 ss:$0x1], $0xffff;
	[tilespmem:v0+s25+$0x440 ss:$0x1] =	vst.idx.msk $0xffff, v4  }
0x4c: {  	v57 =	vld.idx.msk [tilespmem:v0+s24+$0x20 ss:$0x1], $0xffff;
	[tilespmem:v0+s25+$0x450 ss:$0x1] =	vst.idx.msk $0xffff, v5  }
0x4d: {  	s26 =	sand.u32 $0x80, s27;
	s30 =	sadd.s32 s28, s15;
	v58 =	vld.idx.msk [tilespmem:v0+s24+$0x30 ss:$0x1], $0xffff;
	[tilespmem:v0+s25+$0x460 ss:$0x1] =	vst.idx.msk $0xffff, v2  }
0x4e: {  	s31 =	sadd.s32 $0x800, s25;
	v59 =	vld.idx.msk [tilespmem:v0+s24+$0x50 ss:$0x1], $0xffff;
	s26 =	sadd.s32 s26, s30;
	[tilespmem:v0+s25+$0x0 ss:$0x1] =	vst.idx.msk $0xffff, v8  }
0x4f: {  	v1 =	vld.idx.msk [tilespmem:v1+s26+$0x200 ss:$0x1], $0xffff;
	[tilespmem:v0+s31+$0x470 ss:$0x1] =	vst.idx.msk $0xffff, v56  }
0x50: {  	v60 =	vld.idx.msk [tilespmem:v0+s24+$0x210 ss:$0x1], $0xffff;
	[tilespmem:v0+s31+$0x10 ss:$0x1] =	vst.idx.msk $0xffff, v3  }
0x51: {  	v61 =	vld.idx.msk [tilespmem:v0+s24+$0x220 ss:$0x1], $0xffff;
	[tilespmem:v0+s31+$0x20 ss:$0x1] =	vst.idx.msk $0xffff, v57  }
0x52: {  	v2 =	vld.idx.msk [tilespmem:v0+s24+$0x40 ss:$0x1], $0xffff;
	[tilespmem:v0+s31+$0x30 ss:$0x1] =	vst.idx.msk $0xffff, v58  }
0x53: {  	s23 =	sadd.s32 $0x800, s23;
	v3 =	vld.idx.msk [tilespmem:v0+s24+$0x70 ss:$0x1], $0xffff;
	[tilespmem:v0+s31+$0x50 ss:$0x1] =	vst.idx.msk $0xffff, v59  }
0x54: {  	[tilespmem:v0+s23+$0x0 ss:$0x1] =	vst.idx.msk $0xffff, v1;
	v1 =	vld.idx.msk [tilespmem:v0+s24+$0x60 ss:$0x1], $0xffff  }
0x55: {  	v62 =	vld.idx.msk [tilespmem:v0+s24+$0x240 ss:$0x1], $0xffff;
	[tilespmem:v0+s31+$0x410 ss:$0x1] =	vst.idx.msk $0xffff, v60  }
0x56: {  	v63 =	vld.idx.msk [tilespmem:v0+s24+$0x260 ss:$0x1], $0xffff;
	[tilespmem:v0+s31+$0x420 ss:$0x1] =	vst.idx.msk $0xffff, v61  }
0x57: {  	[tilespmem:v0+s31+$0x40 ss:$0x1] =	vst.idx.msk $0xffff, v2;
	v2 =	vld.idx.msk [tilespmem:v0+s24+$0x230 ss:$0x1], $0xffff  }
0x58: {  	s22 =	sadd.s32 $0x1, s22;
	[tilespmem:v0+s31+$0x70 ss:$0x1] =	vst.idx.msk $0xffff, v3;
	v3 =	vld.idx.msk [tilespmem:v0+s24+$0x0 ss:$0x1], $0xffff  }
0x59: {  	p2 =	sne.s32 s22, $0x8;
	[tilespmem:v0+s31+$0x60 ss:$0x1] =	vst.idx.msk $0xffff, v1;
	v1 =	vld.idx.msk [tilespmem:v0+s24+$0x250 ss:$0x1], $0xffff  }
.Ltmp4:
0x5a: {  	[tilespmem:v0+s31+$0x440 ss:$0x1] =	vst.idx.msk $0xffff, v62;
	(pc) =	sbr.rel @p2 .LBB1_4-.Ltmp4, $4  }
0x5b: {  	[tilespmem:v0+s31+$0x460 ss:$0x1] =	vst.idx.msk $0xffff, v63  }
0x5c: {  	[tilespmem:v0+s31+$0x430 ss:$0x1] =	vst.idx.msk $0xffff, v2  }
0x5d: {  	s21 =	sadd.s32 $0x400, s21;
	[tilespmem:v0+s31+$0x0 ss:$0x1] =	vst.idx.msk $0xffff, v3  }
0x5e: {  	s20 =	sadd.s32 $0x80, s20;
	p1 =	por !p1, !p1;
	s19 =	sadd.s32 $0x80, s19;
	[tilespmem:v0+s31+$0x450 ss:$0x1] =	vst.idx.msk $0xffff, v1  }
.Ltmp5:
0x5f: {  	(pc) =	sbr.rel @p0 .LBB1_3-.Ltmp5, $2  }
0x60: {  	_ =	sdelay $0x2  }
0x61: {  	s18 =	simm.s32 $0x2000;
	p1 =	por $0x0, $0x0  }
.Ltmp6:
0x62: {  	(pc) =	sbr.rel .LBB1_9-.Ltmp6, $4  }
0x63: {  	_ = 	snop  }
0x64: {  	s12 =	sshll.u32 s12, $0xA  }
0x65: {  	s12 =	sadd.s32 s4, s12  }
0x66: {  	[hbm4b:s12+s8] =	stream.linear.scatter [tilespmem:s14], [sflag:$0x2], $0x4000, $0x38;
	[tilespmem:$0x10000] =	vst v63  }
.LBB1_10:
0x67: {  	_ =	sfence.sel $0x180000  }
0x68: {  	s2 =	simm.s32 $0x1;
	[bflag:$0x0] =	sbarrier.arrive $0xFFFF  }
0x69: {  	s31 =	simm.s32 $0x2;
	[sflag:s2] =	ssyncpa.u1 $0x1  }
0x6a: {  	[sflag:s31] =	ssyncpa.u1 $0x1  }
0x6b: {  	p0 =	sne.s32 s0, $0x0;
	_ =	strace $0x90000062  }
0x6c: {  	s0 =	sadd.s32 @!p0 $0x100000, s1;
	[bflag:$0x2] =	sbarrier.arrive $0xFFFF  }
0x6d: {  	[sflag:s0] =	ssyncadd.tile.s32 @!p0 $0x1;
	_ =	shalt  }
.Lfunc_end1:
_tile_overlayer_lowered:
.L_overlay_start_2:
0x6e: {  	(tag) =	ssettag $0x2  }
0x6f: {  	s0 =	rddreg [dreg:$0x0];
	s2 =	stileid.u32  }
0x70: {  	s1 =	rddreg [dreg:$0x1];
	p0 =	sne.s32 s2, $0x0  }
0x71: {  	s3 =	rddreg [dreg:$0x2];
	[bflag:$0x3] =	sbarrier.arrive $0xFFFF;
	s2 =	simm.s32 @!p0 $0x1C01  }
0x72: {  	[timem:s3], [sflag:s2] =	dma.local @!p0 [hbm:s0], s1  }
0x73: {  	s0 =	simm.s32 @!p0 $0x1  }
0x74: {  	_ =	swait.ge @!p0 [sflag:s0], s1  }
0x75: {  	s1 =	ssub.s32 @!p0 $0x0, s1;
	[sflag:s0] =	ssyncset.done @!p0 $0x0  }
0x76: {  	[sflag:s0] =	ssyncadd.s32 @!p0 s1  }
0x77: {  	[bflag:$0x3] =	sbarrier.arrive $0xFFFF  }
0x78: {  	_ =	shalt  }

</sc_bundles>
